<compile_context>
chip_gen: v7x
topology: tpu7x:2x2x1
jax: 0.10.2.dev20260603
libtpu: 0.0.44.dev20260713+nightly
codegen_flags: <defaults>
</compile_context>

<pallas_src>
import functools

import jax
import jax.numpy as jnp
from jax import lax
from jax.experimental import pallas as pl
from jax.experimental.pallas import tpu as pltpu
from jax.experimental.pallas import tpu_sc as plsc

N = 10000
R = 4
E = 80000
IN_FEATS = 128
HID = 32
OUT = 2

NTILES = 16
EPT = E // NTILES
CHUNK = 1000

_MESH = plsc.VectorSubcoreMesh(core_axis_name="c", subcore_axis_name="s")


@functools.partial(
    pl.kernel,
    mesh=_MESH,
    compiler_params=pltpu.CompilerParams(use_tc_tiling_on_sc=False),
    out_type=jax.ShapeDtypeStruct((R * 2 * N,), jnp.float32),
    scratch_types=[
        pltpu.VMEM_SHARED((N,), jnp.float32),
        pltpu.VMEM_SHARED((N,), jnp.float32),
        pltpu.VMEM_SHARED((N,), jnp.float32),
        pltpu.VMEM_SHARED((N,), jnp.float32),
        pltpu.VMEM((EPT,), jnp.int32),
        pltpu.VMEM((EPT,), jnp.float32),
        pltpu.VMEM((N,), jnp.float32),
    ],
)
def _deg_call(s0, d0, s1, d1, s2, d2, s3, d3, zeros_n, ones_e,
              deg_out, tA, tB, tC, tD, idx_v, ones_v, bounce_v):
    c = lax.axis_index("c")
    s = lax.axis_index("s")
    pltpu.sync_copy(ones_e, ones_v)

    @pl.when(s < 4)
    def _():
        pltpu.sync_copy(zeros_n, bounce_v)

    @pl.when(s == 0)
    def _():
        pltpu.sync_copy(bounce_v, tA)

    @pl.when(s == 1)
    def _():
        pltpu.sync_copy(bounce_v, tB)

    @pl.when(s == 2)
    def _():
        pltpu.sync_copy(bounce_v, tC)

    @pl.when(s == 3)
    def _():
        pltpu.sync_copy(bounce_v, tD)

    plsc.subcore_barrier()

    def scat(src_ref, tab):
        pltpu.sync_copy(src_ref.at[pl.ds(s * EPT, EPT)], idx_v)
        pltpu.sync_copy(ones_v, tab.at[idx_v], add=True)

    @pl.when(c == 0)
    def _():
        scat(s0, tA)
        scat(d0, tB)
        scat(s1, tC)
        scat(d1, tD)

    @pl.when(c == 1)
    def _():
        scat(s2, tA)
        scat(d2, tB)
        scat(s3, tC)
        scat(d3, tD)

    plsc.subcore_barrier()

    @pl.when(s == 0)
    def _():
        pltpu.sync_copy(tA, bounce_v)
        pltpu.sync_copy(bounce_v, deg_out.at[pl.ds((c * 4 + 0) * N, N)])

    @pl.when(s == 1)
    def _():
        pltpu.sync_copy(tB, bounce_v)
        pltpu.sync_copy(bounce_v, deg_out.at[pl.ds((c * 4 + 1) * N, N)])

    @pl.when(s == 2)
    def _():
        pltpu.sync_copy(tC, bounce_v)
        pltpu.sync_copy(bounce_v, deg_out.at[pl.ds((c * 4 + 2) * N, N)])

    @pl.when(s == 3)
    def _():
        pltpu.sync_copy(tD, bounce_v)
        pltpu.sync_copy(bounce_v, deg_out.at[pl.ds((c * 4 + 3) * N, N)])


_BN = 2000
_NB = N // _BN


def _proj_body(x_ref, w1_ref, rout_ref, out_ref):
    xb = x_ref[...]
    for r in range(R):
        y = jnp.dot(xb, w1_ref[r], preferred_element_type=jnp.float32)
        out_ref[r] = y * rout_ref[:, r:r + 1]


def _proj_call(x, W1, rout_t):
    return pl.pallas_call(
        _proj_body,
        grid=(_NB,),
        in_specs=[
            pl.BlockSpec((_BN, IN_FEATS), lambda i: (i, 0)),
            pl.BlockSpec((R, IN_FEATS, HID), lambda i: (0, 0, 0)),
            pl.BlockSpec((_BN, R), lambda i: (i, 0)),
        ],
        out_specs=pl.BlockSpec((R, _BN, HID), lambda i: (0, i, 0)),
        out_shape=jax.ShapeDtypeStruct((R, N, HID), jnp.float32),
    )(x, W1, rout_t)


@functools.partial(
    pl.kernel,
    mesh=_MESH,
    compiler_params=pltpu.CompilerParams(use_tc_tiling_on_sc=False),
    out_type=(
        jax.ShapeDtypeStruct((R * N, HID), jnp.float32),
        jax.ShapeDtypeStruct((R * N,), jnp.float32),
    ),
    scratch_types=[
        pltpu.VMEM_SHARED((N, HID), jnp.float32),
        pltpu.VMEM_SHARED((N, HID), jnp.float32),
        pltpu.VMEM_SHARED((R * N,), jnp.float32),
        pltpu.VMEM((CHUNK,), jnp.int32),
        pltpu.VMEM((CHUNK,), jnp.int32),
        pltpu.VMEM((CHUNK,), jnp.int32),
        pltpu.VMEM((CHUNK,), jnp.int32),
        pltpu.VMEM((CHUNK, HID), jnp.float32),
        pltpu.VMEM((CHUNK, HID), jnp.float32),
        pltpu.VMEM((CHUNK,), jnp.float32),
        pltpu.VMEM((CHUNK,), jnp.float32),
        pltpu.VMEM((N,), jnp.float32),
        pltpu.SemaphoreType.DMA,
        pltpu.SemaphoreType.DMA,
        pltpu.SemaphoreType.DMA,
        pltpu.SemaphoreType.DMA,
        pltpu.SemaphoreType.DMA,
        pltpu.SemaphoreType.DMA,
    ],
)
def _edge_call(o0, d0, o1, d1, o2, d2, o3, d3,
               yn_all, rin0, rin1, rin2, rin3,
               zeros_2d, zeros_n,
               agg_out, s_out,
               aggA, aggB, s_sh,
               isrcA, isrcB, idstA, idstB, rowsA, rowsB, wA, wB,
               sb_v,
               semG, semG2, semSA, semSB, semWA, semWB):
    c = lax.axis_index("c")
    s = lax.axis_index("s")
    NCH = N // CHUNK
    NCHK = EPT // CHUNK

    isrc_b = (isrcA, isrcB)
    idst_b = (idstA, idstB)
    rows_b = (rowsA, rowsB)
    w_b = (wA, wB)
    semS_b = (semSA, semSB)
    semW_b = (semWA, semWB)

    @pl.when(s < 2)
    def _():
        pltpu.sync_copy(zeros_2d, rowsA)

    @pl.when((s == 2) | (s == 3))
    def _():
        pltpu.sync_copy(zeros_n, sb_v)

    @pl.when(s == 0)
    def _():
        for k in range(NCH):
            pltpu.sync_copy(rowsA, aggA.at[pl.ds(k * CHUNK, CHUNK)])

    @pl.when(s == 1)
    def _():
        for k in range(NCH):
            pltpu.sync_copy(rowsA, aggB.at[pl.ds(k * CHUNK, CHUNK)])

    @pl.when(s == 2)
    def _():
        pltpu.sync_copy(sb_v, s_sh.at[pl.ds((c * 2 + 0) * N, N)])

    @pl.when(s == 3)
    def _():
        pltpu.sync_copy(sb_v, s_sh.at[pl.ds((c * 2 + 1) * N, N)])

    plsc.subcore_barrier()

    def proc(srcoff_ref, dst_ref, rin_ref, agg_sh):
        pending = []
        for k in range(NCHK):
            b = k % 2
            if k >= 2:
                pending[k - 2][0].wait()
                pending[k - 2][1].wait()
            base = s * EPT + k * CHUNK
            pltpu.sync_copy(srcoff_ref.at[pl.ds(base, CHUNK)], isrc_b[b])
            pltpu.sync_copy(dst_ref.at[pl.ds(base, CHUNK)], idst_b[b])
            gd = pltpu.async_copy(yn_all.at[isrc_b[b]], rows_b[b], semG)
            wd = pltpu.async_copy(rin_ref.at[idst_b[b]], w_b[b], semG2)
            gd.wait()
            wd.wait()
            sc_rows = pltpu.async_copy(rows_b[b], agg_sh.at[idst_b[b]],
                                       semS_b[b], add=True)
            sc_w = pltpu.async_copy(w_b[b], s_sh.at[isrc_b[b]],
                                    semW_b[b], add=True)
            pending.append((sc_rows, sc_w))
        for k in range(max(0, NCHK - 2), NCHK):
            pending[k][0].wait()
            pending[k][1].wait()

    @pl.when(c == 0)
    def _():
        proc(o0, d0, rin0, aggA)
        proc(o1, d1, rin1, aggB)

    @pl.when(c == 1)
    def _():
        proc(o2, d2, rin2, aggA)
        proc(o3, d3, rin3, aggB)

    plsc.subcore_barrier()

    @pl.when(s == 0)
    def _():
        for k in range(NCH):
            pltpu.sync_copy(aggA.at[pl.ds(k * CHUNK, CHUNK)], rowsA)
            pltpu.sync_copy(
                rowsA, agg_out.at[pl.ds((c * 2 + 0) * N + k * CHUNK, CHUNK)])

    @pl.when(s == 1)
    def _():
        for k in range(NCH):
            pltpu.sync_copy(aggB.at[pl.ds(k * CHUNK, CHUNK)], rowsA)
            pltpu.sync_copy(
                rowsA, agg_out.at[pl.ds((c * 2 + 1) * N + k * CHUNK, CHUNK)])

    @pl.when(s == 2)
    def _():
        pltpu.sync_copy(s_sh.at[pl.ds((c * 2 + 0) * N, N)], sb_v)
        pltpu.sync_copy(sb_v, s_out.at[pl.ds((c * 2 + 0) * N, N)])

    @pl.when(s == 3)
    def _():
        pltpu.sync_copy(s_sh.at[pl.ds((c * 2 + 1) * N, N)], sb_v)
        pltpu.sync_copy(sb_v, s_out.at[pl.ds((c * 2 + 1) * N, N)])


def _pool_body(agg_ref, sp_ref, rin_ref, rout_ref, b1_ref, w2_ref, b2_ref,
               wc_ref, bc_ref, out_ref, v_acc):
    i = pl.program_id(0)

    @pl.when(i == 0)
    def _():
        v_acc[...] = jnp.zeros((R, HID), jnp.float32)

    agg = agg_ref[...]
    hsum = (agg[0] * rin_ref[:, 0:1] + agg[1] * rin_ref[:, 1:2]
            + agg[2] * rin_ref[:, 2:3] + agg[3] * rin_ref[:, 3:4])
    b1s = jnp.sum(b1_ref[...], axis=0, keepdims=True)
    h = jnp.maximum(hsum + b1s, 0.0)
    cmat = rout_ref[...] * sp_ref[...]
    v_acc[...] += lax.dot_general(cmat, h, (((0,), (0,)), ((), ())),
                                  preferred_element_type=jnp.float32)

    @pl.when(i == _NB - 1)
    def _():
        V = v_acc[...]
        vw = lax.dot_general(V, w2_ref[...], (((1,), (1,)), ((0,), (0,))),
                             preferred_element_type=jnp.float32)
        ge = (jnp.sum(vw, axis=0, keepdims=True) * (1.0 / N)
              + jnp.sum(b2_ref[...], axis=0, keepdims=True))
        out_ref[...] = (jnp.dot(ge, wc_ref[...],
                                preferred_element_type=jnp.float32)
                        + bc_ref[...])


def _pool_call(agg, sp_t, rin_t, rout_t, b1, W2, b2, Wc, bc2):
    return pl.pallas_call(
        _pool_body,
        grid=(_NB,),
        in_specs=[
            pl.BlockSpec((R, _BN, HID), lambda i: (0, i, 0)),
            pl.BlockSpec((_BN, R), lambda i: (i, 0)),
            pl.BlockSpec((_BN, R), lambda i: (i, 0)),
            pl.BlockSpec((_BN, R), lambda i: (i, 0)),
            pl.BlockSpec((R, HID), lambda i: (0, 0)),
            pl.BlockSpec((R, HID, HID), lambda i: (0, 0, 0)),
            pl.BlockSpec((R, HID), lambda i: (0, 0)),
            pl.BlockSpec((HID, OUT), lambda i: (0, 0)),
            pl.BlockSpec((1, OUT), lambda i: (0, 0)),
        ],
        out_specs=pl.BlockSpec((1, OUT), lambda i: (0, 0)),
        out_shape=jax.ShapeDtypeStruct((1, OUT), jnp.float32),
        scratch_shapes=[pltpu.VMEM((R, HID), jnp.float32)],
    )(agg, sp_t, rin_t, rout_t, b1, W2, b2, Wc, bc2)


@jax.jit
def kernel(x, edge_index, W1, b1, W2, b2, Wc, bc):
    srcs = [edge_index[r, 0] for r in range(R)]
    dsts = [edge_index[r, 1] for r in range(R)]
    zeros_n = jnp.zeros((N,), jnp.float32)
    zeros_2d = jnp.zeros((CHUNK, HID), jnp.float32)
    ones_e = jnp.ones((EPT,), jnp.float32)

    deg_flat = _deg_call(srcs[0], dsts[0], srcs[1], dsts[1],
                         srcs[2], dsts[2], srcs[3], dsts[3],
                         zeros_n, ones_e)
    deg = deg_flat.reshape(R, 2, N)
    rout = lax.rsqrt(jnp.maximum(deg[:, 0], 1.0))
    rin = lax.rsqrt(jnp.maximum(deg[:, 1], 1.0))
    rout_t = rout.T
    rin_t = rin.T

    yn_all = _proj_call(x, W1, rout_t).reshape(R * N, HID)
    srcs_off = [srcs[r] + r * N for r in range(R)]

    agg_f, s_f = _edge_call(
        srcs_off[0], dsts[0], srcs_off[1], dsts[1],
        srcs_off[2], dsts[2], srcs_off[3], dsts[3],
        yn_all,
        rin[0], rin[1], rin[2], rin[3],
        zeros_2d, zeros_n)

    logits = _pool_call(agg_f.reshape(R, N, HID), s_f.reshape(R, N).T,
                        rin_t, rout_t, b1, W2, b2, Wc, bc.reshape(1, OUT))
    return logits.reshape(OUT)

# --- scband reference (transcript-rebuilt; emitter-appended) ---
"""Pipeline reference for scband-rgcnvul-classifier-75084618268945 (READ-ONLY COPY).

The authoritative reference and input builder live on the scoring server;
editing this copy changes nothing except your own understanding.
"""

import jax, jax.numpy as jnp
import numpy as np

N = 10000
R = 4
E = 80000
IN_FEATS = 128
HID = 32
OUT = 2


def setup_inputs(seed: int = 0) -> dict:
    key = jax.random.key(seed)
    ks = jax.random.split(key, 10)
    x = jax.random.normal(ks[0], (N, IN_FEATS), dtype=jnp.float32)
    edge_index = jax.random.randint(ks[1], (R, 2, E), 0, N, dtype=jnp.int32)
    # Relation-specific GraphConv weights (conv1: in->hid, conv2: hid->hid), Glorot-ish init
    W1 = jax.random.normal(ks[2], (R, IN_FEATS, HID), dtype=jnp.float32) * (1.0 / np.sqrt(IN_FEATS))
    b1 = jnp.zeros((R, HID), dtype=jnp.float32)
    W2 = jax.random.normal(ks[3], (R, HID, HID), dtype=jnp.float32) * (1.0 / np.sqrt(HID))
    b2 = jnp.zeros((R, HID), dtype=jnp.float32)
    Wc = jax.random.normal(ks[4], (HID, OUT), dtype=jnp.float32) * (1.0 / np.sqrt(HID))
    bc = jnp.zeros((OUT,), dtype=jnp.float32)
    return {"x": x, "edge_index": edge_index, "W1": W1, "b1": b1, "W2": W2, "b2": b2, "Wc": Wc, "bc": bc}


def _graph_conv(h, src, dst, W, b):
    # DGL GraphConv with norm='both': rst = D_in^{-1/2} A D_out^{-1/2} h W + b
    deg_out = jnp.clip(jnp.zeros((N,), jnp.float32).at[src].add(1.0), 1.0, None)
    deg_in = jnp.clip(jnp.zeros((N,), jnp.float32).at[dst].add(1.0), 1.0, None)
    hn = h * jax.lax.rsqrt(deg_out)[:, None]
    msgs = jnp.take(hn, src, axis=0)
    agg = jnp.zeros((N, h.shape[1]), jnp.float32).at[dst].add(msgs)
    agg = agg * jax.lax.rsqrt(deg_in)[:, None]
    return agg @ W + b


def reference(x, edge_index, W1, b1, W2, b2, Wc, bc):
    # HeteroGraphConv layer 1 with aggregate='sum' over relations
    h = jnp.zeros((N, HID), jnp.float32)
    for r in range(R):
        h = h + _graph_conv(x, edge_index[r, 0], edge_index[r, 1], W1[r], b1[r])
    h = jax.nn.relu(h)
    # HeteroGraphConv layer 2
    h2 = jnp.zeros((N, HID), jnp.float32)
    for r in range(R):
        h2 = h2 + _graph_conv(h, edge_index[r, 0], edge_index[r, 1], W2[r], b2[r])
    # graph readout: mean over nodes, then linear classifier
    graph_embedded = jnp.mean(h2, axis=0)
    logits = graph_embedded @ Wc + bc
    return logits

if __name__ == "__main__":
    import jax
    _d = setup_inputs()
    print(jax.jit(kernel)(*tuple(_d.values())))

</pallas_src>

<mosaic_0001>
#map = affine_map<(d0, d1) -> (0)>
module attributes {stable_mosaic.version = 14 : i64} {
  func.func @_deg_call(%arg0: i32, %arg1: i32, %arg2: memref<80000xi32, #tpu.memory_space<hbm>>, %arg3: memref<80000xi32, #tpu.memory_space<hbm>>, %arg4: memref<80000xi32, #tpu.memory_space<hbm>>, %arg5: memref<80000xi32, #tpu.memory_space<hbm>>, %arg6: memref<80000xi32, #tpu.memory_space<hbm>>, %arg7: memref<80000xi32, #tpu.memory_space<hbm>>, %arg8: memref<80000xi32, #tpu.memory_space<hbm>>, %arg9: memref<80000xi32, #tpu.memory_space<hbm>>, %arg10: memref<10000xf32, #tpu.memory_space<hbm>>, %arg11: memref<5000xf32, #tpu.memory_space<hbm>>, %arg12: memref<80000xf32, #tpu.memory_space<hbm>>, %arg13: memref<10000xf32, #tpu.memory_space<vmem_shared>>, %arg14: memref<10000xf32, #tpu.memory_space<vmem_shared>>, %arg15: memref<10000xf32, #tpu.memory_space<vmem_shared>>, %arg16: memref<10000xf32, #tpu.memory_space<vmem_shared>>, %arg17: memref<5000xi32, #tpu.memory_space<vmem>>, %arg18: memref<5000xf32, #tpu.memory_space<vmem>>, %arg19: memref<10000xf32, #tpu.memory_space<vmem>>) attributes {dimension_semantics = [#tpu.dimension_semantics<core_parallel>, #tpu.dimension_semantics<subcore_parallel>], iteration_bounds = array<i64: 2, 16>, scalar_prefetch = 0 : i64, scratch_operands = 7 : i64, tpu.core_type = #tpu.core_type<sc_vector_subcore>, window_params = [{transform_indices = #map}, {transform_indices = #map}, {transform_indices = #map}, {transform_indices = #map}, {transform_indices = #map}, {transform_indices = #map}, {transform_indices = #map}, {transform_indices = #map}, {transform_indices = #map}, {transform_indices = #map}, {transform_indices = #map}]} {
    "tpu.region"() ({
      %run_scoped3A = tpu.sem_alloc : memref<!tpu.dma_semaphore, #tpu.memory_space<semaphore_mem>>
      tpu.enqueue_dma source(%arg11 : memref<5000xf32, #tpu.memory_space<hbm>>) target(%arg18 : memref<5000xf32, #tpu.memory_space<vmem>>) target_semaphore(%run_scoped3A : memref<!tpu.dma_semaphore, #tpu.memory_space<semaphore_mem>>)
      tpu.wait_dma2 semaphore(%run_scoped3A : memref<!tpu.dma_semaphore, #tpu.memory_space<semaphore_mem>>) src(%arg11 : memref<5000xf32, #tpu.memory_space<hbm>>) dst(%arg18 : memref<5000xf32, #tpu.memory_space<vmem>>)
      tpu.yield
    }) : () -> ()
    %lt3A = arith.constant 4 : i32
    %lt3A_0 = arith.cmpi slt, %arg1, %lt3A : i32
    %convert_element_type3A = arith.extui %lt3A_0 : i1 to i32
    %cond3A = arith.constant 0 : i32
    %cond3A_1 = arith.cmpi ne, %convert_element_type3A, %cond3A : i32
    scf.if %cond3A_1 {
      "tpu.region"() ({
        %run_scoped3A = tpu.sem_alloc : memref<!tpu.dma_semaphore, #tpu.memory_space<semaphore_mem>>
        tpu.enqueue_dma source(%arg10 : memref<10000xf32, #tpu.memory_space<hbm>>) target(%arg19 : memref<10000xf32, #tpu.memory_space<vmem>>) target_semaphore(%run_scoped3A : memref<!tpu.dma_semaphore, #tpu.memory_space<semaphore_mem>>)
        tpu.wait_dma2 semaphore(%run_scoped3A : memref<!tpu.dma_semaphore, #tpu.memory_space<semaphore_mem>>) src(%arg10 : memref<10000xf32, #tpu.memory_space<hbm>>) dst(%arg19 : memref<10000xf32, #tpu.memory_space<vmem>>)
        tpu.yield
      }) : () -> ()
    } else {
    }
    %eq3A = arith.constant 0 : i32
    %eq3A_2 = arith.cmpi eq, %arg1, %eq3A : i32
    %convert_element_type3A_3 = arith.extui %eq3A_2 : i1 to i32
    %cond3A_4 = arith.constant 0 : i32
    %cond3A_5 = arith.cmpi ne, %convert_element_type3A_3, %cond3A_4 : i32
    scf.if %cond3A_5 {
      "tpu.region"() ({
        %run_scoped3A = tpu.sem_alloc : memref<!tpu.dma_semaphore, #tpu.memory_space<semaphore_mem>>
        tpu.enqueue_dma source(%arg19 : memref<10000xf32, #tpu.memory_space<vmem>>) target(%arg13 : memref<10000xf32, #tpu.memory_space<vmem_shared>>) target_semaphore(%run_scoped3A : memref<!tpu.dma_semaphore, #tpu.memory_space<semaphore_mem>>)
        tpu.wait_dma2 semaphore(%run_scoped3A : memref<!tpu.dma_semaphore, #tpu.memory_space<semaphore_mem>>) src(%arg19 : memref<10000xf32, #tpu.memory_space<vmem>>) dst(%arg13 : memref<10000xf32, #tpu.memory_space<vmem_shared>>)
        tpu.yield
      }) : () -> ()
    } else {
    }
    %eq3A_6 = arith.constant 1 : i32
    %eq3A_7 = arith.cmpi eq, %arg1, %eq3A_6 : i32
    %convert_element_type3A_8 = arith.extui %eq3A_7 : i1 to i32
    %cond3A_9 = arith.constant 0 : i32
    %cond3A_10 = arith.cmpi ne, %convert_element_type3A_8, %cond3A_9 : i32
    scf.if %cond3A_10 {
      "tpu.region"() ({
        %run_scoped3A = tpu.sem_alloc : memref<!tpu.dma_semaphore, #tpu.memory_space<semaphore_mem>>
        tpu.enqueue_dma source(%arg19 : memref<10000xf32, #tpu.memory_space<vmem>>) target(%arg14 : memref<10000xf32, #tpu.memory_space<vmem_shared>>) target_semaphore(%run_scoped3A : memref<!tpu.dma_semaphore, #tpu.memory_space<semaphore_mem>>)
        tpu.wait_dma2 semaphore(%run_scoped3A : memref<!tpu.dma_semaphore, #tpu.memory_space<semaphore_mem>>) src(%arg19 : memref<10000xf32, #tpu.memory_space<vmem>>) dst(%arg14 : memref<10000xf32, #tpu.memory_space<vmem_shared>>)
        tpu.yield
      }) : () -> ()
    } else {
    }
    %eq3A_11 = arith.constant 2 : i32
    %eq3A_12 = arith.cmpi eq, %arg1, %eq3A_11 : i32
    %convert_element_type3A_13 = arith.extui %eq3A_12 : i1 to i32
    %cond3A_14 = arith.constant 0 : i32
    %cond3A_15 = arith.cmpi ne, %convert_element_type3A_13, %cond3A_14 : i32
    scf.if %cond3A_15 {
      "tpu.region"() ({
        %run_scoped3A = tpu.sem_alloc : memref<!tpu.dma_semaphore, #tpu.memory_space<semaphore_mem>>
        tpu.enqueue_dma source(%arg19 : memref<10000xf32, #tpu.memory_space<vmem>>) target(%arg15 : memref<10000xf32, #tpu.memory_space<vmem_shared>>) target_semaphore(%run_scoped3A : memref<!tpu.dma_semaphore, #tpu.memory_space<semaphore_mem>>)
        tpu.wait_dma2 semaphore(%run_scoped3A : memref<!tpu.dma_semaphore, #tpu.memory_space<semaphore_mem>>) src(%arg19 : memref<10000xf32, #tpu.memory_space<vmem>>) dst(%arg15 : memref<10000xf32, #tpu.memory_space<vmem_shared>>)
        tpu.yield
      }) : () -> ()
    } else {
    }
    %eq3A_16 = arith.constant 3 : i32
    %eq3A_17 = arith.cmpi eq, %arg1, %eq3A_16 : i32
    %convert_element_type3A_18 = arith.extui %eq3A_17 : i1 to i32
    %cond3A_19 = arith.constant 0 : i32
    %cond3A_20 = arith.cmpi ne, %convert_element_type3A_18, %cond3A_19 : i32
    scf.if %cond3A_20 {
      "tpu.region"() ({
        %run_scoped3A = tpu.sem_alloc : memref<!tpu.dma_semaphore, #tpu.memory_space<semaphore_mem>>
        tpu.enqueue_dma source(%arg19 : memref<10000xf32, #tpu.memory_space<vmem>>) target(%arg16 : memref<10000xf32, #tpu.memory_space<vmem_shared>>) target_semaphore(%run_scoped3A : memref<!tpu.dma_semaphore, #tpu.memory_space<semaphore_mem>>)
        tpu.wait_dma2 semaphore(%run_scoped3A : memref<!tpu.dma_semaphore, #tpu.memory_space<semaphore_mem>>) src(%arg19 : memref<10000xf32, #tpu.memory_space<vmem>>) dst(%arg16 : memref<10000xf32, #tpu.memory_space<vmem_shared>>)
        tpu.yield
      }) : () -> ()
    } else {
    }
    %barrier3A = arith.constant 0 : index
    tpu.barrier barrier_id(%barrier3A)
    %eq3A_21 = arith.constant 0 : i32
    %eq3A_22 = arith.cmpi eq, %arg0, %eq3A_21 : i32
    %convert_element_type3A_23 = arith.extui %eq3A_22 : i1 to i32
    %cond3A_24 = arith.constant 0 : i32
    %cond3A_25 = arith.cmpi ne, %convert_element_type3A_23, %cond3A_24 : i32
    scf.if %cond3A_25 {
      %mul3A = arith.constant 5000 : i32
      %mul3A_52 = arith.muli %arg1, %mul3A : i32
      "tpu.region"() ({
        %run_scoped3A = tpu.sem_alloc : memref<!tpu.dma_semaphore, #tpu.memory_space<semaphore_mem>>
        %dma_start3A = tpu.memref_slice %arg2[%mul3A_52] : memref<80000xi32, #tpu.memory_space<hbm>> -> memref<5000xi32, #tpu.memory_space<hbm>>
        %dma_start3A_59 = tpu.memref_slice %arg2[%mul3A_52] : memref<80000xi32, #tpu.memory_space<hbm>> -> memref<5000xi32, #tpu.memory_space<hbm>>
        tpu.enqueue_dma source(%dma_start3A_59 : memref<5000xi32, #tpu.memory_space<hbm>>) target(%arg17 : memref<5000xi32, #tpu.memory_space<vmem>>) target_semaphore(%run_scoped3A : memref<!tpu.dma_semaphore, #tpu.memory_space<semaphore_mem>>)
        %dma_wait3A = tpu.memref_slice %arg2[%mul3A_52] : memref<80000xi32, #tpu.memory_space<hbm>> -> memref<5000xi32, #tpu.memory_space<hbm>>
        %dma_wait3A_60 = tpu.memref_slice %arg2[%mul3A_52] : memref<80000xi32, #tpu.memory_space<hbm>> -> memref<5000xi32, #tpu.memory_space<hbm>>
        tpu.wait_dma2 semaphore(%run_scoped3A : memref<!tpu.dma_semaphore, #tpu.memory_space<semaphore_mem>>) src(%dma_wait3A_60 : memref<5000xi32, #tpu.memory_space<hbm>>) dst(%arg17 : memref<5000xi32, #tpu.memory_space<vmem>>)
        tpu.yield
      }) : () -> ()
      "tpu.region"() ({
        %run_scoped3A = tpu.sem_alloc : memref<!tpu.dma_semaphore, #tpu.memory_space<semaphore_mem>>
        %dma_start3A = arith.constant 0 : i32
        %dma_start3A_59 = tpu.memref_slice %arg13[%dma_start3A] : memref<10000xf32, #tpu.memory_space<vmem_shared>> -> memref<10000xf32, #tpu.memory_space<vmem_shared>>
        tpu.enqueue_indirect_dma source(%arg18 : memref<5000xf32, #tpu.memory_space<vmem>>) target(%dma_start3A_59 : memref<10000xf32, #tpu.memory_space<vmem_shared>>) offsets(%arg17 : memref<5000xi32, #tpu.memory_space<vmem>>) semaphore(%run_scoped3A : memref<!tpu.dma_semaphore, #tpu.memory_space<semaphore_mem>>) {add = true}
        %dma_wait3A = arith.constant 0 : i32
        %dma_wait3A_60 = tpu.memref_slice %arg13[%dma_wait3A] : memref<10000xf32, #tpu.memory_space<vmem_shared>> -> memref<10000xf32, #tpu.memory_space<vmem_shared>>
        tpu.wait_indirect_dma semaphore(%run_scoped3A : memref<!tpu.dma_semaphore, #tpu.memory_space<semaphore_mem>>) src(%arg18 : memref<5000xf32, #tpu.memory_space<vmem>>) dst(%dma_wait3A_60 : memref<10000xf32, #tpu.memory_space<vmem_shared>>)
        tpu.yield
      }) : () -> ()
      %mul3A_53 = arith.constant 5000 : i32
      %mul3A_54 = arith.muli %arg1, %mul3A_53 : i32
      "tpu.region"() ({
        %run_scoped3A = tpu.sem_alloc : memref<!tpu.dma_semaphore, #tpu.memory_space<semaphore_mem>>
        %dma_start3A = tpu.memref_slice %arg3[%mul3A_54] : memref<80000xi32, #tpu.memory_space<hbm>> -> memref<5000xi32, #tpu.memory_space<hbm>>
        %dma_start3A_59 = tpu.memref_slice %arg3[%mul3A_54] : memref<80000xi32, #tpu.memory_space<hbm>> -> memref<5000xi32, #tpu.memory_space<hbm>>
        tpu.enqueue_dma source(%dma_start3A_59 : memref<5000xi32, #tpu.memory_space<hbm>>) target(%arg17 : memref<5000xi32, #tpu.memory_space<vmem>>) target_semaphore(%run_scoped3A : memref<!tpu.dma_semaphore, #tpu.memory_space<semaphore_mem>>)
        %dma_wait3A = tpu.memref_slice %arg3[%mul3A_54] : memref<80000xi32, #tpu.memory_space<hbm>> -> memref<5000xi32, #tpu.memory_space<hbm>>
        %dma_wait3A_60 = tpu.memref_slice %arg3[%mul3A_54] : memref<80000xi32, #tpu.memory_space<hbm>> -> memref<5000xi32, #tpu.memory_space<hbm>>
        tpu.wait_dma2 semaphore(%run_scoped3A : memref<!tpu.dma_semaphore, #tpu.memory_space<semaphore_mem>>) src(%dma_wait3A_60 : memref<5000xi32, #tpu.memory_space<hbm>>) dst(%arg17 : memref<5000xi32, #tpu.memory_space<vmem>>)
        tpu.yield
      }) : () -> ()
      "tpu.region"() ({
        %run_scoped3A = tpu.sem_alloc : memref<!tpu.dma_semaphore, #tpu.memory_space<semaphore_mem>>
        %dma_start3A = arith.constant 0 : i32
        %dma_start3A_59 = tpu.memref_slice %arg14[%dma_start3A] : memref<10000xf32, #tpu.memory_space<vmem_shared>> -> memref<10000xf32, #tpu.memory_space<vmem_shared>>
        tpu.enqueue_indirect_dma source(%arg18 : memref<5000xf32, #tpu.memory_space<vmem>>) target(%dma_start3A_59 : memref<10000xf32, #tpu.memory_space<vmem_shared>>) offsets(%arg17 : memref<5000xi32, #tpu.memory_space<vmem>>) semaphore(%run_scoped3A : memref<!tpu.dma_semaphore, #tpu.memory_space<semaphore_mem>>) {add = true}
        %dma_wait3A = arith.constant 0 : i32
        %dma_wait3A_60 = tpu.memref_slice %arg14[%dma_wait3A] : memref<10000xf32, #tpu.memory_space<vmem_shared>> -> memref<10000xf32, #tpu.memory_space<vmem_shared>>
        tpu.wait_indirect_dma semaphore(%run_scoped3A : memref<!tpu.dma_semaphore, #tpu.memory_space<semaphore_mem>>) src(%arg18 : memref<5000xf32, #tpu.memory_space<vmem>>) dst(%dma_wait3A_60 : memref<10000xf32, #tpu.memory_space<vmem_shared>>)
        tpu.yield
      }) : () -> ()
      %mul3A_55 = arith.constant 5000 : i32
      %mul3A_56 = arith.muli %arg1, %mul3A_55 : i32
      "tpu.region"() ({
        %run_scoped3A = tpu.sem_alloc : memref<!tpu.dma_semaphore, #tpu.memory_space<semaphore_mem>>
        %dma_start3A = tpu.memref_slice %arg4[%mul3A_56] : memref<80000xi32, #tpu.memory_space<hbm>> -> memref<5000xi32, #tpu.memory_space<hbm>>
        %dma_start3A_59 = tpu.memref_slice %arg4[%mul3A_56] : memref<80000xi32, #tpu.memory_space<hbm>> -> memref<5000xi32, #tpu.memory_space<hbm>>
        tpu.enqueue_dma source(%dma_start3A_59 : memref<5000xi32, #tpu.memory_space<hbm>>) target(%arg17 : memref<5000xi32, #tpu.memory_space<vmem>>) target_semaphore(%run_scoped3A : memref<!tpu.dma_semaphore, #tpu.memory_space<semaphore_mem>>)
        %dma_wait3A = tpu.memref_slice %arg4[%mul3A_56] : memref<80000xi32, #tpu.memory_space<hbm>> -> memref<5000xi32, #tpu.memory_space<hbm>>
        %dma_wait3A_60 = tpu.memref_slice %arg4[%mul3A_56] : memref<80000xi32, #tpu.memory_space<hbm>> -> memref<5000xi32, #tpu.memory_space<hbm>>
        tpu.wait_dma2 semaphore(%run_scoped3A : memref<!tpu.dma_semaphore, #tpu.memory_space<semaphore_mem>>) src(%dma_wait3A_60 : memref<5000xi32, #tpu.memory_space<hbm>>) dst(%arg17 : memref<5000xi32, #tpu.memory_space<vmem>>)
        tpu.yield
      }) : () -> ()
      "tpu.region"() ({
        %run_scoped3A = tpu.sem_alloc : memref<!tpu.dma_semaphore, #tpu.memory_space<semaphore_mem>>
        %dma_start3A = arith.constant 0 : i32
        %dma_start3A_59 = tpu.memref_slice %arg15[%dma_start3A] : memref<10000xf32, #tpu.memory_space<vmem_shared>> -> memref<10000xf32, #tpu.memory_space<vmem_shared>>
        tpu.enqueue_indirect_dma source(%arg18 : memref<5000xf32, #tpu.memory_space<vmem>>) target(%dma_start3A_59 : memref<10000xf32, #tpu.memory_space<vmem_shared>>) offsets(%arg17 : memref<5000xi32, #tpu.memory_space<vmem>>) semaphore(%run_scoped3A : memref<!tpu.dma_semaphore, #tpu.memory_space<semaphore_mem>>) {add = true}
        %dma_wait3A = arith.constant 0 : i32
        %dma_wait3A_60 = tpu.memref_slice %arg15[%dma_wait3A] : memref<10000xf32, #tpu.memory_space<vmem_shared>> -> memref<10000xf32, #tpu.memory_space<vmem_shared>>
        tpu.wait_indirect_dma semaphore(%run_scoped3A : memref<!tpu.dma_semaphore, #tpu.memory_space<semaphore_mem>>) src(%arg18 : memref<5000xf32, #tpu.memory_space<vmem>>) dst(%dma_wait3A_60 : memref<10000xf32, #tpu.memory_space<vmem_shared>>)
        tpu.yield
      }) : () -> ()
      %mul3A_57 = arith.constant 5000 : i32
      %mul3A_58 = arith.muli %arg1, %mul3A_57 : i32
      "tpu.region"() ({
        %run_scoped3A = tpu.sem_alloc : memref<!tpu.dma_semaphore, #tpu.memory_space<semaphore_mem>>
        %dma_start3A = tpu.memref_slice %arg5[%mul3A_58] : memref<80000xi32, #tpu.memory_space<hbm>> -> memref<5000xi32, #tpu.memory_space<hbm>>
        %dma_start3A_59 = tpu.memref_slice %arg5[%mul3A_58] : memref<80000xi32, #tpu.memory_space<hbm>> -> memref<5000xi32, #tpu.memory_space<hbm>>
        tpu.enqueue_dma source(%dma_start3A_59 : memref<5000xi32, #tpu.memory_space<hbm>>) target(%arg17 : memref<5000xi32, #tpu.memory_space<vmem>>) target_semaphore(%run_scoped3A : memref<!tpu.dma_semaphore, #tpu.memory_space<semaphore_mem>>)
        %dma_wait3A = tpu.memref_slice %arg5[%mul3A_58] : memref<80000xi32, #tpu.memory_space<hbm>> -> memref<5000xi32, #tpu.memory_space<hbm>>
        %dma_wait3A_60 = tpu.memref_slice %arg5[%mul3A_58] : memref<80000xi32, #tpu.memory_space<hbm>> -> memref<5000xi32, #tpu.memory_space<hbm>>
        tpu.wait_dma2 semaphore(%run_scoped3A : memref<!tpu.dma_semaphore, #tpu.memory_space<semaphore_mem>>) src(%dma_wait3A_60 : memref<5000xi32, #tpu.memory_space<hbm>>) dst(%arg17 : memref<5000xi32, #tpu.memory_space<vmem>>)
        tpu.yield
      }) : () -> ()
      "tpu.region"() ({
        %run_scoped3A = tpu.sem_alloc : memref<!tpu.dma_semaphore, #tpu.memory_space<semaphore_mem>>
        %dma_start3A = arith.constant 0 : i32
        %dma_start3A_59 = tpu.memref_slice %arg16[%dma_start3A] : memref<10000xf32, #tpu.memory_space<vmem_shared>> -> memref<10000xf32, #tpu.memory_space<vmem_shared>>
        tpu.enqueue_indirect_dma source(%arg18 : memref<5000xf32, #tpu.memory_space<vmem>>) target(%dma_start3A_59 : memref<10000xf32, #tpu.memory_space<vmem_shared>>) offsets(%arg17 : memref<5000xi32, #tpu.memory_space<vmem>>) semaphore(%run_scoped3A : memref<!tpu.dma_semaphore, #tpu.memory_space<semaphore_mem>>) {add = true}
        %dma_wait3A = arith.constant 0 : i32
        %dma_wait3A_60 = tpu.memref_slice %arg16[%dma_wait3A] : memref<10000xf32, #tpu.memory_space<vmem_shared>> -> memref<10000xf32, #tpu.memory_space<vmem_shared>>
        tpu.wait_indirect_dma semaphore(%run_scoped3A : memref<!tpu.dma_semaphore, #tpu.memory_space<semaphore_mem>>) src(%arg18 : memref<5000xf32, #tpu.memory_space<vmem>>) dst(%dma_wait3A_60 : memref<10000xf32, #tpu.memory_space<vmem_shared>>)
        tpu.yield
      }) : () -> ()
    } else {
    }
    %eq3A_26 = arith.constant 1 : i32
    %eq3A_27 = arith.cmpi eq, %arg0, %eq3A_26 : i32
    %convert_element_type3A_28 = arith.extui %eq3A_27 : i1 to i32
    %cond3A_29 = arith.constant 0 : i32
    %cond3A_30 = arith.cmpi ne, %convert_element_type3A_28, %cond3A_29 : i32
    scf.if %cond3A_30 {
      %mul3A = arith.constant 5000 : i32
      %mul3A_52 = arith.muli %arg1, %mul3A : i32
      "tpu.region"() ({
        %run_scoped3A = tpu.sem_alloc : memref<!tpu.dma_semaphore, #tpu.memory_space<semaphore_mem>>
        %dma_start3A = tpu.memref_slice %arg6[%mul3A_52] : memref<80000xi32, #tpu.memory_space<hbm>> -> memref<5000xi32, #tpu.memory_space<hbm>>
        %dma_start3A_59 = tpu.memref_slice %arg6[%mul3A_52] : memref<80000xi32, #tpu.memory_space<hbm>> -> memref<5000xi32, #tpu.memory_space<hbm>>
        tpu.enqueue_dma source(%dma_start3A_59 : memref<5000xi32, #tpu.memory_space<hbm>>) target(%arg17 : memref<5000xi32, #tpu.memory_space<vmem>>) target_semaphore(%run_scoped3A : memref<!tpu.dma_semaphore, #tpu.memory_space<semaphore_mem>>)
        %dma_wait3A = tpu.memref_slice %arg6[%mul3A_52] : memref<80000xi32, #tpu.memory_space<hbm>> -> memref<5000xi32, #tpu.memory_space<hbm>>
        %dma_wait3A_60 = tpu.memref_slice %arg6[%mul3A_52] : memref<80000xi32, #tpu.memory_space<hbm>> -> memref<5000xi32, #tpu.memory_space<hbm>>
        tpu.wait_dma2 semaphore(%run_scoped3A : memref<!tpu.dma_semaphore, #tpu.memory_space<semaphore_mem>>) src(%dma_wait3A_60 : memref<5000xi32, #tpu.memory_space<hbm>>) dst(%arg17 : memref<5000xi32, #tpu.memory_space<vmem>>)
        tpu.yield
      }) : () -> ()
      "tpu.region"() ({
        %run_scoped3A = tpu.sem_alloc : memref<!tpu.dma_semaphore, #tpu.memory_space<semaphore_mem>>
        %dma_start3A = arith.constant 0 : i32
        %dma_start3A_59 = tpu.memref_slice %arg13[%dma_start3A] : memref<10000xf32, #tpu.memory_space<vmem_shared>> -> memref<10000xf32, #tpu.memory_space<vmem_shared>>
        tpu.enqueue_indirect_dma source(%arg18 : memref<5000xf32, #tpu.memory_space<vmem>>) target(%dma_start3A_59 : memref<10000xf32, #tpu.memory_space<vmem_shared>>) offsets(%arg17 : memref<5000xi32, #tpu.memory_space<vmem>>) semaphore(%run_scoped3A : memref<!tpu.dma_semaphore, #tpu.memory_space<semaphore_mem>>) {add = true}
        %dma_wait3A = arith.constant 0 : i32
        %dma_wait3A_60 = tpu.memref_slice %arg13[%dma_wait3A] : memref<10000xf32, #tpu.memory_space<vmem_shared>> -> memref<10000xf32, #tpu.memory_space<vmem_shared>>
        tpu.wait_indirect_dma semaphore(%run_scoped3A : memref<!tpu.dma_semaphore, #tpu.memory_space<semaphore_mem>>) src(%arg18 : memref<5000xf32, #tpu.memory_space<vmem>>) dst(%dma_wait3A_60 : memref<10000xf32, #tpu.memory_space<vmem_shared>>)
        tpu.yield
      }) : () -> ()
      %mul3A_53 = arith.constant 5000 : i32
      %mul3A_54 = arith.muli %arg1, %mul3A_53 : i32
      "tpu.region"() ({
        %run_scoped3A = tpu.sem_alloc : memref<!tpu.dma_semaphore, #tpu.memory_space<semaphore_mem>>
        %dma_start3A = tpu.memref_slice %arg7[%mul3A_54] : memref<80000xi32, #tpu.memory_space<hbm>> -> memref<5000xi32, #tpu.memory_space<hbm>>
        %dma_start3A_59 = tpu.memref_slice %arg7[%mul3A_54] : memref<80000xi32, #tpu.memory_space<hbm>> -> memref<5000xi32, #tpu.memory_space<hbm>>
        tpu.enqueue_dma source(%dma_start3A_59 : memref<5000xi32, #tpu.memory_space<hbm>>) target(%arg17 : memref<5000xi32, #tpu.memory_space<vmem>>) target_semaphore(%run_scoped3A : memref<!tpu.dma_semaphore, #tpu.memory_space<semaphore_mem>>)
        %dma_wait3A = tpu.memref_slice %arg7[%mul3A_54] : memref<80000xi32, #tpu.memory_space<hbm>> -> memref<5000xi32, #tpu.memory_space<hbm>>
        %dma_wait3A_60 = tpu.memref_slice %arg7[%mul3A_54] : memref<80000xi32, #tpu.memory_space<hbm>> -> memref<5000xi32, #tpu.memory_space<hbm>>
        tpu.wait_dma2 semaphore(%run_scoped3A : memref<!tpu.dma_semaphore, #tpu.memory_space<semaphore_mem>>) src(%dma_wait3A_60 : memref<5000xi32, #tpu.memory_space<hbm>>) dst(%arg17 : memref<5000xi32, #tpu.memory_space<vmem>>)
        tpu.yield
      }) : () -> ()
      "tpu.region"() ({
        %run_scoped3A = tpu.sem_alloc : memref<!tpu.dma_semaphore, #tpu.memory_space<semaphore_mem>>
        %dma_start3A = arith.constant 0 : i32
        %dma_start3A_59 = tpu.memref_slice %arg14[%dma_start3A] : memref<10000xf32, #tpu.memory_space<vmem_shared>> -> memref<10000xf32, #tpu.memory_space<vmem_shared>>
        tpu.enqueue_indirect_dma source(%arg18 : memref<5000xf32, #tpu.memory_space<vmem>>) target(%dma_start3A_59 : memref<10000xf32, #tpu.memory_space<vmem_shared>>) offsets(%arg17 : memref<5000xi32, #tpu.memory_space<vmem>>) semaphore(%run_scoped3A : memref<!tpu.dma_semaphore, #tpu.memory_space<semaphore_mem>>) {add = true}
        %dma_wait3A = arith.constant 0 : i32
        %dma_wait3A_60 = tpu.memref_slice %arg14[%dma_wait3A] : memref<10000xf32, #tpu.memory_space<vmem_shared>> -> memref<10000xf32, #tpu.memory_space<vmem_shared>>
        tpu.wait_indirect_dma semaphore(%run_scoped3A : memref<!tpu.dma_semaphore, #tpu.memory_space<semaphore_mem>>) src(%arg18 : memref<5000xf32, #tpu.memory_space<vmem>>) dst(%dma_wait3A_60 : memref<10000xf32, #tpu.memory_space<vmem_shared>>)
        tpu.yield
      }) : () -> ()
      %mul3A_55 = arith.constant 5000 : i32
      %mul3A_56 = arith.muli %arg1, %mul3A_55 : i32
      "tpu.region"() ({
        %run_scoped3A = tpu.sem_alloc : memref<!tpu.dma_semaphore, #tpu.memory_space<semaphore_mem>>
        %dma_start3A = tpu.memref_slice %arg8[%mul3A_56] : memref<80000xi32, #tpu.memory_space<hbm>> -> memref<5000xi32, #tpu.memory_space<hbm>>
        %dma_start3A_59 = tpu.memref_slice %arg8[%mul3A_56] : memref<80000xi32, #tpu.memory_space<hbm>> -> memref<5000xi32, #tpu.memory_space<hbm>>
        tpu.enqueue_dma source(%dma_start3A_59 : memref<5000xi32, #tpu.memory_space<hbm>>) target(%arg17 : memref<5000xi32, #tpu.memory_space<vmem>>) target_semaphore(%run_scoped3A : memref<!tpu.dma_semaphore, #tpu.memory_space<semaphore_mem>>)
        %dma_wait3A = tpu.memref_slice %arg8[%mul3A_56] : memref<80000xi32, #tpu.memory_space<hbm>> -> memref<5000xi32, #tpu.memory_space<hbm>>
        %dma_wait3A_60 = tpu.memref_slice %arg8[%mul3A_56] : memref<80000xi32, #tpu.memory_space<hbm>> -> memref<5000xi32, #tpu.memory_space<hbm>>
        tpu.wait_dma2 semaphore(%run_scoped3A : memref<!tpu.dma_semaphore, #tpu.memory_space<semaphore_mem>>) src(%dma_wait3A_60 : memref<5000xi32, #tpu.memory_space<hbm>>) dst(%arg17 : memref<5000xi32, #tpu.memory_space<vmem>>)
        tpu.yield
      }) : () -> ()
      "tpu.region"() ({
        %run_scoped3A = tpu.sem_alloc : memref<!tpu.dma_semaphore, #tpu.memory_space<semaphore_mem>>
        %dma_start3A = arith.constant 0 : i32
        %dma_start3A_59 = tpu.memref_slice %arg15[%dma_start3A] : memref<10000xf32, #tpu.memory_space<vmem_shared>> -> memref<10000xf32, #tpu.memory_space<vmem_shared>>
        tpu.enqueue_indirect_dma source(%arg18 : memref<5000xf32, #tpu.memory_space<vmem>>) target(%dma_start3A_59 : memref<10000xf32, #tpu.memory_space<vmem_shared>>) offsets(%arg17 : memref<5000xi32, #tpu.memory_space<vmem>>) semaphore(%run_scoped3A : memref<!tpu.dma_semaphore, #tpu.memory_space<semaphore_mem>>) {add = true}
        %dma_wait3A = arith.constant 0 : i32
        %dma_wait3A_60 = tpu.memref_slice %arg15[%dma_wait3A] : memref<10000xf32, #tpu.memory_space<vmem_shared>> -> memref<10000xf32, #tpu.memory_space<vmem_shared>>
        tpu.wait_indirect_dma semaphore(%run_scoped3A : memref<!tpu.dma_semaphore, #tpu.memory_space<semaphore_mem>>) src(%arg18 : memref<5000xf32, #tpu.memory_space<vmem>>) dst(%dma_wait3A_60 : memref<10000xf32, #tpu.memory_space<vmem_shared>>)
        tpu.yield
      }) : () -> ()
      %mul3A_57 = arith.constant 5000 : i32
      %mul3A_58 = arith.muli %arg1, %mul3A_57 : i32
      "tpu.region"() ({
        %run_scoped3A = tpu.sem_alloc : memref<!tpu.dma_semaphore, #tpu.memory_space<semaphore_mem>>
        %dma_start3A = tpu.memref_slice %arg9[%mul3A_58] : memref<80000xi32, #tpu.memory_space<hbm>> -> memref<5000xi32, #tpu.memory_space<hbm>>
        %dma_start3A_59 = tpu.memref_slice %arg9[%mul3A_58] : memref<80000xi32, #tpu.memory_space<hbm>> -> memref<5000xi32, #tpu.memory_space<hbm>>
        tpu.enqueue_dma source(%dma_start3A_59 : memref<5000xi32, #tpu.memory_space<hbm>>) target(%arg17 : memref<5000xi32, #tpu.memory_space<vmem>>) target_semaphore(%run_scoped3A : memref<!tpu.dma_semaphore, #tpu.memory_space<semaphore_mem>>)
        %dma_wait3A = tpu.memref_slice %arg9[%mul3A_58] : memref<80000xi32, #tpu.memory_space<hbm>> -> memref<5000xi32, #tpu.memory_space<hbm>>
        %dma_wait3A_60 = tpu.memref_slice %arg9[%mul3A_58] : memref<80000xi32, #tpu.memory_space<hbm>> -> memref<5000xi32, #tpu.memory_space<hbm>>
        tpu.wait_dma2 semaphore(%run_scoped3A : memref<!tpu.dma_semaphore, #tpu.memory_space<semaphore_mem>>) src(%dma_wait3A_60 : memref<5000xi32, #tpu.memory_space<hbm>>) dst(%arg17 : memref<5000xi32, #tpu.memory_space<vmem>>)
        tpu.yield
      }) : () -> ()
      "tpu.region"() ({
        %run_scoped3A = tpu.sem_alloc : memref<!tpu.dma_semaphore, #tpu.memory_space<semaphore_mem>>
        %dma_start3A = arith.constant 0 : i32
        %dma_start3A_59 = tpu.memref_slice %arg16[%dma_start3A] : memref<10000xf32, #tpu.memory_space<vmem_shared>> -> memref<10000xf32, #tpu.memory_space<vmem_shared>>
        tpu.enqueue_indirect_dma source(%arg18 : memref<5000xf32, #tpu.memory_space<vmem>>) target(%dma_start3A_59 : memref<10000xf32, #tpu.memory_space<vmem_shared>>) offsets(%arg17 : memref<5000xi32, #tpu.memory_space<vmem>>) semaphore(%run_scoped3A : memref<!tpu.dma_semaphore, #tpu.memory_space<semaphore_mem>>) {add = true}
        %dma_wait3A = arith.constant 0 : i32
        %dma_wait3A_60 = tpu.memref_slice %arg16[%dma_wait3A] : memref<10000xf32, #tpu.memory_space<vmem_shared>> -> memref<10000xf32, #tpu.memory_space<vmem_shared>>
        tpu.wait_indirect_dma semaphore(%run_scoped3A : memref<!tpu.dma_semaphore, #tpu.memory_space<semaphore_mem>>) src(%arg18 : memref<5000xf32, #tpu.memory_space<vmem>>) dst(%dma_wait3A_60 : memref<10000xf32, #tpu.memory_space<vmem_shared>>)
        tpu.yield
      }) : () -> ()
    } else {
    }
    %barrier3A_31 = arith.constant 0 : index
    tpu.barrier barrier_id(%barrier3A_31)
    %eq3A_32 = arith.constant 0 : i32
    %eq3A_33 = arith.cmpi eq, %arg1, %eq3A_32 : i32
    %convert_element_type3A_34 = arith.extui %eq3A_33 : i1 to i32
    %cond3A_35 = arith.constant 0 : i32
    %cond3A_36 = arith.cmpi ne, %convert_element_type3A_34, %cond3A_35 : i32
    scf.if %cond3A_36 {
      "tpu.region"() ({
        %run_scoped3A = tpu.sem_alloc : memref<!tpu.dma_semaphore, #tpu.memory_space<semaphore_mem>>
        tpu.enqueue_dma source(%arg13 : memref<10000xf32, #tpu.memory_space<vmem_shared>>) target(%arg19 : memref<10000xf32, #tpu.memory_space<vmem>>) target_semaphore(%run_scoped3A : memref<!tpu.dma_semaphore, #tpu.memory_space<semaphore_mem>>)
        tpu.wait_dma2 semaphore(%run_scoped3A : memref<!tpu.dma_semaphore, #tpu.memory_space<semaphore_mem>>) src(%arg13 : memref<10000xf32, #tpu.memory_space<vmem_shared>>) dst(%arg19 : memref<10000xf32, #tpu.memory_space<vmem>>)
        tpu.yield
      }) : () -> ()
      %mul3A = arith.constant 4 : i32
      %mul3A_52 = arith.muli %arg0, %mul3A : i32
      %add3A = arith.constant 0 : i32
      %add3A_53 = arith.addi %mul3A_52, %add3A : i32
      %mul3A_54 = arith.constant 10000 : i32
      %mul3A_55 = arith.muli %add3A_53, %mul3A_54 : i32
      "tpu.region"() ({
        %run_scoped3A = tpu.sem_alloc : memref<!tpu.dma_semaphore, #tpu.memory_space<semaphore_mem>>
        %dma_start3A = tpu.memref_slice %arg12[%mul3A_55] : memref<80000xf32, #tpu.memory_space<hbm>> -> memref<10000xf32, #tpu.memory_space<hbm>>
        %dma_start3A_56 = tpu.memref_slice %arg12[%mul3A_55] : memref<80000xf32, #tpu.memory_space<hbm>> -> memref<10000xf32, #tpu.memory_space<hbm>>
        tpu.enqueue_dma source(%arg19 : memref<10000xf32, #tpu.memory_space<vmem>>) target(%dma_start3A_56 : memref<10000xf32, #tpu.memory_space<hbm>>) target_semaphore(%run_scoped3A : memref<!tpu.dma_semaphore, #tpu.memory_space<semaphore_mem>>)
        %dma_wait3A = tpu.memref_slice %arg12[%mul3A_55] : memref<80000xf32, #tpu.memory_space<hbm>> -> memref<10000xf32, #tpu.memory_space<hbm>>
        %dma_wait3A_57 = tpu.memref_slice %arg12[%mul3A_55] : memref<80000xf32, #tpu.memory_space<hbm>> -> memref<10000xf32, #tpu.memory_space<hbm>>
        tpu.wait_dma2 semaphore(%run_scoped3A : memref<!tpu.dma_semaphore, #tpu.memory_space<semaphore_mem>>) src(%arg19 : memref<10000xf32, #tpu.memory_space<vmem>>) dst(%dma_wait3A_57 : memref<10000xf32, #tpu.memory_space<hbm>>)
        tpu.yield
      }) : () -> ()
    } else {
    }
    %eq3A_37 = arith.constant 1 : i32
    %eq3A_38 = arith.cmpi eq, %arg1, %eq3A_37 : i32
    %convert_element_type3A_39 = arith.extui %eq3A_38 : i1 to i32
    %cond3A_40 = arith.constant 0 : i32
    %cond3A_41 = arith.cmpi ne, %convert_element_type3A_39, %cond3A_40 : i32
    scf.if %cond3A_41 {
      "tpu.region"() ({
        %run_scoped3A = tpu.sem_alloc : memref<!tpu.dma_semaphore, #tpu.memory_space<semaphore_mem>>
        tpu.enqueue_dma source(%arg14 : memref<10000xf32, #tpu.memory_space<vmem_shared>>) target(%arg19 : memref<10000xf32, #tpu.memory_space<vmem>>) target_semaphore(%run_scoped3A : memref<!tpu.dma_semaphore, #tpu.memory_space<semaphore_mem>>)
        tpu.wait_dma2 semaphore(%run_scoped3A : memref<!tpu.dma_semaphore, #tpu.memory_space<semaphore_mem>>) src(%arg14 : memref<10000xf32, #tpu.memory_space<vmem_shared>>) dst(%arg19 : memref<10000xf32, #tpu.memory_space<vmem>>)
        tpu.yield
      }) : () -> ()
      %mul3A = arith.constant 4 : i32
      %mul3A_52 = arith.muli %arg0, %mul3A : i32
      %add3A = arith.constant 1 : i32
      %add3A_53 = arith.addi %mul3A_52, %add3A : i32
      %mul3A_54 = arith.constant 10000 : i32
      %mul3A_55 = arith.muli %add3A_53, %mul3A_54 : i32
      "tpu.region"() ({
        %run_scoped3A = tpu.sem_alloc : memref<!tpu.dma_semaphore, #tpu.memory_space<semaphore_mem>>
        %dma_start3A = tpu.memref_slice %arg12[%mul3A_55] : memref<80000xf32, #tpu.memory_space<hbm>> -> memref<10000xf32, #tpu.memory_space<hbm>>
        %dma_start3A_56 = tpu.memref_slice %arg12[%mul3A_55] : memref<80000xf32, #tpu.memory_space<hbm>> -> memref<10000xf32, #tpu.memory_space<hbm>>
        tpu.enqueue_dma source(%arg19 : memref<10000xf32, #tpu.memory_space<vmem>>) target(%dma_start3A_56 : memref<10000xf32, #tpu.memory_space<hbm>>) target_semaphore(%run_scoped3A : memref<!tpu.dma_semaphore, #tpu.memory_space<semaphore_mem>>)
        %dma_wait3A = tpu.memref_slice %arg12[%mul3A_55] : memref<80000xf32, #tpu.memory_space<hbm>> -> memref<10000xf32, #tpu.memory_space<hbm>>
        %dma_wait3A_57 = tpu.memref_slice %arg12[%mul3A_55] : memref<80000xf32, #tpu.memory_space<hbm>> -> memref<10000xf32, #tpu.memory_space<hbm>>
        tpu.wait_dma2 semaphore(%run_scoped3A : memref<!tpu.dma_semaphore, #tpu.memory_space<semaphore_mem>>) src(%arg19 : memref<10000xf32, #tpu.memory_space<vmem>>) dst(%dma_wait3A_57 : memref<10000xf32, #tpu.memory_space<hbm>>)
        tpu.yield
      }) : () -> ()
    } else {
    }
    %eq3A_42 = arith.constant 2 : i32
    %eq3A_43 = arith.cmpi eq, %arg1, %eq3A_42 : i32
    %convert_element_type3A_44 = arith.extui %eq3A_43 : i1 to i32
    %cond3A_45 = arith.constant 0 : i32
    %cond3A_46 = arith.cmpi ne, %convert_element_type3A_44, %cond3A_45 : i32
    scf.if %cond3A_46 {
      "tpu.region"() ({
        %run_scoped3A = tpu.sem_alloc : memref<!tpu.dma_semaphore, #tpu.memory_space<semaphore_mem>>
        tpu.enqueue_dma source(%arg15 : memref<10000xf32, #tpu.memory_space<vmem_shared>>) target(%arg19 : memref<10000xf32, #tpu.memory_space<vmem>>) target_semaphore(%run_scoped3A : memref<!tpu.dma_semaphore, #tpu.memory_space<semaphore_mem>>)
        tpu.wait_dma2 semaphore(%run_scoped3A : memref<!tpu.dma_semaphore, #tpu.memory_space<semaphore_mem>>) src(%arg15 : memref<10000xf32, #tpu.memory_space<vmem_shared>>) dst(%arg19 : memref<10000xf32, #tpu.memory_space<vmem>>)
        tpu.yield
      }) : () -> ()
      %mul3A = arith.constant 4 : i32
      %mul3A_52 = arith.muli %arg0, %mul3A : i32
      %add3A = arith.constant 2 : i32
      %add3A_53 = arith.addi %mul3A_52, %add3A : i32
      %mul3A_54 = arith.constant 10000 : i32
      %mul3A_55 = arith.muli %add3A_53, %mul3A_54 : i32
      "tpu.region"() ({
        %run_scoped3A = tpu.sem_alloc : memref<!tpu.dma_semaphore, #tpu.memory_space<semaphore_mem>>
        %dma_start3A = tpu.memref_slice %arg12[%mul3A_55] : memref<80000xf32, #tpu.memory_space<hbm>> -> memref<10000xf32, #tpu.memory_space<hbm>>
        %dma_start3A_56 = tpu.memref_slice %arg12[%mul3A_55] : memref<80000xf32, #tpu.memory_space<hbm>> -> memref<10000xf32, #tpu.memory_space<hbm>>
        tpu.enqueue_dma source(%arg19 : memref<10000xf32, #tpu.memory_space<vmem>>) target(%dma_start3A_56 : memref<10000xf32, #tpu.memory_space<hbm>>) target_semaphore(%run_scoped3A : memref<!tpu.dma_semaphore, #tpu.memory_space<semaphore_mem>>)
        %dma_wait3A = tpu.memref_slice %arg12[%mul3A_55] : memref<80000xf32, #tpu.memory_space<hbm>> -> memref<10000xf32, #tpu.memory_space<hbm>>
        %dma_wait3A_57 = tpu.memref_slice %arg12[%mul3A_55] : memref<80000xf32, #tpu.memory_space<hbm>> -> memref<10000xf32, #tpu.memory_space<hbm>>
        tpu.wait_dma2 semaphore(%run_scoped3A : memref<!tpu.dma_semaphore, #tpu.memory_space<semaphore_mem>>) src(%arg19 : memref<10000xf32, #tpu.memory_space<vmem>>) dst(%dma_wait3A_57 : memref<10000xf32, #tpu.memory_space<hbm>>)
        tpu.yield
      }) : () -> ()
    } else {
    }
    %eq3A_47 = arith.constant 3 : i32
    %eq3A_48 = arith.cmpi eq, %arg1, %eq3A_47 : i32
    %convert_element_type3A_49 = arith.extui %eq3A_48 : i1 to i32
    %cond3A_50 = arith.constant 0 : i32
    %cond3A_51 = arith.cmpi ne, %convert_element_type3A_49, %cond3A_50 : i32
    scf.if %cond3A_51 {
      "tpu.region"() ({
        %run_scoped3A = tpu.sem_alloc : memref<!tpu.dma_semaphore, #tpu.memory_space<semaphore_mem>>
        tpu.enqueue_dma source(%arg16 : memref<10000xf32, #tpu.memory_space<vmem_shared>>) target(%arg19 : memref<10000xf32, #tpu.memory_space<vmem>>) target_semaphore(%run_scoped3A : memref<!tpu.dma_semaphore, #tpu.memory_space<semaphore_mem>>)
        tpu.wait_dma2 semaphore(%run_scoped3A : memref<!tpu.dma_semaphore, #tpu.memory_space<semaphore_mem>>) src(%arg16 : memref<10000xf32, #tpu.memory_space<vmem_shared>>) dst(%arg19 : memref<10000xf32, #tpu.memory_space<vmem>>)
        tpu.yield
      }) : () -> ()
      %mul3A = arith.constant 4 : i32
      %mul3A_52 = arith.muli %arg0, %mul3A : i32
      %add3A = arith.constant 3 : i32
      %add3A_53 = arith.addi %mul3A_52, %add3A : i32
      %mul3A_54 = arith.constant 10000 : i32
      %mul3A_55 = arith.muli %add3A_53, %mul3A_54 : i32
      "tpu.region"() ({
        %run_scoped3A = tpu.sem_alloc : memref<!tpu.dma_semaphore, #tpu.memory_space<semaphore_mem>>
        %dma_start3A = tpu.memref_slice %arg12[%mul3A_55] : memref<80000xf32, #tpu.memory_space<hbm>> -> memref<10000xf32, #tpu.memory_space<hbm>>
        %dma_start3A_56 = tpu.memref_slice %arg12[%mul3A_55] : memref<80000xf32, #tpu.memory_space<hbm>> -> memref<10000xf32, #tpu.memory_space<hbm>>
        tpu.enqueue_dma source(%arg19 : memref<10000xf32, #tpu.memory_space<vmem>>) target(%dma_start3A_56 : memref<10000xf32, #tpu.memory_space<hbm>>) target_semaphore(%run_scoped3A : memref<!tpu.dma_semaphore, #tpu.memory_space<semaphore_mem>>)
        %dma_wait3A = tpu.memref_slice %arg12[%mul3A_55] : memref<80000xf32, #tpu.memory_space<hbm>> -> memref<10000xf32, #tpu.memory_space<hbm>>
        %dma_wait3A_57 = tpu.memref_slice %arg12[%mul3A_55] : memref<80000xf32, #tpu.memory_space<hbm>> -> memref<10000xf32, #tpu.memory_space<hbm>>
        tpu.wait_dma2 semaphore(%run_scoped3A : memref<!tpu.dma_semaphore, #tpu.memory_space<semaphore_mem>>) src(%arg19 : memref<10000xf32, #tpu.memory_space<vmem>>) dst(%dma_wait3A_57 : memref<10000xf32, #tpu.memory_space<hbm>>)
        tpu.yield
      }) : () -> ()
    } else {
    }
    return
  }
}

#map = affine_map<(d0, d1) -> (0)>
#map1 = affine_map<(d0, d1) -> (0, 0)>
module attributes {stable_mosaic.version = 14 : i64} {
  func.func @_edge_call(%arg0: i32, %arg1: i32, %arg2: memref<80000xi32, #tpu.memory_space<hbm>>, %arg3: memref<80000xi32, #tpu.memory_space<hbm>>, %arg4: memref<80000xi32, #tpu.memory_space<hbm>>, %arg5: memref<80000xi32, #tpu.memory_space<hbm>>, %arg6: memref<80000xi32, #tpu.memory_space<hbm>>, %arg7: memref<80000xi32, #tpu.memory_space<hbm>>, %arg8: memref<80000xi32, #tpu.memory_space<hbm>>, %arg9: memref<80000xi32, #tpu.memory_space<hbm>>, %arg10: memref<40000x32xf32, #tpu.memory_space<hbm>>, %arg11: memref<10000xf32, #tpu.memory_space<hbm>>, %arg12: memref<10000xf32, #tpu.memory_space<hbm>>, %arg13: memref<10000xf32, #tpu.memory_space<hbm>>, %arg14: memref<10000xf32, #tpu.memory_space<hbm>>, %arg15: memref<1000x32xf32, #tpu.memory_space<hbm>>, %arg16: memref<10000xf32, #tpu.memory_space<hbm>>, %arg17: memref<40000x32xf32, #tpu.memory_space<hbm>>, %arg18: memref<40000xf32, #tpu.memory_space<hbm>>, %arg19: memref<10000x32xf32, #tpu.memory_space<vmem_shared>>, %arg20: memref<10000x32xf32, #tpu.memory_space<vmem_shared>>, %arg21: memref<40000xf32, #tpu.memory_space<vmem_shared>>, %arg22: memref<1000xi32, #tpu.memory_space<vmem>>, %arg23: memref<1000xi32, #tpu.memory_space<vmem>>, %arg24: memref<1000xi32, #tpu.memory_space<vmem>>, %arg25: memref<1000xi32, #tpu.memory_space<vmem>>, %arg26: memref<1000x32xf32, #tpu.memory_space<vmem>>, %arg27: memref<1000x32xf32, #tpu.memory_space<vmem>>, %arg28: memref<1000xf32, #tpu.memory_space<vmem>>, %arg29: memref<1000xf32, #tpu.memory_space<vmem>>, %arg30: memref<10000xf32, #tpu.memory_space<vmem>>, %arg31: memref<!tpu.dma_semaphore, #tpu.memory_space<semaphore_mem>>, %arg32: memref<!tpu.dma_semaphore, #tpu.memory_space<semaphore_mem>>, %arg33: memref<!tpu.dma_semaphore, #tpu.memory_space<semaphore_mem>>, %arg34: memref<!tpu.dma_semaphore, #tpu.memory_space<semaphore_mem>>, %arg35: memref<!tpu.dma_semaphore, #tpu.memory_space<semaphore_mem>>, %arg36: memref<!tpu.dma_semaphore, #tpu.memory_space<semaphore_mem>>) attributes {dimension_semantics = [#tpu.dimension_semantics<core_parallel>, #tpu.dimension_semantics<subcore_parallel>], iteration_bounds = array<i64: 2, 16>, scalar_prefetch = 0 : i64, scratch_operands = 18 : i64, tpu.core_type = #tpu.core_type<sc_vector_subcore>, window_params = [{transform_indices = #map}, {transform_indices = #map}, {transform_indices = #map}, {transform_indices = #map}, {transform_indices = #map}, {transform_indices = #map}, {transform_indices = #map}, {transform_indices = #map}, {transform_indices = #map1}, {transform_indices = #map}, {transform_indices = #map}, {transform_indices = #map}, {transform_indices = #map}, {transform_indices = #map1}, {transform_indices = #map}, {transform_indices = #map1}, {transform_indices = #map}]} {
    %lt3A = arith.constant 2 : i32
    %lt3A_0 = arith.cmpi slt, %arg1, %lt3A : i32
    %convert_element_type3A = arith.extui %lt3A_0 : i1 to i32
    %cond3A = arith.constant 0 : i32
    %cond3A_1 = arith.cmpi ne, %convert_element_type3A, %cond3A : i32
    scf.if %cond3A_1 {
      "tpu.region"() ({
        %run_scoped3A = tpu.sem_alloc : memref<!tpu.dma_semaphore, #tpu.memory_space<semaphore_mem>>
        tpu.enqueue_dma source(%arg15 : memref<1000x32xf32, #tpu.memory_space<hbm>>) target(%arg26 : memref<1000x32xf32, #tpu.memory_space<vmem>>) target_semaphore(%run_scoped3A : memref<!tpu.dma_semaphore, #tpu.memory_space<semaphore_mem>>)
        tpu.wait_dma2 semaphore(%run_scoped3A : memref<!tpu.dma_semaphore, #tpu.memory_space<semaphore_mem>>) src(%arg15 : memref<1000x32xf32, #tpu.memory_space<hbm>>) dst(%arg26 : memref<1000x32xf32, #tpu.memory_space<vmem>>)
        tpu.yield
      }) : () -> ()
    } else {
    }
    %eq3A = arith.constant 2 : i32
    %eq3A_2 = arith.cmpi eq, %arg1, %eq3A : i32
    %eq3A_3 = arith.constant 3 : i32
    %eq3A_4 = arith.cmpi eq, %arg1, %eq3A_3 : i32
    %or3A = arith.ori %eq3A_2, %eq3A_4 : i1
    %convert_element_type3A_5 = arith.extui %or3A : i1 to i32
    %cond3A_6 = arith.constant 0 : i32
    %cond3A_7 = arith.cmpi ne, %convert_element_type3A_5, %cond3A_6 : i32
    scf.if %cond3A_7 {
      "tpu.region"() ({
        %run_scoped3A = tpu.sem_alloc : memref<!tpu.dma_semaphore, #tpu.memory_space<semaphore_mem>>
        tpu.enqueue_dma source(%arg16 : memref<10000xf32, #tpu.memory_space<hbm>>) target(%arg30 : memref<10000xf32, #tpu.memory_space<vmem>>) target_semaphore(%run_scoped3A : memref<!tpu.dma_semaphore, #tpu.memory_space<semaphore_mem>>)
        tpu.wait_dma2 semaphore(%run_scoped3A : memref<!tpu.dma_semaphore, #tpu.memory_space<semaphore_mem>>) src(%arg16 : memref<10000xf32, #tpu.memory_space<hbm>>) dst(%arg30 : memref<10000xf32, #tpu.memory_space<vmem>>)
        tpu.yield
      }) : () -> ()
    } else {
    }
    %eq3A_8 = arith.constant 0 : i32
    %eq3A_9 = arith.cmpi eq, %arg1, %eq3A_8 : i32
    %convert_element_type3A_10 = arith.extui %eq3A_9 : i1 to i32
    %cond3A_11 = arith.constant 0 : i32
    %cond3A_12 = arith.cmpi ne, %convert_element_type3A_10, %cond3A_11 : i32
    scf.if %cond3A_12 {
      "tpu.region"() ({
        %run_scoped3A = tpu.sem_alloc : memref<!tpu.dma_semaphore, #tpu.memory_space<semaphore_mem>>
        %dma_start3A = arith.constant 0 : i32
        %dma_start3A_59 = arith.constant 0 : i32
        %dma_start3A_60 = tpu.memref_slice %arg19[%dma_start3A, %dma_start3A_59] : memref<10000x32xf32, #tpu.memory_space<vmem_shared>> -> memref<1000x32xf32, #tpu.memory_space<vmem_shared>>
        %dma_start3A_61 = arith.constant 0 : i32
        %dma_start3A_62 = arith.constant 0 : i32
        %dma_start3A_63 = tpu.memref_slice %arg19[%dma_start3A_61, %dma_start3A_62] : memref<10000x32xf32, #tpu.memory_space<vmem_shared>> -> memref<1000x32xf32, #tpu.memory_space<vmem_shared>>
        tpu.enqueue_dma source(%arg26 : memref<1000x32xf32, #tpu.memory_space<vmem>>) target(%dma_start3A_63 : memref<1000x32xf32, #tpu.memory_space<vmem_shared>>) target_semaphore(%run_scoped3A : memref<!tpu.dma_semaphore, #tpu.memory_space<semaphore_mem>>)
        %dma_wait3A = arith.constant 0 : i32
        %dma_wait3A_64 = arith.constant 0 : i32
        %dma_wait3A_65 = tpu.memref_slice %arg19[%dma_wait3A, %dma_wait3A_64] : memref<10000x32xf32, #tpu.memory_space<vmem_shared>> -> memref<1000x32xf32, #tpu.memory_space<vmem_shared>>
        %dma_wait3A_66 = arith.constant 0 : i32
        %dma_wait3A_67 = arith.constant 0 : i32
        %dma_wait3A_68 = tpu.memref_slice %arg19[%dma_wait3A_66, %dma_wait3A_67] : memref<10000x32xf32, #tpu.memory_space<vmem_shared>> -> memref<1000x32xf32, #tpu.memory_space<vmem_shared>>
        tpu.wait_dma2 semaphore(%run_scoped3A : memref<!tpu.dma_semaphore, #tpu.memory_space<semaphore_mem>>) src(%arg26 : memref<1000x32xf32, #tpu.memory_space<vmem>>) dst(%dma_wait3A_68 : memref<1000x32xf32, #tpu.memory_space<vmem_shared>>)
        tpu.yield
      }) : () -> ()
      "tpu.region"() ({
        %run_scoped3A = tpu.sem_alloc : memref<!tpu.dma_semaphore, #tpu.memory_space<semaphore_mem>>
        %dma_start3A = arith.constant 1000 : i32
        %dma_start3A_59 = arith.constant 0 : i32
        %dma_start3A_60 = tpu.memref_slice %arg19[%dma_start3A, %dma_start3A_59] : memref<10000x32xf32, #tpu.memory_space<vmem_shared>> -> memref<1000x32xf32, #tpu.memory_space<vmem_shared>>
        %dma_start3A_61 = arith.constant 1000 : i32
        %dma_start3A_62 = arith.constant 0 : i32
        %dma_start3A_63 = tpu.memref_slice %arg19[%dma_start3A_61, %dma_start3A_62] : memref<10000x32xf32, #tpu.memory_space<vmem_shared>> -> memref<1000x32xf32, #tpu.memory_space<vmem_shared>>
        tpu.enqueue_dma source(%arg26 : memref<1000x32xf32, #tpu.memory_space<vmem>>) target(%dma_start3A_63 : memref<1000x32xf32, #tpu.memory_space<vmem_shared>>) target_semaphore(%run_scoped3A : memref<!tpu.dma_semaphore, #tpu.memory_space<semaphore_mem>>)
        %dma_wait3A = arith.constant 1000 : i32
        %dma_wait3A_64 = arith.constant 0 : i32
        %dma_wait3A_65 = tpu.memref_slice %arg19[%dma_wait3A, %dma_wait3A_64] : memref<10000x32xf32, #tpu.memory_space<vmem_shared>> -> memref<1000x32xf32, #tpu.memory_space<vmem_shared>>
        %dma_wait3A_66 = arith.constant 1000 : i32
        %dma_wait3A_67 = arith.constant 0 : i32
        %dma_wait3A_68 = tpu.memref_slice %arg19[%dma_wait3A_66, %dma_wait3A_67] : memref<10000x32xf32, #tpu.memory_space<vmem_shared>> -> memref<1000x32xf32, #tpu.memory_space<vmem_shared>>
        tpu.wait_dma2 semaphore(%run_scoped3A : memref<!tpu.dma_semaphore, #tpu.memory_space<semaphore_mem>>) src(%arg26 : memref<1000x32xf32, #tpu.memory_space<vmem>>) dst(%dma_wait3A_68 : memref<1000x32xf32, #tpu.memory_space<vmem_shared>>)
        tpu.yield
      }) : () -> ()
      "tpu.region"() ({
        %run_scoped3A = tpu.sem_alloc : memref<!tpu.dma_semaphore, #tpu.memory_space<semaphore_mem>>
        %dma_start3A = arith.constant 2000 : i32
        %dma_start3A_59 = arith.constant 0 : i32
        %dma_start3A_60 = tpu.memref_slice %arg19[%dma_start3A, %dma_start3A_59] : memref<10000x32xf32, #tpu.memory_space<vmem_shared>> -> memref<1000x32xf32, #tpu.memory_space<vmem_shared>>
        %dma_start3A_61 = arith.constant 2000 : i32
        %dma_start3A_62 = arith.constant 0 : i32
        %dma_start3A_63 = tpu.memref_slice %arg19[%dma_start3A_61, %dma_start3A_62] : memref<10000x32xf32, #tpu.memory_space<vmem_shared>> -> memref<1000x32xf32, #tpu.memory_space<vmem_shared>>
        tpu.enqueue_dma source(%arg26 : memref<1000x32xf32, #tpu.memory_space<vmem>>) target(%dma_start3A_63 : memref<1000x32xf32, #tpu.memory_space<vmem_shared>>) target_semaphore(%run_scoped3A : memref<!tpu.dma_semaphore, #tpu.memory_space<semaphore_mem>>)
        %dma_wait3A = arith.constant 2000 : i32
        %dma_wait3A_64 = arith.constant 0 : i32
        %dma_wait3A_65 = tpu.memref_slice %arg19[%dma_wait3A, %dma_wait3A_64] : memref<10000x32xf32, #tpu.memory_space<vmem_shared>> -> memref<1000x32xf32, #tpu.memory_space<vmem_shared>>
        %dma_wait3A_66 = arith.constant 2000 : i32
        %dma_wait3A_67 = arith.constant 0 : i32
        %dma_wait3A_68 = tpu.memref_slice %arg19[%dma_wait3A_66, %dma_wait3A_67] : memref<10000x32xf32, #tpu.memory_space<vmem_shared>> -> memref<1000x32xf32, #tpu.memory_space<vmem_shared>>
        tpu.wait_dma2 semaphore(%run_scoped3A : memref<!tpu.dma_semaphore, #tpu.memory_space<semaphore_mem>>) src(%arg26 : memref<1000x32xf32, #tpu.memory_space<vmem>>) dst(%dma_wait3A_68 : memref<1000x32xf32, #tpu.memory_space<vmem_shared>>)
        tpu.yield
      }) : () -> ()
      "tpu.region"() ({
        %run_scoped3A = tpu.sem_alloc : memref<!tpu.dma_semaphore, #tpu.memory_space<semaphore_mem>>
        %dma_start3A = arith.constant 3000 : i32
        %dma_start3A_59 = arith.constant 0 : i32
        %dma_start3A_60 = tpu.memref_slice %arg19[%dma_start3A, %dma_start3A_59] : memref<10000x32xf32, #tpu.memory_space<vmem_shared>> -> memref<1000x32xf32, #tpu.memory_space<vmem_shared>>
        %dma_start3A_61 = arith.constant 3000 : i32
        %dma_start3A_62 = arith.constant 0 : i32
        %dma_start3A_63 = tpu.memref_slice %arg19[%dma_start3A_61, %dma_start3A_62] : memref<10000x32xf32, #tpu.memory_space<vmem_shared>> -> memref<1000x32xf32, #tpu.memory_space<vmem_shared>>
        tpu.enqueue_dma source(%arg26 : memref<1000x32xf32, #tpu.memory_space<vmem>>) target(%dma_start3A_63 : memref<1000x32xf32, #tpu.memory_space<vmem_shared>>) target_semaphore(%run_scoped3A : memref<!tpu.dma_semaphore, #tpu.memory_space<semaphore_mem>>)
        %dma_wait3A = arith.constant 3000 : i32
        %dma_wait3A_64 = arith.constant 0 : i32
        %dma_wait3A_65 = tpu.memref_slice %arg19[%dma_wait3A, %dma_wait3A_64] : memref<10000x32xf32, #tpu.memory_space<vmem_shared>> -> memref<1000x32xf32, #tpu.memory_space<vmem_shared>>
        %dma_wait3A_66 = arith.constant 3000 : i32
        %dma_wait3A_67 = arith.constant 0 : i32
        %dma_wait3A_68 = tpu.memref_slice %arg19[%dma_wait3A_66, %dma_wait3A_67] : memref<10000x32xf32, #tpu.memory_space<vmem_shared>> -> memref<1000x32xf32, #tpu.memory_space<vmem_shared>>
        tpu.wait_dma2 semaphore(%run_scoped3A : memref<!tpu.dma_semaphore, #tpu.memory_space<semaphore_mem>>) src(%arg26 : memref<1000x32xf32, #tpu.memory_space<vmem>>) dst(%dma_wait3A_68 : memref<1000x32xf32, #tpu.memory_space<vmem_shared>>)
        tpu.yield
      }) : () -> ()
      "tpu.region"() ({
        %run_scoped3A = tpu.sem_alloc : memref<!tpu.dma_semaphore, #tpu.memory_space<semaphore_mem>>
        %dma_start3A = arith.constant 4000 : i32
        %dma_start3A_59 = arith.constant 0 : i32
        %dma_start3A_60 = tpu.memref_slice %arg19[%dma_start3A, %dma_start3A_59] : memref<10000x32xf32, #tpu.memory_space<vmem_shared>> -> memref<1000x32xf32, #tpu.memory_space<vmem_shared>>
        %dma_start3A_61 = arith.constant 4000 : i32
        %dma_start3A_62 = arith.constant 0 : i32
        %dma_start3A_63 = tpu.memref_slice %arg19[%dma_start3A_61, %dma_start3A_62] : memref<10000x32xf32, #tpu.memory_space<vmem_shared>> -> memref<1000x32xf32, #tpu.memory_space<vmem_shared>>
        tpu.enqueue_dma source(%arg26 : memref<1000x32xf32, #tpu.memory_space<vmem>>) target(%dma_start3A_63 : memref<1000x32xf32, #tpu.memory_space<vmem_shared>>) target_semaphore(%run_scoped3A : memref<!tpu.dma_semaphore, #tpu.memory_space<semaphore_mem>>)
        %dma_wait3A = arith.constant 4000 : i32
        %dma_wait3A_64 = arith.constant 0 : i32
        %dma_wait3A_65 = tpu.memref_slice %arg19[%dma_wait3A, %dma_wait3A_64] : memref<10000x32xf32, #tpu.memory_space<vmem_shared>> -> memref<1000x32xf32, #tpu.memory_space<vmem_shared>>
        %dma_wait3A_66 = arith.constant 4000 : i32
        %dma_wait3A_67 = arith.constant 0 : i32
        %dma_wait3A_68 = tpu.memref_slice %arg19[%dma_wait3A_66, %dma_wait3A_67] : memref<10000x32xf32, #tpu.memory_space<vmem_shared>> -> memref<1000x32xf32, #tpu.memory_space<vmem_shared>>
        tpu.wait_dma2 semaphore(%run_scoped3A : memref<!tpu.dma_semaphore, #tpu.memory_space<semaphore_mem>>) src(%arg26 : memref<1000x32xf32, #tpu.memory_space<vmem>>) dst(%dma_wait3A_68 : memref<1000x32xf32, #tpu.memory_space<vmem_shared>>)
        tpu.yield
      }) : () -> ()
      "tpu.region"() ({
        %run_scoped3A = tpu.sem_alloc : memref<!tpu.dma_semaphore, #tpu.memory_space<semaphore_mem>>
        %dma_start3A = arith.constant 5000 : i32
        %dma_start3A_59 = arith.constant 0 : i32
        %dma_start3A_60 = tpu.memref_slice %arg19[%dma_start3A, %dma_start3A_59] : memref<10000x32xf32, #tpu.memory_space<vmem_shared>> -> memref<1000x32xf32, #tpu.memory_space<vmem_shared>>
        %dma_start3A_61 = arith.constant 5000 : i32
        %dma_start3A_62 = arith.constant 0 : i32
        %dma_start3A_63 = tpu.memref_slice %arg19[%dma_start3A_61, %dma_start3A_62] : memref<10000x32xf32, #tpu.memory_space<vmem_shared>> -> memref<1000x32xf32, #tpu.memory_space<vmem_shared>>
        tpu.enqueue_dma source(%arg26 : memref<1000x32xf32, #tpu.memory_space<vmem>>) target(%dma_start3A_63 : memref<1000x32xf32, #tpu.memory_space<vmem_shared>>) target_semaphore(%run_scoped3A : memref<!tpu.dma_semaphore, #tpu.memory_space<semaphore_mem>>)
        %dma_wait3A = arith.constant 5000 : i32
        %dma_wait3A_64 = arith.constant 0 : i32
        %dma_wait3A_65 = tpu.memref_slice %arg19[%dma_wait3A, %dma_wait3A_64] : memref<10000x32xf32, #tpu.memory_space<vmem_shared>> -> memref<1000x32xf32, #tpu.memory_space<vmem_shared>>
        %dma_wait3A_66 = arith.constant 5000 : i32
        %dma_wait3A_67 = arith.constant 0 : i32
        %dma_wait3A_68 = tpu.memref_slice %arg19[%dma_wait3A_66, %dma_wait3A_67] : memref<10000x32xf32, #tpu.memory_space<vmem_shared>> -> memref<1000x32xf32, #tpu.memory_space<vmem_shared>>
        tpu.wait_dma2 semaphore(%run_scoped3A : memref<!tpu.dma_semaphore, #tpu.memory_space<semaphore_mem>>) src(%arg26 : memref<1000x32xf32, #tpu.memory_space<vmem>>) dst(%dma_wait3A_68 : memref<1000x32xf32, #tpu.memory_space<vmem_shared>>)
        tpu.yield
      }) : () -> ()
      "tpu.region"() ({
        %run_scoped3A = tpu.sem_alloc : memref<!tpu.dma_semaphore, #tpu.memory_space<semaphore_mem>>
        %dma_start3A = arith.constant 6000 : i32
        %dma_start3A_59 = arith.constant 0 : i32
        %dma_start3A_60 = tpu.memref_slice %arg19[%dma_start3A, %dma_start3A_59] : memref<10000x32xf32, #tpu.memory_space<vmem_shared>> -> memref<1000x32xf32, #tpu.memory_space<vmem_shared>>
        %dma_start3A_61 = arith.constant 6000 : i32
        %dma_start3A_62 = arith.constant 0 : i32
        %dma_start3A_63 = tpu.memref_slice %arg19[%dma_start3A_61, %dma_start3A_62] : memref<10000x32xf32, #tpu.memory_space<vmem_shared>> -> memref<1000x32xf32, #tpu.memory_space<vmem_shared>>
        tpu.enqueue_dma source(%arg26 : memref<1000x32xf32, #tpu.memory_space<vmem>>) target(%dma_start3A_63 : memref<1000x32xf32, #tpu.memory_space<vmem_shared>>) target_semaphore(%run_scoped3A : memref<!tpu.dma_semaphore, #tpu.memory_space<semaphore_mem>>)
        %dma_wait3A = arith.constant 6000 : i32
        %dma_wait3A_64 = arith.constant 0 : i32
        %dma_wait3A_65 = tpu.memref_slice %arg19[%dma_wait3A, %dma_wait3A_64] : memref<10000x32xf32, #tpu.memory_space<vmem_shared>> -> memref<1000x32xf32, #tpu.memory_space<vmem_shared>>
        %dma_wait3A_66 = arith.constant 6000 : i32
        %dma_wait3A_67 = arith.constant 0 : i32
        %dma_wait3A_68 = tpu.memref_slice %arg19[%dma_wait3A_66, %dma_wait3A_67] : memref<10000x32xf32, #tpu.memory_space<vmem_shared>> -> memref<1000x32xf32, #tpu.memory_space<vmem_shared>>
        tpu.wait_dma2 semaphore(%run_scoped3A : memref<!tpu.dma_semaphore, #tpu.memory_space<semaphore_mem>>) src(%arg26 : memref<1000x32xf32, #tpu.memory_space<vmem>>) dst(%dma_wait3A_68 : memref<1000x32xf32, #tpu.memory_space<vmem_shared>>)
        tpu.yield
      }) : () -> ()
      "tpu.region"() ({
        %run_scoped3A = tpu.sem_alloc : memref<!tpu.dma_semaphore, #tpu.memory_space<semaphore_mem>>
        %dma_start3A = arith.constant 7000 : i32
        %dma_start3A_59 = arith.constant 0 : i32
        %dma_start3A_60 = tpu.memref_slice %arg19[%dma_start3A, %dma_start3A_59] : memref<10000x32xf32, #tpu.memory_space<vmem_shared>> -> memref<1000x32xf32, #tpu.memory_space<vmem_shared>>
        %dma_start3A_61 = arith.constant 7000 : i32
        %dma_start3A_62 = arith.constant 0 : i32
        %dma_start3A_63 = tpu.memref_slice %arg19[%dma_start3A_61, %dma_start3A_62] : memref<10000x32xf32, #tpu.memory_space<vmem_shared>> -> memref<1000x32xf32, #tpu.memory_space<vmem_shared>>
        tpu.enqueue_dma source(%arg26 : memref<1000x32xf32, #tpu.memory_space<vmem>>) target(%dma_start3A_63 : memref<1000x32xf32, #tpu.memory_space<vmem_shared>>) target_semaphore(%run_scoped3A : memref<!tpu.dma_semaphore, #tpu.memory_space<semaphore_mem>>)
        %dma_wait3A = arith.constant 7000 : i32
        %dma_wait3A_64 = arith.constant 0 : i32
        %dma_wait3A_65 = tpu.memref_slice %arg19[%dma_wait3A, %dma_wait3A_64] : memref<10000x32xf32, #tpu.memory_space<vmem_shared>> -> memref<1000x32xf32, #tpu.memory_space<vmem_shared>>
        %dma_wait3A_66 = arith.constant 7000 : i32
        %dma_wait3A_67 = arith.constant 0 : i32
        %dma_wait3A_68 = tpu.memref_slice %arg19[%dma_wait3A_66, %dma_wait3A_67] : memref<10000x32xf32, #tpu.memory_space<vmem_shared>> -> memref<1000x32xf32, #tpu.memory_space<vmem_shared>>
        tpu.wait_dma2 semaphore(%run_scoped3A : memref<!tpu.dma_semaphore, #tpu.memory_space<semaphore_mem>>) src(%arg26 : memref<1000x32xf32, #tpu.memory_space<vmem>>) dst(%dma_wait3A_68 : memref<1000x32xf32, #tpu.memory_space<vmem_shared>>)
        tpu.yield
      }) : () -> ()
      "tpu.region"() ({
        %run_scoped3A = tpu.sem_alloc : memref<!tpu.dma_semaphore, #tpu.memory_space<semaphore_mem>>
        %dma_start3A = arith.constant 8000 : i32
        %dma_start3A_59 = arith.constant 0 : i32
        %dma_start3A_60 = tpu.memref_slice %arg19[%dma_start3A, %dma_start3A_59] : memref<10000x32xf32, #tpu.memory_space<vmem_shared>> -> memref<1000x32xf32, #tpu.memory_space<vmem_shared>>
        %dma_start3A_61 = arith.constant 8000 : i32
        %dma_start3A_62 = arith.constant 0 : i32
        %dma_start3A_63 = tpu.memref_slice %arg19[%dma_start3A_61, %dma_start3A_62] : memref<10000x32xf32, #tpu.memory_space<vmem_shared>> -> memref<1000x32xf32, #tpu.memory_space<vmem_shared>>
        tpu.enqueue_dma source(%arg26 : memref<1000x32xf32, #tpu.memory_space<vmem>>) target(%dma_start3A_63 : memref<1000x32xf32, #tpu.memory_space<vmem_shared>>) target_semaphore(%run_scoped3A : memref<!tpu.dma_semaphore, #tpu.memory_space<semaphore_mem>>)
        %dma_wait3A = arith.constant 8000 : i32
        %dma_wait3A_64 = arith.constant 0 : i32
        %dma_wait3A_65 = tpu.memref_slice %arg19[%dma_wait3A, %dma_wait3A_64] : memref<10000x32xf32, #tpu.memory_space<vmem_shared>> -> memref<1000x32xf32, #tpu.memory_space<vmem_shared>>
        %dma_wait3A_66 = arith.constant 8000 : i32
        %dma_wait3A_67 = arith.constant 0 : i32
        %dma_wait3A_68 = tpu.memref_slice %arg19[%dma_wait3A_66, %dma_wait3A_67] : memref<10000x32xf32, #tpu.memory_space<vmem_shared>> -> memref<1000x32xf32, #tpu.memory_space<vmem_shared>>
        tpu.wait_dma2 semaphore(%run_scoped3A : memref<!tpu.dma_semaphore, #tpu.memory_space<semaphore_mem>>) src(%arg26 : memref<1000x32xf32, #tpu.memory_space<vmem>>) dst(%dma_wait3A_68 : memref<1000x32xf32, #tpu.memory_space<vmem_shared>>)
        tpu.yield
      }) : () -> ()
      "tpu.region"() ({
        %run_scoped3A = tpu.sem_alloc : memref<!tpu.dma_semaphore, #tpu.memory_space<semaphore_mem>>
        %dma_start3A = arith.constant 9000 : i32
        %dma_start3A_59 = arith.constant 0 : i32
        %dma_start3A_60 = tpu.memref_slice %arg19[%dma_start3A, %dma_start3A_59] : memref<10000x32xf32, #tpu.memory_space<vmem_shared>> -> memref<1000x32xf32, #tpu.memory_space<vmem_shared>>
        %dma_start3A_61 = arith.constant 9000 : i32
        %dma_start3A_62 = arith.constant 0 : i32
        %dma_start3A_63 = tpu.memref_slice %arg19[%dma_start3A_61, %dma_start3A_62] : memref<10000x32xf32, #tpu.memory_space<vmem_shared>> -> memref<1000x32xf32, #tpu.memory_space<vmem_shared>>
        tpu.enqueue_dma source(%arg26 : memref<1000x32xf32, #tpu.memory_space<vmem>>) target(%dma_start3A_63 : memref<1000x32xf32, #tpu.memory_space<vmem_shared>>) target_semaphore(%run_scoped3A : memref<!tpu.dma_semaphore, #tpu.memory_space<semaphore_mem>>)
        %dma_wait3A = arith.constant 9000 : i32
        %dma_wait3A_64 = arith.constant 0 : i32
        %dma_wait3A_65 = tpu.memref_slice %arg19[%dma_wait3A, %dma_wait3A_64] : memref<10000x32xf32, #tpu.memory_space<vmem_shared>> -> memref<1000x32xf32, #tpu.memory_space<vmem_shared>>
        %dma_wait3A_66 = arith.constant 9000 : i32
        %dma_wait3A_67 = arith.constant 0 : i32
        %dma_wait3A_68 = tpu.memref_slice %arg19[%dma_wait3A_66, %dma_wait3A_67] : memref<10000x32xf32, #tpu.memory_space<vmem_shared>> -> memref<1000x32xf32, #tpu.memory_space<vmem_shared>>
        tpu.wait_dma2 semaphore(%run_scoped3A : memref<!tpu.dma_semaphore, #tpu.memory_space<semaphore_mem>>) src(%arg26 : memref<1000x32xf32, #tpu.memory_space<vmem>>) dst(%dma_wait3A_68 : memref<1000x32xf32, #tpu.memory_space<vmem_shared>>)
        tpu.yield
      }) : () -> ()
    } else {
    }
    %eq3A_13 = arith.constant 1 : i32
    %eq3A_14 = arith.cmpi eq, %arg1, %eq3A_13 : i32
    %convert_element_type3A_15 = arith.extui %eq3A_14 : i1 to i32
    %cond3A_16 = arith.constant 0 : i32
    %cond3A_17 = arith.cmpi ne, %convert_element_type3A_15, %cond3A_16 : i32
    scf.if %cond3A_17 {
      "tpu.region"() ({
        %run_scoped3A = tpu.sem_alloc : memref<!tpu.dma_semaphore, #tpu.memory_space<semaphore_mem>>
        %dma_start3A = arith.constant 0 : i32
        %dma_start3A_59 = arith.constant 0 : i32
        %dma_start3A_60 = tpu.memref_slice %arg20[%dma_start3A, %dma_start3A_59] : memref<10000x32xf32, #tpu.memory_space<vmem_shared>> -> memref<1000x32xf32, #tpu.memory_space<vmem_shared>>
        %dma_start3A_61 = arith.constant 0 : i32
        %dma_start3A_62 = arith.constant 0 : i32
        %dma_start3A_63 = tpu.memref_slice %arg20[%dma_start3A_61, %dma_start3A_62] : memref<10000x32xf32, #tpu.memory_space<vmem_shared>> -> memref<1000x32xf32, #tpu.memory_space<vmem_shared>>
        tpu.enqueue_dma source(%arg26 : memref<1000x32xf32, #tpu.memory_space<vmem>>) target(%dma_start3A_63 : memref<1000x32xf32, #tpu.memory_space<vmem_shared>>) target_semaphore(%run_scoped3A : memref<!tpu.dma_semaphore, #tpu.memory_space<semaphore_mem>>)
        %dma_wait3A = arith.constant 0 : i32
        %dma_wait3A_64 = arith.constant 0 : i32
        %dma_wait3A_65 = tpu.memref_slice %arg20[%dma_wait3A, %dma_wait3A_64] : memref<10000x32xf32, #tpu.memory_space<vmem_shared>> -> memref<1000x32xf32, #tpu.memory_space<vmem_shared>>
        %dma_wait3A_66 = arith.constant 0 : i32
        %dma_wait3A_67 = arith.constant 0 : i32
        %dma_wait3A_68 = tpu.memref_slice %arg20[%dma_wait3A_66, %dma_wait3A_67] : memref<10000x32xf32, #tpu.memory_space<vmem_shared>> -> memref<1000x32xf32, #tpu.memory_space<vmem_shared>>
        tpu.wait_dma2 semaphore(%run_scoped3A : memref<!tpu.dma_semaphore, #tpu.memory_space<semaphore_mem>>) src(%arg26 : memref<1000x32xf32, #tpu.memory_space<vmem>>) dst(%dma_wait3A_68 : memref<1000x32xf32, #tpu.memory_space<vmem_shared>>)
        tpu.yield
      }) : () -> ()
      "tpu.region"() ({
        %run_scoped3A = tpu.sem_alloc : memref<!tpu.dma_semaphore, #tpu.memory_space<semaphore_mem>>
        %dma_start3A = arith.constant 1000 : i32
        %dma_start3A_59 = arith.constant 0 : i32
        %dma_start3A_60 = tpu.memref_slice %arg20[%dma_start3A, %dma_start3A_59] : memref<10000x32xf32, #tpu.memory_space<vmem_shared>> -> memref<1000x32xf32, #tpu.memory_space<vmem_shared>>
        %dma_start3A_61 = arith.constant 1000 : i32
        %dma_start3A_62 = arith.constant 0 : i32
        %dma_start3A_63 = tpu.memref_slice %arg20[%dma_start3A_61, %dma_start3A_62] : memref<10000x32xf32, #tpu.memory_space<vmem_shared>> -> memref<1000x32xf32, #tpu.memory_space<vmem_shared>>
        tpu.enqueue_dma source(%arg26 : memref<1000x32xf32, #tpu.memory_space<vmem>>) target(%dma_start3A_63 : memref<1000x32xf32, #tpu.memory_space<vmem_shared>>) target_semaphore(%run_scoped3A : memref<!tpu.dma_semaphore, #tpu.memory_space<semaphore_mem>>)
        %dma_wait3A = arith.constant 1000 : i32
        %dma_wait3A_64 = arith.constant 0 : i32
        %dma_wait3A_65 = tpu.memref_slice %arg20[%dma_wait3A, %dma_wait3A_64] : memref<10000x32xf32, #tpu.memory_space<vmem_shared>> -> memref<1000x32xf32, #tpu.memory_space<vmem_shared>>
        %dma_wait3A_66 = arith.constant 1000 : i32
        %dma_wait3A_67 = arith.constant 0 : i32
        %dma_wait3A_68 = tpu.memref_slice %arg20[%dma_wait3A_66, %dma_wait3A_67] : memref<10000x32xf32, #tpu.memory_space<vmem_shared>> -> memref<1000x32xf32, #tpu.memory_space<vmem_shared>>
        tpu.wait_dma2 semaphore(%run_scoped3A : memref<!tpu.dma_semaphore, #tpu.memory_space<semaphore_mem>>) src(%arg26 : memref<1000x32xf32, #tpu.memory_space<vmem>>) dst(%dma_wait3A_68 : memref<1000x32xf32, #tpu.memory_space<vmem_shared>>)
        tpu.yield
      }) : () -> ()
      "tpu.region"() ({
        %run_scoped3A = tpu.sem_alloc : memref<!tpu.dma_semaphore, #tpu.memory_space<semaphore_mem>>
        %dma_start3A = arith.constant 2000 : i32
        %dma_start3A_59 = arith.constant 0 : i32
        %dma_start3A_60 = tpu.memref_slice %arg20[%dma_start3A, %dma_start3A_59] : memref<10000x32xf32, #tpu.memory_space<vmem_shared>> -> memref<1000x32xf32, #tpu.memory_space<vmem_shared>>
        %dma_start3A_61 = arith.constant 2000 : i32
        %dma_start3A_62 = arith.constant 0 : i32
        %dma_start3A_63 = tpu.memref_slice %arg20[%dma_start3A_61, %dma_start3A_62] : memref<10000x32xf32, #tpu.memory_space<vmem_shared>> -> memref<1000x32xf32, #tpu.memory_space<vmem_shared>>
        tpu.enqueue_dma source(%arg26 : memref<1000x32xf32, #tpu.memory_space<vmem>>) target(%dma_start3A_63 : memref<1000x32xf32, #tpu.memory_space<vmem_shared>>) target_semaphore(%run_scoped3A : memref<!tpu.dma_semaphore, #tpu.memory_space<semaphore_mem>>)
        %dma_wait3A = arith.constant 2000 : i32
        %dma_wait3A_64 = arith.constant 0 : i32
        %dma_wait3A_65 = tpu.memref_slice %arg20[%dma_wait3A, %dma_wait3A_64] : memref<10000x32xf32, #tpu.memory_space<vmem_shared>> -> memref<1000x32xf32, #tpu.memory_space<vmem_shared>>
        %dma_wait3A_66 = arith.constant 2000 : i32
        %dma_wait3A_67 = arith.constant 0 : i32
        %dma_wait3A_68 = tpu.memref_slice %arg20[%dma_wait3A_66, %dma_wait3A_67] : memref<10000x32xf32, #tpu.memory_space<vmem_shared>> -> memref<1000x32xf32, #tpu.memory_space<vmem_shared>>
        tpu.wait_dma2 semaphore(%run_scoped3A : memref<!tpu.dma_semaphore, #tpu.memory_space<semaphore_mem>>) src(%arg26 : memref<1000x32xf32, #tpu.memory_space<vmem>>) dst(%dma_wait3A_68 : memref<1000x32xf32, #tpu.memory_space<vmem_shared>>)
        tpu.yield
      }) : () -> ()
      "tpu.region"() ({
        %run_scoped3A = tpu.sem_alloc : memref<!tpu.dma_semaphore, #tpu.memory_space<semaphore_mem>>
        %dma_start3A = arith.constant 3000 : i32
        %dma_start3A_59 = arith.constant 0 : i32
        %dma_start3A_60 = tpu.memref_slice %arg20[%dma_start3A, %dma_start3A_59] : memref<10000x32xf32, #tpu.memory_space<vmem_shared>> -> memref<1000x32xf32, #tpu.memory_space<vmem_shared>>
        %dma_start3A_61 = arith.constant 3000 : i32
        %dma_start3A_62 = arith.constant 0 : i32
        %dma_start3A_63 = tpu.memref_slice %arg20[%dma_start3A_61, %dma_start3A_62] : memref<10000x32xf32, #tpu.memory_space<vmem_shared>> -> memref<1000x32xf32, #tpu.memory_space<vmem_shared>>
        tpu.enqueue_dma source(%arg26 : memref<1000x32xf32, #tpu.memory_space<vmem>>) target(%dma_start3A_63 : memref<1000x32xf32, #tpu.memory_space<vmem_shared>>) target_semaphore(%run_scoped3A : memref<!tpu.dma_semaphore, #tpu.memory_space<semaphore_mem>>)
        %dma_wait3A = arith.constant 3000 : i32
        %dma_wait3A_64 = arith.constant 0 : i32
        %dma_wait3A_65 = tpu.memref_slice %arg20[%dma_wait3A, %dma_wait3A_64] : memref<10000x32xf32, #tpu.memory_space<vmem_shared>> -> memref<1000x32xf32, #tpu.memory_space<vmem_shared>>
        %dma_wait3A_66 = arith.constant 3000 : i32
        %dma_wait3A_67 = arith.constant 0 : i32
        %dma_wait3A_68 = tpu.memref_slice %arg20[%dma_wait3A_66, %dma_wait3A_67] : memref<10000x32xf32, #tpu.memory_space<vmem_shared>> -> memref<1000x32xf32, #tpu.memory_space<vmem_shared>>
        tpu.wait_dma2 semaphore(%run_scoped3A : memref<!tpu.dma_semaphore, #tpu.memory_space<semaphore_mem>>) src(%arg26 : memref<1000x32xf32, #tpu.memory_space<vmem>>) dst(%dma_wait3A_68 : memref<1000x32xf32, #tpu.memory_space<vmem_shared>>)
        tpu.yield
      }) : () -> ()
      "tpu.region"() ({
        %run_scoped3A = tpu.sem_alloc : memref<!tpu.dma_semaphore, #tpu.memory_space<semaphore_mem>>
        %dma_start3A = arith.constant 4000 : i32
        %dma_start3A_59 = arith.constant 0 : i32
        %dma_start3A_60 = tpu.memref_slice %arg20[%dma_start3A, %dma_start3A_59] : memref<10000x32xf32, #tpu.memory_space<vmem_shared>> -> memref<1000x32xf32, #tpu.memory_space<vmem_shared>>
        %dma_start3A_61 = arith.constant 4000 : i32
        %dma_start3A_62 = arith.constant 0 : i32
        %dma_start3A_63 = tpu.memref_slice %arg20[%dma_start3A_61, %dma_start3A_62] : memref<10000x32xf32, #tpu.memory_space<vmem_shared>> -> memref<1000x32xf32, #tpu.memory_space<vmem_shared>>
        tpu.enqueue_dma source(%arg26 : memref<1000x32xf32, #tpu.memory_space<vmem>>) target(%dma_start3A_63 : memref<1000x32xf32, #tpu.memory_space<vmem_shared>>) target_semaphore(%run_scoped3A : memref<!tpu.dma_semaphore, #tpu.memory_space<semaphore_mem>>)
        %dma_wait3A = arith.constant 4000 : i32
        %dma_wait3A_64 = arith.constant 0 : i32
        %dma_wait3A_65 = tpu.memref_slice %arg20[%dma_wait3A, %dma_wait3A_64] : memref<10000x32xf32, #tpu.memory_space<vmem_shared>> -> memref<1000x32xf32, #tpu.memory_space<vmem_shared>>
        %dma_wait3A_66 = arith.constant 4000 : i32
        %dma_wait3A_67 = arith.constant 0 : i32
        %dma_wait3A_68 = tpu.memref_slice %arg20[%dma_wait3A_66, %dma_wait3A_67] : memref<10000x32xf32, #tpu.memory_space<vmem_shared>> -> memref<1000x32xf32, #tpu.memory_space<vmem_shared>>
        tpu.wait_dma2 semaphore(%run_scoped3A : memref<!tpu.dma_semaphore, #tpu.memory_space<semaphore_mem>>) src(%arg26 : memref<1000x32xf32, #tpu.memory_space<vmem>>) dst(%dma_wait3A_68 : memref<1000x32xf32, #tpu.memory_space<vmem_shared>>)
        tpu.yield
      }) : () -> ()
      "tpu.region"() ({
        %run_scoped3A = tpu.sem_alloc : memref<!tpu.dma_semaphore, #tpu.memory_space<semaphore_mem>>
        %dma_start3A = arith.constant 5000 : i32
        %dma_start3A_59 = arith.constant 0 : i32
        %dma_start3A_60 = tpu.memref_slice %arg20[%dma_start3A, %dma_start3A_59] : memref<10000x32xf32, #tpu.memory_space<vmem_shared>> -> memref<1000x32xf32, #tpu.memory_space<vmem_shared>>
        %dma_start3A_61 = arith.constant 5000 : i32
        %dma_start3A_62 = arith.constant 0 : i32
        %dma_start3A_63 = tpu.memref_slice %arg20[%dma_start3A_61, %dma_start3A_62] : memref<10000x32xf32, #tpu.memory_space<vmem_shared>> -> memref<1000x32xf32, #tpu.memory_space<vmem_shared>>
        tpu.enqueue_dma source(%arg26 : memref<1000x32xf32, #tpu.memory_space<vmem>>) target(%dma_start3A_63 : memref<1000x32xf32, #tpu.memory_space<vmem_shared>>) target_semaphore(%run_scoped3A : memref<!tpu.dma_semaphore, #tpu.memory_space<semaphore_mem>>)
        %dma_wait3A = arith.constant 5000 : i32
        %dma_wait3A_64 = arith.constant 0 : i32
        %dma_wait3A_65 = tpu.memref_slice %arg20[%dma_wait3A, %dma_wait3A_64] : memref<10000x32xf32, #tpu.memory_space<vmem_shared>> -> memref<1000x32xf32, #tpu.memory_space<vmem_shared>>
        %dma_wait3A_66 = arith.constant 5000 : i32
        %dma_wait3A_67 = arith.constant 0 : i32
        %dma_wait3A_68 = tpu.memref_slice %arg20[%dma_wait3A_66, %dma_wait3A_67] : memref<10000x32xf32, #tpu.memory_space<vmem_shared>> -> memref<1000x32xf32, #tpu.memory_space<vmem_shared>>
        tpu.wait_dma2 semaphore(%run_scoped3A : memref<!tpu.dma_semaphore, #tpu.memory_space<semaphore_mem>>) src(%arg26 : memref<1000x32xf32, #tpu.memory_space<vmem>>) dst(%dma_wait3A_68 : memref<1000x32xf32, #tpu.memory_space<vmem_shared>>)
        tpu.yield
      }) : () -> ()
      "tpu.region"() ({
        %run_scoped3A = tpu.sem_alloc : memref<!tpu.dma_semaphore, #tpu.memory_space<semaphore_mem>>
        %dma_start3A = arith.constant 6000 : i32
        %dma_start3A_59 = arith.constant 0 : i32
        %dma_start3A_60 = tpu.memref_slice %arg20[%dma_start3A, %dma_start3A_59] : memref<10000x32xf32, #tpu.memory_space<vmem_shared>> -> memref<1000x32xf32, #tpu.memory_space<vmem_shared>>
        %dma_start3A_61 = arith.constant 6000 : i32
        %dma_start3A_62 = arith.constant 0 : i32
        %dma_start3A_63 = tpu.memref_slice %arg20[%dma_start3A_61, %dma_start3A_62] : memref<10000x32xf32, #tpu.memory_space<vmem_shared>> -> memref<1000x32xf32, #tpu.memory_space<vmem_shared>>
        tpu.enqueue_dma source(%arg26 : memref<1000x32xf32, #tpu.memory_space<vmem>>) target(%dma_start3A_63 : memref<1000x32xf32, #tpu.memory_space<vmem_shared>>) target_semaphore(%run_scoped3A : memref<!tpu.dma_semaphore, #tpu.memory_space<semaphore_mem>>)
        %dma_wait3A = arith.constant 6000 : i32
        %dma_wait3A_64 = arith.constant 0 : i32
        %dma_wait3A_65 = tpu.memref_slice %arg20[%dma_wait3A, %dma_wait3A_64] : memref<10000x32xf32, #tpu.memory_space<vmem_shared>> -> memref<1000x32xf32, #tpu.memory_space<vmem_shared>>
        %dma_wait3A_66 = arith.constant 6000 : i32
        %dma_wait3A_67 = arith.constant 0 : i32
        %dma_wait3A_68 = tpu.memref_slice %arg20[%dma_wait3A_66, %dma_wait3A_67] : memref<10000x32xf32, #tpu.memory_space<vmem_shared>> -> memref<1000x32xf32, #tpu.memory_space<vmem_shared>>
        tpu.wait_dma2 semaphore(%run_scoped3A : memref<!tpu.dma_semaphore, #tpu.memory_space<semaphore_mem>>) src(%arg26 : memref<1000x32xf32, #tpu.memory_space<vmem>>) dst(%dma_wait3A_68 : memref<1000x32xf32, #tpu.memory_space<vmem_shared>>)
        tpu.yield
      }) : () -> ()
      "tpu.region"() ({
        %run_scoped3A = tpu.sem_alloc : memref<!tpu.dma_semaphore, #tpu.memory_space<semaphore_mem>>
        %dma_start3A = arith.constant 7000 : i32
        %dma_start3A_59 = arith.constant 0 : i32
        %dma_start3A_60 = tpu.memref_slice %arg20[%dma_start3A, %dma_start3A_59] : memref<10000x32xf32, #tpu.memory_space<vmem_shared>> -> memref<1000x32xf32, #tpu.memory_space<vmem_shared>>
        %dma_start3A_61 = arith.constant 7000 : i32
        %dma_start3A_62 = arith.constant 0 : i32
        %dma_start3A_63 = tpu.memref_slice %arg20[%dma_start3A_61, %dma_start3A_62] : memref<10000x32xf32, #tpu.memory_space<vmem_shared>> -> memref<1000x32xf32, #tpu.memory_space<vmem_shared>>
        tpu.enqueue_dma source(%arg26 : memref<1000x32xf32, #tpu.memory_space<vmem>>) target(%dma_start3A_63 : memref<1000x32xf32, #tpu.memory_space<vmem_shared>>) target_semaphore(%run_scoped3A : memref<!tpu.dma_semaphore, #tpu.memory_space<semaphore_mem>>)
        %dma_wait3A = arith.constant 7000 : i32
        %dma_wait3A_64 = arith.constant 0 : i32
        %dma_wait3A_65 = tpu.memref_slice %arg20[%dma_wait3A, %dma_wait3A_64] : memref<10000x32xf32, #tpu.memory_space<vmem_shared>> -> memref<1000x32xf32, #tpu.memory_space<vmem_shared>>
        %dma_wait3A_66 = arith.constant 7000 : i32
        %dma_wait3A_67 = arith.constant 0 : i32
        %dma_wait3A_68 = tpu.memref_slice %arg20[%dma_wait3A_66, %dma_wait3A_67] : memref<10000x32xf32, #tpu.memory_space<vmem_shared>> -> memref<1000x32xf32, #tpu.memory_space<vmem_shared>>
        tpu.wait_dma2 semaphore(%run_scoped3A : memref<!tpu.dma_semaphore, #tpu.memory_space<semaphore_mem>>) src(%arg26 : memref<1000x32xf32, #tpu.memory_space<vmem>>) dst(%dma_wait3A_68 : memref<1000x32xf32, #tpu.memory_space<vmem_shared>>)
        tpu.yield
      }) : () -> ()
      "tpu.region"() ({
        %run_scoped3A = tpu.sem_alloc : memref<!tpu.dma_semaphore, #tpu.memory_space<semaphore_mem>>
        %dma_start3A = arith.constant 8000 : i32
        %dma_start3A_59 = arith.constant 0 : i32
        %dma_start3A_60 = tpu.memref_slice %arg20[%dma_start3A, %dma_start3A_59] : memref<10000x32xf32, #tpu.memory_space<vmem_shared>> -> memref<1000x32xf32, #tpu.memory_space<vmem_shared>>
        %dma_start3A_61 = arith.constant 8000 : i32
        %dma_start3A_62 = arith.constant 0 : i32
        %dma_start3A_63 = tpu.memref_slice %arg20[%dma_start3A_61, %dma_start3A_62] : memref<10000x32xf32, #tpu.memory_space<vmem_shared>> -> memref<1000x32xf32, #tpu.memory_space<vmem_shared>>
        tpu.enqueue_dma source(%arg26 : memref<1000x32xf32, #tpu.memory_space<vmem>>) target(%dma_start3A_63 : memref<1000x32xf32, #tpu.memory_space<vmem_shared>>) target_semaphore(%run_scoped3A : memref<!tpu.dma_semaphore, #tpu.memory_space<semaphore_mem>>)
        %dma_wait3A = arith.constant 8000 : i32
        %dma_wait3A_64 = arith.constant 0 : i32
        %dma_wait3A_65 = tpu.memref_slice %arg20[%dma_wait3A, %dma_wait3A_64] : memref<10000x32xf32, #tpu.memory_space<vmem_shared>> -> memref<1000x32xf32, #tpu.memory_space<vmem_shared>>
        %dma_wait3A_66 = arith.constant 8000 : i32
        %dma_wait3A_67 = arith.constant 0 : i32
        %dma_wait3A_68 = tpu.memref_slice %arg20[%dma_wait3A_66, %dma_wait3A_67] : memref<10000x32xf32, #tpu.memory_space<vmem_shared>> -> memref<1000x32xf32, #tpu.memory_space<vmem_shared>>
        tpu.wait_dma2 semaphore(%run_scoped3A : memref<!tpu.dma_semaphore, #tpu.memory_space<semaphore_mem>>) src(%arg26 : memref<1000x32xf32, #tpu.memory_space<vmem>>) dst(%dma_wait3A_68 : memref<1000x32xf32, #tpu.memory_space<vmem_shared>>)
        tpu.yield
      }) : () -> ()
      "tpu.region"() ({
        %run_scoped3A = tpu.sem_alloc : memref<!tpu.dma_semaphore, #tpu.memory_space<semaphore_mem>>
        %dma_start3A = arith.constant 9000 : i32
        %dma_start3A_59 = arith.constant 0 : i32
        %dma_start3A_60 = tpu.memref_slice %arg20[%dma_start3A, %dma_start3A_59] : memref<10000x32xf32, #tpu.memory_space<vmem_shared>> -> memref<1000x32xf32, #tpu.memory_space<vmem_shared>>
        %dma_start3A_61 = arith.constant 9000 : i32
        %dma_start3A_62 = arith.constant 0 : i32
        %dma_start3A_63 = tpu.memref_slice %arg20[%dma_start3A_61, %dma_start3A_62] : memref<10000x32xf32, #tpu.memory_space<vmem_shared>> -> memref<1000x32xf32, #tpu.memory_space<vmem_shared>>
        tpu.enqueue_dma source(%arg26 : memref<1000x32xf32, #tpu.memory_space<vmem>>) target(%dma_start3A_63 : memref<1000x32xf32, #tpu.memory_space<vmem_shared>>) target_semaphore(%run_scoped3A : memref<!tpu.dma_semaphore, #tpu.memory_space<semaphore_mem>>)
        %dma_wait3A = arith.constant 9000 : i32
        %dma_wait3A_64 = arith.constant 0 : i32
        %dma_wait3A_65 = tpu.memref_slice %arg20[%dma_wait3A, %dma_wait3A_64] : memref<10000x32xf32, #tpu.memory_space<vmem_shared>> -> memref<1000x32xf32, #tpu.memory_space<vmem_shared>>
        %dma_wait3A_66 = arith.constant 9000 : i32
        %dma_wait3A_67 = arith.constant 0 : i32
        %dma_wait3A_68 = tpu.memref_slice %arg20[%dma_wait3A_66, %dma_wait3A_67] : memref<10000x32xf32, #tpu.memory_space<vmem_shared>> -> memref<1000x32xf32, #tpu.memory_space<vmem_shared>>
        tpu.wait_dma2 semaphore(%run_scoped3A : memref<!tpu.dma_semaphore, #tpu.memory_space<semaphore_mem>>) src(%arg26 : memref<1000x32xf32, #tpu.memory_space<vmem>>) dst(%dma_wait3A_68 : memref<1000x32xf32, #tpu.memory_space<vmem_shared>>)
        tpu.yield
      }) : () -> ()
    } else {
    }
    %eq3A_18 = arith.constant 2 : i32
    %eq3A_19 = arith.cmpi eq, %arg1, %eq3A_18 : i32
    %convert_element_type3A_20 = arith.extui %eq3A_19 : i1 to i32
    %cond3A_21 = arith.constant 0 : i32
    %cond3A_22 = arith.cmpi ne, %convert_element_type3A_20, %cond3A_21 : i32
    scf.if %cond3A_22 {
      %mul3A = arith.constant 2 : i32
      %mul3A_59 = arith.muli %arg0, %mul3A : i32
      %add3A = arith.constant 0 : i32
      %add3A_60 = arith.addi %mul3A_59, %add3A : i32
      %mul3A_61 = arith.constant 10000 : i32
      %mul3A_62 = arith.muli %add3A_60, %mul3A_61 : i32
      "tpu.region"() ({
        %run_scoped3A = tpu.sem_alloc : memref<!tpu.dma_semaphore, #tpu.memory_space<semaphore_mem>>
        %dma_start3A = tpu.memref_slice %arg21[%mul3A_62] : memref<40000xf32, #tpu.memory_space<vmem_shared>> -> memref<10000xf32, #tpu.memory_space<vmem_shared>>
        %dma_start3A_63 = tpu.memref_slice %arg21[%mul3A_62] : memref<40000xf32, #tpu.memory_space<vmem_shared>> -> memref<10000xf32, #tpu.memory_space<vmem_shared>>
        tpu.enqueue_dma source(%arg30 : memref<10000xf32, #tpu.memory_space<vmem>>) target(%dma_start3A_63 : memref<10000xf32, #tpu.memory_space<vmem_shared>>) target_semaphore(%run_scoped3A : memref<!tpu.dma_semaphore, #tpu.memory_space<semaphore_mem>>)
        %dma_wait3A = tpu.memref_slice %arg21[%mul3A_62] : memref<40000xf32, #tpu.memory_space<vmem_shared>> -> memref<10000xf32, #tpu.memory_space<vmem_shared>>
        %dma_wait3A_64 = tpu.memref_slice %arg21[%mul3A_62] : memref<40000xf32, #tpu.memory_space<vmem_shared>> -> memref<10000xf32, #tpu.memory_space<vmem_shared>>
        tpu.wait_dma2 semaphore(%run_scoped3A : memref<!tpu.dma_semaphore, #tpu.memory_space<semaphore_mem>>) src(%arg30 : memref<10000xf32, #tpu.memory_space<vmem>>) dst(%dma_wait3A_64 : memref<10000xf32, #tpu.memory_space<vmem_shared>>)
        tpu.yield
      }) : () -> ()
    } else {
    }
    %eq3A_23 = arith.constant 3 : i32
    %eq3A_24 = arith.cmpi eq, %arg1, %eq3A_23 : i32
    %convert_element_type3A_25 = arith.extui %eq3A_24 : i1 to i32
    %cond3A_26 = arith.constant 0 : i32
    %cond3A_27 = arith.cmpi ne, %convert_element_type3A_25, %cond3A_26 : i32
    scf.if %cond3A_27 {
      %mul3A = arith.constant 2 : i32
      %mul3A_59 = arith.muli %arg0, %mul3A : i32
      %add3A = arith.constant 1 : i32
      %add3A_60 = arith.addi %mul3A_59, %add3A : i32
      %mul3A_61 = arith.constant 10000 : i32
      %mul3A_62 = arith.muli %add3A_60, %mul3A_61 : i32
      "tpu.region"() ({
        %run_scoped3A = tpu.sem_alloc : memref<!tpu.dma_semaphore, #tpu.memory_space<semaphore_mem>>
        %dma_start3A = tpu.memref_slice %arg21[%mul3A_62] : memref<40000xf32, #tpu.memory_space<vmem_shared>> -> memref<10000xf32, #tpu.memory_space<vmem_shared>>
        %dma_start3A_63 = tpu.memref_slice %arg21[%mul3A_62] : memref<40000xf32, #tpu.memory_space<vmem_shared>> -> memref<10000xf32, #tpu.memory_space<vmem_shared>>
        tpu.enqueue_dma source(%arg30 : memref<10000xf32, #tpu.memory_space<vmem>>) target(%dma_start3A_63 : memref<10000xf32, #tpu.memory_space<vmem_shared>>) target_semaphore(%run_scoped3A : memref<!tpu.dma_semaphore, #tpu.memory_space<semaphore_mem>>)
        %dma_wait3A = tpu.memref_slice %arg21[%mul3A_62] : memref<40000xf32, #tpu.memory_space<vmem_shared>> -> memref<10000xf32, #tpu.memory_space<vmem_shared>>
        %dma_wait3A_64 = tpu.memref_slice %arg21[%mul3A_62] : memref<40000xf32, #tpu.memory_space<vmem_shared>> -> memref<10000xf32, #tpu.memory_space<vmem_shared>>
        tpu.wait_dma2 semaphore(%run_scoped3A : memref<!tpu.dma_semaphore, #tpu.memory_space<semaphore_mem>>) src(%arg30 : memref<10000xf32, #tpu.memory_space<vmem>>) dst(%dma_wait3A_64 : memref<10000xf32, #tpu.memory_space<vmem_shared>>)
        tpu.yield
      }) : () -> ()
    } else {
    }
    %barrier3A = arith.constant 0 : index
    tpu.barrier barrier_id(%barrier3A)
    %eq3A_28 = arith.constant 0 : i32
    %eq3A_29 = arith.cmpi eq, %arg0, %eq3A_28 : i32
    %convert_element_type3A_30 = arith.extui %eq3A_29 : i1 to i32
    %cond3A_31 = arith.constant 0 : i32
    %cond3A_32 = arith.cmpi ne, %convert_element_type3A_30, %cond3A_31 : i32
    scf.if %cond3A_32 {
      %mul3A = arith.constant 5000 : i32
      %mul3A_59 = arith.muli %arg1, %mul3A : i32
      %add3A = arith.constant 0 : i32
      %add3A_60 = arith.addi %mul3A_59, %add3A : i32
      "tpu.region"() ({
        %run_scoped3A = tpu.sem_alloc : memref<!tpu.dma_semaphore, #tpu.memory_space<semaphore_mem>>
        %dma_start3A_295 = tpu.memref_slice %arg2[%add3A_60] : memref<80000xi32, #tpu.memory_space<hbm>> -> memref<1000xi32, #tpu.memory_space<hbm>>
        %dma_start3A_296 = tpu.memref_slice %arg2[%add3A_60] : memref<80000xi32, #tpu.memory_space<hbm>> -> memref<1000xi32, #tpu.memory_space<hbm>>
        tpu.enqueue_dma source(%dma_start3A_296 : memref<1000xi32, #tpu.memory_space<hbm>>) target(%arg22 : memref<1000xi32, #tpu.memory_space<vmem>>) target_semaphore(%run_scoped3A : memref<!tpu.dma_semaphore, #tpu.memory_space<semaphore_mem>>)
        %dma_wait3A_297 = tpu.memref_slice %arg2[%add3A_60] : memref<80000xi32, #tpu.memory_space<hbm>> -> memref<1000xi32, #tpu.memory_space<hbm>>
        %dma_wait3A_298 = tpu.memref_slice %arg2[%add3A_60] : memref<80000xi32, #tpu.memory_space<hbm>> -> memref<1000xi32, #tpu.memory_space<hbm>>
        tpu.wait_dma2 semaphore(%run_scoped3A : memref<!tpu.dma_semaphore, #tpu.memory_space<semaphore_mem>>) src(%dma_wait3A_298 : memref<1000xi32, #tpu.memory_space<hbm>>) dst(%arg22 : memref<1000xi32, #tpu.memory_space<vmem>>)
        tpu.yield
      }) : () -> ()
      "tpu.region"() ({
        %run_scoped3A = tpu.sem_alloc : memref<!tpu.dma_semaphore, #tpu.memory_space<semaphore_mem>>
        %dma_start3A_295 = tpu.memref_slice %arg3[%add3A_60] : memref<80000xi32, #tpu.memory_space<hbm>> -> memref<1000xi32, #tpu.memory_space<hbm>>
        %dma_start3A_296 = tpu.memref_slice %arg3[%add3A_60] : memref<80000xi32, #tpu.memory_space<hbm>> -> memref<1000xi32, #tpu.memory_space<hbm>>
        tpu.enqueue_dma source(%dma_start3A_296 : memref<1000xi32, #tpu.memory_space<hbm>>) target(%arg24 : memref<1000xi32, #tpu.memory_space<vmem>>) target_semaphore(%run_scoped3A : memref<!tpu.dma_semaphore, #tpu.memory_space<semaphore_mem>>)
        %dma_wait3A_297 = tpu.memref_slice %arg3[%add3A_60] : memref<80000xi32, #tpu.memory_space<hbm>> -> memref<1000xi32, #tpu.memory_space<hbm>>
        %dma_wait3A_298 = tpu.memref_slice %arg3[%add3A_60] : memref<80000xi32, #tpu.memory_space<hbm>> -> memref<1000xi32, #tpu.memory_space<hbm>>
        tpu.wait_dma2 semaphore(%run_scoped3A : memref<!tpu.dma_semaphore, #tpu.memory_space<semaphore_mem>>) src(%dma_wait3A_298 : memref<1000xi32, #tpu.memory_space<hbm>>) dst(%arg24 : memref<1000xi32, #tpu.memory_space<vmem>>)
        tpu.yield
      }) : () -> ()
      %dma_start3A = arith.constant 0 : i32
      %dma_start3A_61 = arith.constant 0 : i32
      %dma_start3A_62 = tpu.memref_slice %arg10[%dma_start3A, %dma_start3A_61] : memref<40000x32xf32, #tpu.memory_space<hbm>> -> memref<40000x32xf32, #tpu.memory_space<hbm>>
      tpu.enqueue_indirect_dma source(%dma_start3A_62 : memref<40000x32xf32, #tpu.memory_space<hbm>>) target(%arg26 : memref<1000x32xf32, #tpu.memory_space<vmem>>) offsets(%arg22 : memref<1000xi32, #tpu.memory_space<vmem>>) semaphore(%arg31 : memref<!tpu.dma_semaphore, #tpu.memory_space<semaphore_mem>>)
      %dma_start3A_63 = arith.constant 0 : i32
      %dma_start3A_64 = tpu.memref_slice %arg11[%dma_start3A_63] : memref<10000xf32, #tpu.memory_space<hbm>> -> memref<10000xf32, #tpu.memory_space<hbm>>
      tpu.enqueue_indirect_dma source(%dma_start3A_64 : memref<10000xf32, #tpu.memory_space<hbm>>) target(%arg28 : memref<1000xf32, #tpu.memory_space<vmem>>) offsets(%arg24 : memref<1000xi32, #tpu.memory_space<vmem>>) semaphore(%arg32 : memref<!tpu.dma_semaphore, #tpu.memory_space<semaphore_mem>>)
      %dma_wait3A = arith.constant 0 : i32
      %dma_wait3A_65 = arith.constant 0 : i32
      %dma_wait3A_66 = tpu.memref_slice %arg10[%dma_wait3A, %dma_wait3A_65] : memref<40000x32xf32, #tpu.memory_space<hbm>> -> memref<40000x32xf32, #tpu.memory_space<hbm>>
      tpu.wait_indirect_dma semaphore(%arg31 : memref<!tpu.dma_semaphore, #tpu.memory_space<semaphore_mem>>) src(%dma_wait3A_66 : memref<40000x32xf32, #tpu.memory_space<hbm>>) dst(%arg26 : memref<1000x32xf32, #tpu.memory_space<vmem>>)
      %dma_wait3A_67 = arith.constant 0 : i32
      %dma_wait3A_68 = tpu.memref_slice %arg11[%dma_wait3A_67] : memref<10000xf32, #tpu.memory_space<hbm>> -> memref<10000xf32, #tpu.memory_space<hbm>>
      tpu.wait_indirect_dma semaphore(%arg32 : memref<!tpu.dma_semaphore, #tpu.memory_space<semaphore_mem>>) src(%dma_wait3A_68 : memref<10000xf32, #tpu.memory_space<hbm>>) dst(%arg28 : memref<1000xf32, #tpu.memory_space<vmem>>)
      %dma_start3A_69 = arith.constant 0 : i32
      %dma_start3A_70 = arith.constant 0 : i32
      %dma_start3A_71 = tpu.memref_slice %arg19[%dma_start3A_69, %dma_start3A_70] : memref<10000x32xf32, #tpu.memory_space<vmem_shared>> -> memref<10000x32xf32, #tpu.memory_space<vmem_shared>>
      tpu.enqueue_indirect_dma source(%arg26 : memref<1000x32xf32, #tpu.memory_space<vmem>>) target(%dma_start3A_71 : memref<10000x32xf32, #tpu.memory_space<vmem_shared>>) offsets(%arg24 : memref<1000xi32, #tpu.memory_space<vmem>>) semaphore(%arg33 : memref<!tpu.dma_semaphore, #tpu.memory_space<semaphore_mem>>) {add = true}
      %dma_start3A_72 = arith.constant 0 : i32
      %dma_start3A_73 = tpu.memref_slice %arg21[%dma_start3A_72] : memref<40000xf32, #tpu.memory_space<vmem_shared>> -> memref<40000xf32, #tpu.memory_space<vmem_shared>>
      tpu.enqueue_indirect_dma source(%arg28 : memref<1000xf32, #tpu.memory_space<vmem>>) target(%dma_start3A_73 : memref<40000xf32, #tpu.memory_space<vmem_shared>>) offsets(%arg22 : memref<1000xi32, #tpu.memory_space<vmem>>) semaphore(%arg35 : memref<!tpu.dma_semaphore, #tpu.memory_space<semaphore_mem>>) {add = true}
      %mul3A_74 = arith.constant 5000 : i32
      %mul3A_75 = arith.muli %arg1, %mul3A_74 : i32
      %add3A_76 = arith.constant 1000 : i32
      %add3A_77 = arith.addi %mul3A_75, %add3A_76 : i32
      "tpu.region"() ({
        %run_scoped3A = tpu.sem_alloc : memref<!tpu.dma_semaphore, #tpu.memory_space<semaphore_mem>>
        %dma_start3A_295 = tpu.memref_slice %arg2[%add3A_77] : memref<80000xi32, #tpu.memory_space<hbm>> -> memref<1000xi32, #tpu.memory_space<hbm>>
        %dma_start3A_296 = tpu.memref_slice %arg2[%add3A_77] : memref<80000xi32, #tpu.memory_space<hbm>> -> memref<1000xi32, #tpu.memory_space<hbm>>
        tpu.enqueue_dma source(%dma_start3A_296 : memref<1000xi32, #tpu.memory_space<hbm>>) target(%arg23 : memref<1000xi32, #tpu.memory_space<vmem>>) target_semaphore(%run_scoped3A : memref<!tpu.dma_semaphore, #tpu.memory_space<semaphore_mem>>)
        %dma_wait3A_297 = tpu.memref_slice %arg2[%add3A_77] : memref<80000xi32, #tpu.memory_space<hbm>> -> memref<1000xi32, #tpu.memory_space<hbm>>
        %dma_wait3A_298 = tpu.memref_slice %arg2[%add3A_77] : memref<80000xi32, #tpu.memory_space<hbm>> -> memref<1000xi32, #tpu.memory_space<hbm>>
        tpu.wait_dma2 semaphore(%run_scoped3A : memref<!tpu.dma_semaphore, #tpu.memory_space<semaphore_mem>>) src(%dma_wait3A_298 : memref<1000xi32, #tpu.memory_space<hbm>>) dst(%arg23 : memref<1000xi32, #tpu.memory_space<vmem>>)
        tpu.yield
      }) : () -> ()
      "tpu.region"() ({
        %run_scoped3A = tpu.sem_alloc : memref<!tpu.dma_semaphore, #tpu.memory_space<semaphore_mem>>
        %dma_start3A_295 = tpu.memref_slice %arg3[%add3A_77] : memref<80000xi32, #tpu.memory_space<hbm>> -> memref<1000xi32, #tpu.memory_space<hbm>>
        %dma_start3A_296 = tpu.memref_slice %arg3[%add3A_77] : memref<80000xi32, #tpu.memory_space<hbm>> -> memref<1000xi32, #tpu.memory_space<hbm>>
        tpu.enqueue_dma source(%dma_start3A_296 : memref<1000xi32, #tpu.memory_space<hbm>>) target(%arg25 : memref<1000xi32, #tpu.memory_space<vmem>>) target_semaphore(%run_scoped3A : memref<!tpu.dma_semaphore, #tpu.memory_space<semaphore_mem>>)
        %dma_wait3A_297 = tpu.memref_slice %arg3[%add3A_77] : memref<80000xi32, #tpu.memory_space<hbm>> -> memref<1000xi32, #tpu.memory_space<hbm>>
        %dma_wait3A_298 = tpu.memref_slice %arg3[%add3A_77] : memref<80000xi32, #tpu.memory_space<hbm>> -> memref<1000xi32, #tpu.memory_space<hbm>>
        tpu.wait_dma2 semaphore(%run_scoped3A : memref<!tpu.dma_semaphore, #tpu.memory_space<semaphore_mem>>) src(%dma_wait3A_298 : memref<1000xi32, #tpu.memory_space<hbm>>) dst(%arg25 : memref<1000xi32, #tpu.memory_space<vmem>>)
        tpu.yield
      }) : () -> ()
      %dma_start3A_78 = arith.constant 0 : i32
      %dma_start3A_79 = arith.constant 0 : i32
      %dma_start3A_80 = tpu.memref_slice %arg10[%dma_start3A_78, %dma_start3A_79] : memref<40000x32xf32, #tpu.memory_space<hbm>> -> memref<40000x32xf32, #tpu.memory_space<hbm>>
      tpu.enqueue_indirect_dma source(%dma_start3A_80 : memref<40000x32xf32, #tpu.memory_space<hbm>>) target(%arg27 : memref<1000x32xf32, #tpu.memory_space<vmem>>) offsets(%arg23 : memref<1000xi32, #tpu.memory_space<vmem>>) semaphore(%arg31 : memref<!tpu.dma_semaphore, #tpu.memory_space<semaphore_mem>>)
      %dma_start3A_81 = arith.constant 0 : i32
      %dma_start3A_82 = tpu.memref_slice %arg11[%dma_start3A_81] : memref<10000xf32, #tpu.memory_space<hbm>> -> memref<10000xf32, #tpu.memory_space<hbm>>
      tpu.enqueue_indirect_dma source(%dma_start3A_82 : memref<10000xf32, #tpu.memory_space<hbm>>) target(%arg29 : memref<1000xf32, #tpu.memory_space<vmem>>) offsets(%arg25 : memref<1000xi32, #tpu.memory_space<vmem>>) semaphore(%arg32 : memref<!tpu.dma_semaphore, #tpu.memory_space<semaphore_mem>>)
      %dma_wait3A_83 = arith.constant 0 : i32
      %dma_wait3A_84 = arith.constant 0 : i32
      %dma_wait3A_85 = tpu.memref_slice %arg10[%dma_wait3A_83, %dma_wait3A_84] : memref<40000x32xf32, #tpu.memory_space<hbm>> -> memref<40000x32xf32, #tpu.memory_space<hbm>>
      tpu.wait_indirect_dma semaphore(%arg31 : memref<!tpu.dma_semaphore, #tpu.memory_space<semaphore_mem>>) src(%dma_wait3A_85 : memref<40000x32xf32, #tpu.memory_space<hbm>>) dst(%arg27 : memref<1000x32xf32, #tpu.memory_space<vmem>>)
      %dma_wait3A_86 = arith.constant 0 : i32
      %dma_wait3A_87 = tpu.memref_slice %arg11[%dma_wait3A_86] : memref<10000xf32, #tpu.memory_space<hbm>> -> memref<10000xf32, #tpu.memory_space<hbm>>
      tpu.wait_indirect_dma semaphore(%arg32 : memref<!tpu.dma_semaphore, #tpu.memory_space<semaphore_mem>>) src(%dma_wait3A_87 : memref<10000xf32, #tpu.memory_space<hbm>>) dst(%arg29 : memref<1000xf32, #tpu.memory_space<vmem>>)
      %dma_start3A_88 = arith.constant 0 : i32
      %dma_start3A_89 = arith.constant 0 : i32
      %dma_start3A_90 = tpu.memref_slice %arg19[%dma_start3A_88, %dma_start3A_89] : memref<10000x32xf32, #tpu.memory_space<vmem_shared>> -> memref<10000x32xf32, #tpu.memory_space<vmem_shared>>
      tpu.enqueue_indirect_dma source(%arg27 : memref<1000x32xf32, #tpu.memory_space<vmem>>) target(%dma_start3A_90 : memref<10000x32xf32, #tpu.memory_space<vmem_shared>>) offsets(%arg25 : memref<1000xi32, #tpu.memory_space<vmem>>) semaphore(%arg34 : memref<!tpu.dma_semaphore, #tpu.memory_space<semaphore_mem>>) {add = true}
      %dma_start3A_91 = arith.constant 0 : i32
      %dma_start3A_92 = tpu.memref_slice %arg21[%dma_start3A_91] : memref<40000xf32, #tpu.memory_space<vmem_shared>> -> memref<40000xf32, #tpu.memory_space<vmem_shared>>
      tpu.enqueue_indirect_dma source(%arg29 : memref<1000xf32, #tpu.memory_space<vmem>>) target(%dma_start3A_92 : memref<40000xf32, #tpu.memory_space<vmem_shared>>) offsets(%arg23 : memref<1000xi32, #tpu.memory_space<vmem>>) semaphore(%arg36 : memref<!tpu.dma_semaphore, #tpu.memory_space<semaphore_mem>>) {add = true}
      %dma_wait3A_93 = arith.constant 0 : i32
      %dma_wait3A_94 = arith.constant 0 : i32
      %dma_wait3A_95 = tpu.memref_slice %arg19[%dma_wait3A_93, %dma_wait3A_94] : memref<10000x32xf32, #tpu.memory_space<vmem_shared>> -> memref<10000x32xf32, #tpu.memory_space<vmem_shared>>
      tpu.wait_indirect_dma semaphore(%arg33 : memref<!tpu.dma_semaphore, #tpu.memory_space<semaphore_mem>>) src(%arg26 : memref<1000x32xf32, #tpu.memory_space<vmem>>) dst(%dma_wait3A_95 : memref<10000x32xf32, #tpu.memory_space<vmem_shared>>)
      %dma_wait3A_96 = arith.constant 0 : i32
      %dma_wait3A_97 = tpu.memref_slice %arg21[%dma_wait3A_96] : memref<40000xf32, #tpu.memory_space<vmem_shared>> -> memref<40000xf32, #tpu.memory_space<vmem_shared>>
      tpu.wait_indirect_dma semaphore(%arg35 : memref<!tpu.dma_semaphore, #tpu.memory_space<semaphore_mem>>) src(%arg28 : memref<1000xf32, #tpu.memory_space<vmem>>) dst(%dma_wait3A_97 : memref<40000xf32, #tpu.memory_space<vmem_shared>>)
      %mul3A_98 = arith.constant 5000 : i32
      %mul3A_99 = arith.muli %arg1, %mul3A_98 : i32
      %add3A_100 = arith.constant 2000 : i32
      %add3A_101 = arith.addi %mul3A_99, %add3A_100 : i32
      "tpu.region"() ({
        %run_scoped3A = tpu.sem_alloc : memref<!tpu.dma_semaphore, #tpu.memory_space<semaphore_mem>>
        %dma_start3A_295 = tpu.memref_slice %arg2[%add3A_101] : memref<80000xi32, #tpu.memory_space<hbm>> -> memref<1000xi32, #tpu.memory_space<hbm>>
        %dma_start3A_296 = tpu.memref_slice %arg2[%add3A_101] : memref<80000xi32, #tpu.memory_space<hbm>> -> memref<1000xi32, #tpu.memory_space<hbm>>
        tpu.enqueue_dma source(%dma_start3A_296 : memref<1000xi32, #tpu.memory_space<hbm>>) target(%arg22 : memref<1000xi32, #tpu.memory_space<vmem>>) target_semaphore(%run_scoped3A : memref<!tpu.dma_semaphore, #tpu.memory_space<semaphore_mem>>)
        %dma_wait3A_297 = tpu.memref_slice %arg2[%add3A_101] : memref<80000xi32, #tpu.memory_space<hbm>> -> memref<1000xi32, #tpu.memory_space<hbm>>
        %dma_wait3A_298 = tpu.memref_slice %arg2[%add3A_101] : memref<80000xi32, #tpu.memory_space<hbm>> -> memref<1000xi32, #tpu.memory_space<hbm>>
        tpu.wait_dma2 semaphore(%run_scoped3A : memref<!tpu.dma_semaphore, #tpu.memory_space<semaphore_mem>>) src(%dma_wait3A_298 : memref<1000xi32, #tpu.memory_space<hbm>>) dst(%arg22 : memref<1000xi32, #tpu.memory_space<vmem>>)
        tpu.yield
      }) : () -> ()
      "tpu.region"() ({
        %run_scoped3A = tpu.sem_alloc : memref<!tpu.dma_semaphore, #tpu.memory_space<semaphore_mem>>
        %dma_start3A_295 = tpu.memref_slice %arg3[%add3A_101] : memref<80000xi32, #tpu.memory_space<hbm>> -> memref<1000xi32, #tpu.memory_space<hbm>>
        %dma_start3A_296 = tpu.memref_slice %arg3[%add3A_101] : memref<80000xi32, #tpu.memory_space<hbm>> -> memref<1000xi32, #tpu.memory_space<hbm>>
        tpu.enqueue_dma source(%dma_start3A_296 : memref<1000xi32, #tpu.memory_space<hbm>>) target(%arg24 : memref<1000xi32, #tpu.memory_space<vmem>>) target_semaphore(%run_scoped3A : memref<!tpu.dma_semaphore, #tpu.memory_space<semaphore_mem>>)
        %dma_wait3A_297 = tpu.memref_slice %arg3[%add3A_101] : memref<80000xi32, #tpu.memory_space<hbm>> -> memref<1000xi32, #tpu.memory_space<hbm>>
        %dma_wait3A_298 = tpu.memref_slice %arg3[%add3A_101] : memref<80000xi32, #tpu.memory_space<hbm>> -> memref<1000xi32, #tpu.memory_space<hbm>>
        tpu.wait_dma2 semaphore(%run_scoped3A : memref<!tpu.dma_semaphore, #tpu.memory_space<semaphore_mem>>) src(%dma_wait3A_298 : memref<1000xi32, #tpu.memory_space<hbm>>) dst(%arg24 : memref<1000xi32, #tpu.memory_space<vmem>>)
        tpu.yield
      }) : () -> ()
      %dma_start3A_102 = arith.constant 0 : i32
      %dma_start3A_103 = arith.constant 0 : i32
      %dma_start3A_104 = tpu.memref_slice %arg10[%dma_start3A_102, %dma_start3A_103] : memref<40000x32xf32, #tpu.memory_space<hbm>> -> memref<40000x32xf32, #tpu.memory_space<hbm>>
      tpu.enqueue_indirect_dma source(%dma_start3A_104 : memref<40000x32xf32, #tpu.memory_space<hbm>>) target(%arg26 : memref<1000x32xf32, #tpu.memory_space<vmem>>) offsets(%arg22 : memref<1000xi32, #tpu.memory_space<vmem>>) semaphore(%arg31 : memref<!tpu.dma_semaphore, #tpu.memory_space<semaphore_mem>>)
      %dma_start3A_105 = arith.constant 0 : i32
      %dma_start3A_106 = tpu.memref_slice %arg11[%dma_start3A_105] : memref<10000xf32, #tpu.memory_space<hbm>> -> memref<10000xf32, #tpu.memory_space<hbm>>
      tpu.enqueue_indirect_dma source(%dma_start3A_106 : memref<10000xf32, #tpu.memory_space<hbm>>) target(%arg28 : memref<1000xf32, #tpu.memory_space<vmem>>) offsets(%arg24 : memref<1000xi32, #tpu.memory_space<vmem>>) semaphore(%arg32 : memref<!tpu.dma_semaphore, #tpu.memory_space<semaphore_mem>>)
      %dma_wait3A_107 = arith.constant 0 : i32
      %dma_wait3A_108 = arith.constant 0 : i32
      %dma_wait3A_109 = tpu.memref_slice %arg10[%dma_wait3A_107, %dma_wait3A_108] : memref<40000x32xf32, #tpu.memory_space<hbm>> -> memref<40000x32xf32, #tpu.memory_space<hbm>>
      tpu.wait_indirect_dma semaphore(%arg31 : memref<!tpu.dma_semaphore, #tpu.memory_space<semaphore_mem>>) src(%dma_wait3A_109 : memref<40000x32xf32, #tpu.memory_space<hbm>>) dst(%arg26 : memref<1000x32xf32, #tpu.memory_space<vmem>>)
      %dma_wait3A_110 = arith.constant 0 : i32
      %dma_wait3A_111 = tpu.memref_slice %arg11[%dma_wait3A_110] : memref<10000xf32, #tpu.memory_space<hbm>> -> memref<10000xf32, #tpu.memory_space<hbm>>
      tpu.wait_indirect_dma semaphore(%arg32 : memref<!tpu.dma_semaphore, #tpu.memory_space<semaphore_mem>>) src(%dma_wait3A_111 : memref<10000xf32, #tpu.memory_space<hbm>>) dst(%arg28 : memref<1000xf32, #tpu.memory_space<vmem>>)
      %dma_start3A_112 = arith.constant 0 : i32
      %dma_start3A_113 = arith.constant 0 : i32
      %dma_start3A_114 = tpu.memref_slice %arg19[%dma_start3A_112, %dma_start3A_113] : memref<10000x32xf32, #tpu.memory_space<vmem_shared>> -> memref<10000x32xf32, #tpu.memory_space<vmem_shared>>
      tpu.enqueue_indirect_dma source(%arg26 : memref<1000x32xf32, #tpu.memory_space<vmem>>) target(%dma_start3A_114 : memref<10000x32xf32, #tpu.memory_space<vmem_shared>>) offsets(%arg24 : memref<1000xi32, #tpu.memory_space<vmem>>) semaphore(%arg33 : memref<!tpu.dma_semaphore, #tpu.memory_space<semaphore_mem>>) {add = true}
      %dma_start3A_115 = arith.constant 0 : i32
      %dma_start3A_116 = tpu.memref_slice %arg21[%dma_start3A_115] : memref<40000xf32, #tpu.memory_space<vmem_shared>> -> memref<40000xf32, #tpu.memory_space<vmem_shared>>
      tpu.enqueue_indirect_dma source(%arg28 : memref<1000xf32, #tpu.memory_space<vmem>>) target(%dma_start3A_116 : memref<40000xf32, #tpu.memory_space<vmem_shared>>) offsets(%arg22 : memref<1000xi32, #tpu.memory_space<vmem>>) semaphore(%arg35 : memref<!tpu.dma_semaphore, #tpu.memory_space<semaphore_mem>>) {add = true}
      %dma_wait3A_117 = arith.constant 0 : i32
      %dma_wait3A_118 = arith.constant 0 : i32
      %dma_wait3A_119 = tpu.memref_slice %arg19[%dma_wait3A_117, %dma_wait3A_118] : memref<10000x32xf32, #tpu.memory_space<vmem_shared>> -> memref<10000x32xf32, #tpu.memory_space<vmem_shared>>
      tpu.wait_indirect_dma semaphore(%arg34 : memref<!tpu.dma_semaphore, #tpu.memory_space<semaphore_mem>>) src(%arg27 : memref<1000x32xf32, #tpu.memory_space<vmem>>) dst(%dma_wait3A_119 : memref<10000x32xf32, #tpu.memory_space<vmem_shared>>)
      %dma_wait3A_120 = arith.constant 0 : i32
      %dma_wait3A_121 = tpu.memref_slice %arg21[%dma_wait3A_120] : memref<40000xf32, #tpu.memory_space<vmem_shared>> -> memref<40000xf32, #tpu.memory_space<vmem_shared>>
      tpu.wait_indirect_dma semaphore(%arg36 : memref<!tpu.dma_semaphore, #tpu.memory_space<semaphore_mem>>) src(%arg29 : memref<1000xf32, #tpu.memory_space<vmem>>) dst(%dma_wait3A_121 : memref<40000xf32, #tpu.memory_space<vmem_shared>>)
      %mul3A_122 = arith.constant 5000 : i32
      %mul3A_123 = arith.muli %arg1, %mul3A_122 : i32
      %add3A_124 = arith.constant 3000 : i32
      %add3A_125 = arith.addi %mul3A_123, %add3A_124 : i32
      "tpu.region"() ({
        %run_scoped3A = tpu.sem_alloc : memref<!tpu.dma_semaphore, #tpu.memory_space<semaphore_mem>>
        %dma_start3A_295 = tpu.memref_slice %arg2[%add3A_125] : memref<80000xi32, #tpu.memory_space<hbm>> -> memref<1000xi32, #tpu.memory_space<hbm>>
        %dma_start3A_296 = tpu.memref_slice %arg2[%add3A_125] : memref<80000xi32, #tpu.memory_space<hbm>> -> memref<1000xi32, #tpu.memory_space<hbm>>
        tpu.enqueue_dma source(%dma_start3A_296 : memref<1000xi32, #tpu.memory_space<hbm>>) target(%arg23 : memref<1000xi32, #tpu.memory_space<vmem>>) target_semaphore(%run_scoped3A : memref<!tpu.dma_semaphore, #tpu.memory_space<semaphore_mem>>)
        %dma_wait3A_297 = tpu.memref_slice %arg2[%add3A_125] : memref<80000xi32, #tpu.memory_space<hbm>> -> memref<1000xi32, #tpu.memory_space<hbm>>
        %dma_wait3A_298 = tpu.memref_slice %arg2[%add3A_125] : memref<80000xi32, #tpu.memory_space<hbm>> -> memref<1000xi32, #tpu.memory_space<hbm>>
        tpu.wait_dma2 semaphore(%run_scoped3A : memref<!tpu.dma_semaphore, #tpu.memory_space<semaphore_mem>>) src(%dma_wait3A_298 : memref<1000xi32, #tpu.memory_space<hbm>>) dst(%arg23 : memref<1000xi32, #tpu.memory_space<vmem>>)
        tpu.yield
      }) : () -> ()
      "tpu.region"() ({
        %run_scoped3A = tpu.sem_alloc : memref<!tpu.dma_semaphore, #tpu.memory_space<semaphore_mem>>
        %dma_start3A_295 = tpu.memref_slice %arg3[%add3A_125] : memref<80000xi32, #tpu.memory_space<hbm>> -> memref<1000xi32, #tpu.memory_space<hbm>>
        %dma_start3A_296 = tpu.memref_slice %arg3[%add3A_125] : memref<80000xi32, #tpu.memory_space<hbm>> -> memref<1000xi32, #tpu.memory_space<hbm>>
        tpu.enqueue_dma source(%dma_start3A_296 : memref<1000xi32, #tpu.memory_space<hbm>>) target(%arg25 : memref<1000xi32, #tpu.memory_space<vmem>>) target_semaphore(%run_scoped3A : memref<!tpu.dma_semaphore, #tpu.memory_space<semaphore_mem>>)
        %dma_wait3A_297 = tpu.memref_slice %arg3[%add3A_125] : memref<80000xi32, #tpu.memory_space<hbm>> -> memref<1000xi32, #tpu.memory_space<hbm>>
        %dma_wait3A_298 = tpu.memref_slice %arg3[%add3A_125] : memref<80000xi32, #tpu.memory_space<hbm>> -> memref<1000xi32, #tpu.memory_space<hbm>>
        tpu.wait_dma2 semaphore(%run_scoped3A : memref<!tpu.dma_semaphore, #tpu.memory_space<semaphore_mem>>) src(%dma_wait3A_298 : memref<1000xi32, #tpu.memory_space<hbm>>) dst(%arg25 : memref<1000xi32, #tpu.memory_space<vmem>>)
        tpu.yield
      }) : () -> ()
      %dma_start3A_126 = arith.constant 0 : i32
      %dma_start3A_127 = arith.constant 0 : i32
      %dma_start3A_128 = tpu.memref_slice %arg10[%dma_start3A_126, %dma_start3A_127] : memref<40000x32xf32, #tpu.memory_space<hbm>> -> memref<40000x32xf32, #tpu.memory_space<hbm>>
      tpu.enqueue_indirect_dma source(%dma_start3A_128 : memref<40000x32xf32, #tpu.memory_space<hbm>>) target(%arg27 : memref<1000x32xf32, #tpu.memory_space<vmem>>) offsets(%arg23 : memref<1000xi32, #tpu.memory_space<vmem>>) semaphore(%arg31 : memref<!tpu.dma_semaphore, #tpu.memory_space<semaphore_mem>>)
      %dma_start3A_129 = arith.constant 0 : i32
      %dma_start3A_130 = tpu.memref_slice %arg11[%dma_start3A_129] : memref<10000xf32, #tpu.memory_space<hbm>> -> memref<10000xf32, #tpu.memory_space<hbm>>
      tpu.enqueue_indirect_dma source(%dma_start3A_130 : memref<10000xf32, #tpu.memory_space<hbm>>) target(%arg29 : memref<1000xf32, #tpu.memory_space<vmem>>) offsets(%arg25 : memref<1000xi32, #tpu.memory_space<vmem>>) semaphore(%arg32 : memref<!tpu.dma_semaphore, #tpu.memory_space<semaphore_mem>>)
      %dma_wait3A_131 = arith.constant 0 : i32
      %dma_wait3A_132 = arith.constant 0 : i32
      %dma_wait3A_133 = tpu.memref_slice %arg10[%dma_wait3A_131, %dma_wait3A_132] : memref<40000x32xf32, #tpu.memory_space<hbm>> -> memref<40000x32xf32, #tpu.memory_space<hbm>>
      tpu.wait_indirect_dma semaphore(%arg31 : memref<!tpu.dma_semaphore, #tpu.memory_space<semaphore_mem>>) src(%dma_wait3A_133 : memref<40000x32xf32, #tpu.memory_space<hbm>>) dst(%arg27 : memref<1000x32xf32, #tpu.memory_space<vmem>>)
      %dma_wait3A_134 = arith.constant 0 : i32
      %dma_wait3A_135 = tpu.memref_slice %arg11[%dma_wait3A_134] : memref<10000xf32, #tpu.memory_space<hbm>> -> memref<10000xf32, #tpu.memory_space<hbm>>
      tpu.wait_indirect_dma semaphore(%arg32 : memref<!tpu.dma_semaphore, #tpu.memory_space<semaphore_mem>>) src(%dma_wait3A_135 : memref<10000xf32, #tpu.memory_space<hbm>>) dst(%arg29 : memref<1000xf32, #tpu.memory_space<vmem>>)
      %dma_start3A_136 = arith.constant 0 : i32
      %dma_start3A_137 = arith.constant 0 : i32
      %dma_start3A_138 = tpu.memref_slice %arg19[%dma_start3A_136, %dma_start3A_137] : memref<10000x32xf32, #tpu.memory_space<vmem_shared>> -> memref<10000x32xf32, #tpu.memory_space<vmem_shared>>
      tpu.enqueue_indirect_dma source(%arg27 : memref<1000x32xf32, #tpu.memory_space<vmem>>) target(%dma_start3A_138 : memref<10000x32xf32, #tpu.memory_space<vmem_shared>>) offsets(%arg25 : memref<1000xi32, #tpu.memory_space<vmem>>) semaphore(%arg34 : memref<!tpu.dma_semaphore, #tpu.memory_space<semaphore_mem>>) {add = true}
      %dma_start3A_139 = arith.constant 0 : i32
      %dma_start3A_140 = tpu.memref_slice %arg21[%dma_start3A_139] : memref<40000xf32, #tpu.memory_space<vmem_shared>> -> memref<40000xf32, #tpu.memory_space<vmem_shared>>
      tpu.enqueue_indirect_dma source(%arg29 : memref<1000xf32, #tpu.memory_space<vmem>>) target(%dma_start3A_140 : memref<40000xf32, #tpu.memory_space<vmem_shared>>) offsets(%arg23 : memref<1000xi32, #tpu.memory_space<vmem>>) semaphore(%arg36 : memref<!tpu.dma_semaphore, #tpu.memory_space<semaphore_mem>>) {add = true}
      %dma_wait3A_141 = arith.constant 0 : i32
      %dma_wait3A_142 = arith.constant 0 : i32
      %dma_wait3A_143 = tpu.memref_slice %arg19[%dma_wait3A_141, %dma_wait3A_142] : memref<10000x32xf32, #tpu.memory_space<vmem_shared>> -> memref<10000x32xf32, #tpu.memory_space<vmem_shared>>
      tpu.wait_indirect_dma semaphore(%arg33 : memref<!tpu.dma_semaphore, #tpu.memory_space<semaphore_mem>>) src(%arg26 : memref<1000x32xf32, #tpu.memory_space<vmem>>) dst(%dma_wait3A_143 : memref<10000x32xf32, #tpu.memory_space<vmem_shared>>)
      %dma_wait3A_144 = arith.constant 0 : i32
      %dma_wait3A_145 = tpu.memref_slice %arg21[%dma_wait3A_144] : memref<40000xf32, #tpu.memory_space<vmem_shared>> -> memref<40000xf32, #tpu.memory_space<vmem_shared>>
      tpu.wait_indirect_dma semaphore(%arg35 : memref<!tpu.dma_semaphore, #tpu.memory_space<semaphore_mem>>) src(%arg28 : memref<1000xf32, #tpu.memory_space<vmem>>) dst(%dma_wait3A_145 : memref<40000xf32, #tpu.memory_space<vmem_shared>>)
      %mul3A_146 = arith.constant 5000 : i32
      %mul3A_147 = arith.muli %arg1, %mul3A_146 : i32
      %add3A_148 = arith.constant 4000 : i32
      %add3A_149 = arith.addi %mul3A_147, %add3A_148 : i32
      "tpu.region"() ({
        %run_scoped3A = tpu.sem_alloc : memref<!tpu.dma_semaphore, #tpu.memory_space<semaphore_mem>>
        %dma_start3A_295 = tpu.memref_slice %arg2[%add3A_149] : memref<80000xi32, #tpu.memory_space<hbm>> -> memref<1000xi32, #tpu.memory_space<hbm>>
        %dma_start3A_296 = tpu.memref_slice %arg2[%add3A_149] : memref<80000xi32, #tpu.memory_space<hbm>> -> memref<1000xi32, #tpu.memory_space<hbm>>
        tpu.enqueue_dma source(%dma_start3A_296 : memref<1000xi32, #tpu.memory_space<hbm>>) target(%arg22 : memref<1000xi32, #tpu.memory_space<vmem>>) target_semaphore(%run_scoped3A : memref<!tpu.dma_semaphore, #tpu.memory_space<semaphore_mem>>)
        %dma_wait3A_297 = tpu.memref_slice %arg2[%add3A_149] : memref<80000xi32, #tpu.memory_space<hbm>> -> memref<1000xi32, #tpu.memory_space<hbm>>
        %dma_wait3A_298 = tpu.memref_slice %arg2[%add3A_149] : memref<80000xi32, #tpu.memory_space<hbm>> -> memref<1000xi32, #tpu.memory_space<hbm>>
        tpu.wait_dma2 semaphore(%run_scoped3A : memref<!tpu.dma_semaphore, #tpu.memory_space<semaphore_mem>>) src(%dma_wait3A_298 : memref<1000xi32, #tpu.memory_space<hbm>>) dst(%arg22 : memref<1000xi32, #tpu.memory_space<vmem>>)
        tpu.yield
      }) : () -> ()
      "tpu.region"() ({
        %run_scoped3A = tpu.sem_alloc : memref<!tpu.dma_semaphore, #tpu.memory_space<semaphore_mem>>
        %dma_start3A_295 = tpu.memref_slice %arg3[%add3A_149] : memref<80000xi32, #tpu.memory_space<hbm>> -> memref<1000xi32, #tpu.memory_space<hbm>>
        %dma_start3A_296 = tpu.memref_slice %arg3[%add3A_149] : memref<80000xi32, #tpu.memory_space<hbm>> -> memref<1000xi32, #tpu.memory_space<hbm>>
        tpu.enqueue_dma source(%dma_start3A_296 : memref<1000xi32, #tpu.memory_space<hbm>>) target(%arg24 : memref<1000xi32, #tpu.memory_space<vmem>>) target_semaphore(%run_scoped3A : memref<!tpu.dma_semaphore, #tpu.memory_space<semaphore_mem>>)
        %dma_wait3A_297 = tpu.memref_slice %arg3[%add3A_149] : memref<80000xi32, #tpu.memory_space<hbm>> -> memref<1000xi32, #tpu.memory_space<hbm>>
        %dma_wait3A_298 = tpu.memref_slice %arg3[%add3A_149] : memref<80000xi32, #tpu.memory_space<hbm>> -> memref<1000xi32, #tpu.memory_space<hbm>>
        tpu.wait_dma2 semaphore(%run_scoped3A : memref<!tpu.dma_semaphore, #tpu.memory_space<semaphore_mem>>) src(%dma_wait3A_298 : memref<1000xi32, #tpu.memory_space<hbm>>) dst(%arg24 : memref<1000xi32, #tpu.memory_space<vmem>>)
        tpu.yield
      }) : () -> ()
      %dma_start3A_150 = arith.constant 0 : i32
      %dma_start3A_151 = arith.constant 0 : i32
      %dma_start3A_152 = tpu.memref_slice %arg10[%dma_start3A_150, %dma_start3A_151] : memref<40000x32xf32, #tpu.memory_space<hbm>> -> memref<40000x32xf32, #tpu.memory_space<hbm>>
      tpu.enqueue_indirect_dma source(%dma_start3A_152 : memref<40000x32xf32, #tpu.memory_space<hbm>>) target(%arg26 : memref<1000x32xf32, #tpu.memory_space<vmem>>) offsets(%arg22 : memref<1000xi32, #tpu.memory_space<vmem>>) semaphore(%arg31 : memref<!tpu.dma_semaphore, #tpu.memory_space<semaphore_mem>>)
      %dma_start3A_153 = arith.constant 0 : i32
      %dma_start3A_154 = tpu.memref_slice %arg11[%dma_start3A_153] : memref<10000xf32, #tpu.memory_space<hbm>> -> memref<10000xf32, #tpu.memory_space<hbm>>
      tpu.enqueue_indirect_dma source(%dma_start3A_154 : memref<10000xf32, #tpu.memory_space<hbm>>) target(%arg28 : memref<1000xf32, #tpu.memory_space<vmem>>) offsets(%arg24 : memref<1000xi32, #tpu.memory_space<vmem>>) semaphore(%arg32 : memref<!tpu.dma_semaphore, #tpu.memory_space<semaphore_mem>>)
      %dma_wait3A_155 = arith.constant 0 : i32
      %dma_wait3A_156 = arith.constant 0 : i32
      %dma_wait3A_157 = tpu.memref_slice %arg10[%dma_wait3A_155, %dma_wait3A_156] : memref<40000x32xf32, #tpu.memory_space<hbm>> -> memref<40000x32xf32, #tpu.memory_space<hbm>>
      tpu.wait_indirect_dma semaphore(%arg31 : memref<!tpu.dma_semaphore, #tpu.memory_space<semaphore_mem>>) src(%dma_wait3A_157 : memref<40000x32xf32, #tpu.memory_space<hbm>>) dst(%arg26 : memref<1000x32xf32, #tpu.memory_space<vmem>>)
      %dma_wait3A_158 = arith.constant 0 : i32
      %dma_wait3A_159 = tpu.memref_slice %arg11[%dma_wait3A_158] : memref<10000xf32, #tpu.memory_space<hbm>> -> memref<10000xf32, #tpu.memory_space<hbm>>
      tpu.wait_indirect_dma semaphore(%arg32 : memref<!tpu.dma_semaphore, #tpu.memory_space<semaphore_mem>>) src(%dma_wait3A_159 : memref<10000xf32, #tpu.memory_space<hbm>>) dst(%arg28 : memref<1000xf32, #tpu.memory_space<vmem>>)
      %dma_start3A_160 = arith.constant 0 : i32
      %dma_start3A_161 = arith.constant 0 : i32
      %dma_start3A_162 = tpu.memref_slice %arg19[%dma_start3A_160, %dma_start3A_161] : memref<10000x32xf32, #tpu.memory_space<vmem_shared>> -> memref<10000x32xf32, #tpu.memory_space<vmem_shared>>
      tpu.enqueue_indirect_dma source(%arg26 : memref<1000x32xf32, #tpu.memory_space<vmem>>) target(%dma_start3A_162 : memref<10000x32xf32, #tpu.memory_space<vmem_shared>>) offsets(%arg24 : memref<1000xi32, #tpu.memory_space<vmem>>) semaphore(%arg33 : memref<!tpu.dma_semaphore, #tpu.memory_space<semaphore_mem>>) {add = true}
      %dma_start3A_163 = arith.constant 0 : i32
      %dma_start3A_164 = tpu.memref_slice %arg21[%dma_start3A_163] : memref<40000xf32, #tpu.memory_space<vmem_shared>> -> memref<40000xf32, #tpu.memory_space<vmem_shared>>
      tpu.enqueue_indirect_dma source(%arg28 : memref<1000xf32, #tpu.memory_space<vmem>>) target(%dma_start3A_164 : memref<40000xf32, #tpu.memory_space<vmem_shared>>) offsets(%arg22 : memref<1000xi32, #tpu.memory_space<vmem>>) semaphore(%arg35 : memref<!tpu.dma_semaphore, #tpu.memory_space<semaphore_mem>>) {add = true}
      %dma_wait3A_165 = arith.constant 0 : i32
      %dma_wait3A_166 = arith.constant 0 : i32
      %dma_wait3A_167 = tpu.memref_slice %arg19[%dma_wait3A_165, %dma_wait3A_166] : memref<10000x32xf32, #tpu.memory_space<vmem_shared>> -> memref<10000x32xf32, #tpu.memory_space<vmem_shared>>
      tpu.wait_indirect_dma semaphore(%arg34 : memref<!tpu.dma_semaphore, #tpu.memory_space<semaphore_mem>>) src(%arg27 : memref<1000x32xf32, #tpu.memory_space<vmem>>) dst(%dma_wait3A_167 : memref<10000x32xf32, #tpu.memory_space<vmem_shared>>)
      %dma_wait3A_168 = arith.constant 0 : i32
      %dma_wait3A_169 = tpu.memref_slice %arg21[%dma_wait3A_168] : memref<40000xf32, #tpu.memory_space<vmem_shared>> -> memref<40000xf32, #tpu.memory_space<vmem_shared>>
      tpu.wait_indirect_dma semaphore(%arg36 : memref<!tpu.dma_semaphore, #tpu.memory_space<semaphore_mem>>) src(%arg29 : memref<1000xf32, #tpu.memory_space<vmem>>) dst(%dma_wait3A_169 : memref<40000xf32, #tpu.memory_space<vmem_shared>>)
      %dma_wait3A_170 = arith.constant 0 : i32
      %dma_wait3A_171 = arith.constant 0 : i32
      %dma_wait3A_172 = tpu.memref_slice %arg19[%dma_wait3A_170, %dma_wait3A_171] : memref<10000x32xf32, #tpu.memory_space<vmem_shared>> -> memref<10000x32xf32, #tpu.memory_space<vmem_shared>>
      tpu.wait_indirect_dma semaphore(%arg33 : memref<!tpu.dma_semaphore, #tpu.memory_space<semaphore_mem>>) src(%arg26 : memref<1000x32xf32, #tpu.memory_space<vmem>>) dst(%dma_wait3A_172 : memref<10000x32xf32, #tpu.memory_space<vmem_shared>>)
      %dma_wait3A_173 = arith.constant 0 : i32
      %dma_wait3A_174 = tpu.memref_slice %arg21[%dma_wait3A_173] : memref<40000xf32, #tpu.memory_space<vmem_shared>> -> memref<40000xf32, #tpu.memory_space<vmem_shared>>
      tpu.wait_indirect_dma semaphore(%arg35 : memref<!tpu.dma_semaphore, #tpu.memory_space<semaphore_mem>>) src(%arg28 : memref<1000xf32, #tpu.memory_space<vmem>>) dst(%dma_wait3A_174 : memref<40000xf32, #tpu.memory_space<vmem_shared>>)
      %mul3A_175 = arith.constant 5000 : i32
      %mul3A_176 = arith.muli %arg1, %mul3A_175 : i32
      %add3A_177 = arith.constant 0 : i32
      %add3A_178 = arith.addi %mul3A_176, %add3A_177 : i32
      "tpu.region"() ({
        %run_scoped3A = tpu.sem_alloc : memref<!tpu.dma_semaphore, #tpu.memory_space<semaphore_mem>>
        %dma_start3A_295 = tpu.memref_slice %arg4[%add3A_178] : memref<80000xi32, #tpu.memory_space<hbm>> -> memref<1000xi32, #tpu.memory_space<hbm>>
        %dma_start3A_296 = tpu.memref_slice %arg4[%add3A_178] : memref<80000xi32, #tpu.memory_space<hbm>> -> memref<1000xi32, #tpu.memory_space<hbm>>
        tpu.enqueue_dma source(%dma_start3A_296 : memref<1000xi32, #tpu.memory_space<hbm>>) target(%arg22 : memref<1000xi32, #tpu.memory_space<vmem>>) target_semaphore(%run_scoped3A : memref<!tpu.dma_semaphore, #tpu.memory_space<semaphore_mem>>)
        %dma_wait3A_297 = tpu.memref_slice %arg4[%add3A_178] : memref<80000xi32, #tpu.memory_space<hbm>> -> memref<1000xi32, #tpu.memory_space<hbm>>
        %dma_wait3A_298 = tpu.memref_slice %arg4[%add3A_178] : memref<80000xi32, #tpu.memory_space<hbm>> -> memref<1000xi32, #tpu.memory_space<hbm>>
        tpu.wait_dma2 semaphore(%run_scoped3A : memref<!tpu.dma_semaphore, #tpu.memory_space<semaphore_mem>>) src(%dma_wait3A_298 : memref<1000xi32, #tpu.memory_space<hbm>>) dst(%arg22 : memref<1000xi32, #tpu.memory_space<vmem>>)
        tpu.yield
      }) : () -> ()
      "tpu.region"() ({
        %run_scoped3A = tpu.sem_alloc : memref<!tpu.dma_semaphore, #tpu.memory_space<semaphore_mem>>
        %dma_start3A_295 = tpu.memref_slice %arg5[%add3A_178] : memref<80000xi32, #tpu.memory_space<hbm>> -> memref<1000xi32, #tpu.memory_space<hbm>>
        %dma_start3A_296 = tpu.memref_slice %arg5[%add3A_178] : memref<80000xi32, #tpu.memory_space<hbm>> -> memref<1000xi32, #tpu.memory_space<hbm>>
        tpu.enqueue_dma source(%dma_start3A_296 : memref<1000xi32, #tpu.memory_space<hbm>>) target(%arg24 : memref<1000xi32, #tpu.memory_space<vmem>>) target_semaphore(%run_scoped3A : memref<!tpu.dma_semaphore, #tpu.memory_space<semaphore_mem>>)
        %dma_wait3A_297 = tpu.memref_slice %arg5[%add3A_178] : memref<80000xi32, #tpu.memory_space<hbm>> -> memref<1000xi32, #tpu.memory_space<hbm>>
        %dma_wait3A_298 = tpu.memref_slice %arg5[%add3A_178] : memref<80000xi32, #tpu.memory_space<hbm>> -> memref<1000xi32, #tpu.memory_space<hbm>>
        tpu.wait_dma2 semaphore(%run_scoped3A : memref<!tpu.dma_semaphore, #tpu.memory_space<semaphore_mem>>) src(%dma_wait3A_298 : memref<1000xi32, #tpu.memory_space<hbm>>) dst(%arg24 : memref<1000xi32, #tpu.memory_space<vmem>>)
        tpu.yield
      }) : () -> ()
      %dma_start3A_179 = arith.constant 0 : i32
      %dma_start3A_180 = arith.constant 0 : i32
      %dma_start3A_181 = tpu.memref_slice %arg10[%dma_start3A_179, %dma_start3A_180] : memref<40000x32xf32, #tpu.memory_space<hbm>> -> memref<40000x32xf32, #tpu.memory_space<hbm>>
      tpu.enqueue_indirect_dma source(%dma_start3A_181 : memref<40000x32xf32, #tpu.memory_space<hbm>>) target(%arg26 : memref<1000x32xf32, #tpu.memory_space<vmem>>) offsets(%arg22 : memref<1000xi32, #tpu.memory_space<vmem>>) semaphore(%arg31 : memref<!tpu.dma_semaphore, #tpu.memory_space<semaphore_mem>>)
      %dma_start3A_182 = arith.constant 0 : i32
      %dma_start3A_183 = tpu.memref_slice %arg12[%dma_start3A_182] : memref<10000xf32, #tpu.memory_space<hbm>> -> memref<10000xf32, #tpu.memory_space<hbm>>
      tpu.enqueue_indirect_dma source(%dma_start3A_183 : memref<10000xf32, #tpu.memory_space<hbm>>) target(%arg28 : memref<1000xf32, #tpu.memory_space<vmem>>) offsets(%arg24 : memref<1000xi32, #tpu.memory_space<vmem>>) semaphore(%arg32 : memref<!tpu.dma_semaphore, #tpu.memory_space<semaphore_mem>>)
      %dma_wait3A_184 = arith.constant 0 : i32
      %dma_wait3A_185 = arith.constant 0 : i32
      %dma_wait3A_186 = tpu.memref_slice %arg10[%dma_wait3A_184, %dma_wait3A_185] : memref<40000x32xf32, #tpu.memory_space<hbm>> -> memref<40000x32xf32, #tpu.memory_space<hbm>>
      tpu.wait_indirect_dma semaphore(%arg31 : memref<!tpu.dma_semaphore, #tpu.memory_space<semaphore_mem>>) src(%dma_wait3A_186 : memref<40000x32xf32, #tpu.memory_space<hbm>>) dst(%arg26 : memref<1000x32xf32, #tpu.memory_space<vmem>>)
      %dma_wait3A_187 = arith.constant 0 : i32
      %dma_wait3A_188 = tpu.memref_slice %arg12[%dma_wait3A_187] : memref<10000xf32, #tpu.memory_space<hbm>> -> memref<10000xf32, #tpu.memory_space<hbm>>
      tpu.wait_indirect_dma semaphore(%arg32 : memref<!tpu.dma_semaphore, #tpu.memory_space<semaphore_mem>>) src(%dma_wait3A_188 : memref<10000xf32, #tpu.memory_space<hbm>>) dst(%arg28 : memref<1000xf32, #tpu.memory_space<vmem>>)
      %dma_start3A_189 = arith.constant 0 : i32
      %dma_start3A_190 = arith.constant 0 : i32
      %dma_start3A_191 = tpu.memref_slice %arg20[%dma_start3A_189, %dma_start3A_190] : memref<10000x32xf32, #tpu.memory_space<vmem_shared>> -> memref<10000x32xf32, #tpu.memory_space<vmem_shared>>
      tpu.enqueue_indirect_dma source(%arg26 : memref<1000x32xf32, #tpu.memory_space<vmem>>) target(%dma_start3A_191 : memref<10000x32xf32, #tpu.memory_space<vmem_shared>>) offsets(%arg24 : memref<1000xi32, #tpu.memory_space<vmem>>) semaphore(%arg33 : memref<!tpu.dma_semaphore, #tpu.memory_space<semaphore_mem>>) {add = true}
      %dma_start3A_192 = arith.constant 0 : i32
      %dma_start3A_193 = tpu.memref_slice %arg21[%dma_start3A_192] : memref<40000xf32, #tpu.memory_space<vmem_shared>> -> memref<40000xf32, #tpu.memory_space<vmem_shared>>
      tpu.enqueue_indirect_dma source(%arg28 : memref<1000xf32, #tpu.memory_space<vmem>>) target(%dma_start3A_193 : memref<40000xf32, #tpu.memory_space<vmem_shared>>) offsets(%arg22 : memref<1000xi32, #tpu.memory_space<vmem>>) semaphore(%arg35 : memref<!tpu.dma_semaphore, #tpu.memory_space<semaphore_mem>>) {add = true}
      %mul3A_194 = arith.constant 5000 : i32
      %mul3A_195 = arith.muli %arg1, %mul3A_194 : i32
      %add3A_196 = arith.constant 1000 : i32
      %add3A_197 = arith.addi %mul3A_195, %add3A_196 : i32
      "tpu.region"() ({
        %run_scoped3A = tpu.sem_alloc : memref<!tpu.dma_semaphore, #tpu.memory_space<semaphore_mem>>
        %dma_start3A_295 = tpu.memref_slice %arg4[%add3A_197] : memref<80000xi32, #tpu.memory_space<hbm>> -> memref<1000xi32, #tpu.memory_space<hbm>>
        %dma_start3A_296 = tpu.memref_slice %arg4[%add3A_197] : memref<80000xi32, #tpu.memory_space<hbm>> -> memref<1000xi32, #tpu.memory_space<hbm>>
        tpu.enqueue_dma source(%dma_start3A_296 : memref<1000xi32, #tpu.memory_space<hbm>>) target(%arg23 : memref<1000xi32, #tpu.memory_space<vmem>>) target_semaphore(%run_scoped3A : memref<!tpu.dma_semaphore, #tpu.memory_space<semaphore_mem>>)
        %dma_wait3A_297 = tpu.memref_slice %arg4[%add3A_197] : memref<80000xi32, #tpu.memory_space<hbm>> -> memref<1000xi32, #tpu.memory_space<hbm>>
        %dma_wait3A_298 = tpu.memref_slice %arg4[%add3A_197] : memref<80000xi32, #tpu.memory_space<hbm>> -> memref<1000xi32, #tpu.memory_space<hbm>>
        tpu.wait_dma2 semaphore(%run_scoped3A : memref<!tpu.dma_semaphore, #tpu.memory_space<semaphore_mem>>) src(%dma_wait3A_298 : memref<1000xi32, #tpu.memory_space<hbm>>) dst(%arg23 : memref<1000xi32, #tpu.memory_space<vmem>>)
        tpu.yield
      }) : () -> ()
      "tpu.region"() ({
        %run_scoped3A = tpu.sem_alloc : memref<!tpu.dma_semaphore, #tpu.memory_space<semaphore_mem>>
        %dma_start3A_295 = tpu.memref_slice %arg5[%add3A_197] : memref<80000xi32, #tpu.memory_space<hbm>> -> memref<1000xi32, #tpu.memory_space<hbm>>
        %dma_start3A_296 = tpu.memref_slice %arg5[%add3A_197] : memref<80000xi32, #tpu.memory_space<hbm>> -> memref<1000xi32, #tpu.memory_space<hbm>>
        tpu.enqueue_dma source(%dma_start3A_296 : memref<1000xi32, #tpu.memory_space<hbm>>) target(%arg25 : memref<1000xi32, #tpu.memory_space<vmem>>) target_semaphore(%run_scoped3A : memref<!tpu.dma_semaphore, #tpu.memory_space<semaphore_mem>>)
        %dma_wait3A_297 = tpu.memref_slice %arg5[%add3A_197] : memref<80000xi32, #tpu.memory_space<hbm>> -> memref<1000xi32, #tpu.memory_space<hbm>>
        %dma_wait3A_298 = tpu.memref_slice %arg5[%add3A_197] : memref<80000xi32, #tpu.memory_space<hbm>> -> memref<1000xi32, #tpu.memory_space<hbm>>
        tpu.wait_dma2 semaphore(%run_scoped3A : memref<!tpu.dma_semaphore, #tpu.memory_space<semaphore_mem>>) src(%dma_wait3A_298 : memref<1000xi32, #tpu.memory_space<hbm>>) dst(%arg25 : memref<1000xi32, #tpu.memory_space<vmem>>)
        tpu.yield
      }) : () -> ()
      %dma_start3A_198 = arith.constant 0 : i32
      %dma_start3A_199 = arith.constant 0 : i32
      %dma_start3A_200 = tpu.memref_slice %arg10[%dma_start3A_198, %dma_start3A_199] : memref<40000x32xf32, #tpu.memory_space<hbm>> -> memref<40000x32xf32, #tpu.memory_space<hbm>>
      tpu.enqueue_indirect_dma source(%dma_start3A_200 : memref<40000x32xf32, #tpu.memory_space<hbm>>) target(%arg27 : memref<1000x32xf32, #tpu.memory_space<vmem>>) offsets(%arg23 : memref<1000xi32, #tpu.memory_space<vmem>>) semaphore(%arg31 : memref<!tpu.dma_semaphore, #tpu.memory_space<semaphore_mem>>)
      %dma_start3A_201 = arith.constant 0 : i32
      %dma_start3A_202 = tpu.memref_slice %arg12[%dma_start3A_201] : memref<10000xf32, #tpu.memory_space<hbm>> -> memref<10000xf32, #tpu.memory_space<hbm>>
      tpu.enqueue_indirect_dma source(%dma_start3A_202 : memref<10000xf32, #tpu.memory_space<hbm>>) target(%arg29 : memref<1000xf32, #tpu.memory_space<vmem>>) offsets(%arg25 : memref<1000xi32, #tpu.memory_space<vmem>>) semaphore(%arg32 : memref<!tpu.dma_semaphore, #tpu.memory_space<semaphore_mem>>)
      %dma_wait3A_203 = arith.constant 0 : i32
      %dma_wait3A_204 = arith.constant 0 : i32
      %dma_wait3A_205 = tpu.memref_slice %arg10[%dma_wait3A_203, %dma_wait3A_204] : memref<40000x32xf32, #tpu.memory_space<hbm>> -> memref<40000x32xf32, #tpu.memory_space<hbm>>
      tpu.wait_indirect_dma semaphore(%arg31 : memref<!tpu.dma_semaphore, #tpu.memory_space<semaphore_mem>>) src(%dma_wait3A_205 : memref<40000x32xf32, #tpu.memory_space<hbm>>) dst(%arg27 : memref<1000x32xf32, #tpu.memory_space<vmem>>)
      %dma_wait3A_206 = arith.constant 0 : i32
      %dma_wait3A_207 = tpu.memref_slice %arg12[%dma_wait3A_206] : memref<10000xf32, #tpu.memory_space<hbm>> -> memref<10000xf32, #tpu.memory_space<hbm>>
      tpu.wait_indirect_dma semaphore(%arg32 : memref<!tpu.dma_semaphore, #tpu.memory_space<semaphore_mem>>) src(%dma_wait3A_207 : memref<10000xf32, #tpu.memory_space<hbm>>) dst(%arg29 : memref<1000xf32, #tpu.memory_space<vmem>>)
      %dma_start3A_208 = arith.constant 0 : i32
      %dma_start3A_209 = arith.constant 0 : i32
      %dma_start3A_210 = tpu.memref_slice %arg20[%dma_start3A_208, %dma_start3A_209] : memref<10000x32xf32, #tpu.memory_space<vmem_shared>> -> memref<10000x32xf32, #tpu.memory_space<vmem_shared>>
      tpu.enqueue_indirect_dma source(%arg27 : memref<1000x32xf32, #tpu.memory_space<vmem>>) target(%dma_start3A_210 : memref<10000x32xf32, #tpu.memory_space<vmem_shared>>) offsets(%arg25 : memref<1000xi32, #tpu.memory_space<vmem>>) semaphore(%arg34 : memref<!tpu.dma_semaphore, #tpu.memory_space<semaphore_mem>>) {add = true}
      %dma_start3A_211 = arith.constant 0 : i32
      %dma_start3A_212 = tpu.memref_slice %arg21[%dma_start3A_211] : memref<40000xf32, #tpu.memory_space<vmem_shared>> -> memref<40000xf32, #tpu.memory_space<vmem_shared>>
      tpu.enqueue_indirect_dma source(%arg29 : memref<1000xf32, #tpu.memory_space<vmem>>) target(%dma_start3A_212 : memref<40000xf32, #tpu.memory_space<vmem_shared>>) offsets(%arg23 : memref<1000xi32, #tpu.memory_space<vmem>>) semaphore(%arg36 : memref<!tpu.dma_semaphore, #tpu.memory_space<semaphore_mem>>) {add = true}
      %dma_wait3A_213 = arith.constant 0 : i32
      %dma_wait3A_214 = arith.constant 0 : i32
      %dma_wait3A_215 = tpu.memref_slice %arg20[%dma_wait3A_213, %dma_wait3A_214] : memref<10000x32xf32, #tpu.memory_space<vmem_shared>> -> memref<10000x32xf32, #tpu.memory_space<vmem_shared>>
      tpu.wait_indirect_dma semaphore(%arg33 : memref<!tpu.dma_semaphore, #tpu.memory_space<semaphore_mem>>) src(%arg26 : memref<1000x32xf32, #tpu.memory_space<vmem>>) dst(%dma_wait3A_215 : memref<10000x32xf32, #tpu.memory_space<vmem_shared>>)
      %dma_wait3A_216 = arith.constant 0 : i32
      %dma_wait3A_217 = tpu.memref_slice %arg21[%dma_wait3A_216] : memref<40000xf32, #tpu.memory_space<vmem_shared>> -> memref<40000xf32, #tpu.memory_space<vmem_shared>>
      tpu.wait_indirect_dma semaphore(%arg35 : memref<!tpu.dma_semaphore, #tpu.memory_space<semaphore_mem>>) src(%arg28 : memref<1000xf32, #tpu.memory_space<vmem>>) dst(%dma_wait3A_217 : memref<40000xf32, #tpu.memory_space<vmem_shared>>)
      %mul3A_218 = arith.constant 5000 : i32
      %mul3A_219 = arith.muli %arg1, %mul3A_218 : i32
      %add3A_220 = arith.constant 2000 : i32
      %add3A_221 = arith.addi %mul3A_219, %add3A_220 : i32
      "tpu.region"() ({
        %run_scoped3A = tpu.sem_alloc : memref<!tpu.dma_semaphore, #tpu.memory_space<semaphore_mem>>
        %dma_start3A_295 = tpu.memref_slice %arg4[%add3A_221] : memref<80000xi32, #tpu.memory_space<hbm>> -> memref<1000xi32, #tpu.memory_space<hbm>>
        %dma_start3A_296 = tpu.memref_slice %arg4[%add3A_221] : memref<80000xi32, #tpu.memory_space<hbm>> -> memref<1000xi32, #tpu.memory_space<hbm>>
        tpu.enqueue_dma source(%dma_start3A_296 : memref<1000xi32, #tpu.memory_space<hbm>>) target(%arg22 : memref<1000xi32, #tpu.memory_space<vmem>>) target_semaphore(%run_scoped3A : memref<!tpu.dma_semaphore, #tpu.memory_space<semaphore_mem>>)
        %dma_wait3A_297 = tpu.memref_slice %arg4[%add3A_221] : memref<80000xi32, #tpu.memory_space<hbm>> -> memref<1000xi32, #tpu.memory_space<hbm>>
        %dma_wait3A_298 = tpu.memref_slice %arg4[%add3A_221] : memref<80000xi32, #tpu.memory_space<hbm>> -> memref<1000xi32, #tpu.memory_space<hbm>>
        tpu.wait_dma2 semaphore(%run_scoped3A : memref<!tpu.dma_semaphore, #tpu.memory_space<semaphore_mem>>) src(%dma_wait3A_298 : memref<1000xi32, #tpu.memory_space<hbm>>) dst(%arg22 : memref<1000xi32, #tpu.memory_space<vmem>>)
        tpu.yield
      }) : () -> ()
      "tpu.region"() ({
        %run_scoped3A = tpu.sem_alloc : memref<!tpu.dma_semaphore, #tpu.memory_space<semaphore_mem>>
        %dma_start3A_295 = tpu.memref_slice %arg5[%add3A_221] : memref<80000xi32, #tpu.memory_space<hbm>> -> memref<1000xi32, #tpu.memory_space<hbm>>
        %dma_start3A_296 = tpu.memref_slice %arg5[%add3A_221] : memref<80000xi32, #tpu.memory_space<hbm>> -> memref<1000xi32, #tpu.memory_space<hbm>>
        tpu.enqueue_dma source(%dma_start3A_296 : memref<1000xi32, #tpu.memory_space<hbm>>) target(%arg24 : memref<1000xi32, #tpu.memory_space<vmem>>) target_semaphore(%run_scoped3A : memref<!tpu.dma_semaphore, #tpu.memory_space<semaphore_mem>>)
        %dma_wait3A_297 = tpu.memref_slice %arg5[%add3A_221] : memref<80000xi32, #tpu.memory_space<hbm>> -> memref<1000xi32, #tpu.memory_space<hbm>>
        %dma_wait3A_298 = tpu.memref_slice %arg5[%add3A_221] : memref<80000xi32, #tpu.memory_space<hbm>> -> memref<1000xi32, #tpu.memory_space<hbm>>
        tpu.wait_dma2 semaphore(%run_scoped3A : memref<!tpu.dma_semaphore, #tpu.memory_space<semaphore_mem>>) src(%dma_wait3A_298 : memref<1000xi32, #tpu.memory_space<hbm>>) dst(%arg24 : memref<1000xi32, #tpu.memory_space<vmem>>)
        tpu.yield
      }) : () -> ()
      %dma_start3A_222 = arith.constant 0 : i32
      %dma_start3A_223 = arith.constant 0 : i32
      %dma_start3A_224 = tpu.memref_slice %arg10[%dma_start3A_222, %dma_start3A_223] : memref<40000x32xf32, #tpu.memory_space<hbm>> -> memref<40000x32xf32, #tpu.memory_space<hbm>>
      tpu.enqueue_indirect_dma source(%dma_start3A_224 : memref<40000x32xf32, #tpu.memory_space<hbm>>) target(%arg26 : memref<1000x32xf32, #tpu.memory_space<vmem>>) offsets(%arg22 : memref<1000xi32, #tpu.memory_space<vmem>>) semaphore(%arg31 : memref<!tpu.dma_semaphore, #tpu.memory_space<semaphore_mem>>)
      %dma_start3A_225 = arith.constant 0 : i32
      %dma_start3A_226 = tpu.memref_slice %arg12[%dma_start3A_225] : memref<10000xf32, #tpu.memory_space<hbm>> -> memref<10000xf32, #tpu.memory_space<hbm>>
      tpu.enqueue_indirect_dma source(%dma_start3A_226 : memref<10000xf32, #tpu.memory_space<hbm>>) target(%arg28 : memref<1000xf32, #tpu.memory_space<vmem>>) offsets(%arg24 : memref<1000xi32, #tpu.memory_space<vmem>>) semaphore(%arg32 : memref<!tpu.dma_semaphore, #tpu.memory_space<semaphore_mem>>)
      %dma_wait3A_227 = arith.constant 0 : i32
      %dma_wait3A_228 = arith.constant 0 : i32
      %dma_wait3A_229 = tpu.memref_slice %arg10[%dma_wait3A_227, %dma_wait3A_228] : memref<40000x32xf32, #tpu.memory_space<hbm>> -> memref<40000x32xf32, #tpu.memory_space<hbm>>
      tpu.wait_indirect_dma semaphore(%arg31 : memref<!tpu.dma_semaphore, #tpu.memory_space<semaphore_mem>>) src(%dma_wait3A_229 : memref<40000x32xf32, #tpu.memory_space<hbm>>) dst(%arg26 : memref<1000x32xf32, #tpu.memory_space<vmem>>)
      %dma_wait3A_230 = arith.constant 0 : i32
      %dma_wait3A_231 = tpu.memref_slice %arg12[%dma_wait3A_230] : memref<10000xf32, #tpu.memory_space<hbm>> -> memref<10000xf32, #tpu.memory_space<hbm>>
      tpu.wait_indirect_dma semaphore(%arg32 : memref<!tpu.dma_semaphore, #tpu.memory_space<semaphore_mem>>) src(%dma_wait3A_231 : memref<10000xf32, #tpu.memory_space<hbm>>) dst(%arg28 : memref<1000xf32, #tpu.memory_space<vmem>>)
      %dma_start3A_232 = arith.constant 0 : i32
      %dma_start3A_233 = arith.constant 0 : i32
      %dma_start3A_234 = tpu.memref_slice %arg20[%dma_start3A_232, %dma_start3A_233] : memref<10000x32xf32, #tpu.memory_space<vmem_shared>> -> memref<10000x32xf32, #tpu.memory_space<vmem_shared>>
      tpu.enqueue_indirect_dma source(%arg26 : memref<1000x32xf32, #tpu.memory_space<vmem>>) target(%dma_start3A_234 : memref<10000x32xf32, #tpu.memory_space<vmem_shared>>) offsets(%arg24 : memref<1000xi32, #tpu.memory_space<vmem>>) semaphore(%arg33 : memref<!tpu.dma_semaphore, #tpu.memory_space<semaphore_mem>>) {add = true}
      %dma_start3A_235 = arith.constant 0 : i32
      %dma_start3A_236 = tpu.memref_slice %arg21[%dma_start3A_235] : memref<40000xf32, #tpu.memory_space<vmem_shared>> -> memref<40000xf32, #tpu.memory_space<vmem_shared>>
      tpu.enqueue_indirect_dma source(%arg28 : memref<1000xf32, #tpu.memory_space<vmem>>) target(%dma_start3A_236 : memref<40000xf32, #tpu.memory_space<vmem_shared>>) offsets(%arg22 : memref<1000xi32, #tpu.memory_space<vmem>>) semaphore(%arg35 : memref<!tpu.dma_semaphore, #tpu.memory_space<semaphore_mem>>) {add = true}
      %dma_wait3A_237 = arith.constant 0 : i32
      %dma_wait3A_238 = arith.constant 0 : i32
      %dma_wait3A_239 = tpu.memref_slice %arg20[%dma_wait3A_237, %dma_wait3A_238] : memref<10000x32xf32, #tpu.memory_space<vmem_shared>> -> memref<10000x32xf32, #tpu.memory_space<vmem_shared>>
      tpu.wait_indirect_dma semaphore(%arg34 : memref<!tpu.dma_semaphore, #tpu.memory_space<semaphore_mem>>) src(%arg27 : memref<1000x32xf32, #tpu.memory_space<vmem>>) dst(%dma_wait3A_239 : memref<10000x32xf32, #tpu.memory_space<vmem_shared>>)
      %dma_wait3A_240 = arith.constant 0 : i32
      %dma_wait3A_241 = tpu.memref_slice %arg21[%dma_wait3A_240] : memref<40000xf32, #tpu.memory_space<vmem_shared>> -> memref<40000xf32, #tpu.memory_space<vmem_shared>>
      tpu.wait_indirect_dma semaphore(%arg36 : memref<!tpu.dma_semaphore, #tpu.memory_space<semaphore_mem>>) src(%arg29 : memref<1000xf32, #tpu.memory_space<vmem>>) dst(%dma_wait3A_241 : memref<40000xf32, #tpu.memory_space<vmem_shared>>)
      %mul3A_242 = arith.constant 5000 : i32
      %mul3A_243 = arith.muli %arg1, %mul3A_242 : i32
      %add3A_244 = arith.constant 3000 : i32
      %add3A_245 = arith.addi %mul3A_243, %add3A_244 : i32
      "tpu.region"() ({
        %run_scoped3A = tpu.sem_alloc : memref<!tpu.dma_semaphore, #tpu.memory_space<semaphore_mem>>
        %dma_start3A_295 = tpu.memref_slice %arg4[%add3A_245] : memref<80000xi32, #tpu.memory_space<hbm>> -> memref<1000xi32, #tpu.memory_space<hbm>>
        %dma_start3A_296 = tpu.memref_slice %arg4[%add3A_245] : memref<80000xi32, #tpu.memory_space<hbm>> -> memref<1000xi32, #tpu.memory_space<hbm>>
        tpu.enqueue_dma source(%dma_start3A_296 : memref<1000xi32, #tpu.memory_space<hbm>>) target(%arg23 : memref<1000xi32, #tpu.memory_space<vmem>>) target_semaphore(%run_scoped3A : memref<!tpu.dma_semaphore, #tpu.memory_space<semaphore_mem>>)
        %dma_wait3A_297 = tpu.memref_slice %arg4[%add3A_245] : memref<80000xi32, #tpu.memory_space<hbm>> -> memref<1000xi32, #tpu.memory_space<hbm>>
        %dma_wait3A_298 = tpu.memref_slice %arg4[%add3A_245] : memref<80000xi32, #tpu.memory_space<hbm>> -> memref<1000xi32, #tpu.memory_space<hbm>>
        tpu.wait_dma2 semaphore(%run_scoped3A : memref<!tpu.dma_semaphore, #tpu.memory_space<semaphore_mem>>) src(%dma_wait3A_298 : memref<1000xi32, #tpu.memory_space<hbm>>) dst(%arg23 : memref<1000xi32, #tpu.memory_space<vmem>>)
        tpu.yield
      }) : () -> ()
      "tpu.region"() ({
        %run_scoped3A = tpu.sem_alloc : memref<!tpu.dma_semaphore, #tpu.memory_space<semaphore_mem>>
        %dma_start3A_295 = tpu.memref_slice %arg5[%add3A_245] : memref<80000xi32, #tpu.memory_space<hbm>> -> memref<1000xi32, #tpu.memory_space<hbm>>
        %dma_start3A_296 = tpu.memref_slice %arg5[%add3A_245] : memref<80000xi32, #tpu.memory_space<hbm>> -> memref<1000xi32, #tpu.memory_space<hbm>>
        tpu.enqueue_dma source(%dma_start3A_296 : memref<1000xi32, #tpu.memory_space<hbm>>) target(%arg25 : memref<1000xi32, #tpu.memory_space<vmem>>) target_semaphore(%run_scoped3A : memref<!tpu.dma_semaphore, #tpu.memory_space<semaphore_mem>>)
        %dma_wait3A_297 = tpu.memref_slice %arg5[%add3A_245] : memref<80000xi32, #tpu.memory_space<hbm>> -> memref<1000xi32, #tpu.memory_space<hbm>>
        %dma_wait3A_298 = tpu.memref_slice %arg5[%add3A_245] : memref<80000xi32, #tpu.memory_space<hbm>> -> memref<1000xi32, #tpu.memory_space<hbm>>
        tpu.wait_dma2 semaphore(%run_scoped3A : memref<!tpu.dma_semaphore, #tpu.memory_space<semaphore_mem>>) src(%dma_wait3A_298 : memref<1000xi32, #tpu.memory_space<hbm>>) dst(%arg25 : memref<1000xi32, #tpu.memory_space<vmem>>)
        tpu.yield
      }) : () -> ()
      %dma_start3A_246 = arith.constant 0 : i32
      %dma_start3A_247 = arith.constant 0 : i32
      %dma_start3A_248 = tpu.memref_slice %arg10[%dma_start3A_246, %dma_start3A_247] : memref<40000x32xf32, #tpu.memory_space<hbm>> -> memref<40000x32xf32, #tpu.memory_space<hbm>>
      tpu.enqueue_indirect_dma source(%dma_start3A_248 : memref<40000x32xf32, #tpu.memory_space<hbm>>) target(%arg27 : memref<1000x32xf32, #tpu.memory_space<vmem>>) offsets(%arg23 : memref<1000xi32, #tpu.memory_space<vmem>>) semaphore(%arg31 : memref<!tpu.dma_semaphore, #tpu.memory_space<semaphore_mem>>)
      %dma_start3A_249 = arith.constant 0 : i32
      %dma_start3A_250 = tpu.memref_slice %arg12[%dma_start3A_249] : memref<10000xf32, #tpu.memory_space<hbm>> -> memref<10000xf32, #tpu.memory_space<hbm>>
      tpu.enqueue_indirect_dma source(%dma_start3A_250 : memref<10000xf32, #tpu.memory_space<hbm>>) target(%arg29 : memref<1000xf32, #tpu.memory_space<vmem>>) offsets(%arg25 : memref<1000xi32, #tpu.memory_space<vmem>>) semaphore(%arg32 : memref<!tpu.dma_semaphore, #tpu.memory_space<semaphore_mem>>)
      %dma_wait3A_251 = arith.constant 0 : i32
      %dma_wait3A_252 = arith.constant 0 : i32
      %dma_wait3A_253 = tpu.memref_slice %arg10[%dma_wait3A_251, %dma_wait3A_252] : memref<40000x32xf32, #tpu.memory_space<hbm>> -> memref<40000x32xf32, #tpu.memory_space<hbm>>
      tpu.wait_indirect_dma semaphore(%arg31 : memref<!tpu.dma_semaphore, #tpu.memory_space<semaphore_mem>>) src(%dma_wait3A_253 : memref<40000x32xf32, #tpu.memory_space<hbm>>) dst(%arg27 : memref<1000x32xf32, #tpu.memory_space<vmem>>)
      %dma_wait3A_254 = arith.constant 0 : i32
      %dma_wait3A_255 = tpu.memref_slice %arg12[%dma_wait3A_254] : memref<10000xf32, #tpu.memory_space<hbm>> -> memref<10000xf32, #tpu.memory_space<hbm>>
      tpu.wait_indirect_dma semaphore(%arg32 : memref<!tpu.dma_semaphore, #tpu.memory_space<semaphore_mem>>) src(%dma_wait3A_255 : memref<10000xf32, #tpu.memory_space<hbm>>) dst(%arg29 : memref<1000xf32, #tpu.memory_space<vmem>>)
      %dma_start3A_256 = arith.constant 0 : i32
      %dma_start3A_257 = arith.constant 0 : i32
      %dma_start3A_258 = tpu.memref_slice %arg20[%dma_start3A_256, %dma_start3A_257] : memref<10000x32xf32, #tpu.memory_space<vmem_shared>> -> memref<10000x32xf32, #tpu.memory_space<vmem_shared>>
      tpu.enqueue_indirect_dma source(%arg27 : memref<1000x32xf32, #tpu.memory_space<vmem>>) target(%dma_start3A_258 : memref<10000x32xf32, #tpu.memory_space<vmem_shared>>) offsets(%arg25 : memref<1000xi32, #tpu.memory_space<vmem>>) semaphore(%arg34 : memref<!tpu.dma_semaphore, #tpu.memory_space<semaphore_mem>>) {add = true}
      %dma_start3A_259 = arith.constant 0 : i32
      %dma_start3A_260 = tpu.memref_slice %arg21[%dma_start3A_259] : memref<40000xf32, #tpu.memory_space<vmem_shared>> -> memref<40000xf32, #tpu.memory_space<vmem_shared>>
      tpu.enqueue_indirect_dma source(%arg29 : memref<1000xf32, #tpu.memory_space<vmem>>) target(%dma_start3A_260 : memref<40000xf32, #tpu.memory_space<vmem_shared>>) offsets(%arg23 : memref<1000xi32, #tpu.memory_space<vmem>>) semaphore(%arg36 : memref<!tpu.dma_semaphore, #tpu.memory_space<semaphore_mem>>) {add = true}
      %dma_wait3A_261 = arith.constant 0 : i32
      %dma_wait3A_262 = arith.constant 0 : i32
      %dma_wait3A_263 = tpu.memref_slice %arg20[%dma_wait3A_261, %dma_wait3A_262] : memref<10000x32xf32, #tpu.memory_space<vmem_shared>> -> memref<10000x32xf32, #tpu.memory_space<vmem_shared>>
      tpu.wait_indirect_dma semaphore(%arg33 : memref<!tpu.dma_semaphore, #tpu.memory_space<semaphore_mem>>) src(%arg26 : memref<1000x32xf32, #tpu.memory_space<vmem>>) dst(%dma_wait3A_263 : memref<10000x32xf32, #tpu.memory_space<vmem_shared>>)
      %dma_wait3A_264 = arith.constant 0 : i32
      %dma_wait3A_265 = tpu.memref_slice %arg21[%dma_wait3A_264] : memref<40000xf32, #tpu.memory_space<vmem_shared>> -> memref<40000xf32, #tpu.memory_space<vmem_shared>>
      tpu.wait_indirect_dma semaphore(%arg35 : memref<!tpu.dma_semaphore, #tpu.memory_space<semaphore_mem>>) src(%arg28 : memref<1000xf32, #tpu.memory_space<vmem>>) dst(%dma_wait3A_265 : memref<40000xf32, #tpu.memory_space<vmem_shared>>)
      %mul3A_266 = arith.constant 5000 : i32
      %mul3A_267 = arith.muli %arg1, %mul3A_266 : i32
      %add3A_268 = arith.constant 4000 : i32
      %add3A_269 = arith.addi %mul3A_267, %add3A_268 : i32
      "tpu.region"() ({
        %run_scoped3A = tpu.sem_alloc : memref<!tpu.dma_semaphore, #tpu.memory_space<semaphore_mem>>
        %dma_start3A_295 = tpu.memref_slice %arg4[%add3A_269] : memref<80000xi32, #tpu.memory_space<hbm>> -> memref<1000xi32, #tpu.memory_space<hbm>>
        %dma_start3A_296 = tpu.memref_slice %arg4[%add3A_269] : memref<80000xi32, #tpu.memory_space<hbm>> -> memref<1000xi32, #tpu.memory_space<hbm>>
        tpu.enqueue_dma source(%dma_start3A_296 : memref<1000xi32, #tpu.memory_space<hbm>>) target(%arg22 : memref<1000xi32, #tpu.memory_space<vmem>>) target_semaphore(%run_scoped3A : memref<!tpu.dma_semaphore, #tpu.memory_space<semaphore_mem>>)
        %dma_wait3A_297 = tpu.memref_slice %arg4[%add3A_269] : memref<80000xi32, #tpu.memory_space<hbm>> -> memref<1000xi32, #tpu.memory_space<hbm>>
        %dma_wait3A_298 = tpu.memref_slice %arg4[%add3A_269] : memref<80000xi32, #tpu.memory_space<hbm>> -> memref<1000xi32, #tpu.memory_space<hbm>>
        tpu.wait_dma2 semaphore(%run_scoped3A : memref<!tpu.dma_semaphore, #tpu.memory_space<semaphore_mem>>) src(%dma_wait3A_298 : memref<1000xi32, #tpu.memory_space<hbm>>) dst(%arg22 : memref<1000xi32, #tpu.memory_space<vmem>>)
        tpu.yield
      }) : () -> ()
      "tpu.region"() ({
        %run_scoped3A = tpu.sem_alloc : memref<!tpu.dma_semaphore, #tpu.memory_space<semaphore_mem>>
        %dma_start3A_295 = tpu.memref_slice %arg5[%add3A_269] : memref<80000xi32, #tpu.memory_space<hbm>> -> memref<1000xi32, #tpu.memory_space<hbm>>
        %dma_start3A_296 = tpu.memref_slice %arg5[%add3A_269] : memref<80000xi32, #tpu.memory_space<hbm>> -> memref<1000xi32, #tpu.memory_space<hbm>>
        tpu.enqueue_dma source(%dma_start3A_296 : memref<1000xi32, #tpu.memory_space<hbm>>) target(%arg24 : memref<1000xi32, #tpu.memory_space<vmem>>) target_semaphore(%run_scoped3A : memref<!tpu.dma_semaphore, #tpu.memory_space<semaphore_mem>>)
        %dma_wait3A_297 = tpu.memref_slice %arg5[%add3A_269] : memref<80000xi32, #tpu.memory_space<hbm>> -> memref<1000xi32, #tpu.memory_space<hbm>>
        %dma_wait3A_298 = tpu.memref_slice %arg5[%add3A_269] : memref<80000xi32, #tpu.memory_space<hbm>> -> memref<1000xi32, #tpu.memory_space<hbm>>
        tpu.wait_dma2 semaphore(%run_scoped3A : memref<!tpu.dma_semaphore, #tpu.memory_space<semaphore_mem>>) src(%dma_wait3A_298 : memref<1000xi32, #tpu.memory_space<hbm>>) dst(%arg24 : memref<1000xi32, #tpu.memory_space<vmem>>)
        tpu.yield
      }) : () -> ()
      %dma_start3A_270 = arith.constant 0 : i32
      %dma_start3A_271 = arith.constant 0 : i32
      %dma_start3A_272 = tpu.memref_slice %arg10[%dma_start3A_270, %dma_start3A_271] : memref<40000x32xf32, #tpu.memory_space<hbm>> -> memref<40000x32xf32, #tpu.memory_space<hbm>>
      tpu.enqueue_indirect_dma source(%dma_start3A_272 : memref<40000x32xf32, #tpu.memory_space<hbm>>) target(%arg26 : memref<1000x32xf32, #tpu.memory_space<vmem>>) offsets(%arg22 : memref<1000xi32, #tpu.memory_space<vmem>>) semaphore(%arg31 : memref<!tpu.dma_semaphore, #tpu.memory_space<semaphore_mem>>)
      %dma_start3A_273 = arith.constant 0 : i32
      %dma_start3A_274 = tpu.memref_slice %arg12[%dma_start3A_273] : memref<10000xf32, #tpu.memory_space<hbm>> -> memref<10000xf32, #tpu.memory_space<hbm>>
      tpu.enqueue_indirect_dma source(%dma_start3A_274 : memref<10000xf32, #tpu.memory_space<hbm>>) target(%arg28 : memref<1000xf32, #tpu.memory_space<vmem>>) offsets(%arg24 : memref<1000xi32, #tpu.memory_space<vmem>>) semaphore(%arg32 : memref<!tpu.dma_semaphore, #tpu.memory_space<semaphore_mem>>)
      %dma_wait3A_275 = arith.constant 0 : i32
      %dma_wait3A_276 = arith.constant 0 : i32
      %dma_wait3A_277 = tpu.memref_slice %arg10[%dma_wait3A_275, %dma_wait3A_276] : memref<40000x32xf32, #tpu.memory_space<hbm>> -> memref<40000x32xf32, #tpu.memory_space<hbm>>
      tpu.wait_indirect_dma semaphore(%arg31 : memref<!tpu.dma_semaphore, #tpu.memory_space<semaphore_mem>>) src(%dma_wait3A_277 : memref<40000x32xf32, #tpu.memory_space<hbm>>) dst(%arg26 : memref<1000x32xf32, #tpu.memory_space<vmem>>)
      %dma_wait3A_278 = arith.constant 0 : i32
      %dma_wait3A_279 = tpu.memref_slice %arg12[%dma_wait3A_278] : memref<10000xf32, #tpu.memory_space<hbm>> -> memref<10000xf32, #tpu.memory_space<hbm>>
      tpu.wait_indirect_dma semaphore(%arg32 : memref<!tpu.dma_semaphore, #tpu.memory_space<semaphore_mem>>) src(%dma_wait3A_279 : memref<10000xf32, #tpu.memory_space<hbm>>) dst(%arg28 : memref<1000xf32, #tpu.memory_space<vmem>>)
      %dma_start3A_280 = arith.constant 0 : i32
      %dma_start3A_281 = arith.constant 0 : i32
      %dma_start3A_282 = tpu.memref_slice %arg20[%dma_start3A_280, %dma_start3A_281] : memref<10000x32xf32, #tpu.memory_space<vmem_shared>> -> memref<10000x32xf32, #tpu.memory_space<vmem_shared>>
      tpu.enqueue_indirect_dma source(%arg26 : memref<1000x32xf32, #tpu.memory_space<vmem>>) target(%dma_start3A_282 : memref<10000x32xf32, #tpu.memory_space<vmem_shared>>) offsets(%arg24 : memref<1000xi32, #tpu.memory_space<vmem>>) semaphore(%arg33 : memref<!tpu.dma_semaphore, #tpu.memory_space<semaphore_mem>>) {add = true}
      %dma_start3A_283 = arith.constant 0 : i32
      %dma_start3A_284 = tpu.memref_slice %arg21[%dma_start3A_283] : memref<40000xf32, #tpu.memory_space<vmem_shared>> -> memref<40000xf32, #tpu.memory_space<vmem_shared>>
      tpu.enqueue_indirect_dma source(%arg28 : memref<1000xf32, #tpu.memory_space<vmem>>) target(%dma_start3A_284 : memref<40000xf32, #tpu.memory_space<vmem_shared>>) offsets(%arg22 : memref<1000xi32, #tpu.memory_space<vmem>>) semaphore(%arg35 : memref<!tpu.dma_semaphore, #tpu.memory_space<semaphore_mem>>) {add = true}
      %dma_wait3A_285 = arith.constant 0 : i32
      %dma_wait3A_286 = arith.constant 0 : i32
      %dma_wait3A_287 = tpu.memref_slice %arg20[%dma_wait3A_285, %dma_wait3A_286] : memref<10000x32xf32, #tpu.memory_space<vmem_shared>> -> memref<10000x32xf32, #tpu.memory_space<vmem_shared>>
      tpu.wait_indirect_dma semaphore(%arg34 : memref<!tpu.dma_semaphore, #tpu.memory_space<semaphore_mem>>) src(%arg27 : memref<1000x32xf32, #tpu.memory_space<vmem>>) dst(%dma_wait3A_287 : memref<10000x32xf32, #tpu.memory_space<vmem_shared>>)
      %dma_wait3A_288 = arith.constant 0 : i32
      %dma_wait3A_289 = tpu.memref_slice %arg21[%dma_wait3A_288] : memref<40000xf32, #tpu.memory_space<vmem_shared>> -> memref<40000xf32, #tpu.memory_space<vmem_shared>>
      tpu.wait_indirect_dma semaphore(%arg36 : memref<!tpu.dma_semaphore, #tpu.memory_space<semaphore_mem>>) src(%arg29 : memref<1000xf32, #tpu.memory_space<vmem>>) dst(%dma_wait3A_289 : memref<40000xf32, #tpu.memory_space<vmem_shared>>)
      %dma_wait3A_290 = arith.constant 0 : i32
      %dma_wait3A_291 = arith.constant 0 : i32
      %dma_wait3A_292 = tpu.memref_slice %arg20[%dma_wait3A_290, %dma_wait3A_291] : memref<10000x32xf32, #tpu.memory_space<vmem_shared>> -> memref<10000x32xf32, #tpu.memory_space<vmem_shared>>
      tpu.wait_indirect_dma semaphore(%arg33 : memref<!tpu.dma_semaphore, #tpu.memory_space<semaphore_mem>>) src(%arg26 : memref<1000x32xf32, #tpu.memory_space<vmem>>) dst(%dma_wait3A_292 : memref<10000x32xf32, #tpu.memory_space<vmem_shared>>)
      %dma_wait3A_293 = arith.constant 0 : i32
      %dma_wait3A_294 = tpu.memref_slice %arg21[%dma_wait3A_293] : memref<40000xf32, #tpu.memory_space<vmem_shared>> -> memref<40000xf32, #tpu.memory_space<vmem_shared>>
      tpu.wait_indirect_dma semaphore(%arg35 : memref<!tpu.dma_semaphore, #tpu.memory_space<semaphore_mem>>) src(%arg28 : memref<1000xf32, #tpu.memory_space<vmem>>) dst(%dma_wait3A_294 : memref<40000xf32, #tpu.memory_space<vmem_shared>>)
    } else {
    }
    %eq3A_33 = arith.constant 1 : i32
    %eq3A_34 = arith.cmpi eq, %arg0, %eq3A_33 : i32
    %convert_element_type3A_35 = arith.extui %eq3A_34 : i1 to i32
    %cond3A_36 = arith.constant 0 : i32
    %cond3A_37 = arith.cmpi ne, %convert_element_type3A_35, %cond3A_36 : i32
    scf.if %cond3A_37 {
      %mul3A = arith.constant 5000 : i32
      %mul3A_59 = arith.muli %arg1, %mul3A : i32
      %add3A = arith.constant 0 : i32
      %add3A_60 = arith.addi %mul3A_59, %add3A : i32
      "tpu.region"() ({
        %run_scoped3A = tpu.sem_alloc : memref<!tpu.dma_semaphore, #tpu.memory_space<semaphore_mem>>
        %dma_start3A_295 = tpu.memref_slice %arg6[%add3A_60] : memref<80000xi32, #tpu.memory_space<hbm>> -> memref<1000xi32, #tpu.memory_space<hbm>>
        %dma_start3A_296 = tpu.memref_slice %arg6[%add3A_60] : memref<80000xi32, #tpu.memory_space<hbm>> -> memref<1000xi32, #tpu.memory_space<hbm>>
        tpu.enqueue_dma source(%dma_start3A_296 : memref<1000xi32, #tpu.memory_space<hbm>>) target(%arg22 : memref<1000xi32, #tpu.memory_space<vmem>>) target_semaphore(%run_scoped3A : memref<!tpu.dma_semaphore, #tpu.memory_space<semaphore_mem>>)
        %dma_wait3A_297 = tpu.memref_slice %arg6[%add3A_60] : memref<80000xi32, #tpu.memory_space<hbm>> -> memref<1000xi32, #tpu.memory_space<hbm>>
        %dma_wait3A_298 = tpu.memref_slice %arg6[%add3A_60] : memref<80000xi32, #tpu.memory_space<hbm>> -> memref<1000xi32, #tpu.memory_space<hbm>>
        tpu.wait_dma2 semaphore(%run_scoped3A : memref<!tpu.dma_semaphore, #tpu.memory_space<semaphore_mem>>) src(%dma_wait3A_298 : memref<1000xi32, #tpu.memory_space<hbm>>) dst(%arg22 : memref<1000xi32, #tpu.memory_space<vmem>>)
        tpu.yield
      }) : () -> ()
      "tpu.region"() ({
        %run_scoped3A = tpu.sem_alloc : memref<!tpu.dma_semaphore, #tpu.memory_space<semaphore_mem>>
        %dma_start3A_295 = tpu.memref_slice %arg7[%add3A_60] : memref<80000xi32, #tpu.memory_space<hbm>> -> memref<1000xi32, #tpu.memory_space<hbm>>
        %dma_start3A_296 = tpu.memref_slice %arg7[%add3A_60] : memref<80000xi32, #tpu.memory_space<hbm>> -> memref<1000xi32, #tpu.memory_space<hbm>>
        tpu.enqueue_dma source(%dma_start3A_296 : memref<1000xi32, #tpu.memory_space<hbm>>) target(%arg24 : memref<1000xi32, #tpu.memory_space<vmem>>) target_semaphore(%run_scoped3A : memref<!tpu.dma_semaphore, #tpu.memory_space<semaphore_mem>>)
        %dma_wait3A_297 = tpu.memref_slice %arg7[%add3A_60] : memref<80000xi32, #tpu.memory_space<hbm>> -> memref<1000xi32, #tpu.memory_space<hbm>>
        %dma_wait3A_298 = tpu.memref_slice %arg7[%add3A_60] : memref<80000xi32, #tpu.memory_space<hbm>> -> memref<1000xi32, #tpu.memory_space<hbm>>
        tpu.wait_dma2 semaphore(%run_scoped3A : memref<!tpu.dma_semaphore, #tpu.memory_space<semaphore_mem>>) src(%dma_wait3A_298 : memref<1000xi32, #tpu.memory_space<hbm>>) dst(%arg24 : memref<1000xi32, #tpu.memory_space<vmem>>)
        tpu.yield
      }) : () -> ()
      %dma_start3A = arith.constant 0 : i32
      %dma_start3A_61 = arith.constant 0 : i32
      %dma_start3A_62 = tpu.memref_slice %arg10[%dma_start3A, %dma_start3A_61] : memref<40000x32xf32, #tpu.memory_space<hbm>> -> memref<40000x32xf32, #tpu.memory_space<hbm>>
      tpu.enqueue_indirect_dma source(%dma_start3A_62 : memref<40000x32xf32, #tpu.memory_space<hbm>>) target(%arg26 : memref<1000x32xf32, #tpu.memory_space<vmem>>) offsets(%arg22 : memref<1000xi32, #tpu.memory_space<vmem>>) semaphore(%arg31 : memref<!tpu.dma_semaphore, #tpu.memory_space<semaphore_mem>>)
      %dma_start3A_63 = arith.constant 0 : i32
      %dma_start3A_64 = tpu.memref_slice %arg13[%dma_start3A_63] : memref<10000xf32, #tpu.memory_space<hbm>> -> memref<10000xf32, #tpu.memory_space<hbm>>
      tpu.enqueue_indirect_dma source(%dma_start3A_64 : memref<10000xf32, #tpu.memory_space<hbm>>) target(%arg28 : memref<1000xf32, #tpu.memory_space<vmem>>) offsets(%arg24 : memref<1000xi32, #tpu.memory_space<vmem>>) semaphore(%arg32 : memref<!tpu.dma_semaphore, #tpu.memory_space<semaphore_mem>>)
      %dma_wait3A = arith.constant 0 : i32
      %dma_wait3A_65 = arith.constant 0 : i32
      %dma_wait3A_66 = tpu.memref_slice %arg10[%dma_wait3A, %dma_wait3A_65] : memref<40000x32xf32, #tpu.memory_space<hbm>> -> memref<40000x32xf32, #tpu.memory_space<hbm>>
      tpu.wait_indirect_dma semaphore(%arg31 : memref<!tpu.dma_semaphore, #tpu.memory_space<semaphore_mem>>) src(%dma_wait3A_66 : memref<40000x32xf32, #tpu.memory_space<hbm>>) dst(%arg26 : memref<1000x32xf32, #tpu.memory_space<vmem>>)
      %dma_wait3A_67 = arith.constant 0 : i32
      %dma_wait3A_68 = tpu.memref_slice %arg13[%dma_wait3A_67] : memref<10000xf32, #tpu.memory_space<hbm>> -> memref<10000xf32, #tpu.memory_space<hbm>>
      tpu.wait_indirect_dma semaphore(%arg32 : memref<!tpu.dma_semaphore, #tpu.memory_space<semaphore_mem>>) src(%dma_wait3A_68 : memref<10000xf32, #tpu.memory_space<hbm>>) dst(%arg28 : memref<1000xf32, #tpu.memory_space<vmem>>)
      %dma_start3A_69 = arith.constant 0 : i32
      %dma_start3A_70 = arith.constant 0 : i32
      %dma_start3A_71 = tpu.memref_slice %arg19[%dma_start3A_69, %dma_start3A_70] : memref<10000x32xf32, #tpu.memory_space<vmem_shared>> -> memref<10000x32xf32, #tpu.memory_space<vmem_shared>>
      tpu.enqueue_indirect_dma source(%arg26 : memref<1000x32xf32, #tpu.memory_space<vmem>>) target(%dma_start3A_71 : memref<10000x32xf32, #tpu.memory_space<vmem_shared>>) offsets(%arg24 : memref<1000xi32, #tpu.memory_space<vmem>>) semaphore(%arg33 : memref<!tpu.dma_semaphore, #tpu.memory_space<semaphore_mem>>) {add = true}
      %dma_start3A_72 = arith.constant 0 : i32
      %dma_start3A_73 = tpu.memref_slice %arg21[%dma_start3A_72] : memref<40000xf32, #tpu.memory_space<vmem_shared>> -> memref<40000xf32, #tpu.memory_space<vmem_shared>>
      tpu.enqueue_indirect_dma source(%arg28 : memref<1000xf32, #tpu.memory_space<vmem>>) target(%dma_start3A_73 : memref<40000xf32, #tpu.memory_space<vmem_shared>>) offsets(%arg22 : memref<1000xi32, #tpu.memory_space<vmem>>) semaphore(%arg35 : memref<!tpu.dma_semaphore, #tpu.memory_space<semaphore_mem>>) {add = true}
      %mul3A_74 = arith.constant 5000 : i32
      %mul3A_75 = arith.muli %arg1, %mul3A_74 : i32
      %add3A_76 = arith.constant 1000 : i32
      %add3A_77 = arith.addi %mul3A_75, %add3A_76 : i32
      "tpu.region"() ({
        %run_scoped3A = tpu.sem_alloc : memref<!tpu.dma_semaphore, #tpu.memory_space<semaphore_mem>>
        %dma_start3A_295 = tpu.memref_slice %arg6[%add3A_77] : memref<80000xi32, #tpu.memory_space<hbm>> -> memref<1000xi32, #tpu.memory_space<hbm>>
        %dma_start3A_296 = tpu.memref_slice %arg6[%add3A_77] : memref<80000xi32, #tpu.memory_space<hbm>> -> memref<1000xi32, #tpu.memory_space<hbm>>
        tpu.enqueue_dma source(%dma_start3A_296 : memref<1000xi32, #tpu.memory_space<hbm>>) target(%arg23 : memref<1000xi32, #tpu.memory_space<vmem>>) target_semaphore(%run_scoped3A : memref<!tpu.dma_semaphore, #tpu.memory_space<semaphore_mem>>)
        %dma_wait3A_297 = tpu.memref_slice %arg6[%add3A_77] : memref<80000xi32, #tpu.memory_space<hbm>> -> memref<1000xi32, #tpu.memory_space<hbm>>
        %dma_wait3A_298 = tpu.memref_slice %arg6[%add3A_77] : memref<80000xi32, #tpu.memory_space<hbm>> -> memref<1000xi32, #tpu.memory_space<hbm>>
        tpu.wait_dma2 semaphore(%run_scoped3A : memref<!tpu.dma_semaphore, #tpu.memory_space<semaphore_mem>>) src(%dma_wait3A_298 : memref<1000xi32, #tpu.memory_space<hbm>>) dst(%arg23 : memref<1000xi32, #tpu.memory_space<vmem>>)
        tpu.yield
      }) : () -> ()
      "tpu.region"() ({
        %run_scoped3A = tpu.sem_alloc : memref<!tpu.dma_semaphore, #tpu.memory_space<semaphore_mem>>
        %dma_start3A_295 = tpu.memref_slice %arg7[%add3A_77] : memref<80000xi32, #tpu.memory_space<hbm>> -> memref<1000xi32, #tpu.memory_space<hbm>>
        %dma_start3A_296 = tpu.memref_slice %arg7[%add3A_77] : memref<80000xi32, #tpu.memory_space<hbm>> -> memref<1000xi32, #tpu.memory_space<hbm>>
        tpu.enqueue_dma source(%dma_start3A_296 : memref<1000xi32, #tpu.memory_space<hbm>>) target(%arg25 : memref<1000xi32, #tpu.memory_space<vmem>>) target_semaphore(%run_scoped3A : memref<!tpu.dma_semaphore, #tpu.memory_space<semaphore_mem>>)
        %dma_wait3A_297 = tpu.memref_slice %arg7[%add3A_77] : memref<80000xi32, #tpu.memory_space<hbm>> -> memref<1000xi32, #tpu.memory_space<hbm>>
        %dma_wait3A_298 = tpu.memref_slice %arg7[%add3A_77] : memref<80000xi32, #tpu.memory_space<hbm>> -> memref<1000xi32, #tpu.memory_space<hbm>>
        tpu.wait_dma2 semaphore(%run_scoped3A : memref<!tpu.dma_semaphore, #tpu.memory_space<semaphore_mem>>) src(%dma_wait3A_298 : memref<1000xi32, #tpu.memory_space<hbm>>) dst(%arg25 : memref<1000xi32, #tpu.memory_space<vmem>>)
        tpu.yield
      }) : () -> ()
      %dma_start3A_78 = arith.constant 0 : i32
      %dma_start3A_79 = arith.constant 0 : i32
      %dma_start3A_80 = tpu.memref_slice %arg10[%dma_start3A_78, %dma_start3A_79] : memref<40000x32xf32, #tpu.memory_space<hbm>> -> memref<40000x32xf32, #tpu.memory_space<hbm>>
      tpu.enqueue_indirect_dma source(%dma_start3A_80 : memref<40000x32xf32, #tpu.memory_space<hbm>>) target(%arg27 : memref<1000x32xf32, #tpu.memory_space<vmem>>) offsets(%arg23 : memref<1000xi32, #tpu.memory_space<vmem>>) semaphore(%arg31 : memref<!tpu.dma_semaphore, #tpu.memory_space<semaphore_mem>>)
      %dma_start3A_81 = arith.constant 0 : i32
      %dma_start3A_82 = tpu.memref_slice %arg13[%dma_start3A_81] : memref<10000xf32, #tpu.memory_space<hbm>> -> memref<10000xf32, #tpu.memory_space<hbm>>
      tpu.enqueue_indirect_dma source(%dma_start3A_82 : memref<10000xf32, #tpu.memory_space<hbm>>) target(%arg29 : memref<1000xf32, #tpu.memory_space<vmem>>) offsets(%arg25 : memref<1000xi32, #tpu.memory_space<vmem>>) semaphore(%arg32 : memref<!tpu.dma_semaphore, #tpu.memory_space<semaphore_mem>>)
      %dma_wait3A_83 = arith.constant 0 : i32
      %dma_wait3A_84 = arith.constant 0 : i32
      %dma_wait3A_85 = tpu.memref_slice %arg10[%dma_wait3A_83, %dma_wait3A_84] : memref<40000x32xf32, #tpu.memory_space<hbm>> -> memref<40000x32xf32, #tpu.memory_space<hbm>>
      tpu.wait_indirect_dma semaphore(%arg31 : memref<!tpu.dma_semaphore, #tpu.memory_space<semaphore_mem>>) src(%dma_wait3A_85 : memref<40000x32xf32, #tpu.memory_space<hbm>>) dst(%arg27 : memref<1000x32xf32, #tpu.memory_space<vmem>>)
      %dma_wait3A_86 = arith.constant 0 : i32
      %dma_wait3A_87 = tpu.memref_slice %arg13[%dma_wait3A_86] : memref<10000xf32, #tpu.memory_space<hbm>> -> memref<10000xf32, #tpu.memory_space<hbm>>
      tpu.wait_indirect_dma semaphore(%arg32 : memref<!tpu.dma_semaphore, #tpu.memory_space<semaphore_mem>>) src(%dma_wait3A_87 : memref<10000xf32, #tpu.memory_space<hbm>>) dst(%arg29 : memref<1000xf32, #tpu.memory_space<vmem>>)
      %dma_start3A_88 = arith.constant 0 : i32
      %dma_start3A_89 = arith.constant 0 : i32
      %dma_start3A_90 = tpu.memref_slice %arg19[%dma_start3A_88, %dma_start3A_89] : memref<10000x32xf32, #tpu.memory_space<vmem_shared>> -> memref<10000x32xf32, #tpu.memory_space<vmem_shared>>
      tpu.enqueue_indirect_dma source(%arg27 : memref<1000x32xf32, #tpu.memory_space<vmem>>) target(%dma_start3A_90 : memref<10000x32xf32, #tpu.memory_space<vmem_shared>>) offsets(%arg25 : memref<1000xi32, #tpu.memory_space<vmem>>) semaphore(%arg34 : memref<!tpu.dma_semaphore, #tpu.memory_space<semaphore_mem>>) {add = true}
      %dma_start3A_91 = arith.constant 0 : i32
      %dma_start3A_92 = tpu.memref_slice %arg21[%dma_start3A_91] : memref<40000xf32, #tpu.memory_space<vmem_shared>> -> memref<40000xf32, #tpu.memory_space<vmem_shared>>
      tpu.enqueue_indirect_dma source(%arg29 : memref<1000xf32, #tpu.memory_space<vmem>>) target(%dma_start3A_92 : memref<40000xf32, #tpu.memory_space<vmem_shared>>) offsets(%arg23 : memref<1000xi32, #tpu.memory_space<vmem>>) semaphore(%arg36 : memref<!tpu.dma_semaphore, #tpu.memory_space<semaphore_mem>>) {add = true}
      %dma_wait3A_93 = arith.constant 0 : i32
      %dma_wait3A_94 = arith.constant 0 : i32
      %dma_wait3A_95 = tpu.memref_slice %arg19[%dma_wait3A_93, %dma_wait3A_94] : memref<10000x32xf32, #tpu.memory_space<vmem_shared>> -> memref<10000x32xf32, #tpu.memory_space<vmem_shared>>
      tpu.wait_indirect_dma semaphore(%arg33 : memref<!tpu.dma_semaphore, #tpu.memory_space<semaphore_mem>>) src(%arg26 : memref<1000x32xf32, #tpu.memory_space<vmem>>) dst(%dma_wait3A_95 : memref<10000x32xf32, #tpu.memory_space<vmem_shared>>)
      %dma_wait3A_96 = arith.constant 0 : i32
      %dma_wait3A_97 = tpu.memref_slice %arg21[%dma_wait3A_96] : memref<40000xf32, #tpu.memory_space<vmem_shared>> -> memref<40000xf32, #tpu.memory_space<vmem_shared>>
      tpu.wait_indirect_dma semaphore(%arg35 : memref<!tpu.dma_semaphore, #tpu.memory_space<semaphore_mem>>) src(%arg28 : memref<1000xf32, #tpu.memory_space<vmem>>) dst(%dma_wait3A_97 : memref<40000xf32, #tpu.memory_space<vmem_shared>>)
      %mul3A_98 = arith.constant 5000 : i32
      %mul3A_99 = arith.muli %arg1, %mul3A_98 : i32
      %add3A_100 = arith.constant 2000 : i32
      %add3A_101 = arith.addi %mul3A_99, %add3A_100 : i32
      "tpu.region"() ({
        %run_scoped3A = tpu.sem_alloc : memref<!tpu.dma_semaphore, #tpu.memory_space<semaphore_mem>>
        %dma_start3A_295 = tpu.memref_slice %arg6[%add3A_101] : memref<80000xi32, #tpu.memory_space<hbm>> -> memref<1000xi32, #tpu.memory_space<hbm>>
        %dma_start3A_296 = tpu.memref_slice %arg6[%add3A_101] : memref<80000xi32, #tpu.memory_space<hbm>> -> memref<1000xi32, #tpu.memory_space<hbm>>
        tpu.enqueue_dma source(%dma_start3A_296 : memref<1000xi32, #tpu.memory_space<hbm>>) target(%arg22 : memref<1000xi32, #tpu.memory_space<vmem>>) target_semaphore(%run_scoped3A : memref<!tpu.dma_semaphore, #tpu.memory_space<semaphore_mem>>)
        %dma_wait3A_297 = tpu.memref_slice %arg6[%add3A_101] : memref<80000xi32, #tpu.memory_space<hbm>> -> memref<1000xi32, #tpu.memory_space<hbm>>
        %dma_wait3A_298 = tpu.memref_slice %arg6[%add3A_101] : memref<80000xi32, #tpu.memory_space<hbm>> -> memref<1000xi32, #tpu.memory_space<hbm>>
        tpu.wait_dma2 semaphore(%run_scoped3A : memref<!tpu.dma_semaphore, #tpu.memory_space<semaphore_mem>>) src(%dma_wait3A_298 : memref<1000xi32, #tpu.memory_space<hbm>>) dst(%arg22 : memref<1000xi32, #tpu.memory_space<vmem>>)
        tpu.yield
      }) : () -> ()
      "tpu.region"() ({
        %run_scoped3A = tpu.sem_alloc : memref<!tpu.dma_semaphore, #tpu.memory_space<semaphore_mem>>
        %dma_start3A_295 = tpu.memref_slice %arg7[%add3A_101] : memref<80000xi32, #tpu.memory_space<hbm>> -> memref<1000xi32, #tpu.memory_space<hbm>>
        %dma_start3A_296 = tpu.memref_slice %arg7[%add3A_101] : memref<80000xi32, #tpu.memory_space<hbm>> -> memref<1000xi32, #tpu.memory_space<hbm>>
        tpu.enqueue_dma source(%dma_start3A_296 : memref<1000xi32, #tpu.memory_space<hbm>>) target(%arg24 : memref<1000xi32, #tpu.memory_space<vmem>>) target_semaphore(%run_scoped3A : memref<!tpu.dma_semaphore, #tpu.memory_space<semaphore_mem>>)
        %dma_wait3A_297 = tpu.memref_slice %arg7[%add3A_101] : memref<80000xi32, #tpu.memory_space<hbm>> -> memref<1000xi32, #tpu.memory_space<hbm>>
        %dma_wait3A_298 = tpu.memref_slice %arg7[%add3A_101] : memref<80000xi32, #tpu.memory_space<hbm>> -> memref<1000xi32, #tpu.memory_space<hbm>>
        tpu.wait_dma2 semaphore(%run_scoped3A : memref<!tpu.dma_semaphore, #tpu.memory_space<semaphore_mem>>) src(%dma_wait3A_298 : memref<1000xi32, #tpu.memory_space<hbm>>) dst(%arg24 : memref<1000xi32, #tpu.memory_space<vmem>>)
        tpu.yield
      }) : () -> ()
      %dma_start3A_102 = arith.constant 0 : i32
      %dma_start3A_103 = arith.constant 0 : i32
      %dma_start3A_104 = tpu.memref_slice %arg10[%dma_start3A_102, %dma_start3A_103] : memref<40000x32xf32, #tpu.memory_space<hbm>> -> memref<40000x32xf32, #tpu.memory_space<hbm>>
      tpu.enqueue_indirect_dma source(%dma_start3A_104 : memref<40000x32xf32, #tpu.memory_space<hbm>>) target(%arg26 : memref<1000x32xf32, #tpu.memory_space<vmem>>) offsets(%arg22 : memref<1000xi32, #tpu.memory_space<vmem>>) semaphore(%arg31 : memref<!tpu.dma_semaphore, #tpu.memory_space<semaphore_mem>>)
      %dma_start3A_105 = arith.constant 0 : i32
      %dma_start3A_106 = tpu.memref_slice %arg13[%dma_start3A_105] : memref<10000xf32, #tpu.memory_space<hbm>> -> memref<10000xf32, #tpu.memory_space<hbm>>
      tpu.enqueue_indirect_dma source(%dma_start3A_106 : memref<10000xf32, #tpu.memory_space<hbm>>) target(%arg28 : memref<1000xf32, #tpu.memory_space<vmem>>) offsets(%arg24 : memref<1000xi32, #tpu.memory_space<vmem>>) semaphore(%arg32 : memref<!tpu.dma_semaphore, #tpu.memory_space<semaphore_mem>>)
      %dma_wait3A_107 = arith.constant 0 : i32
      %dma_wait3A_108 = arith.constant 0 : i32
      %dma_wait3A_109 = tpu.memref_slice %arg10[%dma_wait3A_107, %dma_wait3A_108] : memref<40000x32xf32, #tpu.memory_space<hbm>> -> memref<40000x32xf32, #tpu.memory_space<hbm>>
      tpu.wait_indirect_dma semaphore(%arg31 : memref<!tpu.dma_semaphore, #tpu.memory_space<semaphore_mem>>) src(%dma_wait3A_109 : memref<40000x32xf32, #tpu.memory_space<hbm>>) dst(%arg26 : memref<1000x32xf32, #tpu.memory_space<vmem>>)
      %dma_wait3A_110 = arith.constant 0 : i32
      %dma_wait3A_111 = tpu.memref_slice %arg13[%dma_wait3A_110] : memref<10000xf32, #tpu.memory_space<hbm>> -> memref<10000xf32, #tpu.memory_space<hbm>>
      tpu.wait_indirect_dma semaphore(%arg32 : memref<!tpu.dma_semaphore, #tpu.memory_space<semaphore_mem>>) src(%dma_wait3A_111 : memref<10000xf32, #tpu.memory_space<hbm>>) dst(%arg28 : memref<1000xf32, #tpu.memory_space<vmem>>)
      %dma_start3A_112 = arith.constant 0 : i32
      %dma_start3A_113 = arith.constant 0 : i32
      %dma_start3A_114 = tpu.memref_slice %arg19[%dma_start3A_112, %dma_start3A_113] : memref<10000x32xf32, #tpu.memory_space<vmem_shared>> -> memref<10000x32xf32, #tpu.memory_space<vmem_shared>>
      tpu.enqueue_indirect_dma source(%arg26 : memref<1000x32xf32, #tpu.memory_space<vmem>>) target(%dma_start3A_114 : memref<10000x32xf32, #tpu.memory_space<vmem_shared>>) offsets(%arg24 : memref<1000xi32, #tpu.memory_space<vmem>>) semaphore(%arg33 : memref<!tpu.dma_semaphore, #tpu.memory_space<semaphore_mem>>) {add = true}
      %dma_start3A_115 = arith.constant 0 : i32
      %dma_start3A_116 = tpu.memref_slice %arg21[%dma_start3A_115] : memref<40000xf32, #tpu.memory_space<vmem_shared>> -> memref<40000xf32, #tpu.memory_space<vmem_shared>>
      tpu.enqueue_indirect_dma source(%arg28 : memref<1000xf32, #tpu.memory_space<vmem>>) target(%dma_start3A_116 : memref<40000xf32, #tpu.memory_space<vmem_shared>>) offsets(%arg22 : memref<1000xi32, #tpu.memory_space<vmem>>) semaphore(%arg35 : memref<!tpu.dma_semaphore, #tpu.memory_space<semaphore_mem>>) {add = true}
      %dma_wait3A_117 = arith.constant 0 : i32
      %dma_wait3A_118 = arith.constant 0 : i32
      %dma_wait3A_119 = tpu.memref_slice %arg19[%dma_wait3A_117, %dma_wait3A_118] : memref<10000x32xf32, #tpu.memory_space<vmem_shared>> -> memref<10000x32xf32, #tpu.memory_space<vmem_shared>>
      tpu.wait_indirect_dma semaphore(%arg34 : memref<!tpu.dma_semaphore, #tpu.memory_space<semaphore_mem>>) src(%arg27 : memref<1000x32xf32, #tpu.memory_space<vmem>>) dst(%dma_wait3A_119 : memref<10000x32xf32, #tpu.memory_space<vmem_shared>>)
      %dma_wait3A_120 = arith.constant 0 : i32
      %dma_wait3A_121 = tpu.memref_slice %arg21[%dma_wait3A_120] : memref<40000xf32, #tpu.memory_space<vmem_shared>> -> memref<40000xf32, #tpu.memory_space<vmem_shared>>
      tpu.wait_indirect_dma semaphore(%arg36 : memref<!tpu.dma_semaphore, #tpu.memory_space<semaphore_mem>>) src(%arg29 : memref<1000xf32, #tpu.memory_space<vmem>>) dst(%dma_wait3A_121 : memref<40000xf32, #tpu.memory_space<vmem_shared>>)
      %mul3A_122 = arith.constant 5000 : i32
      %mul3A_123 = arith.muli %arg1, %mul3A_122 : i32
      %add3A_124 = arith.constant 3000 : i32
      %add3A_125 = arith.addi %mul3A_123, %add3A_124 : i32
      "tpu.region"() ({
        %run_scoped3A = tpu.sem_alloc : memref<!tpu.dma_semaphore, #tpu.memory_space<semaphore_mem>>
        %dma_start3A_295 = tpu.memref_slice %arg6[%add3A_125] : memref<80000xi32, #tpu.memory_space<hbm>> -> memref<1000xi32, #tpu.memory_space<hbm>>
        %dma_start3A_296 = tpu.memref_slice %arg6[%add3A_125] : memref<80000xi32, #tpu.memory_space<hbm>> -> memref<1000xi32, #tpu.memory_space<hbm>>
        tpu.enqueue_dma source(%dma_start3A_296 : memref<1000xi32, #tpu.memory_space<hbm>>) target(%arg23 : memref<1000xi32, #tpu.memory_space<vmem>>) target_semaphore(%run_scoped3A : memref<!tpu.dma_semaphore, #tpu.memory_space<semaphore_mem>>)
        %dma_wait3A_297 = tpu.memref_slice %arg6[%add3A_125] : memref<80000xi32, #tpu.memory_space<hbm>> -> memref<1000xi32, #tpu.memory_space<hbm>>
        %dma_wait3A_298 = tpu.memref_slice %arg6[%add3A_125] : memref<80000xi32, #tpu.memory_space<hbm>> -> memref<1000xi32, #tpu.memory_space<hbm>>
        tpu.wait_dma2 semaphore(%run_scoped3A : memref<!tpu.dma_semaphore, #tpu.memory_space<semaphore_mem>>) src(%dma_wait3A_298 : memref<1000xi32, #tpu.memory_space<hbm>>) dst(%arg23 : memref<1000xi32, #tpu.memory_space<vmem>>)
        tpu.yield
      }) : () -> ()
      "tpu.region"() ({
        %run_scoped3A = tpu.sem_alloc : memref<!tpu.dma_semaphore, #tpu.memory_space<semaphore_mem>>
        %dma_start3A_295 = tpu.memref_slice %arg7[%add3A_125] : memref<80000xi32, #tpu.memory_space<hbm>> -> memref<1000xi32, #tpu.memory_space<hbm>>
        %dma_start3A_296 = tpu.memref_slice %arg7[%add3A_125] : memref<80000xi32, #tpu.memory_space<hbm>> -> memref<1000xi32, #tpu.memory_space<hbm>>
        tpu.enqueue_dma source(%dma_start3A_296 : memref<1000xi32, #tpu.memory_space<hbm>>) target(%arg25 : memref<1000xi32, #tpu.memory_space<vmem>>) target_semaphore(%run_scoped3A : memref<!tpu.dma_semaphore, #tpu.memory_space<semaphore_mem>>)
        %dma_wait3A_297 = tpu.memref_slice %arg7[%add3A_125] : memref<80000xi32, #tpu.memory_space<hbm>> -> memref<1000xi32, #tpu.memory_space<hbm>>
        %dma_wait3A_298 = tpu.memref_slice %arg7[%add3A_125] : memref<80000xi32, #tpu.memory_space<hbm>> -> memref<1000xi32, #tpu.memory_space<hbm>>
        tpu.wait_dma2 semaphore(%run_scoped3A : memref<!tpu.dma_semaphore, #tpu.memory_space<semaphore_mem>>) src(%dma_wait3A_298 : memref<1000xi32, #tpu.memory_space<hbm>>) dst(%arg25 : memref<1000xi32, #tpu.memory_space<vmem>>)
        tpu.yield
      }) : () -> ()
      %dma_start3A_126 = arith.constant 0 : i32
      %dma_start3A_127 = arith.constant 0 : i32
      %dma_start3A_128 = tpu.memref_slice %arg10[%dma_start3A_126, %dma_start3A_127] : memref<40000x32xf32, #tpu.memory_space<hbm>> -> memref<40000x32xf32, #tpu.memory_space<hbm>>
      tpu.enqueue_indirect_dma source(%dma_start3A_128 : memref<40000x32xf32, #tpu.memory_space<hbm>>) target(%arg27 : memref<1000x32xf32, #tpu.memory_space<vmem>>) offsets(%arg23 : memref<1000xi32, #tpu.memory_space<vmem>>) semaphore(%arg31 : memref<!tpu.dma_semaphore, #tpu.memory_space<semaphore_mem>>)
      %dma_start3A_129 = arith.constant 0 : i32
      %dma_start3A_130 = tpu.memref_slice %arg13[%dma_start3A_129] : memref<10000xf32, #tpu.memory_space<hbm>> -> memref<10000xf32, #tpu.memory_space<hbm>>
      tpu.enqueue_indirect_dma source(%dma_start3A_130 : memref<10000xf32, #tpu.memory_space<hbm>>) target(%arg29 : memref<1000xf32, #tpu.memory_space<vmem>>) offsets(%arg25 : memref<1000xi32, #tpu.memory_space<vmem>>) semaphore(%arg32 : memref<!tpu.dma_semaphore, #tpu.memory_space<semaphore_mem>>)
      %dma_wait3A_131 = arith.constant 0 : i32
      %dma_wait3A_132 = arith.constant 0 : i32
      %dma_wait3A_133 = tpu.memref_slice %arg10[%dma_wait3A_131, %dma_wait3A_132] : memref<40000x32xf32, #tpu.memory_space<hbm>> -> memref<40000x32xf32, #tpu.memory_space<hbm>>
      tpu.wait_indirect_dma semaphore(%arg31 : memref<!tpu.dma_semaphore, #tpu.memory_space<semaphore_mem>>) src(%dma_wait3A_133 : memref<40000x32xf32, #tpu.memory_space<hbm>>) dst(%arg27 : memref<1000x32xf32, #tpu.memory_space<vmem>>)
      %dma_wait3A_134 = arith.constant 0 : i32
      %dma_wait3A_135 = tpu.memref_slice %arg13[%dma_wait3A_134] : memref<10000xf32, #tpu.memory_space<hbm>> -> memref<10000xf32, #tpu.memory_space<hbm>>
      tpu.wait_indirect_dma semaphore(%arg32 : memref<!tpu.dma_semaphore, #tpu.memory_space<semaphore_mem>>) src(%dma_wait3A_135 : memref<10000xf32, #tpu.memory_space<hbm>>) dst(%arg29 : memref<1000xf32, #tpu.memory_space<vmem>>)
      %dma_start3A_136 = arith.constant 0 : i32
      %dma_start3A_137 = arith.constant 0 : i32
      %dma_start3A_138 = tpu.memref_slice %arg19[%dma_start3A_136, %dma_start3A_137] : memref<10000x32xf32, #tpu.memory_space<vmem_shared>> -> memref<10000x32xf32, #tpu.memory_space<vmem_shared>>
      tpu.enqueue_indirect_dma source(%arg27 : memref<1000x32xf32, #tpu.memory_space<vmem>>) target(%dma_start3A_138 : memref<10000x32xf32, #tpu.memory_space<vmem_shared>>) offsets(%arg25 : memref<1000xi32, #tpu.memory_space<vmem>>) semaphore(%arg34 : memref<!tpu.dma_semaphore, #tpu.memory_space<semaphore_mem>>) {add = true}
      %dma_start3A_139 = arith.constant 0 : i32
      %dma_start3A_140 = tpu.memref_slice %arg21[%dma_start3A_139] : memref<40000xf32, #tpu.memory_space<vmem_shared>> -> memref<40000xf32, #tpu.memory_space<vmem_shared>>
      tpu.enqueue_indirect_dma source(%arg29 : memref<1000xf32, #tpu.memory_space<vmem>>) target(%dma_start3A_140 : memref<40000xf32, #tpu.memory_space<vmem_shared>>) offsets(%arg23 : memref<1000xi32, #tpu.memory_space<vmem>>) semaphore(%arg36 : memref<!tpu.dma_semaphore, #tpu.memory_space<semaphore_mem>>) {add = true}
      %dma_wait3A_141 = arith.constant 0 : i32
      %dma_wait3A_142 = arith.constant 0 : i32
      %dma_wait3A_143 = tpu.memref_slice %arg19[%dma_wait3A_141, %dma_wait3A_142] : memref<10000x32xf32, #tpu.memory_space<vmem_shared>> -> memref<10000x32xf32, #tpu.memory_space<vmem_shared>>
      tpu.wait_indirect_dma semaphore(%arg33 : memref<!tpu.dma_semaphore, #tpu.memory_space<semaphore_mem>>) src(%arg26 : memref<1000x32xf32, #tpu.memory_space<vmem>>) dst(%dma_wait3A_143 : memref<10000x32xf32, #tpu.memory_space<vmem_shared>>)
      %dma_wait3A_144 = arith.constant 0 : i32
      %dma_wait3A_145 = tpu.memref_slice %arg21[%dma_wait3A_144] : memref<40000xf32, #tpu.memory_space<vmem_shared>> -> memref<40000xf32, #tpu.memory_space<vmem_shared>>
      tpu.wait_indirect_dma semaphore(%arg35 : memref<!tpu.dma_semaphore, #tpu.memory_space<semaphore_mem>>) src(%arg28 : memref<1000xf32, #tpu.memory_space<vmem>>) dst(%dma_wait3A_145 : memref<40000xf32, #tpu.memory_space<vmem_shared>>)
      %mul3A_146 = arith.constant 5000 : i32
      %mul3A_147 = arith.muli %arg1, %mul3A_146 : i32
      %add3A_148 = arith.constant 4000 : i32
      %add3A_149 = arith.addi %mul3A_147, %add3A_148 : i32
      "tpu.region"() ({
        %run_scoped3A = tpu.sem_alloc : memref<!tpu.dma_semaphore, #tpu.memory_space<semaphore_mem>>
        %dma_start3A_295 = tpu.memref_slice %arg6[%add3A_149] : memref<80000xi32, #tpu.memory_space<hbm>> -> memref<1000xi32, #tpu.memory_space<hbm>>
        %dma_start3A_296 = tpu.memref_slice %arg6[%add3A_149] : memref<80000xi32, #tpu.memory_space<hbm>> -> memref<1000xi32, #tpu.memory_space<hbm>>
        tpu.enqueue_dma source(%dma_start3A_296 : memref<1000xi32, #tpu.memory_space<hbm>>) target(%arg22 : memref<1000xi32, #tpu.memory_space<vmem>>) target_semaphore(%run_scoped3A : memref<!tpu.dma_semaphore, #tpu.memory_space<semaphore_mem>>)
        %dma_wait3A_297 = tpu.memref_slice %arg6[%add3A_149] : memref<80000xi32, #tpu.memory_space<hbm>> -> memref<1000xi32, #tpu.memory_space<hbm>>
        %dma_wait3A_298 = tpu.memref_slice %arg6[%add3A_149] : memref<80000xi32, #tpu.memory_space<hbm>> -> memref<1000xi32, #tpu.memory_space<hbm>>
        tpu.wait_dma2 semaphore(%run_scoped3A : memref<!tpu.dma_semaphore, #tpu.memory_space<semaphore_mem>>) src(%dma_wait3A_298 : memref<1000xi32, #tpu.memory_space<hbm>>) dst(%arg22 : memref<1000xi32, #tpu.memory_space<vmem>>)
        tpu.yield
      }) : () -> ()
      "tpu.region"() ({
        %run_scoped3A = tpu.sem_alloc : memref<!tpu.dma_semaphore, #tpu.memory_space<semaphore_mem>>
        %dma_start3A_295 = tpu.memref_slice %arg7[%add3A_149] : memref<80000xi32, #tpu.memory_space<hbm>> -> memref<1000xi32, #tpu.memory_space<hbm>>
        %dma_start3A_296 = tpu.memref_slice %arg7[%add3A_149] : memref<80000xi32, #tpu.memory_space<hbm>> -> memref<1000xi32, #tpu.memory_space<hbm>>
        tpu.enqueue_dma source(%dma_start3A_296 : memref<1000xi32, #tpu.memory_space<hbm>>) target(%arg24 : memref<1000xi32, #tpu.memory_space<vmem>>) target_semaphore(%run_scoped3A : memref<!tpu.dma_semaphore, #tpu.memory_space<semaphore_mem>>)
        %dma_wait3A_297 = tpu.memref_slice %arg7[%add3A_149] : memref<80000xi32, #tpu.memory_space<hbm>> -> memref<1000xi32, #tpu.memory_space<hbm>>
        %dma_wait3A_298 = tpu.memref_slice %arg7[%add3A_149] : memref<80000xi32, #tpu.memory_space<hbm>> -> memref<1000xi32, #tpu.memory_space<hbm>>
        tpu.wait_dma2 semaphore(%run_scoped3A : memref<!tpu.dma_semaphore, #tpu.memory_space<semaphore_mem>>) src(%dma_wait3A_298 : memref<1000xi32, #tpu.memory_space<hbm>>) dst(%arg24 : memref<1000xi32, #tpu.memory_space<vmem>>)
        tpu.yield
      }) : () -> ()
      %dma_start3A_150 = arith.constant 0 : i32
      %dma_start3A_151 = arith.constant 0 : i32
      %dma_start3A_152 = tpu.memref_slice %arg10[%dma_start3A_150, %dma_start3A_151] : memref<40000x32xf32, #tpu.memory_space<hbm>> -> memref<40000x32xf32, #tpu.memory_space<hbm>>
      tpu.enqueue_indirect_dma source(%dma_start3A_152 : memref<40000x32xf32, #tpu.memory_space<hbm>>) target(%arg26 : memref<1000x32xf32, #tpu.memory_space<vmem>>) offsets(%arg22 : memref<1000xi32, #tpu.memory_space<vmem>>) semaphore(%arg31 : memref<!tpu.dma_semaphore, #tpu.memory_space<semaphore_mem>>)
      %dma_start3A_153 = arith.constant 0 : i32
      %dma_start3A_154 = tpu.memref_slice %arg13[%dma_start3A_153] : memref<10000xf32, #tpu.memory_space<hbm>> -> memref<10000xf32, #tpu.memory_space<hbm>>
      tpu.enqueue_indirect_dma source(%dma_start3A_154 : memref<10000xf32, #tpu.memory_space<hbm>>) target(%arg28 : memref<1000xf32, #tpu.memory_space<vmem>>) offsets(%arg24 : memref<1000xi32, #tpu.memory_space<vmem>>) semaphore(%arg32 : memref<!tpu.dma_semaphore, #tpu.memory_space<semaphore_mem>>)
      %dma_wait3A_155 = arith.constant 0 : i32
      %dma_wait3A_156 = arith.constant 0 : i32
      %dma_wait3A_157 = tpu.memref_slice %arg10[%dma_wait3A_155, %dma_wait3A_156] : memref<40000x32xf32, #tpu.memory_space<hbm>> -> memref<40000x32xf32, #tpu.memory_space<hbm>>
      tpu.wait_indirect_dma semaphore(%arg31 : memref<!tpu.dma_semaphore, #tpu.memory_space<semaphore_mem>>) src(%dma_wait3A_157 : memref<40000x32xf32, #tpu.memory_space<hbm>>) dst(%arg26 : memref<1000x32xf32, #tpu.memory_space<vmem>>)
      %dma_wait3A_158 = arith.constant 0 : i32
      %dma_wait3A_159 = tpu.memref_slice %arg13[%dma_wait3A_158] : memref<10000xf32, #tpu.memory_space<hbm>> -> memref<10000xf32, #tpu.memory_space<hbm>>
      tpu.wait_indirect_dma semaphore(%arg32 : memref<!tpu.dma_semaphore, #tpu.memory_space<semaphore_mem>>) src(%dma_wait3A_159 : memref<10000xf32, #tpu.memory_space<hbm>>) dst(%arg28 : memref<1000xf32, #tpu.memory_space<vmem>>)
      %dma_start3A_160 = arith.constant 0 : i32
      %dma_start3A_161 = arith.constant 0 : i32
      %dma_start3A_162 = tpu.memref_slice %arg19[%dma_start3A_160, %dma_start3A_161] : memref<10000x32xf32, #tpu.memory_space<vmem_shared>> -> memref<10000x32xf32, #tpu.memory_space<vmem_shared>>
      tpu.enqueue_indirect_dma source(%arg26 : memref<1000x32xf32, #tpu.memory_space<vmem>>) target(%dma_start3A_162 : memref<10000x32xf32, #tpu.memory_space<vmem_shared>>) offsets(%arg24 : memref<1000xi32, #tpu.memory_space<vmem>>) semaphore(%arg33 : memref<!tpu.dma_semaphore, #tpu.memory_space<semaphore_mem>>) {add = true}
      %dma_start3A_163 = arith.constant 0 : i32
      %dma_start3A_164 = tpu.memref_slice %arg21[%dma_start3A_163] : memref<40000xf32, #tpu.memory_space<vmem_shared>> -> memref<40000xf32, #tpu.memory_space<vmem_shared>>
      tpu.enqueue_indirect_dma source(%arg28 : memref<1000xf32, #tpu.memory_space<vmem>>) target(%dma_start3A_164 : memref<40000xf32, #tpu.memory_space<vmem_shared>>) offsets(%arg22 : memref<1000xi32, #tpu.memory_space<vmem>>) semaphore(%arg35 : memref<!tpu.dma_semaphore, #tpu.memory_space<semaphore_mem>>) {add = true}
      %dma_wait3A_165 = arith.constant 0 : i32
      %dma_wait3A_166 = arith.constant 0 : i32
      %dma_wait3A_167 = tpu.memref_slice %arg19[%dma_wait3A_165, %dma_wait3A_166] : memref<10000x32xf32, #tpu.memory_space<vmem_shared>> -> memref<10000x32xf32, #tpu.memory_space<vmem_shared>>
      tpu.wait_indirect_dma semaphore(%arg34 : memref<!tpu.dma_semaphore, #tpu.memory_space<semaphore_mem>>) src(%arg27 : memref<1000x32xf32, #tpu.memory_space<vmem>>) dst(%dma_wait3A_167 : memref<10000x32xf32, #tpu.memory_space<vmem_shared>>)
      %dma_wait3A_168 = arith.constant 0 : i32
      %dma_wait3A_169 = tpu.memref_slice %arg21[%dma_wait3A_168] : memref<40000xf32, #tpu.memory_space<vmem_shared>> -> memref<40000xf32, #tpu.memory_space<vmem_shared>>
      tpu.wait_indirect_dma semaphore(%arg36 : memref<!tpu.dma_semaphore, #tpu.memory_space<semaphore_mem>>) src(%arg29 : memref<1000xf32, #tpu.memory_space<vmem>>) dst(%dma_wait3A_169 : memref<40000xf32, #tpu.memory_space<vmem_shared>>)
      %dma_wait3A_170 = arith.constant 0 : i32
      %dma_wait3A_171 = arith.constant 0 : i32
      %dma_wait3A_172 = tpu.memref_slice %arg19[%dma_wait3A_170, %dma_wait3A_171] : memref<10000x32xf32, #tpu.memory_space<vmem_shared>> -> memref<10000x32xf32, #tpu.memory_space<vmem_shared>>
      tpu.wait_indirect_dma semaphore(%arg33 : memref<!tpu.dma_semaphore, #tpu.memory_space<semaphore_mem>>) src(%arg26 : memref<1000x32xf32, #tpu.memory_space<vmem>>) dst(%dma_wait3A_172 : memref<10000x32xf32, #tpu.memory_space<vmem_shared>>)
      %dma_wait3A_173 = arith.constant 0 : i32
      %dma_wait3A_174 = tpu.memref_slice %arg21[%dma_wait3A_173] : memref<40000xf32, #tpu.memory_space<vmem_shared>> -> memref<40000xf32, #tpu.memory_space<vmem_shared>>
      tpu.wait_indirect_dma semaphore(%arg35 : memref<!tpu.dma_semaphore, #tpu.memory_space<semaphore_mem>>) src(%arg28 : memref<1000xf32, #tpu.memory_space<vmem>>) dst(%dma_wait3A_174 : memref<40000xf32, #tpu.memory_space<vmem_shared>>)
      %mul3A_175 = arith.constant 5000 : i32
      %mul3A_176 = arith.muli %arg1, %mul3A_175 : i32
      %add3A_177 = arith.constant 0 : i32
      %add3A_178 = arith.addi %mul3A_176, %add3A_177 : i32
      "tpu.region"() ({
        %run_scoped3A = tpu.sem_alloc : memref<!tpu.dma_semaphore, #tpu.memory_space<semaphore_mem>>
        %dma_start3A_295 = tpu.memref_slice %arg8[%add3A_178] : memref<80000xi32, #tpu.memory_space<hbm>> -> memref<1000xi32, #tpu.memory_space<hbm>>
        %dma_start3A_296 = tpu.memref_slice %arg8[%add3A_178] : memref<80000xi32, #tpu.memory_space<hbm>> -> memref<1000xi32, #tpu.memory_space<hbm>>
        tpu.enqueue_dma source(%dma_start3A_296 : memref<1000xi32, #tpu.memory_space<hbm>>) target(%arg22 : memref<1000xi32, #tpu.memory_space<vmem>>) target_semaphore(%run_scoped3A : memref<!tpu.dma_semaphore, #tpu.memory_space<semaphore_mem>>)
        %dma_wait3A_297 = tpu.memref_slice %arg8[%add3A_178] : memref<80000xi32, #tpu.memory_space<hbm>> -> memref<1000xi32, #tpu.memory_space<hbm>>
        %dma_wait3A_298 = tpu.memref_slice %arg8[%add3A_178] : memref<80000xi32, #tpu.memory_space<hbm>> -> memref<1000xi32, #tpu.memory_space<hbm>>
        tpu.wait_dma2 semaphore(%run_scoped3A : memref<!tpu.dma_semaphore, #tpu.memory_space<semaphore_mem>>) src(%dma_wait3A_298 : memref<1000xi32, #tpu.memory_space<hbm>>) dst(%arg22 : memref<1000xi32, #tpu.memory_space<vmem>>)
        tpu.yield
      }) : () -> ()
      "tpu.region"() ({
        %run_scoped3A = tpu.sem_alloc : memref<!tpu.dma_semaphore, #tpu.memory_space<semaphore_mem>>
        %dma_start3A_295 = tpu.memref_slice %arg9[%add3A_178] : memref<80000xi32, #tpu.memory_space<hbm>> -> memref<1000xi32, #tpu.memory_space<hbm>>
        %dma_start3A_296 = tpu.memref_slice %arg9[%add3A_178] : memref<80000xi32, #tpu.memory_space<hbm>> -> memref<1000xi32, #tpu.memory_space<hbm>>
        tpu.enqueue_dma source(%dma_start3A_296 : memref<1000xi32, #tpu.memory_space<hbm>>) target(%arg24 : memref<1000xi32, #tpu.memory_space<vmem>>) target_semaphore(%run_scoped3A : memref<!tpu.dma_semaphore, #tpu.memory_space<semaphore_mem>>)
        %dma_wait3A_297 = tpu.memref_slice %arg9[%add3A_178] : memref<80000xi32, #tpu.memory_space<hbm>> -> memref<1000xi32, #tpu.memory_space<hbm>>
        %dma_wait3A_298 = tpu.memref_slice %arg9[%add3A_178] : memref<80000xi32, #tpu.memory_space<hbm>> -> memref<1000xi32, #tpu.memory_space<hbm>>
        tpu.wait_dma2 semaphore(%run_scoped3A : memref<!tpu.dma_semaphore, #tpu.memory_space<semaphore_mem>>) src(%dma_wait3A_298 : memref<1000xi32, #tpu.memory_space<hbm>>) dst(%arg24 : memref<1000xi32, #tpu.memory_space<vmem>>)
        tpu.yield
      }) : () -> ()
      %dma_start3A_179 = arith.constant 0 : i32
      %dma_start3A_180 = arith.constant 0 : i32
      %dma_start3A_181 = tpu.memref_slice %arg10[%dma_start3A_179, %dma_start3A_180] : memref<40000x32xf32, #tpu.memory_space<hbm>> -> memref<40000x32xf32, #tpu.memory_space<hbm>>
      tpu.enqueue_indirect_dma source(%dma_start3A_181 : memref<40000x32xf32, #tpu.memory_space<hbm>>) target(%arg26 : memref<1000x32xf32, #tpu.memory_space<vmem>>) offsets(%arg22 : memref<1000xi32, #tpu.memory_space<vmem>>) semaphore(%arg31 : memref<!tpu.dma_semaphore, #tpu.memory_space<semaphore_mem>>)
      %dma_start3A_182 = arith.constant 0 : i32
      %dma_start3A_183 = tpu.memref_slice %arg14[%dma_start3A_182] : memref<10000xf32, #tpu.memory_space<hbm>> -> memref<10000xf32, #tpu.memory_space<hbm>>
      tpu.enqueue_indirect_dma source(%dma_start3A_183 : memref<10000xf32, #tpu.memory_space<hbm>>) target(%arg28 : memref<1000xf32, #tpu.memory_space<vmem>>) offsets(%arg24 : memref<1000xi32, #tpu.memory_space<vmem>>) semaphore(%arg32 : memref<!tpu.dma_semaphore, #tpu.memory_space<semaphore_mem>>)
      %dma_wait3A_184 = arith.constant 0 : i32
      %dma_wait3A_185 = arith.constant 0 : i32
      %dma_wait3A_186 = tpu.memref_slice %arg10[%dma_wait3A_184, %dma_wait3A_185] : memref<40000x32xf32, #tpu.memory_space<hbm>> -> memref<40000x32xf32, #tpu.memory_space<hbm>>
      tpu.wait_indirect_dma semaphore(%arg31 : memref<!tpu.dma_semaphore, #tpu.memory_space<semaphore_mem>>) src(%dma_wait3A_186 : memref<40000x32xf32, #tpu.memory_space<hbm>>) dst(%arg26 : memref<1000x32xf32, #tpu.memory_space<vmem>>)
      %dma_wait3A_187 = arith.constant 0 : i32
      %dma_wait3A_188 = tpu.memref_slice %arg14[%dma_wait3A_187] : memref<10000xf32, #tpu.memory_space<hbm>> -> memref<10000xf32, #tpu.memory_space<hbm>>
      tpu.wait_indirect_dma semaphore(%arg32 : memref<!tpu.dma_semaphore, #tpu.memory_space<semaphore_mem>>) src(%dma_wait3A_188 : memref<10000xf32, #tpu.memory_space<hbm>>) dst(%arg28 : memref<1000xf32, #tpu.memory_space<vmem>>)
      %dma_start3A_189 = arith.constant 0 : i32
      %dma_start3A_190 = arith.constant 0 : i32
      %dma_start3A_191 = tpu.memref_slice %arg20[%dma_start3A_189, %dma_start3A_190] : memref<10000x32xf32, #tpu.memory_space<vmem_shared>> -> memref<10000x32xf32, #tpu.memory_space<vmem_shared>>
      tpu.enqueue_indirect_dma source(%arg26 : memref<1000x32xf32, #tpu.memory_space<vmem>>) target(%dma_start3A_191 : memref<10000x32xf32, #tpu.memory_space<vmem_shared>>) offsets(%arg24 : memref<1000xi32, #tpu.memory_space<vmem>>) semaphore(%arg33 : memref<!tpu.dma_semaphore, #tpu.memory_space<semaphore_mem>>) {add = true}
      %dma_start3A_192 = arith.constant 0 : i32
      %dma_start3A_193 = tpu.memref_slice %arg21[%dma_start3A_192] : memref<40000xf32, #tpu.memory_space<vmem_shared>> -> memref<40000xf32, #tpu.memory_space<vmem_shared>>
      tpu.enqueue_indirect_dma source(%arg28 : memref<1000xf32, #tpu.memory_space<vmem>>) target(%dma_start3A_193 : memref<40000xf32, #tpu.memory_space<vmem_shared>>) offsets(%arg22 : memref<1000xi32, #tpu.memory_space<vmem>>) semaphore(%arg35 : memref<!tpu.dma_semaphore, #tpu.memory_space<semaphore_mem>>) {add = true}
      %mul3A_194 = arith.constant 5000 : i32
      %mul3A_195 = arith.muli %arg1, %mul3A_194 : i32
      %add3A_196 = arith.constant 1000 : i32
      %add3A_197 = arith.addi %mul3A_195, %add3A_196 : i32
      "tpu.region"() ({
        %run_scoped3A = tpu.sem_alloc : memref<!tpu.dma_semaphore, #tpu.memory_space<semaphore_mem>>
        %dma_start3A_295 = tpu.memref_slice %arg8[%add3A_197] : memref<80000xi32, #tpu.memory_space<hbm>> -> memref<1000xi32, #tpu.memory_space<hbm>>
        %dma_start3A_296 = tpu.memref_slice %arg8[%add3A_197] : memref<80000xi32, #tpu.memory_space<hbm>> -> memref<1000xi32, #tpu.memory_space<hbm>>
        tpu.enqueue_dma source(%dma_start3A_296 : memref<1000xi32, #tpu.memory_space<hbm>>) target(%arg23 : memref<1000xi32, #tpu.memory_space<vmem>>) target_semaphore(%run_scoped3A : memref<!tpu.dma_semaphore, #tpu.memory_space<semaphore_mem>>)
        %dma_wait3A_297 = tpu.memref_slice %arg8[%add3A_197] : memref<80000xi32, #tpu.memory_space<hbm>> -> memref<1000xi32, #tpu.memory_space<hbm>>
        %dma_wait3A_298 = tpu.memref_slice %arg8[%add3A_197] : memref<80000xi32, #tpu.memory_space<hbm>> -> memref<1000xi32, #tpu.memory_space<hbm>>
        tpu.wait_dma2 semaphore(%run_scoped3A : memref<!tpu.dma_semaphore, #tpu.memory_space<semaphore_mem>>) src(%dma_wait3A_298 : memref<1000xi32, #tpu.memory_space<hbm>>) dst(%arg23 : memref<1000xi32, #tpu.memory_space<vmem>>)
        tpu.yield
      }) : () -> ()
      "tpu.region"() ({
        %run_scoped3A = tpu.sem_alloc : memref<!tpu.dma_semaphore, #tpu.memory_space<semaphore_mem>>
        %dma_start3A_295 = tpu.memref_slice %arg9[%add3A_197] : memref<80000xi32, #tpu.memory_space<hbm>> -> memref<1000xi32, #tpu.memory_space<hbm>>
        %dma_start3A_296 = tpu.memref_slice %arg9[%add3A_197] : memref<80000xi32, #tpu.memory_space<hbm>> -> memref<1000xi32, #tpu.memory_space<hbm>>
        tpu.enqueue_dma source(%dma_start3A_296 : memref<1000xi32, #tpu.memory_space<hbm>>) target(%arg25 : memref<1000xi32, #tpu.memory_space<vmem>>) target_semaphore(%run_scoped3A : memref<!tpu.dma_semaphore, #tpu.memory_space<semaphore_mem>>)
        %dma_wait3A_297 = tpu.memref_slice %arg9[%add3A_197] : memref<80000xi32, #tpu.memory_space<hbm>> -> memref<1000xi32, #tpu.memory_space<hbm>>
        %dma_wait3A_298 = tpu.memref_slice %arg9[%add3A_197] : memref<80000xi32, #tpu.memory_space<hbm>> -> memref<1000xi32, #tpu.memory_space<hbm>>
        tpu.wait_dma2 semaphore(%run_scoped3A : memref<!tpu.dma_semaphore, #tpu.memory_space<semaphore_mem>>) src(%dma_wait3A_298 : memref<1000xi32, #tpu.memory_space<hbm>>) dst(%arg25 : memref<1000xi32, #tpu.memory_space<vmem>>)
        tpu.yield
      }) : () -> ()
      %dma_start3A_198 = arith.constant 0 : i32
      %dma_start3A_199 = arith.constant 0 : i32
      %dma_start3A_200 = tpu.memref_slice %arg10[%dma_start3A_198, %dma_start3A_199] : memref<40000x32xf32, #tpu.memory_space<hbm>> -> memref<40000x32xf32, #tpu.memory_space<hbm>>
      tpu.enqueue_indirect_dma source(%dma_start3A_200 : memref<40000x32xf32, #tpu.memory_space<hbm>>) target(%arg27 : memref<1000x32xf32, #tpu.memory_space<vmem>>) offsets(%arg23 : memref<1000xi32, #tpu.memory_space<vmem>>) semaphore(%arg31 : memref<!tpu.dma_semaphore, #tpu.memory_space<semaphore_mem>>)
      %dma_start3A_201 = arith.constant 0 : i32
      %dma_start3A_202 = tpu.memref_slice %arg14[%dma_start3A_201] : memref<10000xf32, #tpu.memory_space<hbm>> -> memref<10000xf32, #tpu.memory_space<hbm>>
      tpu.enqueue_indirect_dma source(%dma_start3A_202 : memref<10000xf32, #tpu.memory_space<hbm>>) target(%arg29 : memref<1000xf32, #tpu.memory_space<vmem>>) offsets(%arg25 : memref<1000xi32, #tpu.memory_space<vmem>>) semaphore(%arg32 : memref<!tpu.dma_semaphore, #tpu.memory_space<semaphore_mem>>)
      %dma_wait3A_203 = arith.constant 0 : i32
      %dma_wait3A_204 = arith.constant 0 : i32
      %dma_wait3A_205 = tpu.memref_slice %arg10[%dma_wait3A_203, %dma_wait3A_204] : memref<40000x32xf32, #tpu.memory_space<hbm>> -> memref<40000x32xf32, #tpu.memory_space<hbm>>
      tpu.wait_indirect_dma semaphore(%arg31 : memref<!tpu.dma_semaphore, #tpu.memory_space<semaphore_mem>>) src(%dma_wait3A_205 : memref<40000x32xf32, #tpu.memory_space<hbm>>) dst(%arg27 : memref<1000x32xf32, #tpu.memory_space<vmem>>)
      %dma_wait3A_206 = arith.constant 0 : i32
      %dma_wait3A_207 = tpu.memref_slice %arg14[%dma_wait3A_206] : memref<10000xf32, #tpu.memory_space<hbm>> -> memref<10000xf32, #tpu.memory_space<hbm>>
      tpu.wait_indirect_dma semaphore(%arg32 : memref<!tpu.dma_semaphore, #tpu.memory_space<semaphore_mem>>) src(%dma_wait3A_207 : memref<10000xf32, #tpu.memory_space<hbm>>) dst(%arg29 : memref<1000xf32, #tpu.memory_space<vmem>>)
      %dma_start3A_208 = arith.constant 0 : i32
      %dma_start3A_209 = arith.constant 0 : i32
      %dma_start3A_210 = tpu.memref_slice %arg20[%dma_start3A_208, %dma_start3A_209] : memref<10000x32xf32, #tpu.memory_space<vmem_shared>> -> memref<10000x32xf32, #tpu.memory_space<vmem_shared>>
      tpu.enqueue_indirect_dma source(%arg27 : memref<1000x32xf32, #tpu.memory_space<vmem>>) target(%dma_start3A_210 : memref<10000x32xf32, #tpu.memory_space<vmem_shared>>) offsets(%arg25 : memref<1000xi32, #tpu.memory_space<vmem>>) semaphore(%arg34 : memref<!tpu.dma_semaphore, #tpu.memory_space<semaphore_mem>>) {add = true}
      %dma_start3A_211 = arith.constant 0 : i32
      %dma_start3A_212 = tpu.memref_slice %arg21[%dma_start3A_211] : memref<40000xf32, #tpu.memory_space<vmem_shared>> -> memref<40000xf32, #tpu.memory_space<vmem_shared>>
      tpu.enqueue_indirect_dma source(%arg29 : memref<1000xf32, #tpu.memory_space<vmem>>) target(%dma_start3A_212 : memref<40000xf32, #tpu.memory_space<vmem_shared>>) offsets(%arg23 : memref<1000xi32, #tpu.memory_space<vmem>>) semaphore(%arg36 : memref<!tpu.dma_semaphore, #tpu.memory_space<semaphore_mem>>) {add = true}
      %dma_wait3A_213 = arith.constant 0 : i32
      %dma_wait3A_214 = arith.constant 0 : i32
      %dma_wait3A_215 = tpu.memref_slice %arg20[%dma_wait3A_213, %dma_wait3A_214] : memref<10000x32xf32, #tpu.memory_space<vmem_shared>> -> memref<10000x32xf32, #tpu.memory_space<vmem_shared>>
      tpu.wait_indirect_dma semaphore(%arg33 : memref<!tpu.dma_semaphore, #tpu.memory_space<semaphore_mem>>) src(%arg26 : memref<1000x32xf32, #tpu.memory_space<vmem>>) dst(%dma_wait3A_215 : memref<10000x32xf32, #tpu.memory_space<vmem_shared>>)
      %dma_wait3A_216 = arith.constant 0 : i32
      %dma_wait3A_217 = tpu.memref_slice %arg21[%dma_wait3A_216] : memref<40000xf32, #tpu.memory_space<vmem_shared>> -> memref<40000xf32, #tpu.memory_space<vmem_shared>>
      tpu.wait_indirect_dma semaphore(%arg35 : memref<!tpu.dma_semaphore, #tpu.memory_space<semaphore_mem>>) src(%arg28 : memref<1000xf32, #tpu.memory_space<vmem>>) dst(%dma_wait3A_217 : memref<40000xf32, #tpu.memory_space<vmem_shared>>)
      %mul3A_218 = arith.constant 5000 : i32
      %mul3A_219 = arith.muli %arg1, %mul3A_218 : i32
      %add3A_220 = arith.constant 2000 : i32
      %add3A_221 = arith.addi %mul3A_219, %add3A_220 : i32
      "tpu.region"() ({
        %run_scoped3A = tpu.sem_alloc : memref<!tpu.dma_semaphore, #tpu.memory_space<semaphore_mem>>
        %dma_start3A_295 = tpu.memref_slice %arg8[%add3A_221] : memref<80000xi32, #tpu.memory_space<hbm>> -> memref<1000xi32, #tpu.memory_space<hbm>>
        %dma_start3A_296 = tpu.memref_slice %arg8[%add3A_221] : memref<80000xi32, #tpu.memory_space<hbm>> -> memref<1000xi32, #tpu.memory_space<hbm>>
        tpu.enqueue_dma source(%dma_start3A_296 : memref<1000xi32, #tpu.memory_space<hbm>>) target(%arg22 : memref<1000xi32, #tpu.memory_space<vmem>>) target_semaphore(%run_scoped3A : memref<!tpu.dma_semaphore, #tpu.memory_space<semaphore_mem>>)
        %dma_wait3A_297 = tpu.memref_slice %arg8[%add3A_221] : memref<80000xi32, #tpu.memory_space<hbm>> -> memref<1000xi32, #tpu.memory_space<hbm>>
        %dma_wait3A_298 = tpu.memref_slice %arg8[%add3A_221] : memref<80000xi32, #tpu.memory_space<hbm>> -> memref<1000xi32, #tpu.memory_space<hbm>>
        tpu.wait_dma2 semaphore(%run_scoped3A : memref<!tpu.dma_semaphore, #tpu.memory_space<semaphore_mem>>) src(%dma_wait3A_298 : memref<1000xi32, #tpu.memory_space<hbm>>) dst(%arg22 : memref<1000xi32, #tpu.memory_space<vmem>>)
        tpu.yield
      }) : () -> ()
      "tpu.region"() ({
        %run_scoped3A = tpu.sem_alloc : memref<!tpu.dma_semaphore, #tpu.memory_space<semaphore_mem>>
        %dma_start3A_295 = tpu.memref_slice %arg9[%add3A_221] : memref<80000xi32, #tpu.memory_space<hbm>> -> memref<1000xi32, #tpu.memory_space<hbm>>
        %dma_start3A_296 = tpu.memref_slice %arg9[%add3A_221] : memref<80000xi32, #tpu.memory_space<hbm>> -> memref<1000xi32, #tpu.memory_space<hbm>>
        tpu.enqueue_dma source(%dma_start3A_296 : memref<1000xi32, #tpu.memory_space<hbm>>) target(%arg24 : memref<1000xi32, #tpu.memory_space<vmem>>) target_semaphore(%run_scoped3A : memref<!tpu.dma_semaphore, #tpu.memory_space<semaphore_mem>>)
        %dma_wait3A_297 = tpu.memref_slice %arg9[%add3A_221] : memref<80000xi32, #tpu.memory_space<hbm>> -> memref<1000xi32, #tpu.memory_space<hbm>>
        %dma_wait3A_298 = tpu.memref_slice %arg9[%add3A_221] : memref<80000xi32, #tpu.memory_space<hbm>> -> memref<1000xi32, #tpu.memory_space<hbm>>
        tpu.wait_dma2 semaphore(%run_scoped3A : memref<!tpu.dma_semaphore, #tpu.memory_space<semaphore_mem>>) src(%dma_wait3A_298 : memref<1000xi32, #tpu.memory_space<hbm>>) dst(%arg24 : memref<1000xi32, #tpu.memory_space<vmem>>)
        tpu.yield
      }) : () -> ()
      %dma_start3A_222 = arith.constant 0 : i32
      %dma_start3A_223 = arith.constant 0 : i32
      %dma_start3A_224 = tpu.memref_slice %arg10[%dma_start3A_222, %dma_start3A_223] : memref<40000x32xf32, #tpu.memory_space<hbm>> -> memref<40000x32xf32, #tpu.memory_space<hbm>>
      tpu.enqueue_indirect_dma source(%dma_start3A_224 : memref<40000x32xf32, #tpu.memory_space<hbm>>) target(%arg26 : memref<1000x32xf32, #tpu.memory_space<vmem>>) offsets(%arg22 : memref<1000xi32, #tpu.memory_space<vmem>>) semaphore(%arg31 : memref<!tpu.dma_semaphore, #tpu.memory_space<semaphore_mem>>)
      %dma_start3A_225 = arith.constant 0 : i32
      %dma_start3A_226 = tpu.memref_slice %arg14[%dma_start3A_225] : memref<10000xf32, #tpu.memory_space<hbm>> -> memref<10000xf32, #tpu.memory_space<hbm>>
      tpu.enqueue_indirect_dma source(%dma_start3A_226 : memref<10000xf32, #tpu.memory_space<hbm>>) target(%arg28 : memref<1000xf32, #tpu.memory_space<vmem>>) offsets(%arg24 : memref<1000xi32, #tpu.memory_space<vmem>>) semaphore(%arg32 : memref<!tpu.dma_semaphore, #tpu.memory_space<semaphore_mem>>)
      %dma_wait3A_227 = arith.constant 0 : i32
      %dma_wait3A_228 = arith.constant 0 : i32
      %dma_wait3A_229 = tpu.memref_slice %arg10[%dma_wait3A_227, %dma_wait3A_228] : memref<40000x32xf32, #tpu.memory_space<hbm>> -> memref<40000x32xf32, #tpu.memory_space<hbm>>
      tpu.wait_indirect_dma semaphore(%arg31 : memref<!tpu.dma_semaphore, #tpu.memory_space<semaphore_mem>>) src(%dma_wait3A_229 : memref<40000x32xf32, #tpu.memory_space<hbm>>) dst(%arg26 : memref<1000x32xf32, #tpu.memory_space<vmem>>)
      %dma_wait3A_230 = arith.constant 0 : i32
      %dma_wait3A_231 = tpu.memref_slice %arg14[%dma_wait3A_230] : memref<10000xf32, #tpu.memory_space<hbm>> -> memref<10000xf32, #tpu.memory_space<hbm>>
      tpu.wait_indirect_dma semaphore(%arg32 : memref<!tpu.dma_semaphore, #tpu.memory_space<semaphore_mem>>) src(%dma_wait3A_231 : memref<10000xf32, #tpu.memory_space<hbm>>) dst(%arg28 : memref<1000xf32, #tpu.memory_space<vmem>>)
      %dma_start3A_232 = arith.constant 0 : i32
      %dma_start3A_233 = arith.constant 0 : i32
      %dma_start3A_234 = tpu.memref_slice %arg20[%dma_start3A_232, %dma_start3A_233] : memref<10000x32xf32, #tpu.memory_space<vmem_shared>> -> memref<10000x32xf32, #tpu.memory_space<vmem_shared>>
      tpu.enqueue_indirect_dma source(%arg26 : memref<1000x32xf32, #tpu.memory_space<vmem>>) target(%dma_start3A_234 : memref<10000x32xf32, #tpu.memory_space<vmem_shared>>) offsets(%arg24 : memref<1000xi32, #tpu.memory_space<vmem>>) semaphore(%arg33 : memref<!tpu.dma_semaphore, #tpu.memory_space<semaphore_mem>>) {add = true}
      %dma_start3A_235 = arith.constant 0 : i32
      %dma_start3A_236 = tpu.memref_slice %arg21[%dma_start3A_235] : memref<40000xf32, #tpu.memory_space<vmem_shared>> -> memref<40000xf32, #tpu.memory_space<vmem_shared>>
      tpu.enqueue_indirect_dma source(%arg28 : memref<1000xf32, #tpu.memory_space<vmem>>) target(%dma_start3A_236 : memref<40000xf32, #tpu.memory_space<vmem_shared>>) offsets(%arg22 : memref<1000xi32, #tpu.memory_space<vmem>>) semaphore(%arg35 : memref<!tpu.dma_semaphore, #tpu.memory_space<semaphore_mem>>) {add = true}
      %dma_wait3A_237 = arith.constant 0 : i32
      %dma_wait3A_238 = arith.constant 0 : i32
      %dma_wait3A_239 = tpu.memref_slice %arg20[%dma_wait3A_237, %dma_wait3A_238] : memref<10000x32xf32, #tpu.memory_space<vmem_shared>> -> memref<10000x32xf32, #tpu.memory_space<vmem_shared>>
      tpu.wait_indirect_dma semaphore(%arg34 : memref<!tpu.dma_semaphore, #tpu.memory_space<semaphore_mem>>) src(%arg27 : memref<1000x32xf32, #tpu.memory_space<vmem>>) dst(%dma_wait3A_239 : memref<10000x32xf32, #tpu.memory_space<vmem_shared>>)
      %dma_wait3A_240 = arith.constant 0 : i32
      %dma_wait3A_241 = tpu.memref_slice %arg21[%dma_wait3A_240] : memref<40000xf32, #tpu.memory_space<vmem_shared>> -> memref<40000xf32, #tpu.memory_space<vmem_shared>>
      tpu.wait_indirect_dma semaphore(%arg36 : memref<!tpu.dma_semaphore, #tpu.memory_space<semaphore_mem>>) src(%arg29 : memref<1000xf32, #tpu.memory_space<vmem>>) dst(%dma_wait3A_241 : memref<40000xf32, #tpu.memory_space<vmem_shared>>)
      %mul3A_242 = arith.constant 5000 : i32
      %mul3A_243 = arith.muli %arg1, %mul3A_242 : i32
      %add3A_244 = arith.constant 3000 : i32
      %add3A_245 = arith.addi %mul3A_243, %add3A_244 : i32
      "tpu.region"() ({
        %run_scoped3A = tpu.sem_alloc : memref<!tpu.dma_semaphore, #tpu.memory_space<semaphore_mem>>
        %dma_start3A_295 = tpu.memref_slice %arg8[%add3A_245] : memref<80000xi32, #tpu.memory_space<hbm>> -> memref<1000xi32, #tpu.memory_space<hbm>>
        %dma_start3A_296 = tpu.memref_slice %arg8[%add3A_245] : memref<80000xi32, #tpu.memory_space<hbm>> -> memref<1000xi32, #tpu.memory_space<hbm>>
        tpu.enqueue_dma source(%dma_start3A_296 : memref<1000xi32, #tpu.memory_space<hbm>>) target(%arg23 : memref<1000xi32, #tpu.memory_space<vmem>>) target_semaphore(%run_scoped3A : memref<!tpu.dma_semaphore, #tpu.memory_space<semaphore_mem>>)
        %dma_wait3A_297 = tpu.memref_slice %arg8[%add3A_245] : memref<80000xi32, #tpu.memory_space<hbm>> -> memref<1000xi32, #tpu.memory_space<hbm>>
        %dma_wait3A_298 = tpu.memref_slice %arg8[%add3A_245] : memref<80000xi32, #tpu.memory_space<hbm>> -> memref<1000xi32, #tpu.memory_space<hbm>>
        tpu.wait_dma2 semaphore(%run_scoped3A : memref<!tpu.dma_semaphore, #tpu.memory_space<semaphore_mem>>) src(%dma_wait3A_298 : memref<1000xi32, #tpu.memory_space<hbm>>) dst(%arg23 : memref<1000xi32, #tpu.memory_space<vmem>>)
        tpu.yield
      }) : () -> ()
      "tpu.region"() ({
        %run_scoped3A = tpu.sem_alloc : memref<!tpu.dma_semaphore, #tpu.memory_space<semaphore_mem>>
        %dma_start3A_295 = tpu.memref_slice %arg9[%add3A_245] : memref<80000xi32, #tpu.memory_space<hbm>> -> memref<1000xi32, #tpu.memory_space<hbm>>
        %dma_start3A_296 = tpu.memref_slice %arg9[%add3A_245] : memref<80000xi32, #tpu.memory_space<hbm>> -> memref<1000xi32, #tpu.memory_space<hbm>>
        tpu.enqueue_dma source(%dma_start3A_296 : memref<1000xi32, #tpu.memory_space<hbm>>) target(%arg25 : memref<1000xi32, #tpu.memory_space<vmem>>) target_semaphore(%run_scoped3A : memref<!tpu.dma_semaphore, #tpu.memory_space<semaphore_mem>>)
        %dma_wait3A_297 = tpu.memref_slice %arg9[%add3A_245] : memref<80000xi32, #tpu.memory_space<hbm>> -> memref<1000xi32, #tpu.memory_space<hbm>>
        %dma_wait3A_298 = tpu.memref_slice %arg9[%add3A_245] : memref<80000xi32, #tpu.memory_space<hbm>> -> memref<1000xi32, #tpu.memory_space<hbm>>
        tpu.wait_dma2 semaphore(%run_scoped3A : memref<!tpu.dma_semaphore, #tpu.memory_space<semaphore_mem>>) src(%dma_wait3A_298 : memref<1000xi32, #tpu.memory_space<hbm>>) dst(%arg25 : memref<1000xi32, #tpu.memory_space<vmem>>)
        tpu.yield
      }) : () -> ()
      %dma_start3A_246 = arith.constant 0 : i32
      %dma_start3A_247 = arith.constant 0 : i32
      %dma_start3A_248 = tpu.memref_slice %arg10[%dma_start3A_246, %dma_start3A_247] : memref<40000x32xf32, #tpu.memory_space<hbm>> -> memref<40000x32xf32, #tpu.memory_space<hbm>>
      tpu.enqueue_indirect_dma source(%dma_start3A_248 : memref<40000x32xf32, #tpu.memory_space<hbm>>) target(%arg27 : memref<1000x32xf32, #tpu.memory_space<vmem>>) offsets(%arg23 : memref<1000xi32, #tpu.memory_space<vmem>>) semaphore(%arg31 : memref<!tpu.dma_semaphore, #tpu.memory_space<semaphore_mem>>)
      %dma_start3A_249 = arith.constant 0 : i32
      %dma_start3A_250 = tpu.memref_slice %arg14[%dma_start3A_249] : memref<10000xf32, #tpu.memory_space<hbm>> -> memref<10000xf32, #tpu.memory_space<hbm>>
      tpu.enqueue_indirect_dma source(%dma_start3A_250 : memref<10000xf32, #tpu.memory_space<hbm>>) target(%arg29 : memref<1000xf32, #tpu.memory_space<vmem>>) offsets(%arg25 : memref<1000xi32, #tpu.memory_space<vmem>>) semaphore(%arg32 : memref<!tpu.dma_semaphore, #tpu.memory_space<semaphore_mem>>)
      %dma_wait3A_251 = arith.constant 0 : i32
      %dma_wait3A_252 = arith.constant 0 : i32
      %dma_wait3A_253 = tpu.memref_slice %arg10[%dma_wait3A_251, %dma_wait3A_252] : memref<40000x32xf32, #tpu.memory_space<hbm>> -> memref<40000x32xf32, #tpu.memory_space<hbm>>
      tpu.wait_indirect_dma semaphore(%arg31 : memref<!tpu.dma_semaphore, #tpu.memory_space<semaphore_mem>>) src(%dma_wait3A_253 : memref<40000x32xf32, #tpu.memory_space<hbm>>) dst(%arg27 : memref<1000x32xf32, #tpu.memory_space<vmem>>)
      %dma_wait3A_254 = arith.constant 0 : i32
      %dma_wait3A_255 = tpu.memref_slice %arg14[%dma_wait3A_254] : memref<10000xf32, #tpu.memory_space<hbm>> -> memref<10000xf32, #tpu.memory_space<hbm>>
      tpu.wait_indirect_dma semaphore(%arg32 : memref<!tpu.dma_semaphore, #tpu.memory_space<semaphore_mem>>) src(%dma_wait3A_255 : memref<10000xf32, #tpu.memory_space<hbm>>) dst(%arg29 : memref<1000xf32, #tpu.memory_space<vmem>>)
      %dma_start3A_256 = arith.constant 0 : i32
      %dma_start3A_257 = arith.constant 0 : i32
      %dma_start3A_258 = tpu.memref_slice %arg20[%dma_start3A_256, %dma_start3A_257] : memref<10000x32xf32, #tpu.memory_space<vmem_shared>> -> memref<10000x32xf32, #tpu.memory_space<vmem_shared>>
      tpu.enqueue_indirect_dma source(%arg27 : memref<1000x32xf32, #tpu.memory_space<vmem>>) target(%dma_start3A_258 : memref<10000x32xf32, #tpu.memory_space<vmem_shared>>) offsets(%arg25 : memref<1000xi32, #tpu.memory_space<vmem>>) semaphore(%arg34 : memref<!tpu.dma_semaphore, #tpu.memory_space<semaphore_mem>>) {add = true}
      %dma_start3A_259 = arith.constant 0 : i32
      %dma_start3A_260 = tpu.memref_slice %arg21[%dma_start3A_259] : memref<40000xf32, #tpu.memory_space<vmem_shared>> -> memref<40000xf32, #tpu.memory_space<vmem_shared>>
      tpu.enqueue_indirect_dma source(%arg29 : memref<1000xf32, #tpu.memory_space<vmem>>) target(%dma_start3A_260 : memref<40000xf32, #tpu.memory_space<vmem_shared>>) offsets(%arg23 : memref<1000xi32, #tpu.memory_space<vmem>>) semaphore(%arg36 : memref<!tpu.dma_semaphore, #tpu.memory_space<semaphore_mem>>) {add = true}
      %dma_wait3A_261 = arith.constant 0 : i32
      %dma_wait3A_262 = arith.constant 0 : i32
      %dma_wait3A_263 = tpu.memref_slice %arg20[%dma_wait3A_261, %dma_wait3A_262] : memref<10000x32xf32, #tpu.memory_space<vmem_shared>> -> memref<10000x32xf32, #tpu.memory_space<vmem_shared>>
      tpu.wait_indirect_dma semaphore(%arg33 : memref<!tpu.dma_semaphore, #tpu.memory_space<semaphore_mem>>) src(%arg26 : memref<1000x32xf32, #tpu.memory_space<vmem>>) dst(%dma_wait3A_263 : memref<10000x32xf32, #tpu.memory_space<vmem_shared>>)
      %dma_wait3A_264 = arith.constant 0 : i32
      %dma_wait3A_265 = tpu.memref_slice %arg21[%dma_wait3A_264] : memref<40000xf32, #tpu.memory_space<vmem_shared>> -> memref<40000xf32, #tpu.memory_space<vmem_shared>>
      tpu.wait_indirect_dma semaphore(%arg35 : memref<!tpu.dma_semaphore, #tpu.memory_space<semaphore_mem>>) src(%arg28 : memref<1000xf32, #tpu.memory_space<vmem>>) dst(%dma_wait3A_265 : memref<40000xf32, #tpu.memory_space<vmem_shared>>)
      %mul3A_266 = arith.constant 5000 : i32
      %mul3A_267 = arith.muli %arg1, %mul3A_266 : i32
      %add3A_268 = arith.constant 4000 : i32
      %add3A_269 = arith.addi %mul3A_267, %add3A_268 : i32
      "tpu.region"() ({
        %run_scoped3A = tpu.sem_alloc : memref<!tpu.dma_semaphore, #tpu.memory_space<semaphore_mem>>
        %dma_start3A_295 = tpu.memref_slice %arg8[%add3A_269] : memref<80000xi32, #tpu.memory_space<hbm>> -> memref<1000xi32, #tpu.memory_space<hbm>>
        %dma_start3A_296 = tpu.memref_slice %arg8[%add3A_269] : memref<80000xi32, #tpu.memory_space<hbm>> -> memref<1000xi32, #tpu.memory_space<hbm>>
        tpu.enqueue_dma source(%dma_start3A_296 : memref<1000xi32, #tpu.memory_space<hbm>>) target(%arg22 : memref<1000xi32, #tpu.memory_space<vmem>>) target_semaphore(%run_scoped3A : memref<!tpu.dma_semaphore, #tpu.memory_space<semaphore_mem>>)
        %dma_wait3A_297 = tpu.memref_slice %arg8[%add3A_269] : memref<80000xi32, #tpu.memory_space<hbm>> -> memref<1000xi32, #tpu.memory_space<hbm>>
        %dma_wait3A_298 = tpu.memref_slice %arg8[%add3A_269] : memref<80000xi32, #tpu.memory_space<hbm>> -> memref<1000xi32, #tpu.memory_space<hbm>>
        tpu.wait_dma2 semaphore(%run_scoped3A : memref<!tpu.dma_semaphore, #tpu.memory_space<semaphore_mem>>) src(%dma_wait3A_298 : memref<1000xi32, #tpu.memory_space<hbm>>) dst(%arg22 : memref<1000xi32, #tpu.memory_space<vmem>>)
        tpu.yield
      }) : () -> ()
      "tpu.region"() ({
        %run_scoped3A = tpu.sem_alloc : memref<!tpu.dma_semaphore, #tpu.memory_space<semaphore_mem>>
        %dma_start3A_295 = tpu.memref_slice %arg9[%add3A_269] : memref<80000xi32, #tpu.memory_space<hbm>> -> memref<1000xi32, #tpu.memory_space<hbm>>
        %dma_start3A_296 = tpu.memref_slice %arg9[%add3A_269] : memref<80000xi32, #tpu.memory_space<hbm>> -> memref<1000xi32, #tpu.memory_space<hbm>>
        tpu.enqueue_dma source(%dma_start3A_296 : memref<1000xi32, #tpu.memory_space<hbm>>) target(%arg24 : memref<1000xi32, #tpu.memory_space<vmem>>) target_semaphore(%run_scoped3A : memref<!tpu.dma_semaphore, #tpu.memory_space<semaphore_mem>>)
        %dma_wait3A_297 = tpu.memref_slice %arg9[%add3A_269] : memref<80000xi32, #tpu.memory_space<hbm>> -> memref<1000xi32, #tpu.memory_space<hbm>>
        %dma_wait3A_298 = tpu.memref_slice %arg9[%add3A_269] : memref<80000xi32, #tpu.memory_space<hbm>> -> memref<1000xi32, #tpu.memory_space<hbm>>
        tpu.wait_dma2 semaphore(%run_scoped3A : memref<!tpu.dma_semaphore, #tpu.memory_space<semaphore_mem>>) src(%dma_wait3A_298 : memref<1000xi32, #tpu.memory_space<hbm>>) dst(%arg24 : memref<1000xi32, #tpu.memory_space<vmem>>)
        tpu.yield
      }) : () -> ()
      %dma_start3A_270 = arith.constant 0 : i32
      %dma_start3A_271 = arith.constant 0 : i32
      %dma_start3A_272 = tpu.memref_slice %arg10[%dma_start3A_270, %dma_start3A_271] : memref<40000x32xf32, #tpu.memory_space<hbm>> -> memref<40000x32xf32, #tpu.memory_space<hbm>>
      tpu.enqueue_indirect_dma source(%dma_start3A_272 : memref<40000x32xf32, #tpu.memory_space<hbm>>) target(%arg26 : memref<1000x32xf32, #tpu.memory_space<vmem>>) offsets(%arg22 : memref<1000xi32, #tpu.memory_space<vmem>>) semaphore(%arg31 : memref<!tpu.dma_semaphore, #tpu.memory_space<semaphore_mem>>)
      %dma_start3A_273 = arith.constant 0 : i32
      %dma_start3A_274 = tpu.memref_slice %arg14[%dma_start3A_273] : memref<10000xf32, #tpu.memory_space<hbm>> -> memref<10000xf32, #tpu.memory_space<hbm>>
      tpu.enqueue_indirect_dma source(%dma_start3A_274 : memref<10000xf32, #tpu.memory_space<hbm>>) target(%arg28 : memref<1000xf32, #tpu.memory_space<vmem>>) offsets(%arg24 : memref<1000xi32, #tpu.memory_space<vmem>>) semaphore(%arg32 : memref<!tpu.dma_semaphore, #tpu.memory_space<semaphore_mem>>)
      %dma_wait3A_275 = arith.constant 0 : i32
      %dma_wait3A_276 = arith.constant 0 : i32
      %dma_wait3A_277 = tpu.memref_slice %arg10[%dma_wait3A_275, %dma_wait3A_276] : memref<40000x32xf32, #tpu.memory_space<hbm>> -> memref<40000x32xf32, #tpu.memory_space<hbm>>
      tpu.wait_indirect_dma semaphore(%arg31 : memref<!tpu.dma_semaphore, #tpu.memory_space<semaphore_mem>>) src(%dma_wait3A_277 : memref<40000x32xf32, #tpu.memory_space<hbm>>) dst(%arg26 : memref<1000x32xf32, #tpu.memory_space<vmem>>)
      %dma_wait3A_278 = arith.constant 0 : i32
      %dma_wait3A_279 = tpu.memref_slice %arg14[%dma_wait3A_278] : memref<10000xf32, #tpu.memory_space<hbm>> -> memref<10000xf32, #tpu.memory_space<hbm>>
      tpu.wait_indirect_dma semaphore(%arg32 : memref<!tpu.dma_semaphore, #tpu.memory_space<semaphore_mem>>) src(%dma_wait3A_279 : memref<10000xf32, #tpu.memory_space<hbm>>) dst(%arg28 : memref<1000xf32, #tpu.memory_space<vmem>>)
      %dma_start3A_280 = arith.constant 0 : i32
      %dma_start3A_281 = arith.constant 0 : i32
      %dma_start3A_282 = tpu.memref_slice %arg20[%dma_start3A_280, %dma_start3A_281] : memref<10000x32xf32, #tpu.memory_space<vmem_shared>> -> memref<10000x32xf32, #tpu.memory_space<vmem_shared>>
      tpu.enqueue_indirect_dma source(%arg26 : memref<1000x32xf32, #tpu.memory_space<vmem>>) target(%dma_start3A_282 : memref<10000x32xf32, #tpu.memory_space<vmem_shared>>) offsets(%arg24 : memref<1000xi32, #tpu.memory_space<vmem>>) semaphore(%arg33 : memref<!tpu.dma_semaphore, #tpu.memory_space<semaphore_mem>>) {add = true}
      %dma_start3A_283 = arith.constant 0 : i32
      %dma_start3A_284 = tpu.memref_slice %arg21[%dma_start3A_283] : memref<40000xf32, #tpu.memory_space<vmem_shared>> -> memref<40000xf32, #tpu.memory_space<vmem_shared>>
      tpu.enqueue_indirect_dma source(%arg28 : memref<1000xf32, #tpu.memory_space<vmem>>) target(%dma_start3A_284 : memref<40000xf32, #tpu.memory_space<vmem_shared>>) offsets(%arg22 : memref<1000xi32, #tpu.memory_space<vmem>>) semaphore(%arg35 : memref<!tpu.dma_semaphore, #tpu.memory_space<semaphore_mem>>) {add = true}
      %dma_wait3A_285 = arith.constant 0 : i32
      %dma_wait3A_286 = arith.constant 0 : i32
      %dma_wait3A_287 = tpu.memref_slice %arg20[%dma_wait3A_285, %dma_wait3A_286] : memref<10000x32xf32, #tpu.memory_space<vmem_shared>> -> memref<10000x32xf32, #tpu.memory_space<vmem_shared>>
      tpu.wait_indirect_dma semaphore(%arg34 : memref<!tpu.dma_semaphore, #tpu.memory_space<semaphore_mem>>) src(%arg27 : memref<1000x32xf32, #tpu.memory_space<vmem>>) dst(%dma_wait3A_287 : memref<10000x32xf32, #tpu.memory_space<vmem_shared>>)
      %dma_wait3A_288 = arith.constant 0 : i32
      %dma_wait3A_289 = tpu.memref_slice %arg21[%dma_wait3A_288] : memref<40000xf32, #tpu.memory_space<vmem_shared>> -> memref<40000xf32, #tpu.memory_space<vmem_shared>>
      tpu.wait_indirect_dma semaphore(%arg36 : memref<!tpu.dma_semaphore, #tpu.memory_space<semaphore_mem>>) src(%arg29 : memref<1000xf32, #tpu.memory_space<vmem>>) dst(%dma_wait3A_289 : memref<40000xf32, #tpu.memory_space<vmem_shared>>)
      %dma_wait3A_290 = arith.constant 0 : i32
      %dma_wait3A_291 = arith.constant 0 : i32
      %dma_wait3A_292 = tpu.memref_slice %arg20[%dma_wait3A_290, %dma_wait3A_291] : memref<10000x32xf32, #tpu.memory_space<vmem_shared>> -> memref<10000x32xf32, #tpu.memory_space<vmem_shared>>
      tpu.wait_indirect_dma semaphore(%arg33 : memref<!tpu.dma_semaphore, #tpu.memory_space<semaphore_mem>>) src(%arg26 : memref<1000x32xf32, #tpu.memory_space<vmem>>) dst(%dma_wait3A_292 : memref<10000x32xf32, #tpu.memory_space<vmem_shared>>)
      %dma_wait3A_293 = arith.constant 0 : i32
      %dma_wait3A_294 = tpu.memref_slice %arg21[%dma_wait3A_293] : memref<40000xf32, #tpu.memory_space<vmem_shared>> -> memref<40000xf32, #tpu.memory_space<vmem_shared>>
      tpu.wait_indirect_dma semaphore(%arg35 : memref<!tpu.dma_semaphore, #tpu.memory_space<semaphore_mem>>) src(%arg28 : memref<1000xf32, #tpu.memory_space<vmem>>) dst(%dma_wait3A_294 : memref<40000xf32, #tpu.memory_space<vmem_shared>>)
    } else {
    }
    %barrier3A_38 = arith.constant 0 : index
    tpu.barrier barrier_id(%barrier3A_38)
    %eq3A_39 = arith.constant 0 : i32
    %eq3A_40 = arith.cmpi eq, %arg1, %eq3A_39 : i32
    %convert_element_type3A_41 = arith.extui %eq3A_40 : i1 to i32
    %cond3A_42 = arith.constant 0 : i32
    %cond3A_43 = arith.cmpi ne, %convert_element_type3A_41, %cond3A_42 : i32
    scf.if %cond3A_43 {
      "tpu.region"() ({
        %run_scoped3A = tpu.sem_alloc : memref<!tpu.dma_semaphore, #tpu.memory_space<semaphore_mem>>
        %dma_start3A = arith.constant 0 : i32
        %dma_start3A_137 = arith.constant 0 : i32
        %dma_start3A_138 = tpu.memref_slice %arg19[%dma_start3A, %dma_start3A_137] : memref<10000x32xf32, #tpu.memory_space<vmem_shared>> -> memref<1000x32xf32, #tpu.memory_space<vmem_shared>>
        %dma_start3A_139 = arith.constant 0 : i32
        %dma_start3A_140 = arith.constant 0 : i32
        %dma_start3A_141 = tpu.memref_slice %arg19[%dma_start3A_139, %dma_start3A_140] : memref<10000x32xf32, #tpu.memory_space<vmem_shared>> -> memref<1000x32xf32, #tpu.memory_space<vmem_shared>>
        tpu.enqueue_dma source(%dma_start3A_141 : memref<1000x32xf32, #tpu.memory_space<vmem_shared>>) target(%arg26 : memref<1000x32xf32, #tpu.memory_space<vmem>>) target_semaphore(%run_scoped3A : memref<!tpu.dma_semaphore, #tpu.memory_space<semaphore_mem>>)
        %dma_wait3A = arith.constant 0 : i32
        %dma_wait3A_142 = arith.constant 0 : i32
        %dma_wait3A_143 = tpu.memref_slice %arg19[%dma_wait3A, %dma_wait3A_142] : memref<10000x32xf32, #tpu.memory_space<vmem_shared>> -> memref<1000x32xf32, #tpu.memory_space<vmem_shared>>
        %dma_wait3A_144 = arith.constant 0 : i32
        %dma_wait3A_145 = arith.constant 0 : i32
        %dma_wait3A_146 = tpu.memref_slice %arg19[%dma_wait3A_144, %dma_wait3A_145] : memref<10000x32xf32, #tpu.memory_space<vmem_shared>> -> memref<1000x32xf32, #tpu.memory_space<vmem_shared>>
        tpu.wait_dma2 semaphore(%run_scoped3A : memref<!tpu.dma_semaphore, #tpu.memory_space<semaphore_mem>>) src(%dma_wait3A_146 : memref<1000x32xf32, #tpu.memory_space<vmem_shared>>) dst(%arg26 : memref<1000x32xf32, #tpu.memory_space<vmem>>)
        tpu.yield
      }) : () -> ()
      %mul3A = arith.constant 2 : i32
      %mul3A_59 = arith.muli %arg0, %mul3A : i32
      %add3A = arith.constant 0 : i32
      %add3A_60 = arith.addi %mul3A_59, %add3A : i32
      %mul3A_61 = arith.constant 10000 : i32
      %mul3A_62 = arith.muli %add3A_60, %mul3A_61 : i32
      %add3A_63 = arith.constant 0 : i32
      %add3A_64 = arith.addi %mul3A_62, %add3A_63 : i32
      "tpu.region"() ({
        %run_scoped3A = tpu.sem_alloc : memref<!tpu.dma_semaphore, #tpu.memory_space<semaphore_mem>>
        %dma_start3A = arith.constant 0 : i32
        %dma_start3A_137 = tpu.memref_slice %arg17[%add3A_64, %dma_start3A] : memref<40000x32xf32, #tpu.memory_space<hbm>> -> memref<1000x32xf32, #tpu.memory_space<hbm>>
        %dma_start3A_138 = arith.constant 0 : i32
        %dma_start3A_139 = tpu.memref_slice %arg17[%add3A_64, %dma_start3A_138] : memref<40000x32xf32, #tpu.memory_space<hbm>> -> memref<1000x32xf32, #tpu.memory_space<hbm>>
        tpu.enqueue_dma source(%arg26 : memref<1000x32xf32, #tpu.memory_space<vmem>>) target(%dma_start3A_139 : memref<1000x32xf32, #tpu.memory_space<hbm>>) target_semaphore(%run_scoped3A : memref<!tpu.dma_semaphore, #tpu.memory_space<semaphore_mem>>)
        %dma_wait3A = arith.constant 0 : i32
        %dma_wait3A_140 = tpu.memref_slice %arg17[%add3A_64, %dma_wait3A] : memref<40000x32xf32, #tpu.memory_space<hbm>> -> memref<1000x32xf32, #tpu.memory_space<hbm>>
        %dma_wait3A_141 = arith.constant 0 : i32
        %dma_wait3A_142 = tpu.memref_slice %arg17[%add3A_64, %dma_wait3A_141] : memref<40000x32xf32, #tpu.memory_space<hbm>> -> memref<1000x32xf32, #tpu.memory_space<hbm>>
        tpu.wait_dma2 semaphore(%run_scoped3A : memref<!tpu.dma_semaphore, #tpu.memory_space<semaphore_mem>>) src(%arg26 : memref<1000x32xf32, #tpu.memory_space<vmem>>) dst(%dma_wait3A_142 : memref<1000x32xf32, #tpu.memory_space<hbm>>)
        tpu.yield
      }) : () -> ()
      "tpu.region"() ({
        %run_scoped3A = tpu.sem_alloc : memref<!tpu.dma_semaphore, #tpu.memory_space<semaphore_mem>>
        %dma_start3A = arith.constant 1000 : i32
        %dma_start3A_137 = arith.constant 0 : i32
        %dma_start3A_138 = tpu.memref_slice %arg19[%dma_start3A, %dma_start3A_137] : memref<10000x32xf32, #tpu.memory_space<vmem_shared>> -> memref<1000x32xf32, #tpu.memory_space<vmem_shared>>
        %dma_start3A_139 = arith.constant 1000 : i32
        %dma_start3A_140 = arith.constant 0 : i32
        %dma_start3A_141 = tpu.memref_slice %arg19[%dma_start3A_139, %dma_start3A_140] : memref<10000x32xf32, #tpu.memory_space<vmem_shared>> -> memref<1000x32xf32, #tpu.memory_space<vmem_shared>>
        tpu.enqueue_dma source(%dma_start3A_141 : memref<1000x32xf32, #tpu.memory_space<vmem_shared>>) target(%arg26 : memref<1000x32xf32, #tpu.memory_space<vmem>>) target_semaphore(%run_scoped3A : memref<!tpu.dma_semaphore, #tpu.memory_space<semaphore_mem>>)
        %dma_wait3A = arith.constant 1000 : i32
        %dma_wait3A_142 = arith.constant 0 : i32
        %dma_wait3A_143 = tpu.memref_slice %arg19[%dma_wait3A, %dma_wait3A_142] : memref<10000x32xf32, #tpu.memory_space<vmem_shared>> -> memref<1000x32xf32, #tpu.memory_space<vmem_shared>>
        %dma_wait3A_144 = arith.constant 1000 : i32
        %dma_wait3A_145 = arith.constant 0 : i32
        %dma_wait3A_146 = tpu.memref_slice %arg19[%dma_wait3A_144, %dma_wait3A_145] : memref<10000x32xf32, #tpu.memory_space<vmem_shared>> -> memref<1000x32xf32, #tpu.memory_space<vmem_shared>>
        tpu.wait_dma2 semaphore(%run_scoped3A : memref<!tpu.dma_semaphore, #tpu.memory_space<semaphore_mem>>) src(%dma_wait3A_146 : memref<1000x32xf32, #tpu.memory_space<vmem_shared>>) dst(%arg26 : memref<1000x32xf32, #tpu.memory_space<vmem>>)
        tpu.yield
      }) : () -> ()
      %mul3A_65 = arith.constant 2 : i32
      %mul3A_66 = arith.muli %arg0, %mul3A_65 : i32
      %add3A_67 = arith.constant 0 : i32
      %add3A_68 = arith.addi %mul3A_66, %add3A_67 : i32
      %mul3A_69 = arith.constant 10000 : i32
      %mul3A_70 = arith.muli %add3A_68, %mul3A_69 : i32
      %add3A_71 = arith.constant 1000 : i32
      %add3A_72 = arith.addi %mul3A_70, %add3A_71 : i32
      "tpu.region"() ({
        %run_scoped3A = tpu.sem_alloc : memref<!tpu.dma_semaphore, #tpu.memory_space<semaphore_mem>>
        %dma_start3A = arith.constant 0 : i32
        %dma_start3A_137 = tpu.memref_slice %arg17[%add3A_72, %dma_start3A] : memref<40000x32xf32, #tpu.memory_space<hbm>> -> memref<1000x32xf32, #tpu.memory_space<hbm>>
        %dma_start3A_138 = arith.constant 0 : i32
        %dma_start3A_139 = tpu.memref_slice %arg17[%add3A_72, %dma_start3A_138] : memref<40000x32xf32, #tpu.memory_space<hbm>> -> memref<1000x32xf32, #tpu.memory_space<hbm>>
        tpu.enqueue_dma source(%arg26 : memref<1000x32xf32, #tpu.memory_space<vmem>>) target(%dma_start3A_139 : memref<1000x32xf32, #tpu.memory_space<hbm>>) target_semaphore(%run_scoped3A : memref<!tpu.dma_semaphore, #tpu.memory_space<semaphore_mem>>)
        %dma_wait3A = arith.constant 0 : i32
        %dma_wait3A_140 = tpu.memref_slice %arg17[%add3A_72, %dma_wait3A] : memref<40000x32xf32, #tpu.memory_space<hbm>> -> memref<1000x32xf32, #tpu.memory_space<hbm>>
        %dma_wait3A_141 = arith.constant 0 : i32
        %dma_wait3A_142 = tpu.memref_slice %arg17[%add3A_72, %dma_wait3A_141] : memref<40000x32xf32, #tpu.memory_space<hbm>> -> memref<1000x32xf32, #tpu.memory_space<hbm>>
        tpu.wait_dma2 semaphore(%run_scoped3A : memref<!tpu.dma_semaphore, #tpu.memory_space<semaphore_mem>>) src(%arg26 : memref<1000x32xf32, #tpu.memory_space<vmem>>) dst(%dma_wait3A_142 : memref<1000x32xf32, #tpu.memory_space<hbm>>)
        tpu.yield
      }) : () -> ()
      "tpu.region"() ({
        %run_scoped3A = tpu.sem_alloc : memref<!tpu.dma_semaphore, #tpu.memory_space<semaphore_mem>>
        %dma_start3A = arith.constant 2000 : i32
        %dma_start3A_137 = arith.constant 0 : i32
        %dma_start3A_138 = tpu.memref_slice %arg19[%dma_start3A, %dma_start3A_137] : memref<10000x32xf32, #tpu.memory_space<vmem_shared>> -> memref<1000x32xf32, #tpu.memory_space<vmem_shared>>
        %dma_start3A_139 = arith.constant 2000 : i32
        %dma_start3A_140 = arith.constant 0 : i32
        %dma_start3A_141 = tpu.memref_slice %arg19[%dma_start3A_139, %dma_start3A_140] : memref<10000x32xf32, #tpu.memory_space<vmem_shared>> -> memref<1000x32xf32, #tpu.memory_space<vmem_shared>>
        tpu.enqueue_dma source(%dma_start3A_141 : memref<1000x32xf32, #tpu.memory_space<vmem_shared>>) target(%arg26 : memref<1000x32xf32, #tpu.memory_space<vmem>>) target_semaphore(%run_scoped3A : memref<!tpu.dma_semaphore, #tpu.memory_space<semaphore_mem>>)
        %dma_wait3A = arith.constant 2000 : i32
        %dma_wait3A_142 = arith.constant 0 : i32
        %dma_wait3A_143 = tpu.memref_slice %arg19[%dma_wait3A, %dma_wait3A_142] : memref<10000x32xf32, #tpu.memory_space<vmem_shared>> -> memref<1000x32xf32, #tpu.memory_space<vmem_shared>>
        %dma_wait3A_144 = arith.constant 2000 : i32
        %dma_wait3A_145 = arith.constant 0 : i32
        %dma_wait3A_146 = tpu.memref_slice %arg19[%dma_wait3A_144, %dma_wait3A_145] : memref<10000x32xf32, #tpu.memory_space<vmem_shared>> -> memref<1000x32xf32, #tpu.memory_space<vmem_shared>>
        tpu.wait_dma2 semaphore(%run_scoped3A : memref<!tpu.dma_semaphore, #tpu.memory_space<semaphore_mem>>) src(%dma_wait3A_146 : memref<1000x32xf32, #tpu.memory_space<vmem_shared>>) dst(%arg26 : memref<1000x32xf32, #tpu.memory_space<vmem>>)
        tpu.yield
      }) : () -> ()
      %mul3A_73 = arith.constant 2 : i32
      %mul3A_74 = arith.muli %arg0, %mul3A_73 : i32
      %add3A_75 = arith.constant 0 : i32
      %add3A_76 = arith.addi %mul3A_74, %add3A_75 : i32
      %mul3A_77 = arith.constant 10000 : i32
      %mul3A_78 = arith.muli %add3A_76, %mul3A_77 : i32
      %add3A_79 = arith.constant 2000 : i32
      %add3A_80 = arith.addi %mul3A_78, %add3A_79 : i32
      "tpu.region"() ({
        %run_scoped3A = tpu.sem_alloc : memref<!tpu.dma_semaphore, #tpu.memory_space<semaphore_mem>>
        %dma_start3A = arith.constant 0 : i32
        %dma_start3A_137 = tpu.memref_slice %arg17[%add3A_80, %dma_start3A] : memref<40000x32xf32, #tpu.memory_space<hbm>> -> memref<1000x32xf32, #tpu.memory_space<hbm>>
        %dma_start3A_138 = arith.constant 0 : i32
        %dma_start3A_139 = tpu.memref_slice %arg17[%add3A_80, %dma_start3A_138] : memref<40000x32xf32, #tpu.memory_space<hbm>> -> memref<1000x32xf32, #tpu.memory_space<hbm>>
        tpu.enqueue_dma source(%arg26 : memref<1000x32xf32, #tpu.memory_space<vmem>>) target(%dma_start3A_139 : memref<1000x32xf32, #tpu.memory_space<hbm>>) target_semaphore(%run_scoped3A : memref<!tpu.dma_semaphore, #tpu.memory_space<semaphore_mem>>)
        %dma_wait3A = arith.constant 0 : i32
        %dma_wait3A_140 = tpu.memref_slice %arg17[%add3A_80, %dma_wait3A] : memref<40000x32xf32, #tpu.memory_space<hbm>> -> memref<1000x32xf32, #tpu.memory_space<hbm>>
        %dma_wait3A_141 = arith.constant 0 : i32
        %dma_wait3A_142 = tpu.memref_slice %arg17[%add3A_80, %dma_wait3A_141] : memref<40000x32xf32, #tpu.memory_space<hbm>> -> memref<1000x32xf32, #tpu.memory_space<hbm>>
        tpu.wait_dma2 semaphore(%run_scoped3A : memref<!tpu.dma_semaphore, #tpu.memory_space<semaphore_mem>>) src(%arg26 : memref<1000x32xf32, #tpu.memory_space<vmem>>) dst(%dma_wait3A_142 : memref<1000x32xf32, #tpu.memory_space<hbm>>)
        tpu.yield
      }) : () -> ()
      "tpu.region"() ({
        %run_scoped3A = tpu.sem_alloc : memref<!tpu.dma_semaphore, #tpu.memory_space<semaphore_mem>>
        %dma_start3A = arith.constant 3000 : i32
        %dma_start3A_137 = arith.constant 0 : i32
        %dma_start3A_138 = tpu.memref_slice %arg19[%dma_start3A, %dma_start3A_137] : memref<10000x32xf32, #tpu.memory_space<vmem_shared>> -> memref<1000x32xf32, #tpu.memory_space<vmem_shared>>
        %dma_start3A_139 = arith.constant 3000 : i32
        %dma_start3A_140 = arith.constant 0 : i32
        %dma_start3A_141 = tpu.memref_slice %arg19[%dma_start3A_139, %dma_start3A_140] : memref<10000x32xf32, #tpu.memory_space<vmem_shared>> -> memref<1000x32xf32, #tpu.memory_space<vmem_shared>>
        tpu.enqueue_dma source(%dma_start3A_141 : memref<1000x32xf32, #tpu.memory_space<vmem_shared>>) target(%arg26 : memref<1000x32xf32, #tpu.memory_space<vmem>>) target_semaphore(%run_scoped3A : memref<!tpu.dma_semaphore, #tpu.memory_space<semaphore_mem>>)
        %dma_wait3A = arith.constant 3000 : i32
        %dma_wait3A_142 = arith.constant 0 : i32
        %dma_wait3A_143 = tpu.memref_slice %arg19[%dma_wait3A, %dma_wait3A_142] : memref<10000x32xf32, #tpu.memory_space<vmem_shared>> -> memref<1000x32xf32, #tpu.memory_space<vmem_shared>>
        %dma_wait3A_144 = arith.constant 3000 : i32
        %dma_wait3A_145 = arith.constant 0 : i32
        %dma_wait3A_146 = tpu.memref_slice %arg19[%dma_wait3A_144, %dma_wait3A_145] : memref<10000x32xf32, #tpu.memory_space<vmem_shared>> -> memref<1000x32xf32, #tpu.memory_space<vmem_shared>>
        tpu.wait_dma2 semaphore(%run_scoped3A : memref<!tpu.dma_semaphore, #tpu.memory_space<semaphore_mem>>) src(%dma_wait3A_146 : memref<1000x32xf32, #tpu.memory_space<vmem_shared>>) dst(%arg26 : memref<1000x32xf32, #tpu.memory_space<vmem>>)
        tpu.yield
      }) : () -> ()
      %mul3A_81 = arith.constant 2 : i32
      %mul3A_82 = arith.muli %arg0, %mul3A_81 : i32
      %add3A_83 = arith.constant 0 : i32
      %add3A_84 = arith.addi %mul3A_82, %add3A_83 : i32
      %mul3A_85 = arith.constant 10000 : i32
      %mul3A_86 = arith.muli %add3A_84, %mul3A_85 : i32
      %add3A_87 = arith.constant 3000 : i32
      %add3A_88 = arith.addi %mul3A_86, %add3A_87 : i32
      "tpu.region"() ({
        %run_scoped3A = tpu.sem_alloc : memref<!tpu.dma_semaphore, #tpu.memory_space<semaphore_mem>>
        %dma_start3A = arith.constant 0 : i32
        %dma_start3A_137 = tpu.memref_slice %arg17[%add3A_88, %dma_start3A] : memref<40000x32xf32, #tpu.memory_space<hbm>> -> memref<1000x32xf32, #tpu.memory_space<hbm>>
        %dma_start3A_138 = arith.constant 0 : i32
        %dma_start3A_139 = tpu.memref_slice %arg17[%add3A_88, %dma_start3A_138] : memref<40000x32xf32, #tpu.memory_space<hbm>> -> memref<1000x32xf32, #tpu.memory_space<hbm>>
        tpu.enqueue_dma source(%arg26 : memref<1000x32xf32, #tpu.memory_space<vmem>>) target(%dma_start3A_139 : memref<1000x32xf32, #tpu.memory_space<hbm>>) target_semaphore(%run_scoped3A : memref<!tpu.dma_semaphore, #tpu.memory_space<semaphore_mem>>)
        %dma_wait3A = arith.constant 0 : i32
        %dma_wait3A_140 = tpu.memref_slice %arg17[%add3A_88, %dma_wait3A] : memref<40000x32xf32, #tpu.memory_space<hbm>> -> memref<1000x32xf32, #tpu.memory_space<hbm>>
        %dma_wait3A_141 = arith.constant 0 : i32
        %dma_wait3A_142 = tpu.memref_slice %arg17[%add3A_88, %dma_wait3A_141] : memref<40000x32xf32, #tpu.memory_space<hbm>> -> memref<1000x32xf32, #tpu.memory_space<hbm>>
        tpu.wait_dma2 semaphore(%run_scoped3A : memref<!tpu.dma_semaphore, #tpu.memory_space<semaphore_mem>>) src(%arg26 : memref<1000x32xf32, #tpu.memory_space<vmem>>) dst(%dma_wait3A_142 : memref<1000x32xf32, #tpu.memory_space<hbm>>)
        tpu.yield
      }) : () -> ()
      "tpu.region"() ({
        %run_scoped3A = tpu.sem_alloc : memref<!tpu.dma_semaphore, #tpu.memory_space<semaphore_mem>>
        %dma_start3A = arith.constant 4000 : i32
        %dma_start3A_137 = arith.constant 0 : i32
        %dma_start3A_138 = tpu.memref_slice %arg19[%dma_start3A, %dma_start3A_137] : memref<10000x32xf32, #tpu.memory_space<vmem_shared>> -> memref<1000x32xf32, #tpu.memory_space<vmem_shared>>
        %dma_start3A_139 = arith.constant 4000 : i32
        %dma_start3A_140 = arith.constant 0 : i32
        %dma_start3A_141 = tpu.memref_slice %arg19[%dma_start3A_139, %dma_start3A_140] : memref<10000x32xf32, #tpu.memory_space<vmem_shared>> -> memref<1000x32xf32, #tpu.memory_space<vmem_shared>>
        tpu.enqueue_dma source(%dma_start3A_141 : memref<1000x32xf32, #tpu.memory_space<vmem_shared>>) target(%arg26 : memref<1000x32xf32, #tpu.memory_space<vmem>>) target_semaphore(%run_scoped3A : memref<!tpu.dma_semaphore, #tpu.memory_space<semaphore_mem>>)
        %dma_wait3A = arith.constant 4000 : i32
        %dma_wait3A_142 = arith.constant 0 : i32
        %dma_wait3A_143 = tpu.memref_slice %arg19[%dma_wait3A, %dma_wait3A_142] : memref<10000x32xf32, #tpu.memory_space<vmem_shared>> -> memref<1000x32xf32, #tpu.memory_space<vmem_shared>>
        %dma_wait3A_144 = arith.constant 4000 : i32
        %dma_wait3A_145 = arith.constant 0 : i32
        %dma_wait3A_146 = tpu.memref_slice %arg19[%dma_wait3A_144, %dma_wait3A_145] : memref<10000x32xf32, #tpu.memory_space<vmem_shared>> -> memref<1000x32xf32, #tpu.memory_space<vmem_shared>>
        tpu.wait_dma2 semaphore(%run_scoped3A : memref<!tpu.dma_semaphore, #tpu.memory_space<semaphore_mem>>) src(%dma_wait3A_146 : memref<1000x32xf32, #tpu.memory_space<vmem_shared>>) dst(%arg26 : memref<1000x32xf32, #tpu.memory_space<vmem>>)
        tpu.yield
      }) : () -> ()
      %mul3A_89 = arith.constant 2 : i32
      %mul3A_90 = arith.muli %arg0, %mul3A_89 : i32
      %add3A_91 = arith.constant 0 : i32
      %add3A_92 = arith.addi %mul3A_90, %add3A_91 : i32
      %mul3A_93 = arith.constant 10000 : i32
      %mul3A_94 = arith.muli %add3A_92, %mul3A_93 : i32
      %add3A_95 = arith.constant 4000 : i32
      %add3A_96 = arith.addi %mul3A_94, %add3A_95 : i32
      "tpu.region"() ({
        %run_scoped3A = tpu.sem_alloc : memref<!tpu.dma_semaphore, #tpu.memory_space<semaphore_mem>>
        %dma_start3A = arith.constant 0 : i32
        %dma_start3A_137 = tpu.memref_slice %arg17[%add3A_96, %dma_start3A] : memref<40000x32xf32, #tpu.memory_space<hbm>> -> memref<1000x32xf32, #tpu.memory_space<hbm>>
        %dma_start3A_138 = arith.constant 0 : i32
        %dma_start3A_139 = tpu.memref_slice %arg17[%add3A_96, %dma_start3A_138] : memref<40000x32xf32, #tpu.memory_space<hbm>> -> memref<1000x32xf32, #tpu.memory_space<hbm>>
        tpu.enqueue_dma source(%arg26 : memref<1000x32xf32, #tpu.memory_space<vmem>>) target(%dma_start3A_139 : memref<1000x32xf32, #tpu.memory_space<hbm>>) target_semaphore(%run_scoped3A : memref<!tpu.dma_semaphore, #tpu.memory_space<semaphore_mem>>)
        %dma_wait3A = arith.constant 0 : i32
        %dma_wait3A_140 = tpu.memref_slice %arg17[%add3A_96, %dma_wait3A] : memref<40000x32xf32, #tpu.memory_space<hbm>> -> memref<1000x32xf32, #tpu.memory_space<hbm>>
        %dma_wait3A_141 = arith.constant 0 : i32
        %dma_wait3A_142 = tpu.memref_slice %arg17[%add3A_96, %dma_wait3A_141] : memref<40000x32xf32, #tpu.memory_space<hbm>> -> memref<1000x32xf32, #tpu.memory_space<hbm>>
        tpu.wait_dma2 semaphore(%run_scoped3A : memref<!tpu.dma_semaphore, #tpu.memory_space<semaphore_mem>>) src(%arg26 : memref<1000x32xf32, #tpu.memory_space<vmem>>) dst(%dma_wait3A_142 : memref<1000x32xf32, #tpu.memory_space<hbm>>)
        tpu.yield
      }) : () -> ()
      "tpu.region"() ({
        %run_scoped3A = tpu.sem_alloc : memref<!tpu.dma_semaphore, #tpu.memory_space<semaphore_mem>>
        %dma_start3A = arith.constant 5000 : i32
        %dma_start3A_137 = arith.constant 0 : i32
        %dma_start3A_138 = tpu.memref_slice %arg19[%dma_start3A, %dma_start3A_137] : memref<10000x32xf32, #tpu.memory_space<vmem_shared>> -> memref<1000x32xf32, #tpu.memory_space<vmem_shared>>
        %dma_start3A_139 = arith.constant 5000 : i32
        %dma_start3A_140 = arith.constant 0 : i32
        %dma_start3A_141 = tpu.memref_slice %arg19[%dma_start3A_139, %dma_start3A_140] : memref<10000x32xf32, #tpu.memory_space<vmem_shared>> -> memref<1000x32xf32, #tpu.memory_space<vmem_shared>>
        tpu.enqueue_dma source(%dma_start3A_141 : memref<1000x32xf32, #tpu.memory_space<vmem_shared>>) target(%arg26 : memref<1000x32xf32, #tpu.memory_space<vmem>>) target_semaphore(%run_scoped3A : memref<!tpu.dma_semaphore, #tpu.memory_space<semaphore_mem>>)
        %dma_wait3A = arith.constant 5000 : i32
        %dma_wait3A_142 = arith.constant 0 : i32
        %dma_wait3A_143 = tpu.memref_slice %arg19[%dma_wait3A, %dma_wait3A_142] : memref<10000x32xf32, #tpu.memory_space<vmem_shared>> -> memref<1000x32xf32, #tpu.memory_space<vmem_shared>>
        %dma_wait3A_144 = arith.constant 5000 : i32
        %dma_wait3A_145 = arith.constant 0 : i32
        %dma_wait3A_146 = tpu.memref_slice %arg19[%dma_wait3A_144, %dma_wait3A_145] : memref<10000x32xf32, #tpu.memory_space<vmem_shared>> -> memref<1000x32xf32, #tpu.memory_space<vmem_shared>>
        tpu.wait_dma2 semaphore(%run_scoped3A : memref<!tpu.dma_semaphore, #tpu.memory_space<semaphore_mem>>) src(%dma_wait3A_146 : memref<1000x32xf32, #tpu.memory_space<vmem_shared>>) dst(%arg26 : memref<1000x32xf32, #tpu.memory_space<vmem>>)
        tpu.yield
      }) : () -> ()
      %mul3A_97 = arith.constant 2 : i32
      %mul3A_98 = arith.muli %arg0, %mul3A_97 : i32
      %add3A_99 = arith.constant 0 : i32
      %add3A_100 = arith.addi %mul3A_98, %add3A_99 : i32
      %mul3A_101 = arith.constant 10000 : i32
      %mul3A_102 = arith.muli %add3A_100, %mul3A_101 : i32
      %add3A_103 = arith.constant 5000 : i32
      %add3A_104 = arith.addi %mul3A_102, %add3A_103 : i32
      "tpu.region"() ({
        %run_scoped3A = tpu.sem_alloc : memref<!tpu.dma_semaphore, #tpu.memory_space<semaphore_mem>>
        %dma_start3A = arith.constant 0 : i32
        %dma_start3A_137 = tpu.memref_slice %arg17[%add3A_104, %dma_start3A] : memref<40000x32xf32, #tpu.memory_space<hbm>> -> memref<1000x32xf32, #tpu.memory_space<hbm>>
        %dma_start3A_138 = arith.constant 0 : i32
        %dma_start3A_139 = tpu.memref_slice %arg17[%add3A_104, %dma_start3A_138] : memref<40000x32xf32, #tpu.memory_space<hbm>> -> memref<1000x32xf32, #tpu.memory_space<hbm>>
        tpu.enqueue_dma source(%arg26 : memref<1000x32xf32, #tpu.memory_space<vmem>>) target(%dma_start3A_139 : memref<1000x32xf32, #tpu.memory_space<hbm>>) target_semaphore(%run_scoped3A : memref<!tpu.dma_semaphore, #tpu.memory_space<semaphore_mem>>)
        %dma_wait3A = arith.constant 0 : i32
        %dma_wait3A_140 = tpu.memref_slice %arg17[%add3A_104, %dma_wait3A] : memref<40000x32xf32, #tpu.memory_space<hbm>> -> memref<1000x32xf32, #tpu.memory_space<hbm>>
        %dma_wait3A_141 = arith.constant 0 : i32
        %dma_wait3A_142 = tpu.memref_slice %arg17[%add3A_104, %dma_wait3A_141] : memref<40000x32xf32, #tpu.memory_space<hbm>> -> memref<1000x32xf32, #tpu.memory_space<hbm>>
        tpu.wait_dma2 semaphore(%run_scoped3A : memref<!tpu.dma_semaphore, #tpu.memory_space<semaphore_mem>>) src(%arg26 : memref<1000x32xf32, #tpu.memory_space<vmem>>) dst(%dma_wait3A_142 : memref<1000x32xf32, #tpu.memory_space<hbm>>)
        tpu.yield
      }) : () -> ()
      "tpu.region"() ({
        %run_scoped3A = tpu.sem_alloc : memref<!tpu.dma_semaphore, #tpu.memory_space<semaphore_mem>>
        %dma_start3A = arith.constant 6000 : i32
        %dma_start3A_137 = arith.constant 0 : i32
        %dma_start3A_138 = tpu.memref_slice %arg19[%dma_start3A, %dma_start3A_137] : memref<10000x32xf32, #tpu.memory_space<vmem_shared>> -> memref<1000x32xf32, #tpu.memory_space<vmem_shared>>
        %dma_start3A_139 = arith.constant 6000 : i32
        %dma_start3A_140 = arith.constant 0 : i32
        %dma_start3A_141 = tpu.memref_slice %arg19[%dma_start3A_139, %dma_start3A_140] : memref<10000x32xf32, #tpu.memory_space<vmem_shared>> -> memref<1000x32xf32, #tpu.memory_space<vmem_shared>>
        tpu.enqueue_dma source(%dma_start3A_141 : memref<1000x32xf32, #tpu.memory_space<vmem_shared>>) target(%arg26 : memref<1000x32xf32, #tpu.memory_space<vmem>>) target_semaphore(%run_scoped3A : memref<!tpu.dma_semaphore, #tpu.memory_space<semaphore_mem>>)
        %dma_wait3A = arith.constant 6000 : i32
        %dma_wait3A_142 = arith.constant 0 : i32
        %dma_wait3A_143 = tpu.memref_slice %arg19[%dma_wait3A, %dma_wait3A_142] : memref<10000x32xf32, #tpu.memory_space<vmem_shared>> -> memref<1000x32xf32, #tpu.memory_space<vmem_shared>>
        %dma_wait3A_144 = arith.constant 6000 : i32
        %dma_wait3A_145 = arith.constant 0 : i32
        %dma_wait3A_146 = tpu.memref_slice %arg19[%dma_wait3A_144, %dma_wait3A_145] : memref<10000x32xf32, #tpu.memory_space<vmem_shared>> -> memref<1000x32xf32, #tpu.memory_space<vmem_shared>>
        tpu.wait_dma2 semaphore(%run_scoped3A : memref<!tpu.dma_semaphore, #tpu.memory_space<semaphore_mem>>) src(%dma_wait3A_146 : memref<1000x32xf32, #tpu.memory_space<vmem_shared>>) dst(%arg26 : memref<1000x32xf32, #tpu.memory_space<vmem>>)
        tpu.yield
      }) : () -> ()
      %mul3A_105 = arith.constant 2 : i32
      %mul3A_106 = arith.muli %arg0, %mul3A_105 : i32
      %add3A_107 = arith.constant 0 : i32
      %add3A_108 = arith.addi %mul3A_106, %add3A_107 : i32
      %mul3A_109 = arith.constant 10000 : i32
      %mul3A_110 = arith.muli %add3A_108, %mul3A_109 : i32
      %add3A_111 = arith.constant 6000 : i32
      %add3A_112 = arith.addi %mul3A_110, %add3A_111 : i32
      "tpu.region"() ({
        %run_scoped3A = tpu.sem_alloc : memref<!tpu.dma_semaphore, #tpu.memory_space<semaphore_mem>>
        %dma_start3A = arith.constant 0 : i32
        %dma_start3A_137 = tpu.memref_slice %arg17[%add3A_112, %dma_start3A] : memref<40000x32xf32, #tpu.memory_space<hbm>> -> memref<1000x32xf32, #tpu.memory_space<hbm>>
        %dma_start3A_138 = arith.constant 0 : i32
        %dma_start3A_139 = tpu.memref_slice %arg17[%add3A_112, %dma_start3A_138] : memref<40000x32xf32, #tpu.memory_space<hbm>> -> memref<1000x32xf32, #tpu.memory_space<hbm>>
        tpu.enqueue_dma source(%arg26 : memref<1000x32xf32, #tpu.memory_space<vmem>>) target(%dma_start3A_139 : memref<1000x32xf32, #tpu.memory_space<hbm>>) target_semaphore(%run_scoped3A : memref<!tpu.dma_semaphore, #tpu.memory_space<semaphore_mem>>)
        %dma_wait3A = arith.constant 0 : i32
        %dma_wait3A_140 = tpu.memref_slice %arg17[%add3A_112, %dma_wait3A] : memref<40000x32xf32, #tpu.memory_space<hbm>> -> memref<1000x32xf32, #tpu.memory_space<hbm>>
        %dma_wait3A_141 = arith.constant 0 : i32
        %dma_wait3A_142 = tpu.memref_slice %arg17[%add3A_112, %dma_wait3A_141] : memref<40000x32xf32, #tpu.memory_space<hbm>> -> memref<1000x32xf32, #tpu.memory_space<hbm>>
        tpu.wait_dma2 semaphore(%run_scoped3A : memref<!tpu.dma_semaphore, #tpu.memory_space<semaphore_mem>>) src(%arg26 : memref<1000x32xf32, #tpu.memory_space<vmem>>) dst(%dma_wait3A_142 : memref<1000x32xf32, #tpu.memory_space<hbm>>)
        tpu.yield
      }) : () -> ()
      "tpu.region"() ({
        %run_scoped3A = tpu.sem_alloc : memref<!tpu.dma_semaphore, #tpu.memory_space<semaphore_mem>>
        %dma_start3A = arith.constant 7000 : i32
        %dma_start3A_137 = arith.constant 0 : i32
        %dma_start3A_138 = tpu.memref_slice %arg19[%dma_start3A, %dma_start3A_137] : memref<10000x32xf32, #tpu.memory_space<vmem_shared>> -> memref<1000x32xf32, #tpu.memory_space<vmem_shared>>
        %dma_start3A_139 = arith.constant 7000 : i32
        %dma_start3A_140 = arith.constant 0 : i32
        %dma_start3A_141 = tpu.memref_slice %arg19[%dma_start3A_139, %dma_start3A_140] : memref<10000x32xf32, #tpu.memory_space<vmem_shared>> -> memref<1000x32xf32, #tpu.memory_space<vmem_shared>>
        tpu.enqueue_dma source(%dma_start3A_141 : memref<1000x32xf32, #tpu.memory_space<vmem_shared>>) target(%arg26 : memref<1000x32xf32, #tpu.memory_space<vmem>>) target_semaphore(%run_scoped3A : memref<!tpu.dma_semaphore, #tpu.memory_space<semaphore_mem>>)
        %dma_wait3A = arith.constant 7000 : i32
        %dma_wait3A_142 = arith.constant 0 : i32
        %dma_wait3A_143 = tpu.memref_slice %arg19[%dma_wait3A, %dma_wait3A_142] : memref<10000x32xf32, #tpu.memory_space<vmem_shared>> -> memref<1000x32xf32, #tpu.memory_space<vmem_shared>>
        %dma_wait3A_144 = arith.constant 7000 : i32
        %dma_wait3A_145 = arith.constant 0 : i32
        %dma_wait3A_146 = tpu.memref_slice %arg19[%dma_wait3A_144, %dma_wait3A_145] : memref<10000x32xf32, #tpu.memory_space<vmem_shared>> -> memref<1000x32xf32, #tpu.memory_space<vmem_shared>>
        tpu.wait_dma2 semaphore(%run_scoped3A : memref<!tpu.dma_semaphore, #tpu.memory_space<semaphore_mem>>) src(%dma_wait3A_146 : memref<1000x32xf32, #tpu.memory_space<vmem_shared>>) dst(%arg26 : memref<1000x32xf32, #tpu.memory_space<vmem>>)
        tpu.yield
      }) : () -> ()
      %mul3A_113 = arith.constant 2 : i32
      %mul3A_114 = arith.muli %arg0, %mul3A_113 : i32
      %add3A_115 = arith.constant 0 : i32
      %add3A_116 = arith.addi %mul3A_114, %add3A_115 : i32
      %mul3A_117 = arith.constant 10000 : i32
      %mul3A_118 = arith.muli %add3A_116, %mul3A_117 : i32
      %add3A_119 = arith.constant 7000 : i32
      %add3A_120 = arith.addi %mul3A_118, %add3A_119 : i32
      "tpu.region"() ({
        %run_scoped3A = tpu.sem_alloc : memref<!tpu.dma_semaphore, #tpu.memory_space<semaphore_mem>>
        %dma_start3A = arith.constant 0 : i32
        %dma_start3A_137 = tpu.memref_slice %arg17[%add3A_120, %dma_start3A] : memref<40000x32xf32, #tpu.memory_space<hbm>> -> memref<1000x32xf32, #tpu.memory_space<hbm>>
        %dma_start3A_138 = arith.constant 0 : i32
        %dma_start3A_139 = tpu.memref_slice %arg17[%add3A_120, %dma_start3A_138] : memref<40000x32xf32, #tpu.memory_space<hbm>> -> memref<1000x32xf32, #tpu.memory_space<hbm>>
        tpu.enqueue_dma source(%arg26 : memref<1000x32xf32, #tpu.memory_space<vmem>>) target(%dma_start3A_139 : memref<1000x32xf32, #tpu.memory_space<hbm>>) target_semaphore(%run_scoped3A : memref<!tpu.dma_semaphore, #tpu.memory_space<semaphore_mem>>)
        %dma_wait3A = arith.constant 0 : i32
        %dma_wait3A_140 = tpu.memref_slice %arg17[%add3A_120, %dma_wait3A] : memref<40000x32xf32, #tpu.memory_space<hbm>> -> memref<1000x32xf32, #tpu.memory_space<hbm>>
        %dma_wait3A_141 = arith.constant 0 : i32
        %dma_wait3A_142 = tpu.memref_slice %arg17[%add3A_120, %dma_wait3A_141] : memref<40000x32xf32, #tpu.memory_space<hbm>> -> memref<1000x32xf32, #tpu.memory_space<hbm>>
        tpu.wait_dma2 semaphore(%run_scoped3A : memref<!tpu.dma_semaphore, #tpu.memory_space<semaphore_mem>>) src(%arg26 : memref<1000x32xf32, #tpu.memory_space<vmem>>) dst(%dma_wait3A_142 : memref<1000x32xf32, #tpu.memory_space<hbm>>)
        tpu.yield
      }) : () -> ()
      "tpu.region"() ({
        %run_scoped3A = tpu.sem_alloc : memref<!tpu.dma_semaphore, #tpu.memory_space<semaphore_mem>>
        %dma_start3A = arith.constant 8000 : i32
        %dma_start3A_137 = arith.constant 0 : i32
        %dma_start3A_138 = tpu.memref_slice %arg19[%dma_start3A, %dma_start3A_137] : memref<10000x32xf32, #tpu.memory_space<vmem_shared>> -> memref<1000x32xf32, #tpu.memory_space<vmem_shared>>
        %dma_start3A_139 = arith.constant 8000 : i32
        %dma_start3A_140 = arith.constant 0 : i32
        %dma_start3A_141 = tpu.memref_slice %arg19[%dma_start3A_139, %dma_start3A_140] : memref<10000x32xf32, #tpu.memory_space<vmem_shared>> -> memref<1000x32xf32, #tpu.memory_space<vmem_shared>>
        tpu.enqueue_dma source(%dma_start3A_141 : memref<1000x32xf32, #tpu.memory_space<vmem_shared>>) target(%arg26 : memref<1000x32xf32, #tpu.memory_space<vmem>>) target_semaphore(%run_scoped3A : memref<!tpu.dma_semaphore, #tpu.memory_space<semaphore_mem>>)
        %dma_wait3A = arith.constant 8000 : i32
        %dma_wait3A_142 = arith.constant 0 : i32
        %dma_wait3A_143 = tpu.memref_slice %arg19[%dma_wait3A, %dma_wait3A_142] : memref<10000x32xf32, #tpu.memory_space<vmem_shared>> -> memref<1000x32xf32, #tpu.memory_space<vmem_shared>>
        %dma_wait3A_144 = arith.constant 8000 : i32
        %dma_wait3A_145 = arith.constant 0 : i32
        %dma_wait3A_146 = tpu.memref_slice %arg19[%dma_wait3A_144, %dma_wait3A_145] : memref<10000x32xf32, #tpu.memory_space<vmem_shared>> -> memref<1000x32xf32, #tpu.memory_space<vmem_shared>>
        tpu.wait_dma2 semaphore(%run_scoped3A : memref<!tpu.dma_semaphore, #tpu.memory_space<semaphore_mem>>) src(%dma_wait3A_146 : memref<1000x32xf32, #tpu.memory_space<vmem_shared>>) dst(%arg26 : memref<1000x32xf32, #tpu.memory_space<vmem>>)
        tpu.yield
      }) : () -> ()
      %mul3A_121 = arith.constant 2 : i32
      %mul3A_122 = arith.muli %arg0, %mul3A_121 : i32
      %add3A_123 = arith.constant 0 : i32
      %add3A_124 = arith.addi %mul3A_122, %add3A_123 : i32
      %mul3A_125 = arith.constant 10000 : i32
      %mul3A_126 = arith.muli %add3A_124, %mul3A_125 : i32
      %add3A_127 = arith.constant 8000 : i32
      %add3A_128 = arith.addi %mul3A_126, %add3A_127 : i32
      "tpu.region"() ({
        %run_scoped3A = tpu.sem_alloc : memref<!tpu.dma_semaphore, #tpu.memory_space<semaphore_mem>>
        %dma_start3A = arith.constant 0 : i32
        %dma_start3A_137 = tpu.memref_slice %arg17[%add3A_128, %dma_start3A] : memref<40000x32xf32, #tpu.memory_space<hbm>> -> memref<1000x32xf32, #tpu.memory_space<hbm>>
        %dma_start3A_138 = arith.constant 0 : i32
        %dma_start3A_139 = tpu.memref_slice %arg17[%add3A_128, %dma_start3A_138] : memref<40000x32xf32, #tpu.memory_space<hbm>> -> memref<1000x32xf32, #tpu.memory_space<hbm>>
        tpu.enqueue_dma source(%arg26 : memref<1000x32xf32, #tpu.memory_space<vmem>>) target(%dma_start3A_139 : memref<1000x32xf32, #tpu.memory_space<hbm>>) target_semaphore(%run_scoped3A : memref<!tpu.dma_semaphore, #tpu.memory_space<semaphore_mem>>)
        %dma_wait3A = arith.constant 0 : i32
        %dma_wait3A_140 = tpu.memref_slice %arg17[%add3A_128, %dma_wait3A] : memref<40000x32xf32, #tpu.memory_space<hbm>> -> memref<1000x32xf32, #tpu.memory_space<hbm>>
        %dma_wait3A_141 = arith.constant 0 : i32
        %dma_wait3A_142 = tpu.memref_slice %arg17[%add3A_128, %dma_wait3A_141] : memref<40000x32xf32, #tpu.memory_space<hbm>> -> memref<1000x32xf32, #tpu.memory_space<hbm>>
        tpu.wait_dma2 semaphore(%run_scoped3A : memref<!tpu.dma_semaphore, #tpu.memory_space<semaphore_mem>>) src(%arg26 : memref<1000x32xf32, #tpu.memory_space<vmem>>) dst(%dma_wait3A_142 : memref<1000x32xf32, #tpu.memory_space<hbm>>)
        tpu.yield
      }) : () -> ()
      "tpu.region"() ({
        %run_scoped3A = tpu.sem_alloc : memref<!tpu.dma_semaphore, #tpu.memory_space<semaphore_mem>>
        %dma_start3A = arith.constant 9000 : i32
        %dma_start3A_137 = arith.constant 0 : i32
        %dma_start3A_138 = tpu.memref_slice %arg19[%dma_start3A, %dma_start3A_137] : memref<10000x32xf32, #tpu.memory_space<vmem_shared>> -> memref<1000x32xf32, #tpu.memory_space<vmem_shared>>
        %dma_start3A_139 = arith.constant 9000 : i32
        %dma_start3A_140 = arith.constant 0 : i32
        %dma_start3A_141 = tpu.memref_slice %arg19[%dma_start3A_139, %dma_start3A_140] : memref<10000x32xf32, #tpu.memory_space<vmem_shared>> -> memref<1000x32xf32, #tpu.memory_space<vmem_shared>>
        tpu.enqueue_dma source(%dma_start3A_141 : memref<1000x32xf32, #tpu.memory_space<vmem_shared>>) target(%arg26 : memref<1000x32xf32, #tpu.memory_space<vmem>>) target_semaphore(%run_scoped3A : memref<!tpu.dma_semaphore, #tpu.memory_space<semaphore_mem>>)
        %dma_wait3A = arith.constant 9000 : i32
        %dma_wait3A_142 = arith.constant 0 : i32
        %dma_wait3A_143 = tpu.memref_slice %arg19[%dma_wait3A, %dma_wait3A_142] : memref<10000x32xf32, #tpu.memory_space<vmem_shared>> -> memref<1000x32xf32, #tpu.memory_space<vmem_shared>>
        %dma_wait3A_144 = arith.constant 9000 : i32
        %dma_wait3A_145 = arith.constant 0 : i32
        %dma_wait3A_146 = tpu.memref_slice %arg19[%dma_wait3A_144, %dma_wait3A_145] : memref<10000x32xf32, #tpu.memory_space<vmem_shared>> -> memref<1000x32xf32, #tpu.memory_space<vmem_shared>>
        tpu.wait_dma2 semaphore(%run_scoped3A : memref<!tpu.dma_semaphore, #tpu.memory_space<semaphore_mem>>) src(%dma_wait3A_146 : memref<1000x32xf32, #tpu.memory_space<vmem_shared>>) dst(%arg26 : memref<1000x32xf32, #tpu.memory_space<vmem>>)
        tpu.yield
      }) : () -> ()
      %mul3A_129 = arith.constant 2 : i32
      %mul3A_130 = arith.muli %arg0, %mul3A_129 : i32
      %add3A_131 = arith.constant 0 : i32
      %add3A_132 = arith.addi %mul3A_130, %add3A_131 : i32
      %mul3A_133 = arith.constant 10000 : i32
      %mul3A_134 = arith.muli %add3A_132, %mul3A_133 : i32
      %add3A_135 = arith.constant 9000 : i32
      %add3A_136 = arith.addi %mul3A_134, %add3A_135 : i32
      "tpu.region"() ({
        %run_scoped3A = tpu.sem_alloc : memref<!tpu.dma_semaphore, #tpu.memory_space<semaphore_mem>>
        %dma_start3A = arith.constant 0 : i32
        %dma_start3A_137 = tpu.memref_slice %arg17[%add3A_136, %dma_start3A] : memref<40000x32xf32, #tpu.memory_space<hbm>> -> memref<1000x32xf32, #tpu.memory_space<hbm>>
        %dma_start3A_138 = arith.constant 0 : i32
        %dma_start3A_139 = tpu.memref_slice %arg17[%add3A_136, %dma_start3A_138] : memref<40000x32xf32, #tpu.memory_space<hbm>> -> memref<1000x32xf32, #tpu.memory_space<hbm>>
        tpu.enqueue_dma source(%arg26 : memref<1000x32xf32, #tpu.memory_space<vmem>>) target(%dma_start3A_139 : memref<1000x32xf32, #tpu.memory_space<hbm>>) target_semaphore(%run_scoped3A : memref<!tpu.dma_semaphore, #tpu.memory_space<semaphore_mem>>)
        %dma_wait3A = arith.constant 0 : i32
        %dma_wait3A_140 = tpu.memref_slice %arg17[%add3A_136, %dma_wait3A] : memref<40000x32xf32, #tpu.memory_space<hbm>> -> memref<1000x32xf32, #tpu.memory_space<hbm>>
        %dma_wait3A_141 = arith.constant 0 : i32
        %dma_wait3A_142 = tpu.memref_slice %arg17[%add3A_136, %dma_wait3A_141] : memref<40000x32xf32, #tpu.memory_space<hbm>> -> memref<1000x32xf32, #tpu.memory_space<hbm>>
        tpu.wait_dma2 semaphore(%run_scoped3A : memref<!tpu.dma_semaphore, #tpu.memory_space<semaphore_mem>>) src(%arg26 : memref<1000x32xf32, #tpu.memory_space<vmem>>) dst(%dma_wait3A_142 : memref<1000x32xf32, #tpu.memory_space<hbm>>)
        tpu.yield
      }) : () -> ()
    } else {
    }
    %eq3A_44 = arith.constant 1 : i32
    %eq3A_45 = arith.cmpi eq, %arg1, %eq3A_44 : i32
    %convert_element_type3A_46 = arith.extui %eq3A_45 : i1 to i32
    %cond3A_47 = arith.constant 0 : i32
    %cond3A_48 = arith.cmpi ne, %convert_element_type3A_46, %cond3A_47 : i32
    scf.if %cond3A_48 {
      "tpu.region"() ({
        %run_scoped3A = tpu.sem_alloc : memref<!tpu.dma_semaphore, #tpu.memory_space<semaphore_mem>>
        %dma_start3A = arith.constant 0 : i32
        %dma_start3A_137 = arith.constant 0 : i32
        %dma_start3A_138 = tpu.memref_slice %arg20[%dma_start3A, %dma_start3A_137] : memref<10000x32xf32, #tpu.memory_space<vmem_shared>> -> memref<1000x32xf32, #tpu.memory_space<vmem_shared>>
        %dma_start3A_139 = arith.constant 0 : i32
        %dma_start3A_140 = arith.constant 0 : i32
        %dma_start3A_141 = tpu.memref_slice %arg20[%dma_start3A_139, %dma_start3A_140] : memref<10000x32xf32, #tpu.memory_space<vmem_shared>> -> memref<1000x32xf32, #tpu.memory_space<vmem_shared>>
        tpu.enqueue_dma source(%dma_start3A_141 : memref<1000x32xf32, #tpu.memory_space<vmem_shared>>) target(%arg26 : memref<1000x32xf32, #tpu.memory_space<vmem>>) target_semaphore(%run_scoped3A : memref<!tpu.dma_semaphore, #tpu.memory_space<semaphore_mem>>)
        %dma_wait3A = arith.constant 0 : i32
        %dma_wait3A_142 = arith.constant 0 : i32
        %dma_wait3A_143 = tpu.memref_slice %arg20[%dma_wait3A, %dma_wait3A_142] : memref<10000x32xf32, #tpu.memory_space<vmem_shared>> -> memref<1000x32xf32, #tpu.memory_space<vmem_shared>>
        %dma_wait3A_144 = arith.constant 0 : i32
        %dma_wait3A_145 = arith.constant 0 : i32
        %dma_wait3A_146 = tpu.memref_slice %arg20[%dma_wait3A_144, %dma_wait3A_145] : memref<10000x32xf32, #tpu.memory_space<vmem_shared>> -> memref<1000x32xf32, #tpu.memory_space<vmem_shared>>
        tpu.wait_dma2 semaphore(%run_scoped3A : memref<!tpu.dma_semaphore, #tpu.memory_space<semaphore_mem>>) src(%dma_wait3A_146 : memref<1000x32xf32, #tpu.memory_space<vmem_shared>>) dst(%arg26 : memref<1000x32xf32, #tpu.memory_space<vmem>>)
        tpu.yield
      }) : () -> ()
      %mul3A = arith.constant 2 : i32
      %mul3A_59 = arith.muli %arg0, %mul3A : i32
      %add3A = arith.constant 1 : i32
      %add3A_60 = arith.addi %mul3A_59, %add3A : i32
      %mul3A_61 = arith.constant 10000 : i32
      %mul3A_62 = arith.muli %add3A_60, %mul3A_61 : i32
      %add3A_63 = arith.constant 0 : i32
      %add3A_64 = arith.addi %mul3A_62, %add3A_63 : i32
      "tpu.region"() ({
        %run_scoped3A = tpu.sem_alloc : memref<!tpu.dma_semaphore, #tpu.memory_space<semaphore_mem>>
        %dma_start3A = arith.constant 0 : i32
        %dma_start3A_137 = tpu.memref_slice %arg17[%add3A_64, %dma_start3A] : memref<40000x32xf32, #tpu.memory_space<hbm>> -> memref<1000x32xf32, #tpu.memory_space<hbm>>
        %dma_start3A_138 = arith.constant 0 : i32
        %dma_start3A_139 = tpu.memref_slice %arg17[%add3A_64, %dma_start3A_138] : memref<40000x32xf32, #tpu.memory_space<hbm>> -> memref<1000x32xf32, #tpu.memory_space<hbm>>
        tpu.enqueue_dma source(%arg26 : memref<1000x32xf32, #tpu.memory_space<vmem>>) target(%dma_start3A_139 : memref<1000x32xf32, #tpu.memory_space<hbm>>) target_semaphore(%run_scoped3A : memref<!tpu.dma_semaphore, #tpu.memory_space<semaphore_mem>>)
        %dma_wait3A = arith.constant 0 : i32
        %dma_wait3A_140 = tpu.memref_slice %arg17[%add3A_64, %dma_wait3A] : memref<40000x32xf32, #tpu.memory_space<hbm>> -> memref<1000x32xf32, #tpu.memory_space<hbm>>
        %dma_wait3A_141 = arith.constant 0 : i32
        %dma_wait3A_142 = tpu.memref_slice %arg17[%add3A_64, %dma_wait3A_141] : memref<40000x32xf32, #tpu.memory_space<hbm>> -> memref<1000x32xf32, #tpu.memory_space<hbm>>
        tpu.wait_dma2 semaphore(%run_scoped3A : memref<!tpu.dma_semaphore, #tpu.memory_space<semaphore_mem>>) src(%arg26 : memref<1000x32xf32, #tpu.memory_space<vmem>>) dst(%dma_wait3A_142 : memref<1000x32xf32, #tpu.memory_space<hbm>>)
        tpu.yield
      }) : () -> ()
      "tpu.region"() ({
        %run_scoped3A = tpu.sem_alloc : memref<!tpu.dma_semaphore, #tpu.memory_space<semaphore_mem>>
        %dma_start3A = arith.constant 1000 : i32
        %dma_start3A_137 = arith.constant 0 : i32
        %dma_start3A_138 = tpu.memref_slice %arg20[%dma_start3A, %dma_start3A_137] : memref<10000x32xf32, #tpu.memory_space<vmem_shared>> -> memref<1000x32xf32, #tpu.memory_space<vmem_shared>>
        %dma_start3A_139 = arith.constant 1000 : i32
        %dma_start3A_140 = arith.constant 0 : i32
        %dma_start3A_141 = tpu.memref_slice %arg20[%dma_start3A_139, %dma_start3A_140] : memref<10000x32xf32, #tpu.memory_space<vmem_shared>> -> memref<1000x32xf32, #tpu.memory_space<vmem_shared>>
        tpu.enqueue_dma source(%dma_start3A_141 : memref<1000x32xf32, #tpu.memory_space<vmem_shared>>) target(%arg26 : memref<1000x32xf32, #tpu.memory_space<vmem>>) target_semaphore(%run_scoped3A : memref<!tpu.dma_semaphore, #tpu.memory_space<semaphore_mem>>)
        %dma_wait3A = arith.constant 1000 : i32
        %dma_wait3A_142 = arith.constant 0 : i32
        %dma_wait3A_143 = tpu.memref_slice %arg20[%dma_wait3A, %dma_wait3A_142] : memref<10000x32xf32, #tpu.memory_space<vmem_shared>> -> memref<1000x32xf32, #tpu.memory_space<vmem_shared>>
        %dma_wait3A_144 = arith.constant 1000 : i32
        %dma_wait3A_145 = arith.constant 0 : i32
        %dma_wait3A_146 = tpu.memref_slice %arg20[%dma_wait3A_144, %dma_wait3A_145] : memref<10000x32xf32, #tpu.memory_space<vmem_shared>> -> memref<1000x32xf32, #tpu.memory_space<vmem_shared>>
        tpu.wait_dma2 semaphore(%run_scoped3A : memref<!tpu.dma_semaphore, #tpu.memory_space<semaphore_mem>>) src(%dma_wait3A_146 : memref<1000x32xf32, #tpu.memory_space<vmem_shared>>) dst(%arg26 : memref<1000x32xf32, #tpu.memory_space<vmem>>)
        tpu.yield
      }) : () -> ()
      %mul3A_65 = arith.constant 2 : i32
      %mul3A_66 = arith.muli %arg0, %mul3A_65 : i32
      %add3A_67 = arith.constant 1 : i32
      %add3A_68 = arith.addi %mul3A_66, %add3A_67 : i32
      %mul3A_69 = arith.constant 10000 : i32
      %mul3A_70 = arith.muli %add3A_68, %mul3A_69 : i32
      %add3A_71 = arith.constant 1000 : i32
      %add3A_72 = arith.addi %mul3A_70, %add3A_71 : i32
      "tpu.region"() ({
        %run_scoped3A = tpu.sem_alloc : memref<!tpu.dma_semaphore, #tpu.memory_space<semaphore_mem>>
        %dma_start3A = arith.constant 0 : i32
        %dma_start3A_137 = tpu.memref_slice %arg17[%add3A_72, %dma_start3A] : memref<40000x32xf32, #tpu.memory_space<hbm>> -> memref<1000x32xf32, #tpu.memory_space<hbm>>
        %dma_start3A_138 = arith.constant 0 : i32
        %dma_start3A_139 = tpu.memref_slice %arg17[%add3A_72, %dma_start3A_138] : memref<40000x32xf32, #tpu.memory_space<hbm>> -> memref<1000x32xf32, #tpu.memory_space<hbm>>
        tpu.enqueue_dma source(%arg26 : memref<1000x32xf32, #tpu.memory_space<vmem>>) target(%dma_start3A_139 : memref<1000x32xf32, #tpu.memory_space<hbm>>) target_semaphore(%run_scoped3A : memref<!tpu.dma_semaphore, #tpu.memory_space<semaphore_mem>>)
        %dma_wait3A = arith.constant 0 : i32
        %dma_wait3A_140 = tpu.memref_slice %arg17[%add3A_72, %dma_wait3A] : memref<40000x32xf32, #tpu.memory_space<hbm>> -> memref<1000x32xf32, #tpu.memory_space<hbm>>
        %dma_wait3A_141 = arith.constant 0 : i32
        %dma_wait3A_142 = tpu.memref_slice %arg17[%add3A_72, %dma_wait3A_141] : memref<40000x32xf32, #tpu.memory_space<hbm>> -> memref<1000x32xf32, #tpu.memory_space<hbm>>
        tpu.wait_dma2 semaphore(%run_scoped3A : memref<!tpu.dma_semaphore, #tpu.memory_space<semaphore_mem>>) src(%arg26 : memref<1000x32xf32, #tpu.memory_space<vmem>>) dst(%dma_wait3A_142 : memref<1000x32xf32, #tpu.memory_space<hbm>>)
        tpu.yield
      }) : () -> ()
      "tpu.region"() ({
        %run_scoped3A = tpu.sem_alloc : memref<!tpu.dma_semaphore, #tpu.memory_space<semaphore_mem>>
        %dma_start3A = arith.constant 2000 : i32
        %dma_start3A_137 = arith.constant 0 : i32
        %dma_start3A_138 = tpu.memref_slice %arg20[%dma_start3A, %dma_start3A_137] : memref<10000x32xf32, #tpu.memory_space<vmem_shared>> -> memref<1000x32xf32, #tpu.memory_space<vmem_shared>>
        %dma_start3A_139 = arith.constant 2000 : i32
        %dma_start3A_140 = arith.constant 0 : i32
        %dma_start3A_141 = tpu.memref_slice %arg20[%dma_start3A_139, %dma_start3A_140] : memref<10000x32xf32, #tpu.memory_space<vmem_shared>> -> memref<1000x32xf32, #tpu.memory_space<vmem_shared>>
        tpu.enqueue_dma source(%dma_start3A_141 : memref<1000x32xf32, #tpu.memory_space<vmem_shared>>) target(%arg26 : memref<1000x32xf32, #tpu.memory_space<vmem>>) target_semaphore(%run_scoped3A : memref<!tpu.dma_semaphore, #tpu.memory_space<semaphore_mem>>)
        %dma_wait3A = arith.constant 2000 : i32
        %dma_wait3A_142 = arith.constant 0 : i32
        %dma_wait3A_143 = tpu.memref_slice %arg20[%dma_wait3A, %dma_wait3A_142] : memref<10000x32xf32, #tpu.memory_space<vmem_shared>> -> memref<1000x32xf32, #tpu.memory_space<vmem_shared>>
        %dma_wait3A_144 = arith.constant 2000 : i32
        %dma_wait3A_145 = arith.constant 0 : i32
        %dma_wait3A_146 = tpu.memref_slice %arg20[%dma_wait3A_144, %dma_wait3A_145] : memref<10000x32xf32, #tpu.memory_space<vmem_shared>> -> memref<1000x32xf32, #tpu.memory_space<vmem_shared>>
        tpu.wait_dma2 semaphore(%run_scoped3A : memref<!tpu.dma_semaphore, #tpu.memory_space<semaphore_mem>>) src(%dma_wait3A_146 : memref<1000x32xf32, #tpu.memory_space<vmem_shared>>) dst(%arg26 : memref<1000x32xf32, #tpu.memory_space<vmem>>)
        tpu.yield
      }) : () -> ()
      %mul3A_73 = arith.constant 2 : i32
      %mul3A_74 = arith.muli %arg0, %mul3A_73 : i32
      %add3A_75 = arith.constant 1 : i32
      %add3A_76 = arith.addi %mul3A_74, %add3A_75 : i32
      %mul3A_77 = arith.constant 10000 : i32
      %mul3A_78 = arith.muli %add3A_76, %mul3A_77 : i32
      %add3A_79 = arith.constant 2000 : i32
      %add3A_80 = arith.addi %mul3A_78, %add3A_79 : i32
      "tpu.region"() ({
        %run_scoped3A = tpu.sem_alloc : memref<!tpu.dma_semaphore, #tpu.memory_space<semaphore_mem>>
        %dma_start3A = arith.constant 0 : i32
        %dma_start3A_137 = tpu.memref_slice %arg17[%add3A_80, %dma_start3A] : memref<40000x32xf32, #tpu.memory_space<hbm>> -> memref<1000x32xf32, #tpu.memory_space<hbm>>
        %dma_start3A_138 = arith.constant 0 : i32
        %dma_start3A_139 = tpu.memref_slice %arg17[%add3A_80, %dma_start3A_138] : memref<40000x32xf32, #tpu.memory_space<hbm>> -> memref<1000x32xf32, #tpu.memory_space<hbm>>
        tpu.enqueue_dma source(%arg26 : memref<1000x32xf32, #tpu.memory_space<vmem>>) target(%dma_start3A_139 : memref<1000x32xf32, #tpu.memory_space<hbm>>) target_semaphore(%run_scoped3A : memref<!tpu.dma_semaphore, #tpu.memory_space<semaphore_mem>>)
        %dma_wait3A = arith.constant 0 : i32
        %dma_wait3A_140 = tpu.memref_slice %arg17[%add3A_80, %dma_wait3A] : memref<40000x32xf32, #tpu.memory_space<hbm>> -> memref<1000x32xf32, #tpu.memory_space<hbm>>
        %dma_wait3A_141 = arith.constant 0 : i32
        %dma_wait3A_142 = tpu.memref_slice %arg17[%add3A_80, %dma_wait3A_141] : memref<40000x32xf32, #tpu.memory_space<hbm>> -> memref<1000x32xf32, #tpu.memory_space<hbm>>
        tpu.wait_dma2 semaphore(%run_scoped3A : memref<!tpu.dma_semaphore, #tpu.memory_space<semaphore_mem>>) src(%arg26 : memref<1000x32xf32, #tpu.memory_space<vmem>>) dst(%dma_wait3A_142 : memref<1000x32xf32, #tpu.memory_space<hbm>>)
        tpu.yield
      }) : () -> ()
      "tpu.region"() ({
        %run_scoped3A = tpu.sem_alloc : memref<!tpu.dma_semaphore, #tpu.memory_space<semaphore_mem>>
        %dma_start3A = arith.constant 3000 : i32
        %dma_start3A_137 = arith.constant 0 : i32
        %dma_start3A_138 = tpu.memref_slice %arg20[%dma_start3A, %dma_start3A_137] : memref<10000x32xf32, #tpu.memory_space<vmem_shared>> -> memref<1000x32xf32, #tpu.memory_space<vmem_shared>>
        %dma_start3A_139 = arith.constant 3000 : i32
        %dma_start3A_140 = arith.constant 0 : i32
        %dma_start3A_141 = tpu.memref_slice %arg20[%dma_start3A_139, %dma_start3A_140] : memref<10000x32xf32, #tpu.memory_space<vmem_shared>> -> memref<1000x32xf32, #tpu.memory_space<vmem_shared>>
        tpu.enqueue_dma source(%dma_start3A_141 : memref<1000x32xf32, #tpu.memory_space<vmem_shared>>) target(%arg26 : memref<1000x32xf32, #tpu.memory_space<vmem>>) target_semaphore(%run_scoped3A : memref<!tpu.dma_semaphore, #tpu.memory_space<semaphore_mem>>)
        %dma_wait3A = arith.constant 3000 : i32
        %dma_wait3A_142 = arith.constant 0 : i32
        %dma_wait3A_143 = tpu.memref_slice %arg20[%dma_wait3A, %dma_wait3A_142] : memref<10000x32xf32, #tpu.memory_space<vmem_shared>> -> memref<1000x32xf32, #tpu.memory_space<vmem_shared>>
        %dma_wait3A_144 = arith.constant 3000 : i32
        %dma_wait3A_145 = arith.constant 0 : i32
        %dma_wait3A_146 = tpu.memref_slice %arg20[%dma_wait3A_144, %dma_wait3A_145] : memref<10000x32xf32, #tpu.memory_space<vmem_shared>> -> memref<1000x32xf32, #tpu.memory_space<vmem_shared>>
        tpu.wait_dma2 semaphore(%run_scoped3A : memref<!tpu.dma_semaphore, #tpu.memory_space<semaphore_mem>>) src(%dma_wait3A_146 : memref<1000x32xf32, #tpu.memory_space<vmem_shared>>) dst(%arg26 : memref<1000x32xf32, #tpu.memory_space<vmem>>)
        tpu.yield
      }) : () -> ()
      %mul3A_81 = arith.constant 2 : i32
      %mul3A_82 = arith.muli %arg0, %mul3A_81 : i32
      %add3A_83 = arith.constant 1 : i32
      %add3A_84 = arith.addi %mul3A_82, %add3A_83 : i32
      %mul3A_85 = arith.constant 10000 : i32
      %mul3A_86 = arith.muli %add3A_84, %mul3A_85 : i32
      %add3A_87 = arith.constant 3000 : i32
      %add3A_88 = arith.addi %mul3A_86, %add3A_87 : i32
      "tpu.region"() ({
        %run_scoped3A = tpu.sem_alloc : memref<!tpu.dma_semaphore, #tpu.memory_space<semaphore_mem>>
        %dma_start3A = arith.constant 0 : i32
        %dma_start3A_137 = tpu.memref_slice %arg17[%add3A_88, %dma_start3A] : memref<40000x32xf32, #tpu.memory_space<hbm>> -> memref<1000x32xf32, #tpu.memory_space<hbm>>
        %dma_start3A_138 = arith.constant 0 : i32
        %dma_start3A_139 = tpu.memref_slice %arg17[%add3A_88, %dma_start3A_138] : memref<40000x32xf32, #tpu.memory_space<hbm>> -> memref<1000x32xf32, #tpu.memory_space<hbm>>
        tpu.enqueue_dma source(%arg26 : memref<1000x32xf32, #tpu.memory_space<vmem>>) target(%dma_start3A_139 : memref<1000x32xf32, #tpu.memory_space<hbm>>) target_semaphore(%run_scoped3A : memref<!tpu.dma_semaphore, #tpu.memory_space<semaphore_mem>>)
        %dma_wait3A = arith.constant 0 : i32
        %dma_wait3A_140 = tpu.memref_slice %arg17[%add3A_88, %dma_wait3A] : memref<40000x32xf32, #tpu.memory_space<hbm>> -> memref<1000x32xf32, #tpu.memory_space<hbm>>
        %dma_wait3A_141 = arith.constant 0 : i32
        %dma_wait3A_142 = tpu.memref_slice %arg17[%add3A_88, %dma_wait3A_141] : memref<40000x32xf32, #tpu.memory_space<hbm>> -> memref<1000x32xf32, #tpu.memory_space<hbm>>
        tpu.wait_dma2 semaphore(%run_scoped3A : memref<!tpu.dma_semaphore, #tpu.memory_space<semaphore_mem>>) src(%arg26 : memref<1000x32xf32, #tpu.memory_space<vmem>>) dst(%dma_wait3A_142 : memref<1000x32xf32, #tpu.memory_space<hbm>>)
        tpu.yield
      }) : () -> ()
      "tpu.region"() ({
        %run_scoped3A = tpu.sem_alloc : memref<!tpu.dma_semaphore, #tpu.memory_space<semaphore_mem>>
        %dma_start3A = arith.constant 4000 : i32
        %dma_start3A_137 = arith.constant 0 : i32
        %dma_start3A_138 = tpu.memref_slice %arg20[%dma_start3A, %dma_start3A_137] : memref<10000x32xf32, #tpu.memory_space<vmem_shared>> -> memref<1000x32xf32, #tpu.memory_space<vmem_shared>>
        %dma_start3A_139 = arith.constant 4000 : i32
        %dma_start3A_140 = arith.constant 0 : i32
        %dma_start3A_141 = tpu.memref_slice %arg20[%dma_start3A_139, %dma_start3A_140] : memref<10000x32xf32, #tpu.memory_space<vmem_shared>> -> memref<1000x32xf32, #tpu.memory_space<vmem_shared>>
        tpu.enqueue_dma source(%dma_start3A_141 : memref<1000x32xf32, #tpu.memory_space<vmem_shared>>) target(%arg26 : memref<1000x32xf32, #tpu.memory_space<vmem>>) target_semaphore(%run_scoped3A : memref<!tpu.dma_semaphore, #tpu.memory_space<semaphore_mem>>)
        %dma_wait3A = arith.constant 4000 : i32
        %dma_wait3A_142 = arith.constant 0 : i32
        %dma_wait3A_143 = tpu.memref_slice %arg20[%dma_wait3A, %dma_wait3A_142] : memref<10000x32xf32, #tpu.memory_space<vmem_shared>> -> memref<1000x32xf32, #tpu.memory_space<vmem_shared>>
        %dma_wait3A_144 = arith.constant 4000 : i32
        %dma_wait3A_145 = arith.constant 0 : i32
        %dma_wait3A_146 = tpu.memref_slice %arg20[%dma_wait3A_144, %dma_wait3A_145] : memref<10000x32xf32, #tpu.memory_space<vmem_shared>> -> memref<1000x32xf32, #tpu.memory_space<vmem_shared>>
        tpu.wait_dma2 semaphore(%run_scoped3A : memref<!tpu.dma_semaphore, #tpu.memory_space<semaphore_mem>>) src(%dma_wait3A_146 : memref<1000x32xf32, #tpu.memory_space<vmem_shared>>) dst(%arg26 : memref<1000x32xf32, #tpu.memory_space<vmem>>)
        tpu.yield
      }) : () -> ()
      %mul3A_89 = arith.constant 2 : i32
      %mul3A_90 = arith.muli %arg0, %mul3A_89 : i32
      %add3A_91 = arith.constant 1 : i32
      %add3A_92 = arith.addi %mul3A_90, %add3A_91 : i32
      %mul3A_93 = arith.constant 10000 : i32
      %mul3A_94 = arith.muli %add3A_92, %mul3A_93 : i32
      %add3A_95 = arith.constant 4000 : i32
      %add3A_96 = arith.addi %mul3A_94, %add3A_95 : i32
      "tpu.region"() ({
        %run_scoped3A = tpu.sem_alloc : memref<!tpu.dma_semaphore, #tpu.memory_space<semaphore_mem>>
        %dma_start3A = arith.constant 0 : i32
        %dma_start3A_137 = tpu.memref_slice %arg17[%add3A_96, %dma_start3A] : memref<40000x32xf32, #tpu.memory_space<hbm>> -> memref<1000x32xf32, #tpu.memory_space<hbm>>
        %dma_start3A_138 = arith.constant 0 : i32
        %dma_start3A_139 = tpu.memref_slice %arg17[%add3A_96, %dma_start3A_138] : memref<40000x32xf32, #tpu.memory_space<hbm>> -> memref<1000x32xf32, #tpu.memory_space<hbm>>
        tpu.enqueue_dma source(%arg26 : memref<1000x32xf32, #tpu.memory_space<vmem>>) target(%dma_start3A_139 : memref<1000x32xf32, #tpu.memory_space<hbm>>) target_semaphore(%run_scoped3A : memref<!tpu.dma_semaphore, #tpu.memory_space<semaphore_mem>>)
        %dma_wait3A = arith.constant 0 : i32
        %dma_wait3A_140 = tpu.memref_slice %arg17[%add3A_96, %dma_wait3A] : memref<40000x32xf32, #tpu.memory_space<hbm>> -> memref<1000x32xf32, #tpu.memory_space<hbm>>
        %dma_wait3A_141 = arith.constant 0 : i32
        %dma_wait3A_142 = tpu.memref_slice %arg17[%add3A_96, %dma_wait3A_141] : memref<40000x32xf32, #tpu.memory_space<hbm>> -> memref<1000x32xf32, #tpu.memory_space<hbm>>
        tpu.wait_dma2 semaphore(%run_scoped3A : memref<!tpu.dma_semaphore, #tpu.memory_space<semaphore_mem>>) src(%arg26 : memref<1000x32xf32, #tpu.memory_space<vmem>>) dst(%dma_wait3A_142 : memref<1000x32xf32, #tpu.memory_space<hbm>>)
        tpu.yield
      }) : () -> ()
      "tpu.region"() ({
        %run_scoped3A = tpu.sem_alloc : memref<!tpu.dma_semaphore, #tpu.memory_space<semaphore_mem>>
        %dma_start3A = arith.constant 5000 : i32
        %dma_start3A_137 = arith.constant 0 : i32
        %dma_start3A_138 = tpu.memref_slice %arg20[%dma_start3A, %dma_start3A_137] : memref<10000x32xf32, #tpu.memory_space<vmem_shared>> -> memref<1000x32xf32, #tpu.memory_space<vmem_shared>>
        %dma_start3A_139 = arith.constant 5000 : i32
        %dma_start3A_140 = arith.constant 0 : i32
        %dma_start3A_141 = tpu.memref_slice %arg20[%dma_start3A_139, %dma_start3A_140] : memref<10000x32xf32, #tpu.memory_space<vmem_shared>> -> memref<1000x32xf32, #tpu.memory_space<vmem_shared>>
        tpu.enqueue_dma source(%dma_start3A_141 : memref<1000x32xf32, #tpu.memory_space<vmem_shared>>) target(%arg26 : memref<1000x32xf32, #tpu.memory_space<vmem>>) target_semaphore(%run_scoped3A : memref<!tpu.dma_semaphore, #tpu.memory_space<semaphore_mem>>)
        %dma_wait3A = arith.constant 5000 : i32
        %dma_wait3A_142 = arith.constant 0 : i32
        %dma_wait3A_143 = tpu.memref_slice %arg20[%dma_wait3A, %dma_wait3A_142] : memref<10000x32xf32, #tpu.memory_space<vmem_shared>> -> memref<1000x32xf32, #tpu.memory_space<vmem_shared>>
        %dma_wait3A_144 = arith.constant 5000 : i32
        %dma_wait3A_145 = arith.constant 0 : i32
        %dma_wait3A_146 = tpu.memref_slice %arg20[%dma_wait3A_144, %dma_wait3A_145] : memref<10000x32xf32, #tpu.memory_space<vmem_shared>> -> memref<1000x32xf32, #tpu.memory_space<vmem_shared>>
        tpu.wait_dma2 semaphore(%run_scoped3A : memref<!tpu.dma_semaphore, #tpu.memory_space<semaphore_mem>>) src(%dma_wait3A_146 : memref<1000x32xf32, #tpu.memory_space<vmem_shared>>) dst(%arg26 : memref<1000x32xf32, #tpu.memory_space<vmem>>)
        tpu.yield
      }) : () -> ()
      %mul3A_97 = arith.constant 2 : i32
      %mul3A_98 = arith.muli %arg0, %mul3A_97 : i32
      %add3A_99 = arith.constant 1 : i32
      %add3A_100 = arith.addi %mul3A_98, %add3A_99 : i32
      %mul3A_101 = arith.constant 10000 : i32
      %mul3A_102 = arith.muli %add3A_100, %mul3A_101 : i32
      %add3A_103 = arith.constant 5000 : i32
      %add3A_104 = arith.addi %mul3A_102, %add3A_103 : i32
      "tpu.region"() ({
        %run_scoped3A = tpu.sem_alloc : memref<!tpu.dma_semaphore, #tpu.memory_space<semaphore_mem>>
        %dma_start3A = arith.constant 0 : i32
        %dma_start3A_137 = tpu.memref_slice %arg17[%add3A_104, %dma_start3A] : memref<40000x32xf32, #tpu.memory_space<hbm>> -> memref<1000x32xf32, #tpu.memory_space<hbm>>
        %dma_start3A_138 = arith.constant 0 : i32
        %dma_start3A_139 = tpu.memref_slice %arg17[%add3A_104, %dma_start3A_138] : memref<40000x32xf32, #tpu.memory_space<hbm>> -> memref<1000x32xf32, #tpu.memory_space<hbm>>
        tpu.enqueue_dma source(%arg26 : memref<1000x32xf32, #tpu.memory_space<vmem>>) target(%dma_start3A_139 : memref<1000x32xf32, #tpu.memory_space<hbm>>) target_semaphore(%run_scoped3A : memref<!tpu.dma_semaphore, #tpu.memory_space<semaphore_mem>>)
        %dma_wait3A = arith.constant 0 : i32
        %dma_wait3A_140 = tpu.memref_slice %arg17[%add3A_104, %dma_wait3A] : memref<40000x32xf32, #tpu.memory_space<hbm>> -> memref<1000x32xf32, #tpu.memory_space<hbm>>
        %dma_wait3A_141 = arith.constant 0 : i32
        %dma_wait3A_142 = tpu.memref_slice %arg17[%add3A_104, %dma_wait3A_141] : memref<40000x32xf32, #tpu.memory_space<hbm>> -> memref<1000x32xf32, #tpu.memory_space<hbm>>
        tpu.wait_dma2 semaphore(%run_scoped3A : memref<!tpu.dma_semaphore, #tpu.memory_space<semaphore_mem>>) src(%arg26 : memref<1000x32xf32, #tpu.memory_space<vmem>>) dst(%dma_wait3A_142 : memref<1000x32xf32, #tpu.memory_space<hbm>>)
        tpu.yield
      }) : () -> ()
      "tpu.region"() ({
        %run_scoped3A = tpu.sem_alloc : memref<!tpu.dma_semaphore, #tpu.memory_space<semaphore_mem>>
        %dma_start3A = arith.constant 6000 : i32
        %dma_start3A_137 = arith.constant 0 : i32
        %dma_start3A_138 = tpu.memref_slice %arg20[%dma_start3A, %dma_start3A_137] : memref<10000x32xf32, #tpu.memory_space<vmem_shared>> -> memref<1000x32xf32, #tpu.memory_space<vmem_shared>>
        %dma_start3A_139 = arith.constant 6000 : i32
        %dma_start3A_140 = arith.constant 0 : i32
        %dma_start3A_141 = tpu.memref_slice %arg20[%dma_start3A_139, %dma_start3A_140] : memref<10000x32xf32, #tpu.memory_space<vmem_shared>> -> memref<1000x32xf32, #tpu.memory_space<vmem_shared>>
        tpu.enqueue_dma source(%dma_start3A_141 : memref<1000x32xf32, #tpu.memory_space<vmem_shared>>) target(%arg26 : memref<1000x32xf32, #tpu.memory_space<vmem>>) target_semaphore(%run_scoped3A : memref<!tpu.dma_semaphore, #tpu.memory_space<semaphore_mem>>)
        %dma_wait3A = arith.constant 6000 : i32
        %dma_wait3A_142 = arith.constant 0 : i32
        %dma_wait3A_143 = tpu.memref_slice %arg20[%dma_wait3A, %dma_wait3A_142] : memref<10000x32xf32, #tpu.memory_space<vmem_shared>> -> memref<1000x32xf32, #tpu.memory_space<vmem_shared>>
        %dma_wait3A_144 = arith.constant 6000 : i32
        %dma_wait3A_145 = arith.constant 0 : i32
        %dma_wait3A_146 = tpu.memref_slice %arg20[%dma_wait3A_144, %dma_wait3A_145] : memref<10000x32xf32, #tpu.memory_space<vmem_shared>> -> memref<1000x32xf32, #tpu.memory_space<vmem_shared>>
        tpu.wait_dma2 semaphore(%run_scoped3A : memref<!tpu.dma_semaphore, #tpu.memory_space<semaphore_mem>>) src(%dma_wait3A_146 : memref<1000x32xf32, #tpu.memory_space<vmem_shared>>) dst(%arg26 : memref<1000x32xf32, #tpu.memory_space<vmem>>)
        tpu.yield
      }) : () -> ()
      %mul3A_105 = arith.constant 2 : i32
      %mul3A_106 = arith.muli %arg0, %mul3A_105 : i32
      %add3A_107 = arith.constant 1 : i32
      %add3A_108 = arith.addi %mul3A_106, %add3A_107 : i32
      %mul3A_109 = arith.constant 10000 : i32
      %mul3A_110 = arith.muli %add3A_108, %mul3A_109 : i32
      %add3A_111 = arith.constant 6000 : i32
      %add3A_112 = arith.addi %mul3A_110, %add3A_111 : i32
      "tpu.region"() ({
        %run_scoped3A = tpu.sem_alloc : memref<!tpu.dma_semaphore, #tpu.memory_space<semaphore_mem>>
        %dma_start3A = arith.constant 0 : i32
        %dma_start3A_137 = tpu.memref_slice %arg17[%add3A_112, %dma_start3A] : memref<40000x32xf32, #tpu.memory_space<hbm>> -> memref<1000x32xf32, #tpu.memory_space<hbm>>
        %dma_start3A_138 = arith.constant 0 : i32
        %dma_start3A_139 = tpu.memref_slice %arg17[%add3A_112, %dma_start3A_138] : memref<40000x32xf32, #tpu.memory_space<hbm>> -> memref<1000x32xf32, #tpu.memory_space<hbm>>
        tpu.enqueue_dma source(%arg26 : memref<1000x32xf32, #tpu.memory_space<vmem>>) target(%dma_start3A_139 : memref<1000x32xf32, #tpu.memory_space<hbm>>) target_semaphore(%run_scoped3A : memref<!tpu.dma_semaphore, #tpu.memory_space<semaphore_mem>>)
        %dma_wait3A = arith.constant 0 : i32
        %dma_wait3A_140 = tpu.memref_slice %arg17[%add3A_112, %dma_wait3A] : memref<40000x32xf32, #tpu.memory_space<hbm>> -> memref<1000x32xf32, #tpu.memory_space<hbm>>
        %dma_wait3A_141 = arith.constant 0 : i32
        %dma_wait3A_142 = tpu.memref_slice %arg17[%add3A_112, %dma_wait3A_141] : memref<40000x32xf32, #tpu.memory_space<hbm>> -> memref<1000x32xf32, #tpu.memory_space<hbm>>
        tpu.wait_dma2 semaphore(%run_scoped3A : memref<!tpu.dma_semaphore, #tpu.memory_space<semaphore_mem>>) src(%arg26 : memref<1000x32xf32, #tpu.memory_space<vmem>>) dst(%dma_wait3A_142 : memref<1000x32xf32, #tpu.memory_space<hbm>>)
        tpu.yield
      }) : () -> ()
      "tpu.region"() ({
        %run_scoped3A = tpu.sem_alloc : memref<!tpu.dma_semaphore, #tpu.memory_space<semaphore_mem>>
        %dma_start3A = arith.constant 7000 : i32
        %dma_start3A_137 = arith.constant 0 : i32
        %dma_start3A_138 = tpu.memref_slice %arg20[%dma_start3A, %dma_start3A_137] : memref<10000x32xf32, #tpu.memory_space<vmem_shared>> -> memref<1000x32xf32, #tpu.memory_space<vmem_shared>>
        %dma_start3A_139 = arith.constant 7000 : i32
        %dma_start3A_140 = arith.constant 0 : i32
        %dma_start3A_141 = tpu.memref_slice %arg20[%dma_start3A_139, %dma_start3A_140] : memref<10000x32xf32, #tpu.memory_space<vmem_shared>> -> memref<1000x32xf32, #tpu.memory_space<vmem_shared>>
        tpu.enqueue_dma source(%dma_start3A_141 : memref<1000x32xf32, #tpu.memory_space<vmem_shared>>) target(%arg26 : memref<1000x32xf32, #tpu.memory_space<vmem>>) target_semaphore(%run_scoped3A : memref<!tpu.dma_semaphore, #tpu.memory_space<semaphore_mem>>)
        %dma_wait3A = arith.constant 7000 : i32
        %dma_wait3A_142 = arith.constant 0 : i32
        %dma_wait3A_143 = tpu.memref_slice %arg20[%dma_wait3A, %dma_wait3A_142] : memref<10000x32xf32, #tpu.memory_space<vmem_shared>> -> memref<1000x32xf32, #tpu.memory_space<vmem_shared>>
        %dma_wait3A_144 = arith.constant 7000 : i32
        %dma_wait3A_145 = arith.constant 0 : i32
        %dma_wait3A_146 = tpu.memref_slice %arg20[%dma_wait3A_144, %dma_wait3A_145] : memref<10000x32xf32, #tpu.memory_space<vmem_shared>> -> memref<1000x32xf32, #tpu.memory_space<vmem_shared>>
        tpu.wait_dma2 semaphore(%run_scoped3A : memref<!tpu.dma_semaphore, #tpu.memory_space<semaphore_mem>>) src(%dma_wait3A_146 : memref<1000x32xf32, #tpu.memory_space<vmem_shared>>) dst(%arg26 : memref<1000x32xf32, #tpu.memory_space<vmem>>)
        tpu.yield
      }) : () -> ()
      %mul3A_113 = arith.constant 2 : i32
      %mul3A_114 = arith.muli %arg0, %mul3A_113 : i32
      %add3A_115 = arith.constant 1 : i32
      %add3A_116 = arith.addi %mul3A_114, %add3A_115 : i32
      %mul3A_117 = arith.constant 10000 : i32
      %mul3A_118 = arith.muli %add3A_116, %mul3A_117 : i32
      %add3A_119 = arith.constant 7000 : i32
      %add3A_120 = arith.addi %mul3A_118, %add3A_119 : i32
      "tpu.region"() ({
        %run_scoped3A = tpu.sem_alloc : memref<!tpu.dma_semaphore, #tpu.memory_space<semaphore_mem>>
        %dma_start3A = arith.constant 0 : i32
        %dma_start3A_137 = tpu.memref_slice %arg17[%add3A_120, %dma_start3A] : memref<40000x32xf32, #tpu.memory_space<hbm>> -> memref<1000x32xf32, #tpu.memory_space<hbm>>
        %dma_start3A_138 = arith.constant 0 : i32
        %dma_start3A_139 = tpu.memref_slice %arg17[%add3A_120, %dma_start3A_138] : memref<40000x32xf32, #tpu.memory_space<hbm>> -> memref<1000x32xf32, #tpu.memory_space<hbm>>
        tpu.enqueue_dma source(%arg26 : memref<1000x32xf32, #tpu.memory_space<vmem>>) target(%dma_start3A_139 : memref<1000x32xf32, #tpu.memory_space<hbm>>) target_semaphore(%run_scoped3A : memref<!tpu.dma_semaphore, #tpu.memory_space<semaphore_mem>>)
        %dma_wait3A = arith.constant 0 : i32
        %dma_wait3A_140 = tpu.memref_slice %arg17[%add3A_120, %dma_wait3A] : memref<40000x32xf32, #tpu.memory_space<hbm>> -> memref<1000x32xf32, #tpu.memory_space<hbm>>
        %dma_wait3A_141 = arith.constant 0 : i32
        %dma_wait3A_142 = tpu.memref_slice %arg17[%add3A_120, %dma_wait3A_141] : memref<40000x32xf32, #tpu.memory_space<hbm>> -> memref<1000x32xf32, #tpu.memory_space<hbm>>
        tpu.wait_dma2 semaphore(%run_scoped3A : memref<!tpu.dma_semaphore, #tpu.memory_space<semaphore_mem>>) src(%arg26 : memref<1000x32xf32, #tpu.memory_space<vmem>>) dst(%dma_wait3A_142 : memref<1000x32xf32, #tpu.memory_space<hbm>>)
        tpu.yield
      }) : () -> ()
      "tpu.region"() ({
        %run_scoped3A = tpu.sem_alloc : memref<!tpu.dma_semaphore, #tpu.memory_space<semaphore_mem>>
        %dma_start3A = arith.constant 8000 : i32
        %dma_start3A_137 = arith.constant 0 : i32
        %dma_start3A_138 = tpu.memref_slice %arg20[%dma_start3A, %dma_start3A_137] : memref<10000x32xf32, #tpu.memory_space<vmem_shared>> -> memref<1000x32xf32, #tpu.memory_space<vmem_shared>>
        %dma_start3A_139 = arith.constant 8000 : i32
        %dma_start3A_140 = arith.constant 0 : i32
        %dma_start3A_141 = tpu.memref_slice %arg20[%dma_start3A_139, %dma_start3A_140] : memref<10000x32xf32, #tpu.memory_space<vmem_shared>> -> memref<1000x32xf32, #tpu.memory_space<vmem_shared>>
        tpu.enqueue_dma source(%dma_start3A_141 : memref<1000x32xf32, #tpu.memory_space<vmem_shared>>) target(%arg26 : memref<1000x32xf32, #tpu.memory_space<vmem>>) target_semaphore(%run_scoped3A : memref<!tpu.dma_semaphore, #tpu.memory_space<semaphore_mem>>)
        %dma_wait3A = arith.constant 8000 : i32
        %dma_wait3A_142 = arith.constant 0 : i32
        %dma_wait3A_143 = tpu.memref_slice %arg20[%dma_wait3A, %dma_wait3A_142] : memref<10000x32xf32, #tpu.memory_space<vmem_shared>> -> memref<1000x32xf32, #tpu.memory_space<vmem_shared>>
        %dma_wait3A_144 = arith.constant 8000 : i32
        %dma_wait3A_145 = arith.constant 0 : i32
        %dma_wait3A_146 = tpu.memref_slice %arg20[%dma_wait3A_144, %dma_wait3A_145] : memref<10000x32xf32, #tpu.memory_space<vmem_shared>> -> memref<1000x32xf32, #tpu.memory_space<vmem_shared>>
        tpu.wait_dma2 semaphore(%run_scoped3A : memref<!tpu.dma_semaphore, #tpu.memory_space<semaphore_mem>>) src(%dma_wait3A_146 : memref<1000x32xf32, #tpu.memory_space<vmem_shared>>) dst(%arg26 : memref<1000x32xf32, #tpu.memory_space<vmem>>)
        tpu.yield
      }) : () -> ()
      %mul3A_121 = arith.constant 2 : i32
      %mul3A_122 = arith.muli %arg0, %mul3A_121 : i32
      %add3A_123 = arith.constant 1 : i32
      %add3A_124 = arith.addi %mul3A_122, %add3A_123 : i32
      %mul3A_125 = arith.constant 10000 : i32
      %mul3A_126 = arith.muli %add3A_124, %mul3A_125 : i32
      %add3A_127 = arith.constant 8000 : i32
      %add3A_128 = arith.addi %mul3A_126, %add3A_127 : i32
      "tpu.region"() ({
        %run_scoped3A = tpu.sem_alloc : memref<!tpu.dma_semaphore, #tpu.memory_space<semaphore_mem>>
        %dma_start3A = arith.constant 0 : i32
        %dma_start3A_137 = tpu.memref_slice %arg17[%add3A_128, %dma_start3A] : memref<40000x32xf32, #tpu.memory_space<hbm>> -> memref<1000x32xf32, #tpu.memory_space<hbm>>
        %dma_start3A_138 = arith.constant 0 : i32
        %dma_start3A_139 = tpu.memref_slice %arg17[%add3A_128, %dma_start3A_138] : memref<40000x32xf32, #tpu.memory_space<hbm>> -> memref<1000x32xf32, #tpu.memory_space<hbm>>
        tpu.enqueue_dma source(%arg26 : memref<1000x32xf32, #tpu.memory_space<vmem>>) target(%dma_start3A_139 : memref<1000x32xf32, #tpu.memory_space<hbm>>) target_semaphore(%run_scoped3A : memref<!tpu.dma_semaphore, #tpu.memory_space<semaphore_mem>>)
        %dma_wait3A = arith.constant 0 : i32
        %dma_wait3A_140 = tpu.memref_slice %arg17[%add3A_128, %dma_wait3A] : memref<40000x32xf32, #tpu.memory_space<hbm>> -> memref<1000x32xf32, #tpu.memory_space<hbm>>
        %dma_wait3A_141 = arith.constant 0 : i32
        %dma_wait3A_142 = tpu.memref_slice %arg17[%add3A_128, %dma_wait3A_141] : memref<40000x32xf32, #tpu.memory_space<hbm>> -> memref<1000x32xf32, #tpu.memory_space<hbm>>
        tpu.wait_dma2 semaphore(%run_scoped3A : memref<!tpu.dma_semaphore, #tpu.memory_space<semaphore_mem>>) src(%arg26 : memref<1000x32xf32, #tpu.memory_space<vmem>>) dst(%dma_wait3A_142 : memref<1000x32xf32, #tpu.memory_space<hbm>>)
        tpu.yield
      }) : () -> ()
      "tpu.region"() ({
        %run_scoped3A = tpu.sem_alloc : memref<!tpu.dma_semaphore, #tpu.memory_space<semaphore_mem>>
        %dma_start3A = arith.constant 9000 : i32
        %dma_start3A_137 = arith.constant 0 : i32
        %dma_start3A_138 = tpu.memref_slice %arg20[%dma_start3A, %dma_start3A_137] : memref<10000x32xf32, #tpu.memory_space<vmem_shared>> -> memref<1000x32xf32, #tpu.memory_space<vmem_shared>>
        %dma_start3A_139 = arith.constant 9000 : i32
        %dma_start3A_140 = arith.constant 0 : i32
        %dma_start3A_141 = tpu.memref_slice %arg20[%dma_start3A_139, %dma_start3A_140] : memref<10000x32xf32, #tpu.memory_space<vmem_shared>> -> memref<1000x32xf32, #tpu.memory_space<vmem_shared>>
        tpu.enqueue_dma source(%dma_start3A_141 : memref<1000x32xf32, #tpu.memory_space<vmem_shared>>) target(%arg26 : memref<1000x32xf32, #tpu.memory_space<vmem>>) target_semaphore(%run_scoped3A : memref<!tpu.dma_semaphore, #tpu.memory_space<semaphore_mem>>)
        %dma_wait3A = arith.constant 9000 : i32
        %dma_wait3A_142 = arith.constant 0 : i32
        %dma_wait3A_143 = tpu.memref_slice %arg20[%dma_wait3A, %dma_wait3A_142] : memref<10000x32xf32, #tpu.memory_space<vmem_shared>> -> memref<1000x32xf32, #tpu.memory_space<vmem_shared>>
        %dma_wait3A_144 = arith.constant 9000 : i32
        %dma_wait3A_145 = arith.constant 0 : i32
        %dma_wait3A_146 = tpu.memref_slice %arg20[%dma_wait3A_144, %dma_wait3A_145] : memref<10000x32xf32, #tpu.memory_space<vmem_shared>> -> memref<1000x32xf32, #tpu.memory_space<vmem_shared>>
        tpu.wait_dma2 semaphore(%run_scoped3A : memref<!tpu.dma_semaphore, #tpu.memory_space<semaphore_mem>>) src(%dma_wait3A_146 : memref<1000x32xf32, #tpu.memory_space<vmem_shared>>) dst(%arg26 : memref<1000x32xf32, #tpu.memory_space<vmem>>)
        tpu.yield
      }) : () -> ()
      %mul3A_129 = arith.constant 2 : i32
      %mul3A_130 = arith.muli %arg0, %mul3A_129 : i32
      %add3A_131 = arith.constant 1 : i32
      %add3A_132 = arith.addi %mul3A_130, %add3A_131 : i32
      %mul3A_133 = arith.constant 10000 : i32
      %mul3A_134 = arith.muli %add3A_132, %mul3A_133 : i32
      %add3A_135 = arith.constant 9000 : i32
      %add3A_136 = arith.addi %mul3A_134, %add3A_135 : i32
      "tpu.region"() ({
        %run_scoped3A = tpu.sem_alloc : memref<!tpu.dma_semaphore, #tpu.memory_space<semaphore_mem>>
        %dma_start3A = arith.constant 0 : i32
        %dma_start3A_137 = tpu.memref_slice %arg17[%add3A_136, %dma_start3A] : memref<40000x32xf32, #tpu.memory_space<hbm>> -> memref<1000x32xf32, #tpu.memory_space<hbm>>
        %dma_start3A_138 = arith.constant 0 : i32
        %dma_start3A_139 = tpu.memref_slice %arg17[%add3A_136, %dma_start3A_138] : memref<40000x32xf32, #tpu.memory_space<hbm>> -> memref<1000x32xf32, #tpu.memory_space<hbm>>
        tpu.enqueue_dma source(%arg26 : memref<1000x32xf32, #tpu.memory_space<vmem>>) target(%dma_start3A_139 : memref<1000x32xf32, #tpu.memory_space<hbm>>) target_semaphore(%run_scoped3A : memref<!tpu.dma_semaphore, #tpu.memory_space<semaphore_mem>>)
        %dma_wait3A = arith.constant 0 : i32
        %dma_wait3A_140 = tpu.memref_slice %arg17[%add3A_136, %dma_wait3A] : memref<40000x32xf32, #tpu.memory_space<hbm>> -> memref<1000x32xf32, #tpu.memory_space<hbm>>
        %dma_wait3A_141 = arith.constant 0 : i32
        %dma_wait3A_142 = tpu.memref_slice %arg17[%add3A_136, %dma_wait3A_141] : memref<40000x32xf32, #tpu.memory_space<hbm>> -> memref<1000x32xf32, #tpu.memory_space<hbm>>
        tpu.wait_dma2 semaphore(%run_scoped3A : memref<!tpu.dma_semaphore, #tpu.memory_space<semaphore_mem>>) src(%arg26 : memref<1000x32xf32, #tpu.memory_space<vmem>>) dst(%dma_wait3A_142 : memref<1000x32xf32, #tpu.memory_space<hbm>>)
        tpu.yield
      }) : () -> ()
    } else {
    }
    %eq3A_49 = arith.constant 2 : i32
    %eq3A_50 = arith.cmpi eq, %arg1, %eq3A_49 : i32
    %convert_element_type3A_51 = arith.extui %eq3A_50 : i1 to i32
    %cond3A_52 = arith.constant 0 : i32
    %cond3A_53 = arith.cmpi ne, %convert_element_type3A_51, %cond3A_52 : i32
    scf.if %cond3A_53 {
      %mul3A = arith.constant 2 : i32
      %mul3A_59 = arith.muli %arg0, %mul3A : i32
      %add3A = arith.constant 0 : i32
      %add3A_60 = arith.addi %mul3A_59, %add3A : i32
      %mul3A_61 = arith.constant 10000 : i32
      %mul3A_62 = arith.muli %add3A_60, %mul3A_61 : i32
      "tpu.region"() ({
        %run_scoped3A = tpu.sem_alloc : memref<!tpu.dma_semaphore, #tpu.memory_space<semaphore_mem>>
        %dma_start3A = tpu.memref_slice %arg21[%mul3A_62] : memref<40000xf32, #tpu.memory_space<vmem_shared>> -> memref<10000xf32, #tpu.memory_space<vmem_shared>>
        %dma_start3A_69 = tpu.memref_slice %arg21[%mul3A_62] : memref<40000xf32, #tpu.memory_space<vmem_shared>> -> memref<10000xf32, #tpu.memory_space<vmem_shared>>
        tpu.enqueue_dma source(%dma_start3A_69 : memref<10000xf32, #tpu.memory_space<vmem_shared>>) target(%arg30 : memref<10000xf32, #tpu.memory_space<vmem>>) target_semaphore(%run_scoped3A : memref<!tpu.dma_semaphore, #tpu.memory_space<semaphore_mem>>)
        %dma_wait3A = tpu.memref_slice %arg21[%mul3A_62] : memref<40000xf32, #tpu.memory_space<vmem_shared>> -> memref<10000xf32, #tpu.memory_space<vmem_shared>>
        %dma_wait3A_70 = tpu.memref_slice %arg21[%mul3A_62] : memref<40000xf32, #tpu.memory_space<vmem_shared>> -> memref<10000xf32, #tpu.memory_space<vmem_shared>>
        tpu.wait_dma2 semaphore(%run_scoped3A : memref<!tpu.dma_semaphore, #tpu.memory_space<semaphore_mem>>) src(%dma_wait3A_70 : memref<10000xf32, #tpu.memory_space<vmem_shared>>) dst(%arg30 : memref<10000xf32, #tpu.memory_space<vmem>>)
        tpu.yield
      }) : () -> ()
      %mul3A_63 = arith.constant 2 : i32
      %mul3A_64 = arith.muli %arg0, %mul3A_63 : i32
      %add3A_65 = arith.constant 0 : i32
      %add3A_66 = arith.addi %mul3A_64, %add3A_65 : i32
      %mul3A_67 = arith.constant 10000 : i32
      %mul3A_68 = arith.muli %add3A_66, %mul3A_67 : i32
      "tpu.region"() ({
        %run_scoped3A = tpu.sem_alloc : memref<!tpu.dma_semaphore, #tpu.memory_space<semaphore_mem>>
        %dma_start3A = tpu.memref_slice %arg18[%mul3A_68] : memref<40000xf32, #tpu.memory_space<hbm>> -> memref<10000xf32, #tpu.memory_space<hbm>>
        %dma_start3A_69 = tpu.memref_slice %arg18[%mul3A_68] : memref<40000xf32, #tpu.memory_space<hbm>> -> memref<10000xf32, #tpu.memory_space<hbm>>
        tpu.enqueue_dma source(%arg30 : memref<10000xf32, #tpu.memory_space<vmem>>) target(%dma_start3A_69 : memref<10000xf32, #tpu.memory_space<hbm>>) target_semaphore(%run_scoped3A : memref<!tpu.dma_semaphore, #tpu.memory_space<semaphore_mem>>)
        %dma_wait3A = tpu.memref_slice %arg18[%mul3A_68] : memref<40000xf32, #tpu.memory_space<hbm>> -> memref<10000xf32, #tpu.memory_space<hbm>>
        %dma_wait3A_70 = tpu.memref_slice %arg18[%mul3A_68] : memref<40000xf32, #tpu.memory_space<hbm>> -> memref<10000xf32, #tpu.memory_space<hbm>>
        tpu.wait_dma2 semaphore(%run_scoped3A : memref<!tpu.dma_semaphore, #tpu.memory_space<semaphore_mem>>) src(%arg30 : memref<10000xf32, #tpu.memory_space<vmem>>) dst(%dma_wait3A_70 : memref<10000xf32, #tpu.memory_space<hbm>>)
        tpu.yield
      }) : () -> ()
    } else {
    }
    %eq3A_54 = arith.constant 3 : i32
    %eq3A_55 = arith.cmpi eq, %arg1, %eq3A_54 : i32
    %convert_element_type3A_56 = arith.extui %eq3A_55 : i1 to i32
    %cond3A_57 = arith.constant 0 : i32
    %cond3A_58 = arith.cmpi ne, %convert_element_type3A_56, %cond3A_57 : i32
    scf.if %cond3A_58 {
      %mul3A = arith.constant 2 : i32
      %mul3A_59 = arith.muli %arg0, %mul3A : i32
      %add3A = arith.constant 1 : i32
      %add3A_60 = arith.addi %mul3A_59, %add3A : i32
      %mul3A_61 = arith.constant 10000 : i32
      %mul3A_62 = arith.muli %add3A_60, %mul3A_61 : i32
      "tpu.region"() ({
        %run_scoped3A = tpu.sem_alloc : memref<!tpu.dma_semaphore, #tpu.memory_space<semaphore_mem>>
        %dma_start3A = tpu.memref_slice %arg21[%mul3A_62] : memref<40000xf32, #tpu.memory_space<vmem_shared>> -> memref<10000xf32, #tpu.memory_space<vmem_shared>>
        %dma_start3A_69 = tpu.memref_slice %arg21[%mul3A_62] : memref<40000xf32, #tpu.memory_space<vmem_shared>> -> memref<10000xf32, #tpu.memory_space<vmem_shared>>
        tpu.enqueue_dma source(%dma_start3A_69 : memref<10000xf32, #tpu.memory_space<vmem_shared>>) target(%arg30 : memref<10000xf32, #tpu.memory_space<vmem>>) target_semaphore(%run_scoped3A : memref<!tpu.dma_semaphore, #tpu.memory_space<semaphore_mem>>)
        %dma_wait3A = tpu.memref_slice %arg21[%mul3A_62] : memref<40000xf32, #tpu.memory_space<vmem_shared>> -> memref<10000xf32, #tpu.memory_space<vmem_shared>>
        %dma_wait3A_70 = tpu.memref_slice %arg21[%mul3A_62] : memref<40000xf32, #tpu.memory_space<vmem_shared>> -> memref<10000xf32, #tpu.memory_space<vmem_shared>>
        tpu.wait_dma2 semaphore(%run_scoped3A : memref<!tpu.dma_semaphore, #tpu.memory_space<semaphore_mem>>) src(%dma_wait3A_70 : memref<10000xf32, #tpu.memory_space<vmem_shared>>) dst(%arg30 : memref<10000xf32, #tpu.memory_space<vmem>>)
        tpu.yield
      }) : () -> ()
      %mul3A_63 = arith.constant 2 : i32
      %mul3A_64 = arith.muli %arg0, %mul3A_63 : i32
      %add3A_65 = arith.constant 1 : i32
      %add3A_66 = arith.addi %mul3A_64, %add3A_65 : i32
      %mul3A_67 = arith.constant 10000 : i32
      %mul3A_68 = arith.muli %add3A_66, %mul3A_67 : i32
      "tpu.region"() ({
        %run_scoped3A = tpu.sem_alloc : memref<!tpu.dma_semaphore, #tpu.memory_space<semaphore_mem>>
        %dma_start3A = tpu.memref_slice %arg18[%mul3A_68] : memref<40000xf32, #tpu.memory_space<hbm>> -> memref<10000xf32, #tpu.memory_space<hbm>>
        %dma_start3A_69 = tpu.memref_slice %arg18[%mul3A_68] : memref<40000xf32, #tpu.memory_space<hbm>> -> memref<10000xf32, #tpu.memory_space<hbm>>
        tpu.enqueue_dma source(%arg30 : memref<10000xf32, #tpu.memory_space<vmem>>) target(%dma_start3A_69 : memref<10000xf32, #tpu.memory_space<hbm>>) target_semaphore(%run_scoped3A : memref<!tpu.dma_semaphore, #tpu.memory_space<semaphore_mem>>)
        %dma_wait3A = tpu.memref_slice %arg18[%mul3A_68] : memref<40000xf32, #tpu.memory_space<hbm>> -> memref<10000xf32, #tpu.memory_space<hbm>>
        %dma_wait3A_70 = tpu.memref_slice %arg18[%mul3A_68] : memref<40000xf32, #tpu.memory_space<hbm>> -> memref<10000xf32, #tpu.memory_space<hbm>>
        tpu.wait_dma2 semaphore(%run_scoped3A : memref<!tpu.dma_semaphore, #tpu.memory_space<semaphore_mem>>) src(%arg30 : memref<10000xf32, #tpu.memory_space<vmem>>) dst(%dma_wait3A_70 : memref<10000xf32, #tpu.memory_space<hbm>>)
        tpu.yield
      }) : () -> ()
    } else {
    }
    return
  }
}

module attributes {stable_mosaic.version = 14 : i64} {
  func.func @_proj_body(%arg0: i32, %arg1: memref<2000x128xf32, #tpu.memory_space<vmem>>, %arg2: memref<4x128x32xf32, #tpu.memory_space<vmem>>, %arg3: memref<2000x4xf32, #tpu.memory_space<vmem>>, %arg4: memref<4x2000x32xf32, #tpu.memory_space<vmem>>) attributes {dimension_semantics = [#tpu.dimension_semantics<arbitrary>], iteration_bounds = array<i64: 5>, scalar_prefetch = 0 : i64, scratch_operands = 0 : i64, tpu.core_type = #tpu.core_type<tc>, window_params = [{transform_indices = @transform_0, window_bounds = array<i64: 2000, 128>}, {pipeline_mode = #tpu.pipeline_mode<synchronous>, transform_indices = @transform_1, window_bounds = array<i64: 4, 128, 32>}, {transform_indices = @transform_2, window_bounds = array<i64: 2000, 4>}, {transform_indices = @transform_3, window_bounds = array<i64: 4, 2000, 32>}]} {
    %get3A = arith.constant 0 : index
    %get3A_0 = arith.constant 0 : index
    %get3A_1 = vector.load %arg1[%get3A, %get3A_0] : memref<2000x128xf32, #tpu.memory_space<vmem>>, vector<2000x128xf32>
    %get3A_2 = arith.constant 0 : index
    %get3A_3 = arith.constant 0 : index
    %get3A_4 = arith.constant 0 : index
    %get3A_5 = vector.load %arg2[%get3A_2, %get3A_3, %get3A_4] : memref<4x128x32xf32, #tpu.memory_space<vmem>>, vector<1x128x32xf32>
    %get3A_6 = vector.shape_cast %get3A_5 : vector<1x128x32xf32> to vector<128x32xf32>
    %dot_general3A = arith.constant dense<0.000000e+00> : vector<2000x32xf32>
    %dot_general3A_7 = tpu.matmul %get3A_1, %get3A_6, %dot_general3A {dimension_numbers = #tpu.dot_dimension_numbers<[1], [0], [0], [1], [0, 0, 1, 1], [], []>, transpose_lhs_hint = false} : vector<2000x128xf32>, vector<128x32xf32>, vector<2000x32xf32> -> vector<2000x32xf32>
    %get3A_8 = arith.constant 0 : index
    %get3A_9 = arith.constant 0 : index
    %get3A_10 = vector.load %arg3[%get3A_8, %get3A_9] : memref<2000x4xf32, #tpu.memory_space<vmem>>, vector<2000x1xf32>
    %mul3A = vector.broadcast %get3A_10 : vector<2000x1xf32> to vector<2000x32xf32>
    %mul3A_11 = arith.mulf %dot_general3A_7, %mul3A : vector<2000x32xf32>
    %swap3A = arith.constant 0 : index
    %swap3A_12 = arith.constant 0 : index
    %swap3A_13 = arith.constant 0 : index
    %swap3A_14 = vector.load %arg4[%swap3A, %swap3A_12, %swap3A_13] : memref<4x2000x32xf32, #tpu.memory_space<vmem>>, vector<1x2000x32xf32>
    %swap3A_15 = vector.shape_cast %swap3A_14 : vector<1x2000x32xf32> to vector<2000x32xf32>
    %swap3A_16 = vector.shape_cast %mul3A_11 : vector<2000x32xf32> to vector<1x2000x32xf32>
    tpu.vector_store %arg4[%swap3A, %swap3A_12, %swap3A_13], %swap3A_16 {strides = array<i32>} : memref<4x2000x32xf32, #tpu.memory_space<vmem>>, vector<1x2000x32xf32>,
    %get3A_17 = arith.constant 1 : index
    %get3A_18 = arith.constant 0 : index
    %get3A_19 = arith.constant 0 : index
    %get3A_20 = vector.load %arg2[%get3A_17, %get3A_18, %get3A_19] : memref<4x128x32xf32, #tpu.memory_space<vmem>>, vector<1x128x32xf32>
    %get3A_21 = vector.shape_cast %get3A_20 : vector<1x128x32xf32> to vector<128x32xf32>
    %dot_general3A_22 = arith.constant dense<0.000000e+00> : vector<2000x32xf32>
    %dot_general3A_23 = tpu.matmul %get3A_1, %get3A_21, %dot_general3A_22 {dimension_numbers = #tpu.dot_dimension_numbers<[1], [0], [0], [1], [0, 0, 1, 1], [], []>, transpose_lhs_hint = false} : vector<2000x128xf32>, vector<128x32xf32>, vector<2000x32xf32> -> vector<2000x32xf32>
    %get3A_24 = arith.constant 0 : index
    %get3A_25 = arith.constant 1 : index
    %get3A_26 = vector.load %arg3[%get3A_24, %get3A_25] : memref<2000x4xf32, #tpu.memory_space<vmem>>, vector<2000x1xf32>
    %mul3A_27 = vector.broadcast %get3A_26 : vector<2000x1xf32> to vector<2000x32xf32>
    %mul3A_28 = arith.mulf %dot_general3A_23, %mul3A_27 : vector<2000x32xf32>
    %swap3A_29 = arith.constant 1 : index
    %swap3A_30 = arith.constant 0 : index
    %swap3A_31 = arith.constant 0 : index
    %swap3A_32 = vector.load %arg4[%swap3A_29, %swap3A_30, %swap3A_31] : memref<4x2000x32xf32, #tpu.memory_space<vmem>>, vector<1x2000x32xf32>
    %swap3A_33 = vector.shape_cast %swap3A_32 : vector<1x2000x32xf32> to vector<2000x32xf32>
    %swap3A_34 = vector.shape_cast %mul3A_28 : vector<2000x32xf32> to vector<1x2000x32xf32>
    tpu.vector_store %arg4[%swap3A_29, %swap3A_30, %swap3A_31], %swap3A_34 {strides = array<i32>} : memref<4x2000x32xf32, #tpu.memory_space<vmem>>, vector<1x2000x32xf32>,
    %get3A_35 = arith.constant 2 : index
    %get3A_36 = arith.constant 0 : index
    %get3A_37 = arith.constant 0 : index
    %get3A_38 = vector.load %arg2[%get3A_35, %get3A_36, %get3A_37] : memref<4x128x32xf32, #tpu.memory_space<vmem>>, vector<1x128x32xf32>
    %get3A_39 = vector.shape_cast %get3A_38 : vector<1x128x32xf32> to vector<128x32xf32>
    %dot_general3A_40 = arith.constant dense<0.000000e+00> : vector<2000x32xf32>
    %dot_general3A_41 = tpu.matmul %get3A_1, %get3A_39, %dot_general3A_40 {dimension_numbers = #tpu.dot_dimension_numbers<[1], [0], [0], [1], [0, 0, 1, 1], [], []>, transpose_lhs_hint = false} : vector<2000x128xf32>, vector<128x32xf32>, vector<2000x32xf32> -> vector<2000x32xf32>
    %get3A_42 = arith.constant 0 : index
    %get3A_43 = arith.constant 2 : index
    %get3A_44 = vector.load %arg3[%get3A_42, %get3A_43] : memref<2000x4xf32, #tpu.memory_space<vmem>>, vector<2000x1xf32>
    %mul3A_45 = vector.broadcast %get3A_44 : vector<2000x1xf32> to vector<2000x32xf32>
    %mul3A_46 = arith.mulf %dot_general3A_41, %mul3A_45 : vector<2000x32xf32>
    %swap3A_47 = arith.constant 2 : index
    %swap3A_48 = arith.constant 0 : index
    %swap3A_49 = arith.constant 0 : index
    %swap3A_50 = vector.load %arg4[%swap3A_47, %swap3A_48, %swap3A_49] : memref<4x2000x32xf32, #tpu.memory_space<vmem>>, vector<1x2000x32xf32>
    %swap3A_51 = vector.shape_cast %swap3A_50 : vector<1x2000x32xf32> to vector<2000x32xf32>
    %swap3A_52 = vector.shape_cast %mul3A_46 : vector<2000x32xf32> to vector<1x2000x32xf32>
    tpu.vector_store %arg4[%swap3A_47, %swap3A_48, %swap3A_49], %swap3A_52 {strides = array<i32>} : memref<4x2000x32xf32, #tpu.memory_space<vmem>>, vector<1x2000x32xf32>,
    %get3A_53 = arith.constant 3 : index
    %get3A_54 = arith.constant 0 : index
    %get3A_55 = arith.constant 0 : index
    %get3A_56 = vector.load %arg2[%get3A_53, %get3A_54, %get3A_55] : memref<4x128x32xf32, #tpu.memory_space<vmem>>, vector<1x128x32xf32>
    %get3A_57 = vector.shape_cast %get3A_56 : vector<1x128x32xf32> to vector<128x32xf32>
    %dot_general3A_58 = arith.constant dense<0.000000e+00> : vector<2000x32xf32>
    %dot_general3A_59 = tpu.matmul %get3A_1, %get3A_57, %dot_general3A_58 {dimension_numbers = #tpu.dot_dimension_numbers<[1], [0], [0], [1], [0, 0, 1, 1], [], []>, transpose_lhs_hint = false} : vector<2000x128xf32>, vector<128x32xf32>, vector<2000x32xf32> -> vector<2000x32xf32>
    %get3A_60 = arith.constant 0 : index
    %get3A_61 = arith.constant 3 : index
    %get3A_62 = vector.load %arg3[%get3A_60, %get3A_61] : memref<2000x4xf32, #tpu.memory_space<vmem>>, vector<2000x1xf32>
    %mul3A_63 = vector.broadcast %get3A_62 : vector<2000x1xf32> to vector<2000x32xf32>
    %mul3A_64 = arith.mulf %dot_general3A_59, %mul3A_63 : vector<2000x32xf32>
    %swap3A_65 = arith.constant 3 : index
    %swap3A_66 = arith.constant 0 : index
    %swap3A_67 = arith.constant 0 : index
    %swap3A_68 = vector.load %arg4[%swap3A_65, %swap3A_66, %swap3A_67] : memref<4x2000x32xf32, #tpu.memory_space<vmem>>, vector<1x2000x32xf32>
    %swap3A_69 = vector.shape_cast %swap3A_68 : vector<1x2000x32xf32> to vector<2000x32xf32>
    %swap3A_70 = vector.shape_cast %mul3A_64 : vector<2000x32xf32> to vector<1x2000x32xf32>
    tpu.vector_store %arg4[%swap3A_65, %swap3A_66, %swap3A_67], %swap3A_70 {strides = array<i32>} : memref<4x2000x32xf32, #tpu.memory_space<vmem>>, vector<1x2000x32xf32>,
    return
  }
  func.func @transform_0(%arg0: i32) -> (i32, i32) {
    %c0_i32 = arith.constant 0 : i32
    %c0_i32_0 = arith.constant 0 : i32
    return %arg0, %c0_i32 : i32, i32
  }
  func.func @transform_1(%arg0: i32) -> (i32, i32, i32) {
    %c0_i32 = arith.constant 0 : i32
    %c0_i32_0 = arith.constant 0 : i32
    %c0_i32_1 = arith.constant 0 : i32
    %c0_i32_2 = arith.constant 0 : i32
    return %c0_i32, %c0_i32_0, %c0_i32_1 : i32, i32, i32
  }
  func.func @transform_2(%arg0: i32) -> (i32, i32) {
    %c0_i32 = arith.constant 0 : i32
    %c0_i32_0 = arith.constant 0 : i32
    return %arg0, %c0_i32 : i32, i32
  }
  func.func @transform_3(%arg0: i32) -> (i32, i32, i32) {
    %c0_i32 = arith.constant 0 : i32
    %c0_i32_0 = arith.constant 0 : i32
    %c0_i32_1 = arith.constant 0 : i32
    return %c0_i32, %arg0, %c0_i32_0 : i32, i32, i32
  }
}

module attributes {stable_mosaic.version = 14 : i64} {
  func.func @_pool_body(%arg0: i32, %arg1: memref<4x2000x32xf32, #tpu.memory_space<vmem>>, %arg2: memref<2000x4xf32, #tpu.memory_space<vmem>>, %arg3: memref<2000x4xf32, #tpu.memory_space<vmem>>, %arg4: memref<2000x4xf32, #tpu.memory_space<vmem>>, %arg5: memref<4x32xf32, #tpu.memory_space<vmem>>, %arg6: memref<4x32x32xf32, #tpu.memory_space<vmem>>, %arg7: memref<4x32xf32, #tpu.memory_space<vmem>>, %arg8: memref<32x2xf32, #tpu.memory_space<vmem>>, %arg9: memref<1x2xf32, #tpu.memory_space<vmem>>, %arg10: memref<1x2xf32, #tpu.memory_space<vmem>>, %arg11: memref<4x32xf32, #tpu.memory_space<vmem>>) attributes {dimension_semantics = [#tpu.dimension_semantics<arbitrary>], iteration_bounds = array<i64: 5>, scalar_prefetch = 0 : i64, scratch_operands = 1 : i64, tpu.core_type = #tpu.core_type<tc>, window_params = [{transform_indices = @transform_0, window_bounds = array<i64: 4, 2000, 32>}, {transform_indices = @transform_1, window_bounds = array<i64: 2000, 4>}, {transform_indices = @transform_2, window_bounds = array<i64: 2000, 4>}, {transform_indices = @transform_3, window_bounds = array<i64: 2000, 4>}, {pipeline_mode = #tpu.pipeline_mode<synchronous>, transform_indices = @transform_4, window_bounds = array<i64: 4, 32>}, {pipeline_mode = #tpu.pipeline_mode<synchronous>, transform_indices = @transform_5, window_bounds = array<i64: 4, 32, 32>}, {pipeline_mode = #tpu.pipeline_mode<synchronous>, transform_indices = @transform_6, window_bounds = array<i64: 4, 32>}, {pipeline_mode = #tpu.pipeline_mode<synchronous>, transform_indices = @transform_7, window_bounds = array<i64: 32, 2>}, {pipeline_mode = #tpu.pipeline_mode<synchronous>, transform_indices = @transform_8, window_bounds = array<i64: 1, 2>}, {pipeline_mode = #tpu.pipeline_mode<synchronous>, transform_indices = @transform_9, window_bounds = array<i64: 1, 2>}]} {
    %eq3A = arith.constant 0 : i32
    %eq3A_0 = arith.cmpi eq, %arg0, %eq3A : i32
    %convert_element_type3A = arith.extui %eq3A_0 : i1 to i32
    %cond3A = arith.constant 0 : i32
    %cond3A_1 = arith.cmpi ne, %convert_element_type3A, %cond3A : i32
    scf.if %cond3A_1 {
      %broadcast_in_dim3A_59 = arith.constant 0.000000e+00 : f32
      %broadcast_in_dim3A_60 = vector.broadcast %broadcast_in_dim3A_59 : f32 to vector<4x32xf32>
      %swap3A_61 = arith.constant 0 : index
      %swap3A_62 = arith.constant 0 : index
      %swap3A_63 = vector.load %arg11[%swap3A_61, %swap3A_62] : memref<4x32xf32, #tpu.memory_space<vmem>>, vector<4x32xf32>
      tpu.vector_store %arg11[%swap3A_61, %swap3A_62], %broadcast_in_dim3A_60 {strides = array<i32>} : memref<4x32xf32, #tpu.memory_space<vmem>>, vector<4x32xf32>,
    } else {
    }
    %get3A = arith.constant 0 : index
    %get3A_2 = arith.constant 0 : index
    %get3A_3 = arith.constant 0 : index
    %get3A_4 = vector.load %arg1[%get3A, %get3A_2, %get3A_3] : memref<4x2000x32xf32, #tpu.memory_space<vmem>>, vector<4x2000x32xf32>
    %slice3A = vector.extract_strided_slice %get3A_4 {offsets = [0, 0, 0], sizes = [1, 2000, 32], strides = [1, 1, 1]} : vector<4x2000x32xf32> to vector<1x2000x32xf32>
    %squeeze3A = vector.shape_cast %slice3A : vector<1x2000x32xf32> to vector<2000x32xf32>
    %get3A_5 = arith.constant 0 : index
    %get3A_6 = arith.constant 0 : index
    %get3A_7 = vector.load %arg3[%get3A_5, %get3A_6] : memref<2000x4xf32, #tpu.memory_space<vmem>>, vector<2000x1xf32>
    %mul3A = vector.broadcast %get3A_7 : vector<2000x1xf32> to vector<2000x32xf32>
    %mul3A_8 = arith.mulf %squeeze3A, %mul3A : vector<2000x32xf32>
    %slice3A_9 = vector.extract_strided_slice %get3A_4 {offsets = [1, 0, 0], sizes = [1, 2000, 32], strides = [1, 1, 1]} : vector<4x2000x32xf32> to vector<1x2000x32xf32>
    %squeeze3A_10 = vector.shape_cast %slice3A_9 : vector<1x2000x32xf32> to vector<2000x32xf32>
    %get3A_11 = arith.constant 0 : index
    %get3A_12 = arith.constant 1 : index
    %get3A_13 = vector.load %arg3[%get3A_11, %get3A_12] : memref<2000x4xf32, #tpu.memory_space<vmem>>, vector<2000x1xf32>
    %mul3A_14 = vector.broadcast %get3A_13 : vector<2000x1xf32> to vector<2000x32xf32>
    %mul3A_15 = arith.mulf %squeeze3A_10, %mul3A_14 : vector<2000x32xf32>
    %add3A = arith.addf %mul3A_8, %mul3A_15 : vector<2000x32xf32>
    %slice3A_16 = vector.extract_strided_slice %get3A_4 {offsets = [2, 0, 0], sizes = [1, 2000, 32], strides = [1, 1, 1]} : vector<4x2000x32xf32> to vector<1x2000x32xf32>
    %squeeze3A_17 = vector.shape_cast %slice3A_16 : vector<1x2000x32xf32> to vector<2000x32xf32>
    %get3A_18 = arith.constant 0 : index
    %get3A_19 = arith.constant 2 : index
    %get3A_20 = vector.load %arg3[%get3A_18, %get3A_19] : memref<2000x4xf32, #tpu.memory_space<vmem>>, vector<2000x1xf32>
    %mul3A_21 = vector.broadcast %get3A_20 : vector<2000x1xf32> to vector<2000x32xf32>
    %mul3A_22 = arith.mulf %squeeze3A_17, %mul3A_21 : vector<2000x32xf32>
    %add3A_23 = arith.addf %add3A, %mul3A_22 : vector<2000x32xf32>
    %slice3A_24 = vector.extract_strided_slice %get3A_4 {offsets = [3, 0, 0], sizes = [1, 2000, 32], strides = [1, 1, 1]} : vector<4x2000x32xf32> to vector<1x2000x32xf32>
    %squeeze3A_25 = vector.shape_cast %slice3A_24 : vector<1x2000x32xf32> to vector<2000x32xf32>
    %get3A_26 = arith.constant 0 : index
    %get3A_27 = arith.constant 3 : index
    %get3A_28 = vector.load %arg3[%get3A_26, %get3A_27] : memref<2000x4xf32, #tpu.memory_space<vmem>>, vector<2000x1xf32>
    %mul3A_29 = vector.broadcast %get3A_28 : vector<2000x1xf32> to vector<2000x32xf32>
    %mul3A_30 = arith.mulf %squeeze3A_25, %mul3A_29 : vector<2000x32xf32>
    %add3A_31 = arith.addf %add3A_23, %mul3A_30 : vector<2000x32xf32>
    %get3A_32 = arith.constant 0 : index
    %get3A_33 = arith.constant 0 : index
    %get3A_34 = vector.load %arg5[%get3A_32, %get3A_33] : memref<4x32xf32, #tpu.memory_space<vmem>>, vector<4x32xf32>
    %reduce_sum3A = arith.constant dense<0.000000e+00> : vector<32xf32>
    %reduce_sum3A_35 = vector.multi_reduction <add>, %get3A_34, %reduce_sum3A [0] : vector<4x32xf32> to vector<32xf32>
    %broadcast_in_dim3A = vector.shape_cast %reduce_sum3A_35 : vector<32xf32> to vector<1x32xf32>
    %add3A_36 = vector.broadcast %broadcast_in_dim3A : vector<1x32xf32> to vector<2000x32xf32>
    %add3A_37 = arith.addf %add3A_31, %add3A_36 : vector<2000x32xf32>
    %max3A = arith.constant 0.000000e+00 : f32
    %max3A_38 = vector.broadcast %max3A : f32 to vector<2000x32xf32>
    %max3A_39 = arith.maximumf %add3A_37, %max3A_38 : vector<2000x32xf32>
    %get3A_40 = arith.constant 0 : index
    %get3A_41 = arith.constant 0 : index
    %get3A_42 = vector.load %arg4[%get3A_40, %get3A_41] : memref<2000x4xf32, #tpu.memory_space<vmem>>, vector<2000x4xf32>
    %get3A_43 = arith.constant 0 : index
    %get3A_44 = arith.constant 0 : index
    %get3A_45 = vector.load %arg2[%get3A_43, %get3A_44] : memref<2000x4xf32, #tpu.memory_space<vmem>>, vector<2000x4xf32>
    %mul3A_46 = arith.mulf %get3A_42, %get3A_45 : vector<2000x4xf32>
    %get3A_47 = arith.constant 0 : index
    %get3A_48 = arith.constant 0 : index
    %get3A_49 = vector.load %arg11[%get3A_47, %get3A_48] : memref<4x32xf32, #tpu.memory_space<vmem>>, vector<4x32xf32>
    %dot_general3A = arith.constant dense<0.000000e+00> : vector<4x32xf32>
    %dot_general3A_50 = tpu.matmul %mul3A_46, %max3A_39, %dot_general3A {dimension_numbers = #tpu.dot_dimension_numbers<[0], [0], [1], [1], [0, 1, 1, 1], [], []>, transpose_lhs_hint = false} : vector<2000x4xf32>, vector<2000x32xf32>, vector<4x32xf32> -> vector<4x32xf32>
    %add3A_51 = arith.addf %get3A_49, %dot_general3A_50 : vector<4x32xf32>
    %swap3A = arith.constant 0 : index
    %swap3A_52 = arith.constant 0 : index
    %swap3A_53 = vector.load %arg11[%swap3A, %swap3A_52] : memref<4x32xf32, #tpu.memory_space<vmem>>, vector<4x32xf32>
    tpu.vector_store %arg11[%swap3A, %swap3A_52], %add3A_51 {strides = array<i32>} : memref<4x32xf32, #tpu.memory_space<vmem>>, vector<4x32xf32>,
    %eq3A_54 = arith.constant 4 : i32
    %eq3A_55 = arith.cmpi eq, %arg0, %eq3A_54 : i32
    %convert_element_type3A_56 = arith.extui %eq3A_55 : i1 to i32
    %cond3A_57 = arith.constant 0 : i32
    %cond3A_58 = arith.cmpi ne, %convert_element_type3A_56, %cond3A_57 : i32
    scf.if %cond3A_58 {
      %get3A_59 = arith.constant 0 : index
      %get3A_60 = arith.constant 0 : index
      %get3A_61 = vector.load %arg11[%get3A_59, %get3A_60] : memref<4x32xf32, #tpu.memory_space<vmem>>, vector<4x32xf32>
      %get3A_62 = arith.constant 0 : index
      %get3A_63 = arith.constant 0 : index
      %get3A_64 = arith.constant 0 : index
      %get3A_65 = vector.load %arg6[%get3A_62, %get3A_63, %get3A_64] : memref<4x32x32xf32, #tpu.memory_space<vmem>>, vector<4x32x32xf32>
      %dot_general3A_66 = arith.constant dense<0.000000e+00> : vector<4x32xf32>
      %dot_general3A_67 = tpu.matmul %get3A_61, %get3A_65, %dot_general3A_66 {dimension_numbers = #tpu.dot_dimension_numbers<[1], [1], [], [2], [0, 0, 1, 2], [0], [0]>, transpose_lhs_hint = false} : vector<4x32xf32>, vector<4x32x32xf32>, vector<4x32xf32> -> vector<4x32xf32>
      %reduce_sum3A_68 = arith.constant dense<0.000000e+00> : vector<32xf32>
      %reduce_sum3A_69 = vector.multi_reduction <add>, %dot_general3A_67, %reduce_sum3A_68 [0] : vector<4x32xf32> to vector<32xf32>
      %broadcast_in_dim3A_70 = vector.shape_cast %reduce_sum3A_69 : vector<32xf32> to vector<1x32xf32>
      %mul3A_71 = arith.constant 9.99999974E-5 : f32
      %mul3A_72 = vector.broadcast %mul3A_71 : f32 to vector<1x32xf32>
      %mul3A_73 = arith.mulf %broadcast_in_dim3A_70, %mul3A_72 : vector<1x32xf32>
      %get3A_74 = arith.constant 0 : index
      %get3A_75 = arith.constant 0 : index
      %get3A_76 = vector.load %arg7[%get3A_74, %get3A_75] : memref<4x32xf32, #tpu.memory_space<vmem>>, vector<4x32xf32>
      %reduce_sum3A_77 = arith.constant dense<0.000000e+00> : vector<32xf32>
      %reduce_sum3A_78 = vector.multi_reduction <add>, %get3A_76, %reduce_sum3A_77 [0] : vector<4x32xf32> to vector<32xf32>
      %broadcast_in_dim3A_79 = vector.shape_cast %reduce_sum3A_78 : vector<32xf32> to vector<1x32xf32>
      %add3A_80 = arith.addf %mul3A_73, %broadcast_in_dim3A_79 : vector<1x32xf32>
      %get3A_81 = arith.constant 0 : index
      %get3A_82 = arith.constant 0 : index
      %get3A_83 = vector.load %arg8[%get3A_81, %get3A_82] : memref<32x2xf32, #tpu.memory_space<vmem>>, vector<32x2xf32>
      %dot_general3A_84 = arith.constant dense<0.000000e+00> : vector<1x2xf32>
      %dot_general3A_85 = tpu.matmul %add3A_80, %get3A_83, %dot_general3A_84 {dimension_numbers = #tpu.dot_dimension_numbers<[1], [0], [0], [1], [0, 0, 1, 1], [], []>, transpose_lhs_hint = false} : vector<1x32xf32>, vector<32x2xf32>, vector<1x2xf32> -> vector<1x2xf32>
      %get3A_86 = arith.constant 0 : index
      %get3A_87 = arith.constant 0 : index
      %get3A_88 = vector.load %arg9[%get3A_86, %get3A_87] : memref<1x2xf32, #tpu.memory_space<vmem>>, vector<1x2xf32>
      %add3A_89 = arith.addf %dot_general3A_85, %get3A_88 : vector<1x2xf32>
      %swap3A_90 = arith.constant 0 : index
      %swap3A_91 = arith.constant 0 : index
      %swap3A_92 = vector.load %arg10[%swap3A_90, %swap3A_91] : memref<1x2xf32, #tpu.memory_space<vmem>>, vector<1x2xf32>
      tpu.vector_store %arg10[%swap3A_90, %swap3A_91], %add3A_89 {strides = array<i32>} : memref<1x2xf32, #tpu.memory_space<vmem>>, vector<1x2xf32>,
    } else {
    }
    return
  }
  func.func @transform_0(%arg0: i32) -> (i32, i32, i32) {
    %c0_i32 = arith.constant 0 : i32
    %c0_i32_0 = arith.constant 0 : i32
    %c0_i32_1 = arith.constant 0 : i32
    return %c0_i32, %arg0, %c0_i32_0 : i32, i32, i32
  }
  func.func @transform_1(%arg0: i32) -> (i32, i32) {
    %c0_i32 = arith.constant 0 : i32
    %c0_i32_0 = arith.constant 0 : i32
    return %arg0, %c0_i32 : i32, i32
  }
  func.func @transform_2(%arg0: i32) -> (i32, i32) {
    %c0_i32 = arith.constant 0 : i32
    %c0_i32_0 = arith.constant 0 : i32
    return %arg0, %c0_i32 : i32, i32
  }
  func.func @transform_3(%arg0: i32) -> (i32, i32) {
    %c0_i32 = arith.constant 0 : i32
    %c0_i32_0 = arith.constant 0 : i32
    return %arg0, %c0_i32 : i32, i32
  }
  func.func @transform_4(%arg0: i32) -> (i32, i32) {
    %c0_i32 = arith.constant 0 : i32
    %c0_i32_0 = arith.constant 0 : i32
    %c0_i32_1 = arith.constant 0 : i32
    return %c0_i32, %c0_i32_0 : i32, i32
  }
  func.func @transform_5(%arg0: i32) -> (i32, i32, i32) {
    %c0_i32 = arith.constant 0 : i32
    %c0_i32_0 = arith.constant 0 : i32
    %c0_i32_1 = arith.constant 0 : i32
    %c0_i32_2 = arith.constant 0 : i32
    return %c0_i32, %c0_i32_0, %c0_i32_1 : i32, i32, i32
  }
  func.func @transform_6(%arg0: i32) -> (i32, i32) {
    %c0_i32 = arith.constant 0 : i32
    %c0_i32_0 = arith.constant 0 : i32
    %c0_i32_1 = arith.constant 0 : i32
    return %c0_i32, %c0_i32_0 : i32, i32
  }
  func.func @transform_7(%arg0: i32) -> (i32, i32) {
    %c0_i32 = arith.constant 0 : i32
    %c0_i32_0 = arith.constant 0 : i32
    %c0_i32_1 = arith.constant 0 : i32
    return %c0_i32, %c0_i32_0 : i32, i32
  }
  func.func @transform_8(%arg0: i32) -> (i32, i32) {
    %c0_i32 = arith.constant 0 : i32
    %c0_i32_0 = arith.constant 0 : i32
    %c0_i32_1 = arith.constant 0 : i32
    return %c0_i32, %c0_i32_0 : i32, i32
  }
  func.func @transform_9(%arg0: i32) -> (i32, i32) {
    %c0_i32 = arith.constant 0 : i32
    %c0_i32_0 = arith.constant 0 : i32
    %c0_i32_1 = arith.constant 0 : i32
    return %c0_i32, %c0_i32_0 : i32, i32
  }
}

</mosaic_0001>

<sc_bundles>
// kernel: kernel.6.cloned.1.call-start
scs
__scs_entry_jumppad:
0x0: {  	(pc) =	sbr.rel $0x88, $3  }
0x1: {  	(tag) =	ssettag $0x0;
	lr =	simm.s32 $0x1  }
0x2: {  	[smem:$0x3F99] =	sst lr;
	_ =	strace $0xD0000000  }
0x3: {  	_ = 	snop  }
0x4: {  	_ = 	snop  }
0x5: {  	_ = 	snop  }
0x6: {  	_ = 	snop  }
0x7: {  	_ = 	snop  }
__scs_overlays_trampoline_lowered:
0x8: {  	[smem:$0x3FA8] =	sst s0  }
0x9: {  	[smem:$0x3FA9] =	sst s1  }
0xa: {  	[smem:$0x3FAA] =	sst s2  }
0xb: {  	[smem:$0x3FAB] =	sst s3  }
0xc: {  	[smem:$0x3FAC] =	sst s4  }
0xd: {  	[smem:$0x3FAD] =	sst s5  }
0xe: {  	[smem:$0x3FAE] =	sst s6  }
0xf: {  	[smem:$0x3FAF] =	sst s7  }
0x10: {  	[smem:$0x3FB0] =	sst s8  }
0x11: {  	[smem:$0x3FB1] =	sst s9;
	s0 =	simm.s32 @!p0 $0x0  }
0x12: {  	s1 =	sld [smem:$0x3F97];
	s0 =	simm.s32 @p0 $0x1  }
0x13: {  	[smem:$0x3FB2] =	sst s0;
	s0 =	simm.s32 @!p1 $0x0  }
0x14: {  	s2 =	sld [smem:$0x3F96];
	s0 =	simm.s32 @p1 $0x1  }
0x15: {  	[smem:$0x3FB3] =	sst s0;
	s0 =	simm.s32 @!p2 $0x0  }
0x16: {  	s3 =	sld [smem:$0x3FDB];
	s0 =	simm.s32 @p2 $0x1  }
0x17: {  	s4 =	simm.s32 $0x1BF5;
	[smem:$0x3FB5] =	sst s0  }
0x18: {  	s0 =	sld [smem:$0x3F98];
	_ =	swait.ge [sflag:s4], $0x0  }
0x19: {  	s7 =	sld [smem:$0x3F99]  }
0x1a: {  	s8 =	sadd.s32 $0xFFFFE003, lr  }
0x1b: {  	s9 =	sadd.s32 $0xFFFFFEF7, lr;
	s5 =	simm.s32 $0xFFFFFFFF;
	p2 =	slt.u32 s8, $0xFFFFF086  }
0x1c: {  	p1 =	slt.u32 s9, $0xF7A;
	s5 =	simm.s32 @!p2 $0x0  }
0x1d: {  	s5 =	simm.s32 @p1 $0x1;
	p0 =	seq.s32 s7, s2  }
0x1e: {  	s7 =	smul.u32 @!p0 $0xF7A, s2;
	p2 =	seq.s32 @!p0 s5, $0x0  }
0x1f: {  	s9 =	smul.u32 $0xF7A, s1;
	s8 =	simm.s32 @!p0 $0x1BF5;
	p2 =	por !p2, p0  }
0x20: {  	[sflag:s8] =	ssyncset.s32 @!p0 $0xFFFFF086;
	s6 =	sadd.s32 @!p0 s3, s7;
	s7 =	simm.s32 @!p0 $0x108  }
0x21: {  	s3 =	sadd.s32 s3, s9;
	s6 =	sadd.s32 @!p0 $0x88, s6;
	s7 =	simm.s32 @p2 $0x1082  }
0x22: {  	[simem:s7], [sflag:s8] =	dma.local @!p0 [hbm:s6], $0xF7A  }
0x23: {  	s9 =	sor.u32 $0xD0000000, s2;
	s6 =	simm.s32 $0x108;
	_ =	swait.ge @!p0 [sflag:s8], $0x0  }
0x24: {  	s3 =	sadd.s32 $0x88, s3;
	s6 =	simm.s32 @!p1 $0x1082;
	[sflag:s4] =	ssyncset.s32 $0xFFFFF086  }
0x25: {  	[simem:s6], [sflag:s4] =	dma.local [hbm:s3], $0xF7A  }
0x26: {  	[smem:$0x3F99] =	sst s1;
	(tag) =	ssettag s2;
	_ =	strace s9  }
0x27: {  	s1 =	sld [smem:$0x3FA9]  }
0x28: {  	s2 =	sld [smem:$0x3FAA]  }
0x29: {  	s4 =	sld [smem:$0x3FAC]  }
0x2a: {  	p0 =	seq.s32 s5, $0x0;
	s5 =	sld [smem:$0x3FAD]  }
0x2b: {  	s6 =	sld [smem:$0x3FAE]  }
0x2c: {  	s7 =	sld [smem:$0x3FAF]  }
0x2d: {  	s3 =	simm.s32 $0x108;
	s8 =	sld [smem:$0x3FB0]  }
0x2e: {  	s3 =	simm.s32 @!p0 $0x1082;
	s9 =	sld [smem:$0x3FB1]  }
0x2f: {  	lr =	sadd.s32 s0, s3;
	s0 =	sld [smem:$0x3FA8]  }
0x30: {  	s3 =	sld [smem:$0x3FAB]  }
0x31: {  	[smem:$0x3FB4] =	sst s10  }
0x32: {  	s10 =	sld [smem:$0x3FB2];
	_ =	sdelay $0x3  }
0x33: {  	p0 =	seq.s32 s10, $0x1;
	s10 =	sld [smem:$0x3FB4];
	_ =	sdelay $0x3  }
0x34: {  	[smem:$0x3FB4] =	sst s10  }
0x35: {  	s10 =	sld [smem:$0x3FB3];
	_ =	sdelay $0x3  }
0x36: {  	p1 =	seq.s32 s10, $0x1;
	s10 =	sld [smem:$0x3FB4];
	_ =	sdelay $0x3  }
0x37: {  	[smem:$0x3FB4] =	sst s10  }
0x38: {  	s10 =	sld [smem:$0x3FB5]  }
0x39: {  	_ = 	snop;
	(pc) =	sbr.ind lr, $3  }
0x3a: {  	_ = 	snop  }
0x3b: {  	_ = 	snop  }
0x3c: {  	p2 =	seq.s32 s10, $0x1;
	s10 =	sld [smem:$0x3FB4]  }
0x3d: {  	_ =	shalt  }
0x3e: {  	_ =	shalt  }
0x3f: {  	_ =	shalt  }
0x40: {  	_ =	shalt  }
0x41: {  	_ =	shalt  }
0x42: {  	_ =	shalt  }
0x43: {  	_ =	shalt  }
0x44: {  	_ =	shalt  }
0x45: {  	_ =	shalt  }
0x46: {  	_ =	shalt  }
0x47: {  	_ =	shalt  }
0x48: {  	_ =	shalt  }
0x49: {  	_ =	shalt  }
0x4a: {  	_ =	shalt  }
0x4b: {  	_ =	shalt  }
0x4c: {  	_ =	shalt  }
0x4d: {  	_ =	shalt  }
0x4e: {  	_ =	shalt  }
0x4f: {  	_ =	shalt  }
0x50: {  	_ =	shalt  }
0x51: {  	_ =	shalt  }
0x52: {  	_ =	shalt  }
0x53: {  	_ =	shalt  }
0x54: {  	_ =	shalt  }
0x55: {  	_ =	shalt  }
0x56: {  	_ =	shalt  }
0x57: {  	_ =	shalt  }
0x58: {  	_ =	shalt  }
0x59: {  	_ =	shalt  }
0x5a: {  	_ =	shalt  }
0x5b: {  	_ =	shalt  }
0x5c: {  	_ =	shalt  }
0x5d: {  	_ =	shalt  }
0x5e: {  	_ =	shalt  }
0x5f: {  	_ =	shalt  }
0x60: {  	_ =	shalt  }
0x61: {  	_ =	shalt  }
0x62: {  	_ =	shalt  }
0x63: {  	_ =	shalt  }
0x64: {  	_ =	shalt  }
0x65: {  	_ =	shalt  }
0x66: {  	_ =	shalt  }
0x67: {  	_ =	shalt  }
0x68: {  	_ =	shalt  }
0x69: {  	_ =	shalt  }
0x6a: {  	_ =	shalt  }
0x6b: {  	_ =	shalt  }
0x6c: {  	_ =	shalt  }
0x6d: {  	_ =	shalt  }
0x6e: {  	_ =	shalt  }
0x6f: {  	_ =	shalt  }
0x70: {  	_ =	shalt  }
0x71: {  	_ =	shalt  }
0x72: {  	_ =	shalt  }
0x73: {  	_ =	shalt  }
0x74: {  	_ =	shalt  }
0x75: {  	_ =	shalt  }
0x76: {  	_ =	shalt  }
0x77: {  	_ =	shalt  }
0x78: {  	_ =	shalt  }
0x79: {  	_ =	shalt  }
0x7a: {  	_ =	shalt  }
0x7b: {  	_ =	shalt  }
0x7c: {  	_ =	shalt  }
0x7d: {  	_ =	shalt  }
0x7e: {  	_ =	shalt  }
0x7f: {  	_ =	shalt  }
0x80: {  	_ =	shalt  }
0x81: {  	_ =	shalt  }
0x82: {  	_ =	shalt  }
0x83: {  	_ =	shalt  }
0x84: {  	_ =	shalt  }
0x85: {  	_ =	shalt  }
0x86: {  	_ =	shalt  }
0x87: {  	_ =	shalt  }
.Lfunc_end0:
.L_simem_size_0:
called_computation_lowered:
.L_overlay_start_0:
0x88: {  	s2 =	sld [smem:$0x3FD9]  }
0x89: {  	s3 =	sld [smem:$0x3FFE];
	_ =	sdelay $0x1  }
0x8a: {  	s1 =	srdreg.scid  }
0x8b: {  	s0 =	sand.u32 $0x1, s1  }
0x8c: {  	s16 =	sshll.u32 s0, $0xA;
	s2 =	sadd.s32 s3, s2  }
0x8d: {  	s2 =	sadd.s32 s2, s16  }
0x8e: {  	[smem:$0x3FC0] =	sst s2  }
0x8f: {  	_ = 	snop  }
0x90: {  	(tm) =	ssettm $0x1  }
0x91: {  	s17 =	sld [smem:$0x3FFB];
	_ =	sdelay $0x3  }
0x92: {  	_ =	strace s17  }
0x93: {  	s2 =	sld [smem:$0x3FFC];
	_ =	sdelay $0x3  }
0x94: {  	_ =	strace s2  }
0x95: {  	s2 =	sld [smem:$0x3FFD];
	_ =	sdelay $0x3  }
0x96: {  	_ =	strace s2  }
0x97: {  	_ =	strace $0x8FFFFFFF  }
0x98: {  	s18 =	sld [smem:$0x3FDB];
	_ =	sdelay $0x1  }
0x99: {  	s19 =	simm.s32 $_scs_section_size  }
0x9a: {  	s4 =	simm.s32 $_size__tile_overlayer_lowered;
	s5 =	simm.s32 $_tile_overlayer_lowered  }
0x9b: {  	s22 =	simm.s32 $0x1BFF;
	s21 =	sshll.u32 s5, $0x1;
	s2 =	sadd.s32 s19, s18  }
0x9c: {  	s6 =	simm.s32 $0x0;
	s20 =	sshll.u32 s4, $0x1;
	s4 =	sadd.s32 s21, s2  }
0x9d: {  	[timem:s6], [sflag:s22] =	dma.local [hbm:s4], s20  }
0x9e: {  	_ =	swait.ge [sflag:s22], s20  }
0x9f: {  	s3 =	ssub.s32 $0x0, s20;
	[sflag:s22] =	ssyncset.done $0x0  }
0xa0: {  	[sflag:s22] =	ssyncadd.s32 s3;
	_ =	sdelay $0x1  }
0xa1: {  	s23 =	simm.s32 $0x1B8B  }
0xa2: {  	_ =	swait.ge [sflag:s23], $0x1  }
0xa3: {  	[sflag:s23] =	ssyncset.done $0x0  }
0xa4: {  	s25 =	simm.s32 $0x1B8E;
	s24 =	sld [smem:$0x3FFE];
	[sflag:s23] =	ssyncadd.s32 $0xFFFFFFFF  }
0xa5: {  	s26 =	simm.s32 $execute0_lowered;
	[smem:$0x3FD2] =	sst s25  }
0xa6: {  	s4 =	sshll.u32 s26, $0x1;
	_ =	strace $0x80000046;
	[dreg:$0x1] =	wrdreg $0xFFFFFFFF  }
0xa7: {  	s28 =	simm.s32 $_size_execute0_lowered;
	s2 =	sadd.s32 s2, s4;
	[dreg:$0x0] =	wrdreg $0x0  }
0xa8: {  	s4 =	sshll.u32 s28, $0x1;
	[dreg:$0x2] =	wrdreg s2  }
0xa9: {  	[dreg:$0x3] =	wrdreg s4  }
0xaa: {  	[dreg:$0x4] =	wrdreg $0xC0  }
0xab: {  	_ =	task [dreg:s6], $0x5FFFF  }
0xac: {  	[dreg:$0x1] =	wrdreg $0xFFFFFFFF  }
0xad: {  	[dreg:$0x0] =	wrdreg $0x60  }
0xae: {  	[dreg:$0x2] =	wrdreg s24  }
0xaf: {  	[dreg:$0x3] =	wrdreg $0x0  }
0xb0: {  	[dreg:$0x4] =	wrdreg $0x2780  }
0xb1: {  	[dreg:$0x5] =	wrdreg $0x4F00  }
0xb2: {  	[dreg:$0x6] =	wrdreg $0x7680  }
0xb3: {  	[dreg:$0x7] =	wrdreg $0x9  }
0xb4: {  	_ =	task.clear_ibuf [dreg:s6], $0x8FFFF;
	_ =	strace $0x90000046  }
0xb5: {  	s29 =	simm.s32 $0x9;
	_ =	strace $0x80000048  }
0xb6: {  	_ =	swait.ge [sflag:s29], $0x1  }
0xb7: {  	[sflag:s29] =	ssyncadd.s32 $0xFFFFFFFF  }
0xb8: {  	_ =	strace $0x90000048  }
0xb9: {  	_ =	sfence  }
0xba: {  	s30 =	sld [smem:$0x0];
	_ =	sdelay $0x2  }
0xbb: {  	s31 =	sshll.u32 s1, $0xD;
	s1 =	sshrl.u32 s1, $0x2  }
0xbc: {  	s3 =	sand.u32 $0x4000, s31;
	s1 =	sadd.s32 s1, s30  }
0xbd: {  	s0 =	sor.u32 s3, s0;
	s1 =	sshll.u32 s1, $0x11  }
0xbe: {  	s0 =	sor.u32 s1, s0  }
0xbf: {  	s0 =	sadd.s32 $0x8F2B, s0  }
0xc0: {  	[sflag:s0] =	ssyncadd.remote.s32 $0x1  }
0xc1: {  	_ =	sfence.sel $0xFFFF  }
0xc2: {  	[dreg:$0x0] =	wrdreg $0xFFFFFFFF;
	(pc) =	sbr.abs _section_cstart, $3  }
0xc3: {  	[dreg:$0x1] =	wrdreg $0xFFFFFFFF  }
0xc4: {  	_ =	task.clear_ibuf [dreg:s6], $0x2FFFF;
	_ =	strace $0x9FFFFFFF  }
0xc5: {  	(tm) =	ssettm $0x7FFFFFFF  }
tec
execute0_lowered:
.L_overlay_start_1:
0x0: {  	(tag) =	ssettag $0x1  }
0x1: {  	s15 =	rddreg [dreg:$0x0]  }
0x2: {  	s1 =	rddreg [dreg:$0x1]  }
0x3: {  	s2 =	rddreg [dreg:$0x2]  }
0x4: {  	s3 =	rddreg [dreg:$0x3]  }
0x5: {  	s4 =	rddreg [dreg:$0x4]  }
0x6: {  	s0 =	rddreg [dreg:$0x5];
	s5 =	simm.s32 $0x0  }
0x7: {  	s7 =	srdreg.scid;
	[smem:$0x7FF] =	sst s5;
	s14 =	sadd.s32 $0x11800, s15  }
0x8: {  	s16 =	sadd.s32 $0xF000, s15;
	s17 =	sadd.s32 $0x5000, s15;
	s18 =	sadd.s32 $0xC800, s15  }
0x9: {  	s13 =	sadd.s32 $0x2800, s15;
	s19 =	sadd.s32 $0xA000, s15;
	s20 =	sadd.s32 $0x7800, s15  }
0xa: {  	s6 =	sadd.s32 $0x14000, s15;
	s9 =	sand.u32 $0x1, s7;
	s8 =	sadd.s32 $0x14600, s15  }
0xb: {  	s12 =	sadd.s32 $0x14A00, s15;
	s7 =	stileid.u32;
	s11 =	smul.u32 $0x9C40, s9  }
0xc: {  	_ =	strace $0x80000047;
	s10 =	ssub.s32 $0x2, s9;
	s31 =	smul.u32 $0x1388, s9  }
0xd: {  	p1 =	seq.s32 s9, $0x1;
	s22 =	smul.u32 $0x271, s7;
	p0 =	seq.s32 s7, $0x0  }
0xe: {  	s21 =	sshrl.u32 s10, $0x1;
	s14 =	smov.u32 @p1 s13;
	p2 =	seq.s32 @!p0 s7, $0x2  }
0xf: {  	s16 =	smov.u32 @p1 s19;
	s17 =	smov.u32 @p1 s15;
	s18 =	smov.u32 @p1 s20  }
0x10: {  	s20 =	smov.u32 s2;
	s19 =	simm.s32 $0x1D68;
	p3 =	por p2, p0  }
0x11: {  	s21 =	ssub.s32 s10, s21;
	s11 =	sshrl.u32 s11, $0x3;
	p3 =	sne.s32 @!p3 s7, $0x1  }
0x12: {  	s9 =	sadd.s32 s12, s31;
	s14 =	sadd.s32 s14, s22;
	p1 =	por @!p0 !p3, p2  }
0x13: {  	s15 =	sadd.s32 s16, s22;
	s16 =	sadd.s32 s17, s22;
	p4 =	por p1, p0  }
0x14: {  	s17 =	sadd.s32 s18, s22;
	p3 =	por @!p0 p3, p2;
	s18 =	simm.s32 @!p4 $0x0  }
0x15: {  	s22 =	simm.s32 @!p0 $0x0;
	p3 =	por p3, p0;
	s18 =	simm.s32 @p4 $0x1  }
0x16: {  	s23 =	sadd.s32 s12, s11;
	[smem:$0x7F6] =	sst s18;
	s18 =	simm.s32 @!p3 $0x0  }
0x17: {  	p1 =	por !p1, p0;
	p4 =	por @!p4 $0x0, $0x0;
	s18 =	simm.s32 @p3 $0x1  }
0x18: {  	p3 =	por @!p3 $0x1, $0x1;
	[smem:$0x7F7] =	sst s18;
	s18 =	simm.s32 @!p1 $0x0  }
0x19: {  	s13 =	smax.u32 s21, $0x1;
	p4 =	por @!p1 p3, p3;
	s18 =	simm.s32 @p1 $0x1  }
0x1a: {  	s21 =	simm.s32 $0x30F0;
	[smem:$0x7F8] =	sst s18;
	s18 =	simm.s32 @!p4 $0x0  }
0x1b: {  	s22 =	simm.s32 @p0 $0x1;
	p2 =	por !p2, p0;
	s18 =	simm.s32 @p4 $0x1  }
0x1c: {  	s20 =	smov.u32 @p1 s4;
	[smem:$0x7F9] =	sst s18;
	s18 =	smov.u32 s3  }
0x1d: {  	s10 =	sadd.s32 $0x4E2, s23;
	s24 =	simm.s32 @!p2 $0x0;
	s18 =	smov.u32 @p2 s20  }
0x1e: {  	s24 =	simm.s32 @p2 $0x1;
	s18 =	smov.u32 @p0 s1;
	p0 =	por @!p2 $0x1, $0x1  }
.Ltmp0:
0x1f: {  	[smem:$0x7FB] =	sst s24;
	s24 =	simm.s32 @!p0 $0x0;
	(pc) =	sbr.rel .LBB2_1-.Ltmp0, $4  }
0x20: {  	s11 =	sadd.s32 $0x9C4, s23;
	p4 =	sgt.u32 s7, $0x3;
	s24 =	simm.s32 @p0 $0x1  }
0x21: {  	s12 =	sadd.s32 $0xEA6, s23;
	[smem:$0x7FC] =	sst s24;
	s24 =	simm.s32 @!p4 $0x0  }
0x22: {  	[smem:$0x7FA] =	sst s22;
	s22 =	simm.s32 $0x9E0;
	s24 =	simm.s32 @p4 $0x1  }
0x23: {  	s23 =	simm.s32 $0x1388;
	s20 =	simm.s32 $0x1;
	[smem:$0x7FD] =	sst s24  }
.LBB2_3:
0x24: {  	[bflag:$0x0] =	sbarrier.arrive $0xFFFF  }
0x25: {  	[tilespmem:s22], [sflag:$0x1] =	stream.linear.gather [hbm4b:s14+s5], $0x1388, $0x38;
	[tilespmem:$0x5800] =	vst v63  }
0x26: {  	_ =	swait.ge [sflag:s20], $0x1388  }
0x27: {  	[sflag:s20] =	ssyncset.done $0x0  }
0x28: {  	[sflag:s20] =	ssyncadd.s32 $0xFFFFEC78  }
0x29: {  	[spmem:s1] =	stream.indirect.scatter.add.f32 [tilespmem:s19], [sflag:$0x1], $0x1, s22, s23, $0xb8;
	[tilespmem:$0x5800] =	vst v63  }
0x2a: {  	_ =	swait.ge [sflag:s20], $0x1388  }
0x2b: {  	[sflag:s20] =	ssyncset.done $0x0  }
0x2c: {  	[sflag:s20] =	ssyncadd.s32 $0xFFFFEC78  }
0x2d: {  	[tilespmem:s22], [sflag:$0x1] =	stream.linear.gather [hbm4b:s15+s5], $0x1388, $0x38;
	[tilespmem:$0x5800] =	vst v63  }
0x2e: {  	_ =	swait.ge [sflag:s20], $0x1388  }
0x2f: {  	[sflag:s20] =	ssyncset.done $0x0  }
0x30: {  	[sflag:s20] =	ssyncadd.s32 $0xFFFFEC78  }
0x31: {  	[spmem:s2] =	stream.indirect.scatter.add.f32 [tilespmem:s19], [sflag:$0x1], $0x1, s22, s23, $0xb8;
	[tilespmem:$0x5800] =	vst v63  }
0x32: {  	_ =	swait.ge [sflag:s20], $0x1388  }
0x33: {  	[sflag:s20] =	ssyncset.done $0x0  }
0x34: {  	[sflag:s20] =	ssyncadd.s32 $0xFFFFEC78  }
0x35: {  	[tilespmem:s22], [sflag:$0x1] =	stream.linear.gather [hbm4b:s16+s5], $0x1388, $0x38;
	[tilespmem:$0x5800] =	vst v63  }
0x36: {  	_ =	swait.ge [sflag:s20], $0x1388  }
0x37: {  	[sflag:s20] =	ssyncset.done $0x0  }
0x38: {  	[sflag:s20] =	ssyncadd.s32 $0xFFFFEC78  }
0x39: {  	[spmem:s3] =	stream.indirect.scatter.add.f32 [tilespmem:s19], [sflag:$0x1], $0x1, s22, s23, $0xb8;
	[tilespmem:$0x5800] =	vst v63  }
0x3a: {  	_ =	swait.ge [sflag:s20], $0x1388  }
0x3b: {  	[sflag:s20] =	ssyncset.done $0x0  }
0x3c: {  	[sflag:s20] =	ssyncadd.s32 $0xFFFFEC78  }
0x3d: {  	[tilespmem:s22], [sflag:$0x1] =	stream.linear.gather [hbm4b:s17+s5], $0x1388, $0x38;
	[tilespmem:$0x5800] =	vst v63  }
0x3e: {  	_ =	swait.ge [sflag:s20], $0x1388  }
0x3f: {  	[sflag:s20] =	ssyncset.done $0x0  }
0x40: {  	[sflag:s20] =	ssyncadd.s32 $0xFFFFEC78  }
0x41: {  	[spmem:s4] =	stream.indirect.scatter.add.f32 [tilespmem:s19], [sflag:$0x1], $0x1, s22, s23, $0xb8;
	[tilespmem:$0x5800] =	vst v63  }
0x42: {  	_ =	swait.ge [sflag:s20], $0x1388  }
0x43: {  	[sflag:s20] =	ssyncset.done $0x0  }
0x44: {  	[sflag:s20] =	ssyncadd.s32 $0xFFFFEC78  }
0x45: {  	s24 =	simm.s32 @p6 $0x30F0;
	s25 =	simm.s32 @p6 $0x1;
	[bflag:$0x0] =	sbarrier.arrive $0xFFFF  }
0x46: {  	[tilespmem:s24], [sflag:$0x1] =	stream.linear.gather @p6 [spmem:s1], $0x2710, $0x38;
	[tilespmem:$0x5800] =	vst v63  }
0x47: {  	_ =	swait.ge @p6 [sflag:s25], $0x2710  }
0x48: {  	[sflag:s25] =	ssyncset.done @p6 $0x0  }
0x49: {  	s26 =	simm.s32 @p6 $0x0;
	[sflag:s25] =	ssyncadd.s32 @p6 $0xFFFFD8F0  }
0x4a: {  	[hbm4b:s9+s26] =	stream.linear.scatter @p6 [tilespmem:s24], [sflag:$0x1], $0x2710, $0x38;
	[tilespmem:$0x5800] =	vst v63  }
0x4b: {  	_ =	swait.ge @p6 [sflag:s25], $0x2710  }
0x4c: {  	[sflag:s25] =	ssyncset.done @p6 $0x0  }
0x4d: {  	s24 =	simm.s32 @p1 $0x30F0;
	[sflag:s25] =	ssyncadd.s32 @p6 $0xFFFFD8F0;
	s25 =	simm.s32 @p1 $0x1  }
0x4e: {  	[tilespmem:s24], [sflag:$0x1] =	stream.linear.gather @p1 [spmem:s2], $0x2710, $0x38;
	[tilespmem:$0x5800] =	vst v63  }
0x4f: {  	_ =	swait.ge @p1 [sflag:s25], $0x2710  }
0x50: {  	[sflag:s25] =	ssyncset.done @p1 $0x0  }
0x51: {  	s26 =	simm.s32 @p1 $0x0;
	[sflag:s25] =	ssyncadd.s32 @p1 $0xFFFFD8F0  }
0x52: {  	[hbm4b:s10+s26] =	stream.linear.scatter @p1 [tilespmem:s24], [sflag:$0x1], $0x2710, $0x38;
	[tilespmem:$0x5800] =	vst v63  }
0x53: {  	_ =	swait.ge @p1 [sflag:s25], $0x2710  }
0x54: {  	[sflag:s25] =	ssyncset.done @p1 $0x0  }
0x55: {  	s24 =	simm.s32 @p3 $0x30F0;
	[sflag:s25] =	ssyncadd.s32 @p1 $0xFFFFD8F0;
	s25 =	simm.s32 @p3 $0x1  }
0x56: {  	[tilespmem:s24], [sflag:$0x1] =	stream.linear.gather @p3 [spmem:s3], $0x2710, $0x38;
	[tilespmem:$0x5800] =	vst v63  }
0x57: {  	_ =	swait.ge @p3 [sflag:s25], $0x2710  }
0x58: {  	[sflag:s25] =	ssyncset.done @p3 $0x0  }
0x59: {  	s26 =	simm.s32 @p3 $0x0;
	[sflag:s25] =	ssyncadd.s32 @p3 $0xFFFFD8F0  }
0x5a: {  	[hbm4b:s11+s26] =	stream.linear.scatter @p3 [tilespmem:s24], [sflag:$0x1], $0x2710, $0x38;
	[tilespmem:$0x5800] =	vst v63  }
0x5b: {  	_ =	swait.ge @p3 [sflag:s25], $0x2710  }
0x5c: {  	[sflag:s25] =	ssyncset.done @p3 $0x0  }
0x5d: {  	s24 =	simm.s32 @p2 $0x30F0;
	[sflag:s25] =	ssyncadd.s32 @p3 $0xFFFFD8F0;
	s25 =	simm.s32 @p2 $0x1  }
0x5e: {  	[tilespmem:s24], [sflag:$0x1] =	stream.linear.gather @p2 [spmem:s4], $0x2710, $0x38;
	[tilespmem:$0x5800] =	vst v63  }
0x5f: {  	s13 =	sadd.s32 $0xFFFFFFFF, s13;
	_ =	swait.ge @p2 [sflag:s25], $0x2710  }
0x60: {  	p0 =	sne.s32 s13, $0x0;
	[sflag:s25] =	ssyncset.done @p2 $0x0  }
.Ltmp1:
0x61: {  	s26 =	simm.s32 @p2 $0x0;
	[sflag:s25] =	ssyncadd.s32 @p2 $0xFFFFD8F0;
	(pc) =	sbr.rel @!p0 .LBB2_4-.Ltmp1, $4  }
0x62: {  	[hbm4b:s12+s26] =	stream.linear.scatter @p2 [tilespmem:s24], [sflag:$0x1], $0x2710, $0x38;
	[tilespmem:$0x5800] =	vst v63  }
0x63: {  	_ =	swait.ge @p2 [sflag:s25], $0x2710  }
0x64: {  	[sflag:s25] =	ssyncset.done @p2 $0x0  }
0x65: {  	[sflag:s25] =	ssyncadd.s32 @p2 $0xFFFFD8F0  }
.LBB2_1:
.Ltmp2:
0x66: {  	(pc) =	sbr.rel @p4 .LBB2_3-.Ltmp2, $4  }
0x67: {  	[tilespmem:s19], [sflag:$0x1] =	stream.linear.gather [hbm4b:s8+s5], $0x1388, $0x38;
	[tilespmem:$0x5800] =	vst v63  }
0x68: {  	_ =	swait.ge [sflag:s20], $0x1388  }
0x69: {  	p2 =	por $0x0, $0x0;
	p1 =	por $0x0, $0x0;
	[sflag:s20] =	ssyncset.done $0x0  }
0x6a: {  	p6 =	por $0x0, $0x0;
	p3 =	por $0x0, $0x0;
	[sflag:s20] =	ssyncadd.s32 $0xFFFFEC78  }
0x6b: {  	[tilespmem:s21], [sflag:$0x1] =	stream.linear.gather [hbm4b:s6+s5], $0x2710, $0x38;
	[tilespmem:$0x5800] =	vst v63  }
0x6c: {  	_ =	swait.ge [sflag:s20], $0x2710  }
0x6d: {  	s24 =	sld [smem:$0x7F6]  }
0x6e: {  	s31 =	sld [smem:$0x7F7]  }
0x6f: {  	s25 =	sld [smem:$0x7FB]  }
0x70: {  	s26 =	sld [smem:$0x7F8]  }
0x71: {  	[sflag:s20] =	ssyncset.done $0x0;
	s28 =	sld [smem:$0x7F9]  }
0x72: {  	s29 =	sld [smem:$0x7FC];
	[sflag:s20] =	ssyncadd.s32 $0xFFFFD8F0  }
0x73: {  	[spmem:s18] =	stream.linear.scatter [tilespmem:s21], [sflag:$0x1], $0x2710, $0x38;
	[tilespmem:$0x5800] =	vst v63  }
0x74: {  	s30 =	sld [smem:$0x7FA];
	p0 =	seq.s32 s24, $0x1;
	p1 =	seq.s32 s31, $0x1  }
0x75: {  	p5 =	seq.s32 s25, $0x1;
	p6 =	seq.s32 s28, $0x1;
	_ =	swait.ge [sflag:s20], $0x2710  }
0x76: {  	p3 =	por @!p0 $0x1, $0x1;
	p1 =	por @!p1 $0x0, $0x0;
	p4 =	por @!p0 $0x0, $0x0  }
0x77: {  	p2 =	por @!p5 $0x0, $0x0;
	p0 =	seq.s32 s26, $0x1;
	[sflag:s20] =	ssyncset.done $0x0  }
0x78: {  	s31 =	sld [smem:$0x7FD];
	p3 =	por @!p0 p1, p1;
	p4 =	por @!p0 p1, p1  }
0x79: {  	p6 =	por @!p5 p2, p2;
	p1 =	seq.s32 s29, $0x1;
	p3 =	por @!p5 p2, p2  }
.Ltmp3:
0x7a: {  	p0 =	por p4, p4;
	p4 =	por @!p5 p1, p1;
	(pc) =	sbr.rel .LBB2_3-.Ltmp3, $4  }
0x7b: {  	p0 =	por @!p5 p2, p2;
	p2 =	por $0x0, $0x0;
	p5 =	seq.s32 s30, $0x1  }
0x7c: {  	[sflag:s20] =	ssyncadd.s32 $0xFFFFD8F0;
	p1 =	por $0x0, $0x0;
	p2 =	por @!p5 p3, p3  }
0x7d: {  	p1 =	por @!p5 p6, p6;
	p6 =	por $0x1, $0x1;
	p3 =	por $0x0, $0x0  }
0x7e: {  	p6 =	por @!p5 p0, p0;
	p3 =	por @!p5 p4, p4;
	p4 =	seq.s32 s31, $0x1  }
.LBB2_4:
0x7f: {  	_ =	sfence.sel $0x180000  }
0x80: {  	[bflag:$0x0] =	sbarrier.arrive $0xFFFF  }
0x81: {  	p0 =	sne.s32 s7, $0x0;
	_ =	strace $0x90000047  }
0x82: {  	s0 =	sadd.s32 @!p0 $0x100000, s0;
	[bflag:$0x2] =	sbarrier.arrive $0xFFFF  }
0x83: {  	[sflag:s0] =	ssyncadd.tile.s32 @!p0 $0x1;
	_ =	shalt  }
.Lfunc_end2:
_tile_overlayer_lowered:
.L_overlay_start_2:
0x84: {  	(tag) =	ssettag $0x2  }
0x85: {  	s0 =	rddreg [dreg:$0x0];
	s2 =	stileid.u32  }
0x86: {  	s1 =	rddreg [dreg:$0x1];
	p0 =	sne.s32 s2, $0x0  }
0x87: {  	s3 =	rddreg [dreg:$0x2];
	[bflag:$0x3] =	sbarrier.arrive $0xFFFF;
	s2 =	simm.s32 @!p0 $0x1C01  }
0x88: {  	[timem:s3], [sflag:s2] =	dma.local @!p0 [hbm:s0], s1  }
0x89: {  	s0 =	simm.s32 @!p0 $0x1  }
0x8a: {  	_ =	swait.ge @!p0 [sflag:s0], s1  }
0x8b: {  	s1 =	ssub.s32 @!p0 $0x0, s1;
	[sflag:s0] =	ssyncset.done @!p0 $0x0  }
0x8c: {  	[sflag:s0] =	ssyncadd.s32 @!p0 s1  }
0x8d: {  	[bflag:$0x3] =	sbarrier.arrive $0xFFFF  }
0x8e: {  	_ =	shalt  }

// kernel: kernel.9.cloned.1.call-start
scs
__scs_entry_jumppad:
0x0: {  	(pc) =	sbr.rel $0x88, $3  }
0x1: {  	(tag) =	ssettag $0x0;
	lr =	simm.s32 $0x1  }
0x2: {  	[smem:$0x3F99] =	sst lr;
	_ =	strace $0xD0000000  }
0x3: {  	_ = 	snop  }
0x4: {  	_ = 	snop  }
0x5: {  	_ = 	snop  }
0x6: {  	_ = 	snop  }
0x7: {  	_ = 	snop  }
__scs_overlays_trampoline_lowered:
0x8: {  	[smem:$0x3FA8] =	sst s0  }
0x9: {  	[smem:$0x3FA9] =	sst s1  }
0xa: {  	[smem:$0x3FAA] =	sst s2  }
0xb: {  	[smem:$0x3FAB] =	sst s3  }
0xc: {  	[smem:$0x3FAC] =	sst s4  }
0xd: {  	[smem:$0x3FAD] =	sst s5  }
0xe: {  	[smem:$0x3FAE] =	sst s6  }
0xf: {  	[smem:$0x3FAF] =	sst s7  }
0x10: {  	[smem:$0x3FB0] =	sst s8  }
0x11: {  	[smem:$0x3FB1] =	sst s9;
	s0 =	simm.s32 @!p0 $0x0  }
0x12: {  	s1 =	sld [smem:$0x3F97];
	s0 =	simm.s32 @p0 $0x1  }
0x13: {  	[smem:$0x3FB2] =	sst s0;
	s0 =	simm.s32 @!p1 $0x0  }
0x14: {  	s2 =	sld [smem:$0x3F96];
	s0 =	simm.s32 @p1 $0x1  }
0x15: {  	[smem:$0x3FB3] =	sst s0;
	s0 =	simm.s32 @!p2 $0x0  }
0x16: {  	s3 =	sld [smem:$0x3FDB];
	s0 =	simm.s32 @p2 $0x1  }
0x17: {  	s4 =	simm.s32 $0x1BF5;
	[smem:$0x3FB5] =	sst s0  }
0x18: {  	s0 =	sld [smem:$0x3F98];
	_ =	swait.ge [sflag:s4], $0x0  }
0x19: {  	s7 =	sld [smem:$0x3F99]  }
0x1a: {  	s8 =	sadd.s32 $0xFFFFE003, lr  }
0x1b: {  	s9 =	sadd.s32 $0xFFFFFEF7, lr;
	s5 =	simm.s32 $0xFFFFFFFF;
	p2 =	slt.u32 s8, $0xFFFFF086  }
0x1c: {  	p1 =	slt.u32 s9, $0xF7A;
	s5 =	simm.s32 @!p2 $0x0  }
0x1d: {  	s5 =	simm.s32 @p1 $0x1;
	p0 =	seq.s32 s7, s2  }
0x1e: {  	s7 =	smul.u32 @!p0 $0xF7A, s2;
	p2 =	seq.s32 @!p0 s5, $0x0  }
0x1f: {  	s9 =	smul.u32 $0xF7A, s1;
	s8 =	simm.s32 @!p0 $0x1BF5;
	p2 =	por !p2, p0  }
0x20: {  	[sflag:s8] =	ssyncset.s32 @!p0 $0xFFFFF086;
	s6 =	sadd.s32 @!p0 s3, s7;
	s7 =	simm.s32 @!p0 $0x108  }
0x21: {  	s3 =	sadd.s32 s3, s9;
	s6 =	sadd.s32 @!p0 $0x88, s6;
	s7 =	simm.s32 @p2 $0x1082  }
0x22: {  	[simem:s7], [sflag:s8] =	dma.local @!p0 [hbm:s6], $0xF7A  }
0x23: {  	s9 =	sor.u32 $0xD0000000, s2;
	s6 =	simm.s32 $0x108;
	_ =	swait.ge @!p0 [sflag:s8], $0x0  }
0x24: {  	s3 =	sadd.s32 $0x88, s3;
	s6 =	simm.s32 @!p1 $0x1082;
	[sflag:s4] =	ssyncset.s32 $0xFFFFF086  }
0x25: {  	[simem:s6], [sflag:s4] =	dma.local [hbm:s3], $0xF7A  }
0x26: {  	[smem:$0x3F99] =	sst s1;
	(tag) =	ssettag s2;
	_ =	strace s9  }
0x27: {  	s1 =	sld [smem:$0x3FA9]  }
0x28: {  	s2 =	sld [smem:$0x3FAA]  }
0x29: {  	s4 =	sld [smem:$0x3FAC]  }
0x2a: {  	p0 =	seq.s32 s5, $0x0;
	s5 =	sld [smem:$0x3FAD]  }
0x2b: {  	s6 =	sld [smem:$0x3FAE]  }
0x2c: {  	s7 =	sld [smem:$0x3FAF]  }
0x2d: {  	s3 =	simm.s32 $0x108;
	s8 =	sld [smem:$0x3FB0]  }
0x2e: {  	s3 =	simm.s32 @!p0 $0x1082;
	s9 =	sld [smem:$0x3FB1]  }
0x2f: {  	lr =	sadd.s32 s0, s3;
	s0 =	sld [smem:$0x3FA8]  }
0x30: {  	s3 =	sld [smem:$0x3FAB]  }
0x31: {  	[smem:$0x3FB4] =	sst s10  }
0x32: {  	s10 =	sld [smem:$0x3FB2];
	_ =	sdelay $0x3  }
0x33: {  	p0 =	seq.s32 s10, $0x1;
	s10 =	sld [smem:$0x3FB4];
	_ =	sdelay $0x3  }
0x34: {  	[smem:$0x3FB4] =	sst s10  }
0x35: {  	s10 =	sld [smem:$0x3FB3];
	_ =	sdelay $0x3  }
0x36: {  	p1 =	seq.s32 s10, $0x1;
	s10 =	sld [smem:$0x3FB4];
	_ =	sdelay $0x3  }
0x37: {  	[smem:$0x3FB4] =	sst s10  }
0x38: {  	s10 =	sld [smem:$0x3FB5]  }
0x39: {  	_ = 	snop;
	(pc) =	sbr.ind lr, $3  }
0x3a: {  	_ = 	snop  }
0x3b: {  	_ = 	snop  }
0x3c: {  	p2 =	seq.s32 s10, $0x1;
	s10 =	sld [smem:$0x3FB4]  }
0x3d: {  	_ =	shalt  }
0x3e: {  	_ =	shalt  }
0x3f: {  	_ =	shalt  }
0x40: {  	_ =	shalt  }
0x41: {  	_ =	shalt  }
0x42: {  	_ =	shalt  }
0x43: {  	_ =	shalt  }
0x44: {  	_ =	shalt  }
0x45: {  	_ =	shalt  }
0x46: {  	_ =	shalt  }
0x47: {  	_ =	shalt  }
0x48: {  	_ =	shalt  }
0x49: {  	_ =	shalt  }
0x4a: {  	_ =	shalt  }
0x4b: {  	_ =	shalt  }
0x4c: {  	_ =	shalt  }
0x4d: {  	_ =	shalt  }
0x4e: {  	_ =	shalt  }
0x4f: {  	_ =	shalt  }
0x50: {  	_ =	shalt  }
0x51: {  	_ =	shalt  }
0x52: {  	_ =	shalt  }
0x53: {  	_ =	shalt  }
0x54: {  	_ =	shalt  }
0x55: {  	_ =	shalt  }
0x56: {  	_ =	shalt  }
0x57: {  	_ =	shalt  }
0x58: {  	_ =	shalt  }
0x59: {  	_ =	shalt  }
0x5a: {  	_ =	shalt  }
0x5b: {  	_ =	shalt  }
0x5c: {  	_ =	shalt  }
0x5d: {  	_ =	shalt  }
0x5e: {  	_ =	shalt  }
0x5f: {  	_ =	shalt  }
0x60: {  	_ =	shalt  }
0x61: {  	_ =	shalt  }
0x62: {  	_ =	shalt  }
0x63: {  	_ =	shalt  }
0x64: {  	_ =	shalt  }
0x65: {  	_ =	shalt  }
0x66: {  	_ =	shalt  }
0x67: {  	_ =	shalt  }
0x68: {  	_ =	shalt  }
0x69: {  	_ =	shalt  }
0x6a: {  	_ =	shalt  }
0x6b: {  	_ =	shalt  }
0x6c: {  	_ =	shalt  }
0x6d: {  	_ =	shalt  }
0x6e: {  	_ =	shalt  }
0x6f: {  	_ =	shalt  }
0x70: {  	_ =	shalt  }
0x71: {  	_ =	shalt  }
0x72: {  	_ =	shalt  }
0x73: {  	_ =	shalt  }
0x74: {  	_ =	shalt  }
0x75: {  	_ =	shalt  }
0x76: {  	_ =	shalt  }
0x77: {  	_ =	shalt  }
0x78: {  	_ =	shalt  }
0x79: {  	_ =	shalt  }
0x7a: {  	_ =	shalt  }
0x7b: {  	_ =	shalt  }
0x7c: {  	_ =	shalt  }
0x7d: {  	_ =	shalt  }
0x7e: {  	_ =	shalt  }
0x7f: {  	_ =	shalt  }
0x80: {  	_ =	shalt  }
0x81: {  	_ =	shalt  }
0x82: {  	_ =	shalt  }
0x83: {  	_ =	shalt  }
0x84: {  	_ =	shalt  }
0x85: {  	_ =	shalt  }
0x86: {  	_ =	shalt  }
0x87: {  	_ =	shalt  }
.Lfunc_end0:
.L_simem_size_0:
called_computation.1_lowered:
.L_overlay_start_0:
0x88: {  	s2 =	sld [smem:$0x3FD9]  }
0x89: {  	s3 =	sld [smem:$0x3FFE];
	_ =	sdelay $0x1  }
0x8a: {  	s1 =	srdreg.scid  }
0x8b: {  	s0 =	sand.u32 $0x1, s1  }
0x8c: {  	s16 =	sshll.u32 s0, $0xA;
	s2 =	sadd.s32 s3, s2  }
0x8d: {  	s2 =	sadd.s32 s2, s16  }
0x8e: {  	[smem:$0x3FC0] =	sst s2  }
0x8f: {  	_ = 	snop  }
0x90: {  	(tm) =	ssettm $0x1  }
0x91: {  	s17 =	sld [smem:$0x3FFB];
	_ =	sdelay $0x3  }
0x92: {  	_ =	strace s17  }
0x93: {  	s2 =	sld [smem:$0x3FFC];
	_ =	sdelay $0x3  }
0x94: {  	_ =	strace s2  }
0x95: {  	s2 =	sld [smem:$0x3FFD];
	_ =	sdelay $0x3  }
0x96: {  	_ =	strace s2  }
0x97: {  	_ =	strace $0x8FFFFFFF  }
0x98: {  	s18 =	sld [smem:$0x3FDB];
	_ =	sdelay $0x1  }
0x99: {  	s19 =	simm.s32 $_scs_section_size  }
0x9a: {  	s4 =	simm.s32 $_size__tile_overlayer_lowered;
	s5 =	simm.s32 $_tile_overlayer_lowered  }
0x9b: {  	s22 =	simm.s32 $0x1BFF;
	s21 =	sshll.u32 s5, $0x1;
	s2 =	sadd.s32 s19, s18  }
0x9c: {  	s6 =	simm.s32 $0x0;
	s20 =	sshll.u32 s4, $0x1;
	s4 =	sadd.s32 s21, s2  }
0x9d: {  	[timem:s6], [sflag:s22] =	dma.local [hbm:s4], s20  }
0x9e: {  	_ =	swait.ge [sflag:s22], s20  }
0x9f: {  	s3 =	ssub.s32 $0x0, s20;
	[sflag:s22] =	ssyncset.done $0x0  }
0xa0: {  	[sflag:s22] =	ssyncadd.s32 s3;
	_ =	sdelay $0x1  }
0xa1: {  	s23 =	simm.s32 $0x1B8B  }
0xa2: {  	_ =	swait.ge [sflag:s23], $0x1  }
0xa3: {  	[sflag:s23] =	ssyncset.done $0x0  }
0xa4: {  	s25 =	simm.s32 $0x1B8E;
	s24 =	sld [smem:$0x3FFE];
	[sflag:s23] =	ssyncadd.s32 $0xFFFFFFFF  }
0xa5: {  	s26 =	simm.s32 $execute0_lowered;
	[smem:$0x3FD2] =	sst s25  }
0xa6: {  	s4 =	sshll.u32 s26, $0x1;
	_ =	strace $0x80000049;
	[dreg:$0x1] =	wrdreg $0xFFFFFFFF  }
0xa7: {  	s28 =	simm.s32 $_size_execute0_lowered;
	s2 =	sadd.s32 s2, s4;
	[dreg:$0x0] =	wrdreg $0x0  }
0xa8: {  	s4 =	sshll.u32 s28, $0x1;
	[dreg:$0x2] =	wrdreg s2  }
0xa9: {  	[dreg:$0x3] =	wrdreg s4  }
0xaa: {  	[dreg:$0x4] =	wrdreg $0xC0  }
0xab: {  	_ =	task [dreg:s6], $0x5FFFF  }
0xac: {  	[dreg:$0x1] =	wrdreg $0xFFFFFFFF  }
0xad: {  	[dreg:$0x0] =	wrdreg $0x60  }
0xae: {  	[dreg:$0x2] =	wrdreg s24  }
0xaf: {  	[dreg:$0x3] =	wrdreg $0x0  }
0xb0: {  	[dreg:$0x4] =	wrdreg $0x4E200  }
0xb1: {  	[dreg:$0x5] =	wrdreg $0x9C400  }
0xb2: {  	[dreg:$0x6] =	wrdreg $0x9  }
0xb3: {  	_ =	task.clear_ibuf [dreg:s6], $0x7FFFF;
	_ =	strace $0x90000049  }
0xb4: {  	s29 =	simm.s32 $0x9;
	_ =	strace $0x8000004B  }
0xb5: {  	_ =	swait.ge [sflag:s29], $0x1  }
0xb6: {  	[sflag:s29] =	ssyncadd.s32 $0xFFFFFFFF  }
0xb7: {  	_ =	strace $0x9000004B  }
0xb8: {  	_ =	sfence  }
0xb9: {  	s30 =	sld [smem:$0x0];
	_ =	sdelay $0x2  }
0xba: {  	s31 =	sshll.u32 s1, $0xD;
	s1 =	sshrl.u32 s1, $0x2  }
0xbb: {  	s3 =	sand.u32 $0x4000, s31;
	s1 =	sadd.s32 s1, s30  }
0xbc: {  	s0 =	sor.u32 s3, s0;
	s1 =	sshll.u32 s1, $0x11  }
0xbd: {  	s0 =	sor.u32 s1, s0  }
0xbe: {  	s0 =	sadd.s32 $0x8F2B, s0  }
0xbf: {  	[sflag:s0] =	ssyncadd.remote.s32 $0x1  }
0xc0: {  	_ =	sfence.sel $0xFFFF  }
0xc1: {  	[dreg:$0x0] =	wrdreg $0xFFFFFFFF;
	(pc) =	sbr.abs _section_cstart, $3  }
0xc2: {  	[dreg:$0x1] =	wrdreg $0xFFFFFFFF  }
0xc3: {  	_ =	task.clear_ibuf [dreg:s6], $0x2FFFF;
	_ =	strace $0x9FFFFFFF  }
0xc4: {  	(tm) =	ssettm $0x7FFFFFFF  }
0xc5: {  	_ =	shalt  }
tec
execute0_lowered:
.L_overlay_start_1:
0x0: {  	(tag) =	ssettag $0x1  }
0x1: {  	s4 =	rddreg [dreg:$0x0]  }
0x2: {  	s0 =	simm.s32 $0x0;
	s1 =	srdreg.scid;
	s28 =	rddreg [dreg:$0x3]  }
0x3: {  	s20 =	stileid.u32;
	[smem:$0x7FF] =	sst s0;
	s5 =	sadd.s32 $0x11800, s4  }
0x4: {  	s6 =	sadd.s32 $0xF000, s4;
	s7 =	sadd.s32 $0x19A00, s4;
	s8 =	sadd.s32 $0xC800, s4  }
0x5: {  	s9 =	sadd.s32 $0x1C200, s4;
	s10 =	sadd.s32 $0xA000, s4;
	s13 =	sand.u32 $0x1, s1  }
0x6: {  	s11 =	sadd.s32 $0x17200, s4;
	s15 =	smul.u32 $0x1388, s20;
	s1 =	ssub.s32 $0x2, s13  }
0x7: {  	s2 =	sadd.s32 $0x14600, s4;
	p0 =	seq.s32 s13, $0x1;
	s14 =	sshrl.u32 s1, $0x1  }
0x8: {  	s5 =	smov.u32 @p0 s9;
	s1 =	ssub.s32 s1, s14;
	s14 =	sshrl.u32 s15, $0x3  }
0x9: {  	s18 =	sadd.s32 $0x3E8, s15;
	s6 =	smov.u32 @p0 s10;
	s26 =	sadd.s32 s5, s14  }
0xa: {  	s18 =	sshrl.u32 s18, $0x3;
	s21 =	sadd.s32 s6, s14;
	[dreg:$0x5] =	wrdreg s26  }
0xb: {  	s16 =	sadd.s32 $0x15200, s4;
	s22 =	sadd.s32 s5, s18;
	[dreg:$0x6] =	wrdreg s21  }
0xc: {  	s19 =	sadd.s32 $0xFA, s14;
	s23 =	sadd.s32 s6, s18;
	[dreg:$0x7] =	wrdreg s22  }
0xd: {  	s15 =	sadd.s32 $0xBB8, s15;
	[dreg:$0x8] =	wrdreg s23;
	s24 =	sadd.s32 s5, s19  }
0xe: {  	s15 =	sshrl.u32 s15, $0x3;
	s25 =	sadd.s32 s6, s19;
	[dreg:$0x9] =	wrdreg s24  }
0xf: {  	s2 =	smov.u32 @p0 s16;
	s26 =	sadd.s32 s5, s15;
	[dreg:$0xa] =	wrdreg s25  }
0x10: {  	s9 =	sadd.s32 $0x1F4, s14;
	s16 =	sadd.s32 s6, s15;
	[dreg:$0xb] =	wrdreg s26  }
0x11: {  	s12 =	sadd.s32 $0x7800, s4;
	s5 =	sadd.s32 s5, s9;
	[dreg:$0xc] =	wrdreg s16  }
0x12: {  	s7 =	smov.u32 @p0 s11;
	s21 =	sadd.s32 s6, s9;
	[dreg:$0xd] =	wrdreg s5  }
0x13: {  	s8 =	smov.u32 @p0 s12;
	s22 =	sadd.s32 s7, s14;
	[dreg:$0xe] =	wrdreg s21  }
0x14: {  	s23 =	sadd.s32 s8, s14;
	[dreg:$0xf] =	wrdreg s22  }
0x15: {  	s6 =	sadd.s32 s8, s19;
	[dreg:$0x10] =	wrdreg s23  }
0x16: {  	s10 =	sadd.s32 s7, s15;
	[dreg:$0x14] =	wrdreg s6  }
0x17: {  	s11 =	sadd.s32 s8, s15;
	[dreg:$0x15] =	wrdreg s10  }
0x18: {  	s3 =	sadd.s32 $0x15800, s4;
	s17 =	sadd.s32 $0x14C00, s4;
	[smem:$0x7D6] =	sst s11  }
0x19: {  	s31 =	sadd.s32 $0xBAE00, s4;
	s12 =	sadd.s32 s7, s9;
	s10 =	rddreg [dreg:$0x1]  }
0x1a: {  	p6 =	seq.s32 s20, $0x3;
	s3 =	smov.u32 @p0 s17;
	[smem:$0x7D7] =	sst s12  }
0x1b: {  	s14 =	smul.u32 $0x4E20, s13;
	s15 =	sadd.s32 s8, s9;
	s12 =	rddreg [dreg:$0x2]  }
0x1c: {  	s24 =	sadd.s32 s7, s18;
	s25 =	sadd.s32 s8, s18;
	[smem:$0x7D8] =	sst s15  }
0x1d: {  	s26 =	sadd.s32 s7, s19;
	s18 =	smul.u32 $0x13880, s13;
	[dreg:$0x11] =	wrdreg s24  }
0x1e: {  	s16 =	sand.u32 $0xE, s20;
	s21 =	smul.u32 $0x9C400, s13;
	[dreg:$0x12] =	wrdreg s25  }
0x1f: {  	s23 =	sadd.s32 $0x15E00, s4;
	[dreg:$0x13] =	wrdreg s26;
	p0 =	seq.s32 s16, $0x2  }
0x20: {  	s17 =	sadd.s32 $0x2710, s14;
	s22 =	sshrl.u32 s14, $0x3;
	s6 =	simm.s32 @!p0 $0x0  }
0x21: {  	s24 =	sadd.s32 $0x14000, s4;
	s19 =	sshrl.u32 s17, $0x3;
	s6 =	simm.s32 @p0 $0x1  }
0x22: {  	s5 =	sadd.s32 s14, s28;
	s8 =	sadd.s32 s4, s19;
	[smem:$0x7D9] =	sst s6  }
0x23: {  	s25 =	sshrl.u32 s21, $0x3;
	_ =	strace $0x8000004A;
	[dreg:$0x16] =	wrdreg s8  }
0x24: {  	s26 =	sshrl.u32 s18, $0x2;
	p0 =	sne.s32 @!p6 s20, $0x2;
	[smem:$0x7DA] =	sst s23  }
0x25: {  	s6 =	sadd.s32 s17, s28;
	p3 =	por p0, p6;
	[dreg:$0x18] =	wrdreg s24  }
0x26: {  	p0 =	por !p0, p6;
	s8 =	sadd.s32 s4, s22;
	[dreg:$0x1b] =	wrdreg s6  }
0x27: {  	s4 =	sadd.s32 $0x1EA00, s4;
	[dreg:$0x1c] =	wrdreg s5;
	s5 =	simm.s32 @!p0 $0x0  }
0x28: {  	[dreg:$0x17] =	wrdreg s8;
	s8 =	sadd.s32 s4, s25;
	s5 =	simm.s32 @p0 $0x1  }
0x29: {  	s9 =	sadd.s32 s4, s18;
	s4 =	sadd.s32 s26, s28;
	[smem:$0x7EA] =	sst s5  }
0x2a: {  	[dreg:$0x1a] =	wrdreg s4  }
0x2b: {  	s7 =	sadd.s32 $0xFA0, s8;
	[dreg:$0x19] =	wrdreg s9  }
0x2c: {  	s11 =	sadd.s32 $0x1F40, s8;
	[dreg:$0x1d] =	wrdreg s7  }
0x2d: {  	s13 =	sadd.s32 $0x2EE0, s8;
	[dreg:$0x1e] =	wrdreg s11  }
0x2e: {  	s14 =	sadd.s32 $0x3E80, s8;
	[dreg:$0x1f] =	wrdreg s13  }
0x2f: {  	s15 =	sadd.s32 $0x4E20, s8;
	[smem:$0x7DB] =	sst s14  }
0x30: {  	s16 =	sadd.s32 $0x5DC0, s8;
	[smem:$0x7DC] =	sst s15  }
0x31: {  	s17 =	sadd.s32 $0x6D60, s8;
	[smem:$0x7DD] =	sst s16  }
0x32: {  	s18 =	sadd.s32 $0x7D00, s8;
	[smem:$0x7DE] =	sst s17  }
0x33: {  	s19 =	sadd.s32 $0x8CA0, s8;
	[smem:$0x7DF] =	sst s18  }
0x34: {  	s21 =	sadd.s32 $0xABE0, s8;
	[smem:$0x7E0] =	sst s19  }
0x35: {  	s22 =	sadd.s32 $0xBB80, s8;
	[smem:$0x7E1] =	sst s21  }
0x36: {  	s23 =	sadd.s32 $0xCB20, s8;
	[smem:$0x7E2] =	sst s22  }
0x37: {  	s24 =	sadd.s32 $0xDAC0, s8;
	[smem:$0x7E3] =	sst s23  }
0x38: {  	s25 =	sadd.s32 $0xEA60, s8;
	[smem:$0x7E4] =	sst s24  }
0x39: {  	s26 =	sadd.s32 $0xFA00, s8;
	[smem:$0x7E5] =	sst s25  }
0x3a: {  	p5 =	seq.s32 s20, $0x1;
	s6 =	sadd.s32 $0x109A0, s8;
	[smem:$0x7E6] =	sst s26  }
0x3b: {  	p4 =	sne.s32 @!p5 s20, $0x0;
	s4 =	sadd.s32 $0x2710, s4;
	[smem:$0x7E7] =	sst s6  }
0x3c: {  	p0 =	por p4, p5;
	s7 =	sadd.s32 $0x11940, s8;
	[smem:$0x7FA] =	sst s4  }
0x3d: {  	s5 =	simm.s32 @!p0 $0x0;
	s11 =	sadd.s32 $0x128E0, s8;
	[smem:$0x7E8] =	sst s7  }
0x3e: {  	s5 =	simm.s32 @p0 $0x1;
	[smem:$0x7E9] =	sst s11  }
0x3f: {  	s13 =	sadd.s32 $0x36B00, s12;
	[smem:$0x7EB] =	sst s5  }
0x40: {  	s14 =	sadd.s32 $0x3E800, s12;
	[smem:$0x7EE] =	sst s13  }
0x41: {  	s30 =	simm.s32 $0x1;
	s15 =	sadd.s32 $0x46500, s12;
	[smem:$0x7EF] =	sst s14  }
0x42: {  	s1 =	smax.u32 s1, $0x1;
	s16 =	sadd.s32 $0x7D00, s10;
	[smem:$0x7F0] =	sst s15  }
0x43: {  	s29 =	sadd.s32 $0x17700, s12;
	s17 =	sadd.s32 $0xFA00, s10;
	[smem:$0x7F1] =	sst s16  }
0x44: {  	p0 =	por !p4, p5;
	s18 =	sadd.s32 $0x17700, s10;
	[smem:$0x7F2] =	sst s17  }
0x45: {  	s25 =	sadd.s32 $0x7D00, s12;
	s19 =	sadd.s32 $0x1F400, s10;
	[smem:$0x7F3] =	sst s18  }
0x46: {  	s8 =	sadd.s32 $0xFA00, s12;
	s21 =	sadd.s32 $0x2EE00, s10;
	[smem:$0x7F4] =	sst s19  }
0x47: {  	s6 =	sadd.s32 $0x27100, s12;
	s22 =	sadd.s32 $0x36B00, s10;
	[smem:$0x7F6] =	sst s21  }
0x48: {  	s23 =	sadd.s32 $0x3E800, s10;
	s24 =	sadd.s32 $0x46500, s10;
	[smem:$0x7F7] =	sst s22  }
0x49: {  	s26 =	sadd.s32 $0x9C40, s9;
	s9 =	simm.s32 $0xADD8;
	[smem:$0x7F8] =	sst s23  }
0x4a: {  	s4 =	simm.s32 $0x2;
	s5 =	simm.s32 @!p0 $0x0;
	[smem:$0x7F9] =	sst s24  }
0x4b: {  	s11 =	sadd.s32 $0x2EE00, s12;
	[smem:$0x7FB] =	sst s26;
	s26 =	simm.s32 $0x3E8  }
0x4c: {  	s24 =	simm.s32 $0xB5A8;
	s7 =	simm.s32 @!p6 $0x0;
	s17 =	simm.s32 $0xA9F0  }
0x4d: {  	s16 =	simm.s32 $0xB1C0;
	s18 =	simm.s32 $0x132A8;
	s21 =	simm.s32 $0x4  }
0x4e: {  	s23 =	simm.s32 $0x6;
	s5 =	simm.s32 @p0 $0x1;
	p0 =	sgt.u32 s20, $0x1  }
.Ltmp0:
0x4f: {  	s20 =	sadd.s32 $0x27100, s10;
	[smem:$0x7EC] =	sst s5;
	(pc) =	sbr.rel .LBB2_1-.Ltmp0, $4  }
0x50: {  	s7 =	simm.s32 @p6 $0x1;
	s5 =	simm.s32 @!p0 $0x0;
	[smem:$0x7F5] =	sst s20  }
0x51: {  	[smem:$0x7FC] =	sst s7;
	s7 =	simm.s32 @!p3 $0x0;
	s5 =	simm.s32 @p0 $0x1  }
0x52: {  	s10 =	simm.s32 $0x5;
	s7 =	simm.s32 @p3 $0x1;
	[smem:$0x7ED] =	sst s5  }
0x53: {  	s20 =	simm.s32 $0x7;
	s5 =	sadd.s32 $0x1F400, s12;
	[smem:$0x7FD] =	sst s7  }
.LBB2_8:
0x54: {  	s13 =	simm.s32 @p6 $0x1B778;
	s7 =	rddreg [dreg:$0x1b];
	s14 =	simm.s32 @p6 $0x7  }
0x55: {  	[tilespmem:s13], [sflag:$0x7] =	stream.linear.gather @p6 [spmem:s7], $0x2710, $0x38;
	[tilespmem:$0x1DE88] =	vst v63  }
0x56: {  	_ =	swait.ge @p6 [sflag:s14], $0x2710  }
0x57: {  	[sflag:s14] =	ssyncset.done @p6 $0x0  }
0x58: {  	s15 =	simm.s32 @p6 $0x0;
	s19 =	rddreg [dreg:$0x16];
	[sflag:s14] =	ssyncadd.s32 @p6 $0xFFFFD8F0  }
0x59: {  	[hbm4b:s19+s15] =	stream.linear.scatter @p6 [tilespmem:s13], [sflag:$0x7], $0x2710, $0x38;
	[tilespmem:$0x1DE88] =	vst v63  }
0x5a: {  	_ =	swait.ge @p6 [sflag:s14], $0x2710  }
0x5b: {  	[sflag:s14] =	ssyncset.done @p6 $0x0  }
0x5c: {  	s13 =	simm.s32 @!p3 $0x1B778;
	[sflag:s14] =	ssyncadd.s32 @p6 $0xFFFFD8F0;
	s14 =	rddreg [dreg:$0x1c]  }
0x5d: {  	[tilespmem:s13], [sflag:$0x7] =	stream.linear.gather @!p3 [spmem:s14], $0x2710, $0x38;
	[tilespmem:$0x1DE88] =	vst v63  }
0x5e: {  	s14 =	simm.s32 @!p3 $0x7  }
0x5f: {  	_ =	swait.ge @!p3 [sflag:s14], $0x2710  }
0x60: {  	[sflag:s14] =	ssyncset.done @!p3 $0x0  }
0x61: {  	s15 =	simm.s32 @!p3 $0x0;
	s19 =	rddreg [dreg:$0x17];
	[sflag:s14] =	ssyncadd.s32 @!p3 $0xFFFFD8F0  }
0x62: {  	[hbm4b:s19+s15] =	stream.linear.scatter @!p3 [tilespmem:s13], [sflag:$0x7], $0x2710, $0x38;
	[tilespmem:$0x1DE88] =	vst v63  }
0x63: {  	_ =	swait.ge @!p3 [sflag:s14], $0x2710  }
0x64: {  	[sflag:s14] =	ssyncset.done @!p3 $0x0  }
0x65: {  	s9 =	simm.s32 $0xADD8;
	[sflag:s14] =	ssyncadd.s32 @!p3 $0xFFFFD8F0  }
.LBB2_9:
0x66: {  	s1 =	sadd.s32 $0xFFFFFFFF, s1  }
0x67: {  	p0 =	sne.s32 s1, $0x0  }
.Ltmp1:
0x68: {  	_ = 	snop;
	(pc) =	sbr.rel @!p0 .LBB2_10-.Ltmp1, $1  }
0x69: {  	_ =	sdelay $0x3  }
.LBB2_1:
0x6a: {  	s7 =	sld [smem:$0x7ED];
	_ =	sdelay $0x2  }
0x6b: {  	p0 =	seq.s32 s7, $0x1;
	s7 =	sld [smem:$0x7DA];
	_ =	sdelay $0x1  }
0x6c: {  	s13 =	simm.s32 @!p0 $0x0;
	s14 =	simm.s32 @!p0 $0xB5A8  }
0x6d: {  	[tilespmem:s14], [sflag:$0x7] =	stream.linear.gather @!p0 [hbm4b:s7+s13], $0x7D00, $0x38;
	[tilespmem:$0x1DE88] =	vst v63  }
0x6e: {  	s13 =	simm.s32 @!p0 $0x7  }
0x6f: {  	_ =	swait.ge @!p0 [sflag:s13], $0x7D00  }
0x70: {  	s22 =	sld [smem:$0x7D9];
	_ =	sdelay $0x1  }
0x71: {  	[sflag:s13] =	ssyncset.done @!p0 $0x0  }
0x72: {  	[sflag:s13] =	ssyncadd.s32 @!p0 $0xFFFF8300;
	p0 =	seq.s32 s22, $0x1  }
.Ltmp2:
0x73: {  	_ = 	snop;
	(pc) =	sbr.rel @!p0 .LBB2_2-.Ltmp2, $1  }
0x74: {  	_ =	sdelay $0x3  }
0x75: {  	s7 =	rddreg [dreg:$0x18];
	s13 =	simm.s32 $0x1B778  }
0x76: {  	[tilespmem:s13], [sflag:$0x7] =	stream.linear.gather [hbm4b:s7+s0], $0x2710, $0x38;
	[tilespmem:$0x1DE88] =	vst v63  }
0x77: {  	_ =	swait.ge [sflag:s20], $0x2710  }
0x78: {  	s7 =	sld [smem:$0x7FA]  }
0x79: {  	[sflag:s20] =	ssyncset.done $0x0  }
0x7a: {  	s13 =	simm.s32 @p6 $0x1B778;
	[sflag:s20] =	ssyncadd.s32 $0xFFFFD8F0  }
0x7b: {  	[spmem:s7] =	stream.linear.scatter @p6 [tilespmem:s13], [sflag:$0x7], $0x2710, $0x38;
	[tilespmem:$0x1DE88] =	vst v63  }
0x7c: {  	s13 =	simm.s32 @p6 $0x7  }
0x7d: {  	_ =	swait.ge @p6 [sflag:s13], $0x2710  }
0x7e: {  	[sflag:s13] =	ssyncset.done @p6 $0x0  }
0x7f: {  	s7 =	rddreg [dreg:$0x1a];
	[sflag:s13] =	ssyncadd.s32 @p6 $0xFFFFD8F0;
	s13 =	simm.s32 @!p3 $0x1B778  }
0x80: {  	[spmem:s7] =	stream.linear.scatter @!p3 [tilespmem:s13], [sflag:$0x7], $0x2710, $0x38;
	[tilespmem:$0x1DE88] =	vst v63  }
0x81: {  	s13 =	simm.s32 @!p3 $0x7  }
0x82: {  	_ =	swait.ge @!p3 [sflag:s13], $0x2710  }
0x83: {  	s22 =	sld [smem:$0x7EA]  }
.Ltmp3:
0x84: {  	_ = 	snop;
	(pc) =	sbr.rel .LBB2_4-.Ltmp3, $4  }
0x85: {  	p1 =	por @p6 $0x0, $0x0  }
0x86: {  	p0 =	por @!p3 $0x0, $0x0;
	p2 =	por $0x0, $0x0;
	p4 =	seq.s32 s22, $0x1  }
0x87: {  	[sflag:s13] =	ssyncset.done @!p3 $0x0;
	p0 =	por @!p4 p2, p2;
	p4 =	por @p6 $0x0, $0x0  }
0x88: {  	[sflag:s13] =	ssyncadd.s32 @!p3 $0xFFFFD8F0;
	p4 =	por @!p6 p0, p0;
	p1 =	por @!p6 p0, p0  }
.LBB2_2:
0x89: {  	s13 =	simm.s32 @p5 $0xB5A8;
	s14 =	simm.s32 @p5 $0x7  }
0x8a: {  	[spmem:s12] =	stream.linear.scatter @p5 [tilespmem:s13], [sflag:$0x7], $0x7D00, $0x38;
	[tilespmem:$0x1DE88] =	vst v63  }
0x8b: {  	_ =	swait.ge @p5 [sflag:s14], $0x7D00  }
0x8c: {  	[sflag:s14] =	ssyncset.done @p5 $0x0  }
0x8d: {  	[sflag:s14] =	ssyncadd.s32 @p5 $0xFFFF8300  }
0x8e: {  	[spmem:s25] =	stream.linear.scatter @p5 [tilespmem:s13], [sflag:$0x7], $0x7D00, $0x38;
	[tilespmem:$0x1DE88] =	vst v63  }
0x8f: {  	_ =	swait.ge @p5 [sflag:s14], $0x7D00  }
0x90: {  	[sflag:s14] =	ssyncset.done @p5 $0x0  }
0x91: {  	[sflag:s14] =	ssyncadd.s32 @p5 $0xFFFF8300  }
0x92: {  	[spmem:s8] =	stream.linear.scatter @p5 [tilespmem:s13], [sflag:$0x7], $0x7D00, $0x38;
	[tilespmem:$0x1DE88] =	vst v63  }
0x93: {  	_ =	swait.ge @p5 [sflag:s14], $0x7D00  }
0x94: {  	[sflag:s14] =	ssyncset.done @p5 $0x0  }
0x95: {  	[sflag:s14] =	ssyncadd.s32 @p5 $0xFFFF8300  }
0x96: {  	[spmem:s29] =	stream.linear.scatter @p5 [tilespmem:s13], [sflag:$0x7], $0x7D00, $0x38;
	[tilespmem:$0x1DE88] =	vst v63  }
0x97: {  	_ =	swait.ge @p5 [sflag:s14], $0x7D00  }
0x98: {  	[sflag:s14] =	ssyncset.done @p5 $0x0  }
0x99: {  	[sflag:s14] =	ssyncadd.s32 @p5 $0xFFFF8300  }
0x9a: {  	[spmem:s5] =	stream.linear.scatter @p5 [tilespmem:s13], [sflag:$0x7], $0x7D00, $0x38;
	[tilespmem:$0x1DE88] =	vst v63  }
0x9b: {  	_ =	swait.ge @p5 [sflag:s14], $0x7D00  }
0x9c: {  	[sflag:s14] =	ssyncset.done @p5 $0x0  }
0x9d: {  	[sflag:s14] =	ssyncadd.s32 @p5 $0xFFFF8300  }
0x9e: {  	[spmem:s6] =	stream.linear.scatter @p5 [tilespmem:s13], [sflag:$0x7], $0x7D00, $0x38;
	[tilespmem:$0x1DE88] =	vst v63  }
0x9f: {  	_ =	swait.ge @p5 [sflag:s14], $0x7D00  }
0xa0: {  	[sflag:s14] =	ssyncset.done @p5 $0x0  }
0xa1: {  	[sflag:s14] =	ssyncadd.s32 @p5 $0xFFFF8300  }
0xa2: {  	[spmem:s11] =	stream.linear.scatter @p5 [tilespmem:s13], [sflag:$0x7], $0x7D00, $0x38;
	[tilespmem:$0x1DE88] =	vst v63  }
0xa3: {  	_ =	swait.ge @p5 [sflag:s14], $0x7D00  }
0xa4: {  	s7 =	sld [smem:$0x7EE]  }
0xa5: {  	[sflag:s14] =	ssyncset.done @p5 $0x0  }
0xa6: {  	[sflag:s14] =	ssyncadd.s32 @p5 $0xFFFF8300  }
0xa7: {  	[spmem:s7] =	stream.linear.scatter @p5 [tilespmem:s13], [sflag:$0x7], $0x7D00, $0x38;
	[tilespmem:$0x1DE88] =	vst v63  }
0xa8: {  	_ =	swait.ge @p5 [sflag:s14], $0x7D00  }
0xa9: {  	s7 =	sld [smem:$0x7EF]  }
0xaa: {  	[sflag:s14] =	ssyncset.done @p5 $0x0  }
0xab: {  	[sflag:s14] =	ssyncadd.s32 @p5 $0xFFFF8300  }
0xac: {  	[spmem:s7] =	stream.linear.scatter @p5 [tilespmem:s13], [sflag:$0x7], $0x7D00, $0x38;
	[tilespmem:$0x1DE88] =	vst v63  }
0xad: {  	_ =	swait.ge @p5 [sflag:s14], $0x7D00  }
0xae: {  	s7 =	sld [smem:$0x7F0]  }
0xaf: {  	[sflag:s14] =	ssyncset.done @p5 $0x0  }
0xb0: {  	[sflag:s14] =	ssyncadd.s32 @p5 $0xFFFF8300  }
0xb1: {  	[spmem:s7] =	stream.linear.scatter @p5 [tilespmem:s13], [sflag:$0x7], $0x7D00, $0x38;
	[tilespmem:$0x1DE88] =	vst v63  }
0xb2: {  	_ =	swait.ge @p5 [sflag:s14], $0x7D00  }
0xb3: {  	[sflag:s14] =	ssyncset.done @p5 $0x0  }
0xb4: {  	[sflag:s14] =	ssyncadd.s32 @p5 $0xFFFF8300;
	s14 =	sld [smem:$0x7EB];
	_ =	sdelay $0x2  }
0xb5: {  	p2 =	seq.s32 s14, $0x1  }
0xb6: {  	s7 =	rddreg [dreg:$0x1];
	s13 =	simm.s32 @!p2 $0xB5A8;
	s14 =	simm.s32 @!p2 $0x7  }
0xb7: {  	[spmem:s7] =	stream.linear.scatter @!p2 [tilespmem:s13], [sflag:$0x7], $0x7D00, $0x38;
	[tilespmem:$0x1DE88] =	vst v63  }
0xb8: {  	_ =	swait.ge @!p2 [sflag:s14], $0x7D00  }
0xb9: {  	s7 =	sld [smem:$0x7F1]  }
0xba: {  	[sflag:s14] =	ssyncset.done @!p2 $0x0  }
0xbb: {  	[sflag:s14] =	ssyncadd.s32 @!p2 $0xFFFF8300  }
0xbc: {  	[spmem:s7] =	stream.linear.scatter @!p2 [tilespmem:s13], [sflag:$0x7], $0x7D00, $0x38;
	[tilespmem:$0x1DE88] =	vst v63  }
0xbd: {  	_ =	swait.ge @!p2 [sflag:s14], $0x7D00  }
0xbe: {  	s7 =	sld [smem:$0x7F2]  }
0xbf: {  	[sflag:s14] =	ssyncset.done @!p2 $0x0  }
0xc0: {  	[sflag:s14] =	ssyncadd.s32 @!p2 $0xFFFF8300  }
0xc1: {  	[spmem:s7] =	stream.linear.scatter @!p2 [tilespmem:s13], [sflag:$0x7], $0x7D00, $0x38;
	[tilespmem:$0x1DE88] =	vst v63  }
0xc2: {  	_ =	swait.ge @!p2 [sflag:s14], $0x7D00  }
0xc3: {  	s7 =	sld [smem:$0x7F3]  }
0xc4: {  	[sflag:s14] =	ssyncset.done @!p2 $0x0  }
0xc5: {  	[sflag:s14] =	ssyncadd.s32 @!p2 $0xFFFF8300  }
0xc6: {  	[spmem:s7] =	stream.linear.scatter @!p2 [tilespmem:s13], [sflag:$0x7], $0x7D00, $0x38;
	[tilespmem:$0x1DE88] =	vst v63  }
0xc7: {  	_ =	swait.ge @!p2 [sflag:s14], $0x7D00  }
0xc8: {  	s7 =	sld [smem:$0x7F4]  }
0xc9: {  	[sflag:s14] =	ssyncset.done @!p2 $0x0  }
0xca: {  	[sflag:s14] =	ssyncadd.s32 @!p2 $0xFFFF8300  }
0xcb: {  	[spmem:s7] =	stream.linear.scatter @!p2 [tilespmem:s13], [sflag:$0x7], $0x7D00, $0x38;
	[tilespmem:$0x1DE88] =	vst v63  }
0xcc: {  	_ =	swait.ge @!p2 [sflag:s14], $0x7D00  }
0xcd: {  	s7 =	sld [smem:$0x7F5]  }
0xce: {  	[sflag:s14] =	ssyncset.done @!p2 $0x0  }
0xcf: {  	[sflag:s14] =	ssyncadd.s32 @!p2 $0xFFFF8300  }
0xd0: {  	[spmem:s7] =	stream.linear.scatter @!p2 [tilespmem:s13], [sflag:$0x7], $0x7D00, $0x38;
	[tilespmem:$0x1DE88] =	vst v63  }
0xd1: {  	_ =	swait.ge @!p2 [sflag:s14], $0x7D00  }
0xd2: {  	s7 =	sld [smem:$0x7F6]  }
0xd3: {  	[sflag:s14] =	ssyncset.done @!p2 $0x0  }
0xd4: {  	[sflag:s14] =	ssyncadd.s32 @!p2 $0xFFFF8300  }
0xd5: {  	[spmem:s7] =	stream.linear.scatter @!p2 [tilespmem:s13], [sflag:$0x7], $0x7D00, $0x38;
	[tilespmem:$0x1DE88] =	vst v63  }
0xd6: {  	_ =	swait.ge @!p2 [sflag:s14], $0x7D00  }
0xd7: {  	s7 =	sld [smem:$0x7F7]  }
0xd8: {  	[sflag:s14] =	ssyncset.done @!p2 $0x0  }
0xd9: {  	[sflag:s14] =	ssyncadd.s32 @!p2 $0xFFFF8300  }
0xda: {  	[spmem:s7] =	stream.linear.scatter @!p2 [tilespmem:s13], [sflag:$0x7], $0x7D00, $0x38;
	[tilespmem:$0x1DE88] =	vst v63  }
0xdb: {  	_ =	swait.ge @!p2 [sflag:s14], $0x7D00  }
0xdc: {  	s7 =	sld [smem:$0x7F8]  }
0xdd: {  	[sflag:s14] =	ssyncset.done @!p2 $0x0  }
0xde: {  	[sflag:s14] =	ssyncadd.s32 @!p2 $0xFFFF8300  }
0xdf: {  	[spmem:s7] =	stream.linear.scatter @!p2 [tilespmem:s13], [sflag:$0x7], $0x7D00, $0x38;
	[tilespmem:$0x1DE88] =	vst v63  }
0xe0: {  	_ =	swait.ge @!p2 [sflag:s14], $0x7D00  }
0xe1: {  	s7 =	sld [smem:$0x7F9]  }
0xe2: {  	[sflag:s14] =	ssyncset.done @!p2 $0x0  }
0xe3: {  	[sflag:s14] =	ssyncadd.s32 @!p2 $0xFFFF8300  }
0xe4: {  	[spmem:s7] =	stream.linear.scatter @!p2 [tilespmem:s13], [sflag:$0x7], $0x7D00, $0x38;
	[tilespmem:$0x1DE88] =	vst v63  }
0xe5: {  	_ =	swait.ge @!p2 [sflag:s14], $0x7D00  }
0xe6: {  	s15 =	sld [smem:$0x7EC];
	_ =	sdelay $0x1  }
0xe7: {  	p1 =	por @p5 $0x1, $0x1;
	p3 =	por $0x0, $0x0  }
0xe8: {  	p4 =	por @!p2 $0x0, $0x0;
	s19 =	sld [smem:$0x7FD];
	p6 =	seq.s32 s15, $0x1  }
0xe9: {  	[sflag:s14] =	ssyncset.done @!p2 $0x0;
	s22 =	sld [smem:$0x7FC];
	p4 =	por @!p6 p3, p3  }
0xea: {  	p0 =	por @!p2 $0x1, $0x1;
	[sflag:s14] =	ssyncadd.s32 @!p2 $0xFFFF8300;
	p1 =	por @!p5 p4, p4  }
0xeb: {  	p0 =	por @!p6 p3, p3;
	p4 =	por p1, p1;
	p1 =	por @p5 $0x0, $0x0  }
0xec: {  	p3 =	seq.s32 s19, $0x1;
	p6 =	seq.s32 s22, $0x1;
	p1 =	por @!p5 p0, p0  }
.LBB2_4:
0xed: {  	[bflag:$0x0] =	sbarrier.arrive $0xFFFF  }
0xee: {  	s7 =	simm.s32 $0xA608;
	s13 =	rddreg [dreg:$0x5]  }
0xef: {  	[tilespmem:s7], [sflag:$0x7] =	stream.linear.gather [hbm4b:s13+s0], $0x3E8, $0x38;
	[tilespmem:$0x1DE88] =	vst v63  }
0xf0: {  	_ =	swait.ge [sflag:s20], $0x3E8  }
0xf1: {  	[sflag:s20] =	ssyncset.done $0x0  }
0xf2: {  	s22 =	rddreg [dreg:$0x6];
	[sflag:s20] =	ssyncadd.s32 $0xFFFFFC18  }
0xf3: {  	[tilespmem:s9], [sflag:$0x7] =	stream.linear.gather [hbm4b:s22+s0], $0x3E8, $0x38;
	[tilespmem:$0x1DE88] =	vst v63  }
0xf4: {  	_ =	swait.ge [sflag:s20], $0x3E8  }
0xf5: {  	[sflag:s20] =	ssyncset.done $0x0  }
0xf6: {  	[sflag:s20] =	ssyncadd.s32 $0xFFFFFC18  }
0xf7: {  	[tilespmem:s24], [sflag:$0x1] =	stream.indirect.gather [hbm4b:s31+s26], $0x20, s7, s26, $0xb8;
	[tilespmem:$0x1DE88] =	vst v63  }
0xf8: {  	s15 =	simm.s32 $0x1AFA8  }
0xf9: {  	[tilespmem:s15], [sflag:$0x2] =	stream.indirect.gather [hbm4b:s2+s26], $0x1, s9, s26, $0xb8;
	[tilespmem:$0x1DE88] =	vst v63  }
0xfa: {  	_ =	swait.ge [sflag:s30], $0x7D00  }
0xfb: {  	[sflag:s30] =	ssyncset.done $0x0  }
0xfc: {  	[sflag:s30] =	ssyncadd.s32 $0xFFFF8300  }
0xfd: {  	_ =	swait.ge [sflag:s4], $0x3E8  }
0xfe: {  	[sflag:s4] =	ssyncset.done $0x0  }
0xff: {  	[sflag:s4] =	ssyncadd.s32 $0xFFFFFC18  }
0x100: {  	s22 =	rddreg [dreg:$0x1]  }
0x101: {  	[spmem:s22] =	stream.indirect.scatter.add.f32 [tilespmem:s24], [sflag:$0x3], $0x20, s9, s26, $0xb8;
	[tilespmem:$0x1DE88] =	vst v63  }
0x102: {  	_ = 	snop  }
0x103: {  	[spmem:s28] =	stream.indirect.scatter.add.f32 [tilespmem:s15], [sflag:$0x5], $0x1, s7, s26, $0xb8;
	[tilespmem:$0x1DE88] =	vst v63  }
0x104: {  	s14 =	rddreg [dreg:$0x7]  }
0x105: {  	[tilespmem:s17], [sflag:$0x7] =	stream.linear.gather [hbm4b:s14+s0], $0x3E8, $0x38;
	[tilespmem:$0x1DE88] =	vst v63  }
0x106: {  	_ =	swait.ge [sflag:s20], $0x3E8  }
0x107: {  	[sflag:s20] =	ssyncset.done $0x0  }
0x108: {  	s19 =	rddreg [dreg:$0x8];
	[sflag:s20] =	ssyncadd.s32 $0xFFFFFC18  }
0x109: {  	[tilespmem:s16], [sflag:$0x7] =	stream.linear.gather [hbm4b:s19+s0], $0x3E8, $0x38;
	[tilespmem:$0x1DE88] =	vst v63  }
0x10a: {  	_ =	swait.ge [sflag:s20], $0x3E8  }
0x10b: {  	[sflag:s20] =	ssyncset.done $0x0  }
0x10c: {  	[sflag:s20] =	ssyncadd.s32 $0xFFFFFC18  }
0x10d: {  	[tilespmem:s18], [sflag:$0x1] =	stream.indirect.gather [hbm4b:s31+s26], $0x20, s17, s26, $0xb8;
	[tilespmem:$0x1DE88] =	vst v63  }
0x10e: {  	s19 =	simm.s32 $0x1B390  }
0x10f: {  	[tilespmem:s19], [sflag:$0x2] =	stream.indirect.gather [hbm4b:s2+s26], $0x1, s16, s26, $0xb8;
	[tilespmem:$0x1DE88] =	vst v63  }
0x110: {  	_ =	swait.ge [sflag:s30], $0x7D00  }
0x111: {  	[sflag:s30] =	ssyncset.done $0x0  }
0x112: {  	[sflag:s30] =	ssyncadd.s32 $0xFFFF8300  }
0x113: {  	_ =	swait.ge [sflag:s4], $0x3E8  }
0x114: {  	[sflag:s4] =	ssyncset.done $0x0  }
0x115: {  	[sflag:s4] =	ssyncadd.s32 $0xFFFFFC18  }
0x116: {  	[spmem:s22] =	stream.indirect.scatter.add.f32 [tilespmem:s18], [sflag:$0x4], $0x20, s16, s26, $0xb8;
	[tilespmem:$0x1DE88] =	vst v63  }
0x117: {  	s14 =	simm.s32 $0x3  }
0x118: {  	[spmem:s28] =	stream.indirect.scatter.add.f32 [tilespmem:s19], [sflag:$0x6], $0x1, s17, s26, $0xb8;
	[tilespmem:$0x1DE88] =	vst v63  }
0x119: {  	_ =	swait.ge [sflag:s14], $0x7D00  }
0x11a: {  	[sflag:s14] =	ssyncset.done $0x0  }
0x11b: {  	[sflag:s14] =	ssyncadd.s32 $0xFFFF8300  }
0x11c: {  	_ =	swait.ge [sflag:s10], $0x3E8  }
0x11d: {  	[sflag:s10] =	ssyncset.done $0x0  }
0x11e: {  	s13 =	rddreg [dreg:$0x9];
	[sflag:s10] =	ssyncadd.s32 $0xFFFFFC18  }
0x11f: {  	[tilespmem:s7], [sflag:$0x7] =	stream.linear.gather [hbm4b:s13+s0], $0x3E8, $0x38;
	[tilespmem:$0x1DE88] =	vst v63  }
0x120: {  	_ =	swait.ge [sflag:s20], $0x3E8  }
0x121: {  	[sflag:s20] =	ssyncset.done $0x0  }
0x122: {  	s13 =	rddreg [dreg:$0xa];
	[sflag:s20] =	ssyncadd.s32 $0xFFFFFC18  }
0x123: {  	[tilespmem:s9], [sflag:$0x7] =	stream.linear.gather [hbm4b:s13+s0], $0x3E8, $0x38;
	[tilespmem:$0x1DE88] =	vst v63  }
0x124: {  	_ =	swait.ge [sflag:s20], $0x3E8  }
0x125: {  	[sflag:s20] =	ssyncset.done $0x0  }
0x126: {  	[sflag:s20] =	ssyncadd.s32 $0xFFFFFC18  }
0x127: {  	[tilespmem:s24], [sflag:$0x1] =	stream.indirect.gather [hbm4b:s31+s26], $0x20, s7, s26, $0xb8;
	[tilespmem:$0x1DE88] =	vst v63  }
0x128: {  	_ = 	snop  }
0x129: {  	[tilespmem:s15], [sflag:$0x2] =	stream.indirect.gather [hbm4b:s2+s26], $0x1, s9, s26, $0xb8;
	[tilespmem:$0x1DE88] =	vst v63  }
0x12a: {  	_ =	swait.ge [sflag:s30], $0x7D00  }
0x12b: {  	[sflag:s30] =	ssyncset.done $0x0  }
0x12c: {  	[sflag:s30] =	ssyncadd.s32 $0xFFFF8300  }
0x12d: {  	_ =	swait.ge [sflag:s4], $0x3E8  }
0x12e: {  	[sflag:s4] =	ssyncset.done $0x0  }
0x12f: {  	[sflag:s4] =	ssyncadd.s32 $0xFFFFFC18  }
0x130: {  	[spmem:s22] =	stream.indirect.scatter.add.f32 [tilespmem:s24], [sflag:$0x3], $0x20, s9, s26, $0xb8;
	[tilespmem:$0x1DE88] =	vst v63  }
0x131: {  	_ = 	snop  }
0x132: {  	[spmem:s28] =	stream.indirect.scatter.add.f32 [tilespmem:s15], [sflag:$0x5], $0x1, s7, s26, $0xb8;
	[tilespmem:$0x1DE88] =	vst v63  }
0x133: {  	_ =	swait.ge [sflag:s21], $0x7D00  }
0x134: {  	[sflag:s21] =	ssyncset.done $0x0  }
0x135: {  	[sflag:s21] =	ssyncadd.s32 $0xFFFF8300  }
0x136: {  	_ =	swait.ge [sflag:s23], $0x3E8  }
0x137: {  	[sflag:s23] =	ssyncset.done $0x0  }
0x138: {  	s13 =	rddreg [dreg:$0xb];
	[sflag:s23] =	ssyncadd.s32 $0xFFFFFC18  }
0x139: {  	[tilespmem:s17], [sflag:$0x7] =	stream.linear.gather [hbm4b:s13+s0], $0x3E8, $0x38;
	[tilespmem:$0x1DE88] =	vst v63  }
0x13a: {  	_ =	swait.ge [sflag:s20], $0x3E8  }
0x13b: {  	[sflag:s20] =	ssyncset.done $0x0  }
0x13c: {  	s13 =	rddreg [dreg:$0xc];
	[sflag:s20] =	ssyncadd.s32 $0xFFFFFC18  }
0x13d: {  	[tilespmem:s16], [sflag:$0x7] =	stream.linear.gather [hbm4b:s13+s0], $0x3E8, $0x38;
	[tilespmem:$0x1DE88] =	vst v63  }
0x13e: {  	_ =	swait.ge [sflag:s20], $0x3E8  }
0x13f: {  	[sflag:s20] =	ssyncset.done $0x0  }
0x140: {  	[sflag:s20] =	ssyncadd.s32 $0xFFFFFC18  }
0x141: {  	[tilespmem:s18], [sflag:$0x1] =	stream.indirect.gather [hbm4b:s31+s26], $0x20, s17, s26, $0xb8;
	[tilespmem:$0x1DE88] =	vst v63  }
0x142: {  	_ = 	snop  }
0x143: {  	[tilespmem:s19], [sflag:$0x2] =	stream.indirect.gather [hbm4b:s2+s26], $0x1, s16, s26, $0xb8;
	[tilespmem:$0x1DE88] =	vst v63  }
0x144: {  	_ =	swait.ge [sflag:s30], $0x7D00  }
0x145: {  	[sflag:s30] =	ssyncset.done $0x0  }
0x146: {  	[sflag:s30] =	ssyncadd.s32 $0xFFFF8300  }
0x147: {  	_ =	swait.ge [sflag:s4], $0x3E8  }
0x148: {  	[sflag:s4] =	ssyncset.done $0x0  }
0x149: {  	[sflag:s4] =	ssyncadd.s32 $0xFFFFFC18  }
0x14a: {  	[spmem:s22] =	stream.indirect.scatter.add.f32 [tilespmem:s18], [sflag:$0x4], $0x20, s16, s26, $0xb8;
	[tilespmem:$0x1DE88] =	vst v63  }
0x14b: {  	_ = 	snop  }
0x14c: {  	[spmem:s28] =	stream.indirect.scatter.add.f32 [tilespmem:s19], [sflag:$0x6], $0x1, s17, s26, $0xb8;
	[tilespmem:$0x1DE88] =	vst v63  }
0x14d: {  	_ =	swait.ge [sflag:s14], $0x7D00  }
0x14e: {  	[sflag:s14] =	ssyncset.done $0x0  }
0x14f: {  	[sflag:s14] =	ssyncadd.s32 $0xFFFF8300  }
0x150: {  	_ =	swait.ge [sflag:s10], $0x3E8  }
0x151: {  	[sflag:s10] =	ssyncset.done $0x0  }
0x152: {  	s13 =	rddreg [dreg:$0xd];
	[sflag:s10] =	ssyncadd.s32 $0xFFFFFC18  }
0x153: {  	[tilespmem:s7], [sflag:$0x7] =	stream.linear.gather [hbm4b:s13+s0], $0x3E8, $0x38;
	[tilespmem:$0x1DE88] =	vst v63  }
0x154: {  	_ =	swait.ge [sflag:s20], $0x3E8  }
0x155: {  	[sflag:s20] =	ssyncset.done $0x0  }
0x156: {  	s13 =	rddreg [dreg:$0xe];
	[sflag:s20] =	ssyncadd.s32 $0xFFFFFC18  }
0x157: {  	[tilespmem:s9], [sflag:$0x7] =	stream.linear.gather [hbm4b:s13+s0], $0x3E8, $0x38;
	[tilespmem:$0x1DE88] =	vst v63  }
0x158: {  	_ =	swait.ge [sflag:s20], $0x3E8  }
0x159: {  	[sflag:s20] =	ssyncset.done $0x0  }
0x15a: {  	[sflag:s20] =	ssyncadd.s32 $0xFFFFFC18  }
0x15b: {  	[tilespmem:s24], [sflag:$0x1] =	stream.indirect.gather [hbm4b:s31+s26], $0x20, s7, s26, $0xb8;
	[tilespmem:$0x1DE88] =	vst v63  }
0x15c: {  	_ = 	snop  }
0x15d: {  	[tilespmem:s15], [sflag:$0x2] =	stream.indirect.gather [hbm4b:s2+s26], $0x1, s9, s26, $0xb8;
	[tilespmem:$0x1DE88] =	vst v63  }
0x15e: {  	_ =	swait.ge [sflag:s30], $0x7D00  }
0x15f: {  	[sflag:s30] =	ssyncset.done $0x0  }
0x160: {  	[sflag:s30] =	ssyncadd.s32 $0xFFFF8300  }
0x161: {  	_ =	swait.ge [sflag:s4], $0x3E8  }
0x162: {  	[sflag:s4] =	ssyncset.done $0x0  }
0x163: {  	[sflag:s4] =	ssyncadd.s32 $0xFFFFFC18  }
0x164: {  	[spmem:s22] =	stream.indirect.scatter.add.f32 [tilespmem:s24], [sflag:$0x3], $0x20, s9, s26, $0xb8;
	[tilespmem:$0x1DE88] =	vst v63  }
0x165: {  	_ = 	snop  }
0x166: {  	[spmem:s28] =	stream.indirect.scatter.add.f32 [tilespmem:s15], [sflag:$0x5], $0x1, s7, s26, $0xb8;
	[tilespmem:$0x1DE88] =	vst v63  }
0x167: {  	_ =	swait.ge [sflag:s21], $0x7D00  }
0x168: {  	[sflag:s21] =	ssyncset.done $0x0  }
0x169: {  	[sflag:s21] =	ssyncadd.s32 $0xFFFF8300  }
0x16a: {  	_ =	swait.ge [sflag:s23], $0x3E8  }
0x16b: {  	[sflag:s23] =	ssyncset.done $0x0  }
0x16c: {  	[sflag:s23] =	ssyncadd.s32 $0xFFFFFC18  }
0x16d: {  	_ =	swait.ge [sflag:s14], $0x7D00  }
0x16e: {  	[sflag:s14] =	ssyncset.done $0x0  }
0x16f: {  	[sflag:s14] =	ssyncadd.s32 $0xFFFF8300  }
0x170: {  	_ =	swait.ge [sflag:s10], $0x3E8  }
0x171: {  	[sflag:s10] =	ssyncset.done $0x0  }
0x172: {  	s22 =	rddreg [dreg:$0xf];
	[sflag:s10] =	ssyncadd.s32 $0xFFFFFC18  }
0x173: {  	[tilespmem:s7], [sflag:$0x7] =	stream.linear.gather [hbm4b:s22+s0], $0x3E8, $0x38;
	[tilespmem:$0x1DE88] =	vst v63  }
0x174: {  	_ =	swait.ge [sflag:s20], $0x3E8  }
0x175: {  	[sflag:s20] =	ssyncset.done $0x0  }
0x176: {  	s22 =	rddreg [dreg:$0x10];
	[sflag:s20] =	ssyncadd.s32 $0xFFFFFC18  }
0x177: {  	[tilespmem:s9], [sflag:$0x7] =	stream.linear.gather [hbm4b:s22+s0], $0x3E8, $0x38;
	[tilespmem:$0x1DE88] =	vst v63  }
0x178: {  	_ =	swait.ge [sflag:s20], $0x3E8  }
0x179: {  	[sflag:s20] =	ssyncset.done $0x0  }
0x17a: {  	[sflag:s20] =	ssyncadd.s32 $0xFFFFFC18  }
0x17b: {  	[tilespmem:s24], [sflag:$0x1] =	stream.indirect.gather [hbm4b:s31+s26], $0x20, s7, s26, $0xb8;
	[tilespmem:$0x1DE88] =	vst v63  }
0x17c: {  	_ = 	snop  }
0x17d: {  	[tilespmem:s15], [sflag:$0x2] =	stream.indirect.gather [hbm4b:s3+s26], $0x1, s9, s26, $0xb8;
	[tilespmem:$0x1DE88] =	vst v63  }
0x17e: {  	_ =	swait.ge [sflag:s30], $0x7D00  }
0x17f: {  	[sflag:s30] =	ssyncset.done $0x0  }
0x180: {  	[sflag:s30] =	ssyncadd.s32 $0xFFFF8300  }
0x181: {  	_ =	swait.ge [sflag:s4], $0x3E8  }
0x182: {  	[sflag:s4] =	ssyncset.done $0x0  }
0x183: {  	[sflag:s4] =	ssyncadd.s32 $0xFFFFFC18  }
0x184: {  	[spmem:s12] =	stream.indirect.scatter.add.f32 [tilespmem:s24], [sflag:$0x3], $0x20, s9, s26, $0xb8;
	[tilespmem:$0x1DE88] =	vst v63  }
0x185: {  	_ = 	snop  }
0x186: {  	[spmem:s28] =	stream.indirect.scatter.add.f32 [tilespmem:s15], [sflag:$0x5], $0x1, s7, s26, $0xb8;
	[tilespmem:$0x1DE88] =	vst v63  }
0x187: {  	s22 =	rddreg [dreg:$0x11]  }
0x188: {  	[tilespmem:s17], [sflag:$0x7] =	stream.linear.gather [hbm4b:s22+s0], $0x3E8, $0x38;
	[tilespmem:$0x1DE88] =	vst v63  }
0x189: {  	_ =	swait.ge [sflag:s20], $0x3E8  }
0x18a: {  	[sflag:s20] =	ssyncset.done $0x0  }
0x18b: {  	s22 =	rddreg [dreg:$0x12];
	[sflag:s20] =	ssyncadd.s32 $0xFFFFFC18  }
0x18c: {  	[tilespmem:s16], [sflag:$0x7] =	stream.linear.gather [hbm4b:s22+s0], $0x3E8, $0x38;
	[tilespmem:$0x1DE88] =	vst v63  }
0x18d: {  	_ =	swait.ge [sflag:s20], $0x3E8  }
0x18e: {  	[sflag:s20] =	ssyncset.done $0x0  }
0x18f: {  	[sflag:s20] =	ssyncadd.s32 $0xFFFFFC18  }
0x190: {  	[tilespmem:s18], [sflag:$0x1] =	stream.indirect.gather [hbm4b:s31+s26], $0x20, s17, s26, $0xb8;
	[tilespmem:$0x1DE88] =	vst v63  }
0x191: {  	_ = 	snop  }
0x192: {  	[tilespmem:s19], [sflag:$0x2] =	stream.indirect.gather [hbm4b:s3+s26], $0x1, s16, s26, $0xb8;
	[tilespmem:$0x1DE88] =	vst v63  }
0x193: {  	_ =	swait.ge [sflag:s30], $0x7D00  }
0x194: {  	[sflag:s30] =	ssyncset.done $0x0  }
0x195: {  	[sflag:s30] =	ssyncadd.s32 $0xFFFF8300  }
0x196: {  	_ =	swait.ge [sflag:s4], $0x3E8  }
0x197: {  	[sflag:s4] =	ssyncset.done $0x0  }
0x198: {  	[sflag:s4] =	ssyncadd.s32 $0xFFFFFC18  }
0x199: {  	[spmem:s12] =	stream.indirect.scatter.add.f32 [tilespmem:s18], [sflag:$0x4], $0x20, s16, s26, $0xb8;
	[tilespmem:$0x1DE88] =	vst v63  }
0x19a: {  	_ = 	snop  }
0x19b: {  	[spmem:s28] =	stream.indirect.scatter.add.f32 [tilespmem:s19], [sflag:$0x6], $0x1, s17, s26, $0xb8;
	[tilespmem:$0x1DE88] =	vst v63  }
0x19c: {  	_ =	swait.ge [sflag:s14], $0x7D00  }
0x19d: {  	[sflag:s14] =	ssyncset.done $0x0  }
0x19e: {  	[sflag:s14] =	ssyncadd.s32 $0xFFFF8300  }
0x19f: {  	_ =	swait.ge [sflag:s10], $0x3E8  }
0x1a0: {  	[sflag:s10] =	ssyncset.done $0x0  }
0x1a1: {  	s22 =	rddreg [dreg:$0x13];
	[sflag:s10] =	ssyncadd.s32 $0xFFFFFC18  }
0x1a2: {  	[tilespmem:s7], [sflag:$0x7] =	stream.linear.gather [hbm4b:s22+s0], $0x3E8, $0x38;
	[tilespmem:$0x1DE88] =	vst v63  }
0x1a3: {  	_ =	swait.ge [sflag:s20], $0x3E8  }
0x1a4: {  	[sflag:s20] =	ssyncset.done $0x0  }
0x1a5: {  	s22 =	rddreg [dreg:$0x14];
	[sflag:s20] =	ssyncadd.s32 $0xFFFFFC18  }
0x1a6: {  	[tilespmem:s9], [sflag:$0x7] =	stream.linear.gather [hbm4b:s22+s0], $0x3E8, $0x38;
	[tilespmem:$0x1DE88] =	vst v63  }
0x1a7: {  	_ =	swait.ge [sflag:s20], $0x3E8  }
0x1a8: {  	[sflag:s20] =	ssyncset.done $0x0  }
0x1a9: {  	[sflag:s20] =	ssyncadd.s32 $0xFFFFFC18  }
0x1aa: {  	[tilespmem:s24], [sflag:$0x1] =	stream.indirect.gather [hbm4b:s31+s26], $0x20, s7, s26, $0xb8;
	[tilespmem:$0x1DE88] =	vst v63  }
0x1ab: {  	_ = 	snop  }
0x1ac: {  	[tilespmem:s15], [sflag:$0x2] =	stream.indirect.gather [hbm4b:s3+s26], $0x1, s9, s26, $0xb8;
	[tilespmem:$0x1DE88] =	vst v63  }
0x1ad: {  	_ =	swait.ge [sflag:s30], $0x7D00  }
0x1ae: {  	[sflag:s30] =	ssyncset.done $0x0  }
0x1af: {  	[sflag:s30] =	ssyncadd.s32 $0xFFFF8300  }
0x1b0: {  	_ =	swait.ge [sflag:s4], $0x3E8  }
0x1b1: {  	[sflag:s4] =	ssyncset.done $0x0  }
0x1b2: {  	[sflag:s4] =	ssyncadd.s32 $0xFFFFFC18  }
0x1b3: {  	[spmem:s12] =	stream.indirect.scatter.add.f32 [tilespmem:s24], [sflag:$0x3], $0x20, s9, s26, $0xb8;
	[tilespmem:$0x1DE88] =	vst v63  }
0x1b4: {  	_ = 	snop  }
0x1b5: {  	[spmem:s28] =	stream.indirect.scatter.add.f32 [tilespmem:s15], [sflag:$0x5], $0x1, s7, s26, $0xb8;
	[tilespmem:$0x1DE88] =	vst v63  }
0x1b6: {  	_ =	swait.ge [sflag:s21], $0x7D00  }
0x1b7: {  	[sflag:s21] =	ssyncset.done $0x0  }
0x1b8: {  	[sflag:s21] =	ssyncadd.s32 $0xFFFF8300  }
0x1b9: {  	_ =	swait.ge [sflag:s23], $0x3E8  }
0x1ba: {  	[sflag:s23] =	ssyncset.done $0x0  }
0x1bb: {  	s22 =	rddreg [dreg:$0x15];
	[sflag:s23] =	ssyncadd.s32 $0xFFFFFC18  }
0x1bc: {  	[tilespmem:s17], [sflag:$0x7] =	stream.linear.gather [hbm4b:s22+s0], $0x3E8, $0x38;
	[tilespmem:$0x1DE88] =	vst v63  }
0x1bd: {  	_ =	swait.ge [sflag:s20], $0x3E8  }
0x1be: {  	s22 =	sld [smem:$0x7D6]  }
0x1bf: {  	[sflag:s20] =	ssyncset.done $0x0  }
0x1c0: {  	[sflag:s20] =	ssyncadd.s32 $0xFFFFFC18  }
0x1c1: {  	[tilespmem:s16], [sflag:$0x7] =	stream.linear.gather [hbm4b:s22+s0], $0x3E8, $0x38;
	[tilespmem:$0x1DE88] =	vst v63  }
0x1c2: {  	_ =	swait.ge [sflag:s20], $0x3E8  }
0x1c3: {  	[sflag:s20] =	ssyncset.done $0x0  }
0x1c4: {  	[sflag:s20] =	ssyncadd.s32 $0xFFFFFC18  }
0x1c5: {  	[tilespmem:s18], [sflag:$0x1] =	stream.indirect.gather [hbm4b:s31+s26], $0x20, s17, s26, $0xb8;
	[tilespmem:$0x1DE88] =	vst v63  }
0x1c6: {  	_ = 	snop  }
0x1c7: {  	[tilespmem:s19], [sflag:$0x2] =	stream.indirect.gather [hbm4b:s3+s26], $0x1, s16, s26, $0xb8;
	[tilespmem:$0x1DE88] =	vst v63  }
0x1c8: {  	_ =	swait.ge [sflag:s30], $0x7D00  }
0x1c9: {  	[sflag:s30] =	ssyncset.done $0x0  }
0x1ca: {  	[sflag:s30] =	ssyncadd.s32 $0xFFFF8300  }
0x1cb: {  	_ =	swait.ge [sflag:s4], $0x3E8  }
0x1cc: {  	[sflag:s4] =	ssyncset.done $0x0  }
0x1cd: {  	[sflag:s4] =	ssyncadd.s32 $0xFFFFFC18  }
0x1ce: {  	[spmem:s12] =	stream.indirect.scatter.add.f32 [tilespmem:s18], [sflag:$0x4], $0x20, s16, s26, $0xb8;
	[tilespmem:$0x1DE88] =	vst v63  }
0x1cf: {  	_ = 	snop  }
0x1d0: {  	[spmem:s28] =	stream.indirect.scatter.add.f32 [tilespmem:s19], [sflag:$0x6], $0x1, s17, s26, $0xb8;
	[tilespmem:$0x1DE88] =	vst v63  }
0x1d1: {  	_ =	swait.ge [sflag:s14], $0x7D00  }
0x1d2: {  	[sflag:s14] =	ssyncset.done $0x0  }
0x1d3: {  	[sflag:s14] =	ssyncadd.s32 $0xFFFF8300  }
0x1d4: {  	_ =	swait.ge [sflag:s10], $0x3E8  }
0x1d5: {  	s19 =	sld [smem:$0x7D7]  }
0x1d6: {  	[sflag:s10] =	ssyncset.done $0x0  }
0x1d7: {  	[sflag:s10] =	ssyncadd.s32 $0xFFFFFC18  }
0x1d8: {  	[tilespmem:s7], [sflag:$0x7] =	stream.linear.gather [hbm4b:s19+s0], $0x3E8, $0x38;
	[tilespmem:$0x1DE88] =	vst v63  }
0x1d9: {  	_ =	swait.ge [sflag:s20], $0x3E8  }
0x1da: {  	s22 =	sld [smem:$0x7D8]  }
0x1db: {  	[sflag:s20] =	ssyncset.done $0x0  }
0x1dc: {  	[sflag:s20] =	ssyncadd.s32 $0xFFFFFC18  }
0x1dd: {  	[tilespmem:s9], [sflag:$0x7] =	stream.linear.gather [hbm4b:s22+s0], $0x3E8, $0x38;
	[tilespmem:$0x1DE88] =	vst v63  }
0x1de: {  	_ =	swait.ge [sflag:s20], $0x3E8  }
0x1df: {  	[sflag:s20] =	ssyncset.done $0x0  }
0x1e0: {  	[sflag:s20] =	ssyncadd.s32 $0xFFFFFC18  }
0x1e1: {  	[tilespmem:s24], [sflag:$0x1] =	stream.indirect.gather [hbm4b:s31+s26], $0x20, s7, s26, $0xb8;
	[tilespmem:$0x1DE88] =	vst v63  }
0x1e2: {  	_ = 	snop  }
0x1e3: {  	[tilespmem:s15], [sflag:$0x2] =	stream.indirect.gather [hbm4b:s3+s26], $0x1, s9, s26, $0xb8;
	[tilespmem:$0x1DE88] =	vst v63  }
0x1e4: {  	_ =	swait.ge [sflag:s30], $0x7D00  }
0x1e5: {  	[sflag:s30] =	ssyncset.done $0x0  }
0x1e6: {  	[sflag:s30] =	ssyncadd.s32 $0xFFFF8300  }
0x1e7: {  	_ =	swait.ge [sflag:s4], $0x3E8  }
0x1e8: {  	[sflag:s4] =	ssyncset.done $0x0  }
0x1e9: {  	[sflag:s4] =	ssyncadd.s32 $0xFFFFFC18  }
0x1ea: {  	[spmem:s12] =	stream.indirect.scatter.add.f32 [tilespmem:s24], [sflag:$0x3], $0x20, s9, s26, $0xb8;
	[tilespmem:$0x1DE88] =	vst v63  }
0x1eb: {  	_ = 	snop  }
0x1ec: {  	[spmem:s28] =	stream.indirect.scatter.add.f32 [tilespmem:s15], [sflag:$0x5], $0x1, s7, s26, $0xb8;
	[tilespmem:$0x1DE88] =	vst v63  }
0x1ed: {  	_ =	swait.ge [sflag:s21], $0x7D00  }
0x1ee: {  	[sflag:s21] =	ssyncset.done $0x0  }
0x1ef: {  	[sflag:s21] =	ssyncadd.s32 $0xFFFF8300  }
0x1f0: {  	_ =	swait.ge [sflag:s23], $0x3E8  }
0x1f1: {  	[sflag:s23] =	ssyncset.done $0x0  }
0x1f2: {  	[sflag:s23] =	ssyncadd.s32 $0xFFFFFC18  }
0x1f3: {  	_ =	swait.ge [sflag:s14], $0x7D00  }
0x1f4: {  	[sflag:s14] =	ssyncset.done $0x0  }
0x1f5: {  	[sflag:s14] =	ssyncadd.s32 $0xFFFF8300  }
.Ltmp4:
0x1f6: {  	_ =	swait.ge [sflag:s10], $0x3E8;
	(pc) =	sbr.rel @!p1 .LBB2_6-.Ltmp4, $3  }
0x1f7: {  	[sflag:s10] =	ssyncset.done $0x0  }
0x1f8: {  	[sflag:s10] =	ssyncadd.s32 $0xFFFFFC18  }
0x1f9: {  	[bflag:$0x0] =	sbarrier.arrive $0xFFFF;
	_ =	sdelay $0x1  }
0x1fa: {  	s7 =	rddreg [dreg:$0x1]  }
0x1fb: {  	[tilespmem:s24], [sflag:$0x7] =	stream.linear.gather [spmem:s7], $0x7D00, $0x38;
	[tilespmem:$0x1DE88] =	vst v63  }
0x1fc: {  	_ =	swait.ge [sflag:s20], $0x7D00  }
0x1fd: {  	[sflag:s20] =	ssyncset.done $0x0  }
0x1fe: {  	s14 =	rddreg [dreg:$0x19];
	[sflag:s20] =	ssyncadd.s32 $0xFFFF8300  }
0x1ff: {  	[hbm4b:s14+s0] =	stream.linear.scatter [tilespmem:s24], [sflag:$0x7], $0x7D00, $0x38;
	[tilespmem:$0x1DE88] =	vst v63  }
0x200: {  	_ =	swait.ge [sflag:s20], $0x7D00  }
0x201: {  	s15 =	sld [smem:$0x7F1]  }
0x202: {  	[sflag:s20] =	ssyncset.done $0x0  }
0x203: {  	[sflag:s20] =	ssyncadd.s32 $0xFFFF8300  }
0x204: {  	[tilespmem:s24], [sflag:$0x7] =	stream.linear.gather [spmem:s15], $0x7D00, $0x38;
	[tilespmem:$0x1DE88] =	vst v63  }
0x205: {  	_ =	swait.ge [sflag:s20], $0x7D00  }
0x206: {  	[sflag:s20] =	ssyncset.done $0x0  }
0x207: {  	s19 =	rddreg [dreg:$0x1d];
	[sflag:s20] =	ssyncadd.s32 $0xFFFF8300  }
0x208: {  	[hbm4b:s19+s0] =	stream.linear.scatter [tilespmem:s24], [sflag:$0x7], $0x7D00, $0x38;
	[tilespmem:$0x1DE88] =	vst v63  }
0x209: {  	_ =	swait.ge [sflag:s20], $0x7D00  }
0x20a: {  	s22 =	sld [smem:$0x7F2]  }
0x20b: {  	[sflag:s20] =	ssyncset.done $0x0  }
0x20c: {  	[sflag:s20] =	ssyncadd.s32 $0xFFFF8300  }
0x20d: {  	[tilespmem:s24], [sflag:$0x7] =	stream.linear.gather [spmem:s22], $0x7D00, $0x38;
	[tilespmem:$0x1DE88] =	vst v63  }
0x20e: {  	_ =	swait.ge [sflag:s20], $0x7D00  }
0x20f: {  	[sflag:s20] =	ssyncset.done $0x0  }
0x210: {  	s13 =	rddreg [dreg:$0x1e];
	[sflag:s20] =	ssyncadd.s32 $0xFFFF8300  }
0x211: {  	[hbm4b:s13+s0] =	stream.linear.scatter [tilespmem:s24], [sflag:$0x7], $0x7D00, $0x38;
	[tilespmem:$0x1DE88] =	vst v63  }
0x212: {  	_ =	swait.ge [sflag:s20], $0x7D00  }
0x213: {  	s14 =	sld [smem:$0x7F3]  }
0x214: {  	[sflag:s20] =	ssyncset.done $0x0  }
0x215: {  	[sflag:s20] =	ssyncadd.s32 $0xFFFF8300  }
0x216: {  	[tilespmem:s24], [sflag:$0x7] =	stream.linear.gather [spmem:s14], $0x7D00, $0x38;
	[tilespmem:$0x1DE88] =	vst v63  }
0x217: {  	_ =	swait.ge [sflag:s20], $0x7D00  }
0x218: {  	[sflag:s20] =	ssyncset.done $0x0  }
0x219: {  	s15 =	rddreg [dreg:$0x1f];
	[sflag:s20] =	ssyncadd.s32 $0xFFFF8300  }
0x21a: {  	[hbm4b:s15+s0] =	stream.linear.scatter [tilespmem:s24], [sflag:$0x7], $0x7D00, $0x38;
	[tilespmem:$0x1DE88] =	vst v63  }
0x21b: {  	_ =	swait.ge [sflag:s20], $0x7D00  }
0x21c: {  	s19 =	sld [smem:$0x7F4]  }
0x21d: {  	[sflag:s20] =	ssyncset.done $0x0  }
0x21e: {  	[sflag:s20] =	ssyncadd.s32 $0xFFFF8300  }
0x21f: {  	[tilespmem:s24], [sflag:$0x7] =	stream.linear.gather [spmem:s19], $0x7D00, $0x38;
	[tilespmem:$0x1DE88] =	vst v63  }
0x220: {  	_ =	swait.ge [sflag:s20], $0x7D00  }
0x221: {  	s22 =	sld [smem:$0x7DB]  }
0x222: {  	[sflag:s20] =	ssyncset.done $0x0  }
0x223: {  	[sflag:s20] =	ssyncadd.s32 $0xFFFF8300  }
0x224: {  	[hbm4b:s22+s0] =	stream.linear.scatter [tilespmem:s24], [sflag:$0x7], $0x7D00, $0x38;
	[tilespmem:$0x1DE88] =	vst v63  }
0x225: {  	_ =	swait.ge [sflag:s20], $0x7D00  }
0x226: {  	s13 =	sld [smem:$0x7F5]  }
0x227: {  	[sflag:s20] =	ssyncset.done $0x0  }
0x228: {  	[sflag:s20] =	ssyncadd.s32 $0xFFFF8300  }
0x229: {  	[tilespmem:s24], [sflag:$0x7] =	stream.linear.gather [spmem:s13], $0x7D00, $0x38;
	[tilespmem:$0x1DE88] =	vst v63  }
0x22a: {  	_ =	swait.ge [sflag:s20], $0x7D00  }
0x22b: {  	s14 =	sld [smem:$0x7DC]  }
0x22c: {  	[sflag:s20] =	ssyncset.done $0x0  }
0x22d: {  	[sflag:s20] =	ssyncadd.s32 $0xFFFF8300  }
0x22e: {  	[hbm4b:s14+s0] =	stream.linear.scatter [tilespmem:s24], [sflag:$0x7], $0x7D00, $0x38;
	[tilespmem:$0x1DE88] =	vst v63  }
0x22f: {  	_ =	swait.ge [sflag:s20], $0x7D00  }
0x230: {  	s15 =	sld [smem:$0x7F6]  }
0x231: {  	[sflag:s20] =	ssyncset.done $0x0  }
0x232: {  	[sflag:s20] =	ssyncadd.s32 $0xFFFF8300  }
0x233: {  	[tilespmem:s24], [sflag:$0x7] =	stream.linear.gather [spmem:s15], $0x7D00, $0x38;
	[tilespmem:$0x1DE88] =	vst v63  }
0x234: {  	_ =	swait.ge [sflag:s20], $0x7D00  }
0x235: {  	s19 =	sld [smem:$0x7DD]  }
0x236: {  	[sflag:s20] =	ssyncset.done $0x0  }
0x237: {  	[sflag:s20] =	ssyncadd.s32 $0xFFFF8300  }
0x238: {  	[hbm4b:s19+s0] =	stream.linear.scatter [tilespmem:s24], [sflag:$0x7], $0x7D00, $0x38;
	[tilespmem:$0x1DE88] =	vst v63  }
0x239: {  	_ =	swait.ge [sflag:s20], $0x7D00  }
0x23a: {  	s22 =	sld [smem:$0x7F7]  }
0x23b: {  	[sflag:s20] =	ssyncset.done $0x0  }
0x23c: {  	[sflag:s20] =	ssyncadd.s32 $0xFFFF8300  }
0x23d: {  	[tilespmem:s24], [sflag:$0x7] =	stream.linear.gather [spmem:s22], $0x7D00, $0x38;
	[tilespmem:$0x1DE88] =	vst v63  }
0x23e: {  	_ =	swait.ge [sflag:s20], $0x7D00  }
0x23f: {  	s13 =	sld [smem:$0x7DE]  }
0x240: {  	[sflag:s20] =	ssyncset.done $0x0  }
0x241: {  	[sflag:s20] =	ssyncadd.s32 $0xFFFF8300  }
0x242: {  	[hbm4b:s13+s0] =	stream.linear.scatter [tilespmem:s24], [sflag:$0x7], $0x7D00, $0x38;
	[tilespmem:$0x1DE88] =	vst v63  }
0x243: {  	_ =	swait.ge [sflag:s20], $0x7D00  }
0x244: {  	s14 =	sld [smem:$0x7F8]  }
0x245: {  	[sflag:s20] =	ssyncset.done $0x0  }
0x246: {  	[sflag:s20] =	ssyncadd.s32 $0xFFFF8300  }
0x247: {  	[tilespmem:s24], [sflag:$0x7] =	stream.linear.gather [spmem:s14], $0x7D00, $0x38;
	[tilespmem:$0x1DE88] =	vst v63  }
0x248: {  	_ =	swait.ge [sflag:s20], $0x7D00  }
0x249: {  	s15 =	sld [smem:$0x7DF]  }
0x24a: {  	[sflag:s20] =	ssyncset.done $0x0  }
0x24b: {  	[sflag:s20] =	ssyncadd.s32 $0xFFFF8300  }
0x24c: {  	[hbm4b:s15+s0] =	stream.linear.scatter [tilespmem:s24], [sflag:$0x7], $0x7D00, $0x38;
	[tilespmem:$0x1DE88] =	vst v63  }
0x24d: {  	_ =	swait.ge [sflag:s20], $0x7D00  }
0x24e: {  	s19 =	sld [smem:$0x7F9]  }
0x24f: {  	[sflag:s20] =	ssyncset.done $0x0  }
0x250: {  	[sflag:s20] =	ssyncadd.s32 $0xFFFF8300  }
0x251: {  	[tilespmem:s24], [sflag:$0x7] =	stream.linear.gather [spmem:s19], $0x7D00, $0x38;
	[tilespmem:$0x1DE88] =	vst v63  }
0x252: {  	_ =	swait.ge [sflag:s20], $0x7D00  }
0x253: {  	s22 =	sld [smem:$0x7E0]  }
0x254: {  	[sflag:s20] =	ssyncset.done $0x0  }
0x255: {  	[sflag:s20] =	ssyncadd.s32 $0xFFFF8300  }
0x256: {  	[hbm4b:s22+s0] =	stream.linear.scatter [tilespmem:s24], [sflag:$0x7], $0x7D00, $0x38;
	[tilespmem:$0x1DE88] =	vst v63  }
0x257: {  	_ =	swait.ge [sflag:s20], $0x7D00  }
0x258: {  	[sflag:s20] =	ssyncset.done $0x0  }
0x259: {  	[sflag:s20] =	ssyncadd.s32 $0xFFFF8300  }
.LBB2_6:
.Ltmp5:
0x25a: {  	(pc) =	sbr.rel @!p4 .LBB2_8-.Ltmp5, $1  }
0x25b: {  	_ =	sdelay $0x3  }
0x25c: {  	[tilespmem:s24], [sflag:$0x7] =	stream.linear.gather [spmem:s12], $0x7D00, $0x38;
	[tilespmem:$0x1DE88] =	vst v63  }
0x25d: {  	_ =	swait.ge [sflag:s20], $0x7D00  }
0x25e: {  	s7 =	sld [smem:$0x7FB]  }
0x25f: {  	[sflag:s20] =	ssyncset.done $0x0  }
0x260: {  	[sflag:s20] =	ssyncadd.s32 $0xFFFF8300  }
0x261: {  	[hbm4b:s7+s0] =	stream.linear.scatter [tilespmem:s24], [sflag:$0x7], $0x7D00, $0x38;
	[tilespmem:$0x1DE88] =	vst v63  }
0x262: {  	_ =	swait.ge [sflag:s20], $0x7D00  }
0x263: {  	[sflag:s20] =	ssyncset.done $0x0  }
0x264: {  	[sflag:s20] =	ssyncadd.s32 $0xFFFF8300  }
0x265: {  	[tilespmem:s24], [sflag:$0x7] =	stream.linear.gather [spmem:s25], $0x7D00, $0x38;
	[tilespmem:$0x1DE88] =	vst v63  }
0x266: {  	_ =	swait.ge [sflag:s20], $0x7D00  }
0x267: {  	s19 =	sld [smem:$0x7E1]  }
0x268: {  	[sflag:s20] =	ssyncset.done $0x0  }
0x269: {  	[sflag:s20] =	ssyncadd.s32 $0xFFFF8300  }
0x26a: {  	[hbm4b:s19+s0] =	stream.linear.scatter [tilespmem:s24], [sflag:$0x7], $0x7D00, $0x38;
	[tilespmem:$0x1DE88] =	vst v63  }
0x26b: {  	_ =	swait.ge [sflag:s20], $0x7D00  }
0x26c: {  	[sflag:s20] =	ssyncset.done $0x0  }
0x26d: {  	[sflag:s20] =	ssyncadd.s32 $0xFFFF8300  }
0x26e: {  	[tilespmem:s24], [sflag:$0x7] =	stream.linear.gather [spmem:s8], $0x7D00, $0x38;
	[tilespmem:$0x1DE88] =	vst v63  }
0x26f: {  	_ =	swait.ge [sflag:s20], $0x7D00  }
0x270: {  	s22 =	sld [smem:$0x7E2]  }
0x271: {  	[sflag:s20] =	ssyncset.done $0x0  }
0x272: {  	[sflag:s20] =	ssyncadd.s32 $0xFFFF8300  }
0x273: {  	[hbm4b:s22+s0] =	stream.linear.scatter [tilespmem:s24], [sflag:$0x7], $0x7D00, $0x38;
	[tilespmem:$0x1DE88] =	vst v63  }
0x274: {  	_ =	swait.ge [sflag:s20], $0x7D00  }
0x275: {  	[sflag:s20] =	ssyncset.done $0x0  }
0x276: {  	[sflag:s20] =	ssyncadd.s32 $0xFFFF8300  }
0x277: {  	[tilespmem:s24], [sflag:$0x7] =	stream.linear.gather [spmem:s29], $0x7D00, $0x38;
	[tilespmem:$0x1DE88] =	vst v63  }
0x278: {  	_ =	swait.ge [sflag:s20], $0x7D00  }
0x279: {  	s13 =	sld [smem:$0x7E3]  }
0x27a: {  	[sflag:s20] =	ssyncset.done $0x0  }
0x27b: {  	[sflag:s20] =	ssyncadd.s32 $0xFFFF8300  }
0x27c: {  	[hbm4b:s13+s0] =	stream.linear.scatter [tilespmem:s24], [sflag:$0x7], $0x7D00, $0x38;
	[tilespmem:$0x1DE88] =	vst v63  }
0x27d: {  	_ =	swait.ge [sflag:s20], $0x7D00  }
0x27e: {  	[sflag:s20] =	ssyncset.done $0x0  }
0x27f: {  	[sflag:s20] =	ssyncadd.s32 $0xFFFF8300  }
0x280: {  	[tilespmem:s24], [sflag:$0x7] =	stream.linear.gather [spmem:s5], $0x7D00, $0x38;
	[tilespmem:$0x1DE88] =	vst v63  }
0x281: {  	_ =	swait.ge [sflag:s20], $0x7D00  }
0x282: {  	s14 =	sld [smem:$0x7E4]  }
0x283: {  	[sflag:s20] =	ssyncset.done $0x0  }
0x284: {  	[sflag:s20] =	ssyncadd.s32 $0xFFFF8300  }
0x285: {  	[hbm4b:s14+s0] =	stream.linear.scatter [tilespmem:s24], [sflag:$0x7], $0x7D00, $0x38;
	[tilespmem:$0x1DE88] =	vst v63  }
0x286: {  	_ =	swait.ge [sflag:s20], $0x7D00  }
0x287: {  	[sflag:s20] =	ssyncset.done $0x0  }
0x288: {  	[sflag:s20] =	ssyncadd.s32 $0xFFFF8300  }
0x289: {  	[tilespmem:s24], [sflag:$0x7] =	stream.linear.gather [spmem:s6], $0x7D00, $0x38;
	[tilespmem:$0x1DE88] =	vst v63  }
0x28a: {  	_ =	swait.ge [sflag:s20], $0x7D00  }
0x28b: {  	s15 =	sld [smem:$0x7E5]  }
0x28c: {  	[sflag:s20] =	ssyncset.done $0x0  }
0x28d: {  	[sflag:s20] =	ssyncadd.s32 $0xFFFF8300  }
0x28e: {  	[hbm4b:s15+s0] =	stream.linear.scatter [tilespmem:s24], [sflag:$0x7], $0x7D00, $0x38;
	[tilespmem:$0x1DE88] =	vst v63  }
0x28f: {  	_ =	swait.ge [sflag:s20], $0x7D00  }
0x290: {  	[sflag:s20] =	ssyncset.done $0x0  }
0x291: {  	[sflag:s20] =	ssyncadd.s32 $0xFFFF8300  }
0x292: {  	[tilespmem:s24], [sflag:$0x7] =	stream.linear.gather [spmem:s11], $0x7D00, $0x38;
	[tilespmem:$0x1DE88] =	vst v63  }
0x293: {  	_ =	swait.ge [sflag:s20], $0x7D00  }
0x294: {  	s19 =	sld [smem:$0x7E6]  }
0x295: {  	[sflag:s20] =	ssyncset.done $0x0  }
0x296: {  	[sflag:s20] =	ssyncadd.s32 $0xFFFF8300  }
0x297: {  	[hbm4b:s19+s0] =	stream.linear.scatter [tilespmem:s24], [sflag:$0x7], $0x7D00, $0x38;
	[tilespmem:$0x1DE88] =	vst v63  }
0x298: {  	_ =	swait.ge [sflag:s20], $0x7D00  }
0x299: {  	s22 =	sld [smem:$0x7EE]  }
0x29a: {  	[sflag:s20] =	ssyncset.done $0x0  }
0x29b: {  	[sflag:s20] =	ssyncadd.s32 $0xFFFF8300  }
0x29c: {  	[tilespmem:s24], [sflag:$0x7] =	stream.linear.gather [spmem:s22], $0x7D00, $0x38;
	[tilespmem:$0x1DE88] =	vst v63  }
0x29d: {  	_ =	swait.ge [sflag:s20], $0x7D00  }
0x29e: {  	s13 =	sld [smem:$0x7E7]  }
0x29f: {  	[sflag:s20] =	ssyncset.done $0x0  }
0x2a0: {  	[sflag:s20] =	ssyncadd.s32 $0xFFFF8300  }
0x2a1: {  	[hbm4b:s13+s0] =	stream.linear.scatter [tilespmem:s24], [sflag:$0x7], $0x7D00, $0x38;
	[tilespmem:$0x1DE88] =	vst v63  }
0x2a2: {  	_ =	swait.ge [sflag:s20], $0x7D00  }
0x2a3: {  	s14 =	sld [smem:$0x7EF]  }
0x2a4: {  	[sflag:s20] =	ssyncset.done $0x0  }
0x2a5: {  	[sflag:s20] =	ssyncadd.s32 $0xFFFF8300  }
0x2a6: {  	[tilespmem:s24], [sflag:$0x7] =	stream.linear.gather [spmem:s14], $0x7D00, $0x38;
	[tilespmem:$0x1DE88] =	vst v63  }
0x2a7: {  	_ =	swait.ge [sflag:s20], $0x7D00  }
0x2a8: {  	s15 =	sld [smem:$0x7E8]  }
0x2a9: {  	[sflag:s20] =	ssyncset.done $0x0  }
0x2aa: {  	[sflag:s20] =	ssyncadd.s32 $0xFFFF8300  }
0x2ab: {  	[hbm4b:s15+s0] =	stream.linear.scatter [tilespmem:s24], [sflag:$0x7], $0x7D00, $0x38;
	[tilespmem:$0x1DE88] =	vst v63  }
0x2ac: {  	_ =	swait.ge [sflag:s20], $0x7D00  }
0x2ad: {  	s19 =	sld [smem:$0x7F0]  }
0x2ae: {  	[sflag:s20] =	ssyncset.done $0x0  }
0x2af: {  	[sflag:s20] =	ssyncadd.s32 $0xFFFF8300  }
0x2b0: {  	[tilespmem:s24], [sflag:$0x7] =	stream.linear.gather [spmem:s19], $0x7D00, $0x38;
	[tilespmem:$0x1DE88] =	vst v63  }
0x2b1: {  	_ =	swait.ge [sflag:s20], $0x7D00  }
0x2b2: {  	s22 =	sld [smem:$0x7E9]  }
0x2b3: {  	[sflag:s20] =	ssyncset.done $0x0  }
.Ltmp6:
0x2b4: {  	[sflag:s20] =	ssyncadd.s32 $0xFFFF8300;
	(pc) =	sbr.rel .LBB2_9-.Ltmp6, $4  }
0x2b5: {  	[hbm4b:s22+s0] =	stream.linear.scatter [tilespmem:s24], [sflag:$0x7], $0x7D00, $0x38;
	[tilespmem:$0x1DE88] =	vst v63  }
0x2b6: {  	_ =	swait.ge [sflag:s20], $0x7D00  }
0x2b7: {  	[sflag:s20] =	ssyncset.done $0x0  }
0x2b8: {  	[sflag:s20] =	ssyncadd.s32 $0xFFFF8300  }
.LBB2_10:
0x2b9: {  	_ =	sfence.sel $0x180000  }
0x2ba: {  	[bflag:$0x0] =	sbarrier.arrive $0xFFFF  }
0x2bb: {  	_ =	strace $0x9000004A  }
0x2bc: {  	s0 =	stileid.u32;
	[bflag:$0x2] =	sbarrier.arrive $0xFFFF  }
0x2bd: {  	p0 =	sne.s32 s0, $0x0;
	s0 =	rddreg [dreg:$0x4]  }
0x2be: {  	s0 =	sadd.s32 @!p0 $0x100000, s0  }
0x2bf: {  	[sflag:s0] =	ssyncadd.tile.s32 @!p0 $0x1;
	_ =	shalt  }
.Lfunc_end2:
_tile_overlayer_lowered:
.L_overlay_start_2:
0x2c0: {  	(tag) =	ssettag $0x2  }
0x2c1: {  	s0 =	rddreg [dreg:$0x0];
	s2 =	stileid.u32  }
0x2c2: {  	s1 =	rddreg [dreg:$0x1];
	p0 =	sne.s32 s2, $0x0  }
0x2c3: {  	s3 =	rddreg [dreg:$0x2];
	[bflag:$0x3] =	sbarrier.arrive $0xFFFF;
	s2 =	simm.s32 @!p0 $0x1C07  }
0x2c4: {  	[timem:s3], [sflag:s2] =	dma.local @!p0 [hbm:s0], s1  }
0x2c5: {  	s0 =	simm.s32 @!p0 $0x7  }
0x2c6: {  	_ =	swait.ge @!p0 [sflag:s0], s1  }
0x2c7: {  	s1 =	ssub.s32 @!p0 $0x0, s1;
	[sflag:s0] =	ssyncset.done @!p0 $0x0  }
0x2c8: {  	[sflag:s0] =	ssyncadd.s32 @!p0 s1  }
0x2c9: {  	[bflag:$0x3] =	sbarrier.arrive $0xFFFF  }
0x2ca: {  	_ =	shalt  }

</sc_bundles>
